<compile_context>
chip_gen: v7x
topology: tpu7x:2x2x1
jax: 0.10.2.dev20260603
libtpu: 0.0.44.dev20260713+nightly
codegen_flags: <defaults>
</compile_context>

<pallas_src>
import dataclasses
import functools

import jax
import jax.numpy as jnp
from jax import lax
from jax.experimental import pallas as pl
from jax.experimental.pallas import tpu as pltpu
from jax.experimental.pallas import tpu_sc as plsc

N_NODES = 10000
N_EDGES = 320000
N_HID = 128
N_OUT = 64
N_LAYERS = 2
N_GRAPHS = 64
ATOM_FEATS = 9
ATOM_VOCAB = 119

NC, NS = 2, 16
NW = NC * NS
NP = 10240
NPW = NP // NW
RPT = NP // NS
K = 128
CPW = 80
EP = NW * CPW * K
NG = EP // K
NODE_CHUNK = 64
ENC_CHUNKS = NPW // NODE_CHUNK
DB = 512


def _mesh():
    return plsc.VectorSubcoreMesh(core_axis_name="c", subcore_axis_name="s")


def _sc_params():
    cp = pltpu.CompilerParams()
    if "needs_layout_passes" in pltpu.CompilerParams.__dataclass_fields__:
        cp = dataclasses.replace(cp, needs_layout_passes=False)
    return cp


def _encoder(flat_emb, attr_c):
    @functools.partial(
        pl.kernel,
        mesh=_mesh(),
        out_type=jax.ShapeDtypeStruct((NP, N_HID), jnp.float32),
        scratch_types=[
            pltpu.VMEM((ATOM_FEATS, NODE_CHUNK), jnp.int32),
            pltpu.VMEM((ATOM_FEATS, NODE_CHUNK, N_HID), jnp.float32),
            pltpu.VMEM((NODE_CHUNK, N_HID), jnp.float32),
            pltpu.SemaphoreType.DMA,
        ],
        compiler_params=_sc_params(),
    )
    def enc(emb_hbm, attr_hbm, out_hbm, ibuf, rbuf, acc, sem):
        cid = lax.axis_index("c")
        sid = lax.axis_index("s")
        wid = sid * NC + cid
        gbase = wid * ENC_CHUNKS

        @pl.loop(0, ENC_CHUNKS)
        def _(c):
            pltpu.sync_copy(attr_hbm.at[gbase + c], ibuf)
            for f in range(1, ATOM_FEATS):
                for t in range(NODE_CHUNK // 16):
                    sl = pl.ds(t * 16, 16)
                    ibuf[f, sl] = ibuf[f, sl] + (ATOM_VOCAB * f)
            for f in range(ATOM_FEATS):
                pltpu.async_copy(emb_hbm.at[ibuf.at[f]], rbuf.at[f], sem)
            for f in range(ATOM_FEATS):
                pltpu.make_async_copy(emb_hbm.at[ibuf.at[f]], rbuf.at[f],
                                      sem).wait()

            @pl.loop(0, NODE_CHUNK)
            def _(r):
                for j in range(N_HID // 16):
                    sl = pl.ds(j * 16, 16)
                    s = rbuf[0, r, sl]
                    for f in range(1, ATOM_FEATS):
                        s = s + rbuf[f, r, sl]
                    acc[r, sl] = s

            pltpu.sync_copy(
                acc, out_hbm.at[pl.ds((gbase + c) * NODE_CHUNK, NODE_CHUNK)])

    return enc(flat_emb, attr_c)


def _spmm(nrep, edata):
    @functools.partial(
        pl.kernel,
        mesh=_mesh(),
        out_type=(
            jax.ShapeDtypeStruct((NC, NP, N_HID), jnp.float32),
            jax.ShapeDtypeStruct((NC, NP), jnp.float32),
        ),
        scratch_types=[
            pltpu.VMEM((3, K), jnp.int32),
            pltpu.VMEM((3, K), jnp.int32),
            pltpu.VMEM((K,), jnp.float32),
            pltpu.VMEM((K,), jnp.float32),
            pltpu.VMEM((K, N_HID), jnp.float32),
            pltpu.VMEM((K, N_HID), jnp.float32),
            pltpu.VMEM_SHARED((NP, N_HID), jnp.float32),
            pltpu.VMEM_SHARED((NP,), jnp.float32),
            pltpu.SemaphoreType.DMA,
            pltpu.SemaphoreType.DMA,
            pltpu.SemaphoreType.DMA,
            pltpu.SemaphoreType.DMA,
        ],
        compiler_params=_sc_params(),
    )
    def spmm(nrep_hbm, edata_hbm, wsum_hbm, den_hbm,
             ebuf0, ebuf1, av0, av1, rows0, rows1,
             wsum_sh, den_sh, semg0, semg1, sems0, sems1):
        cid = lax.axis_index("c")
        sid = lax.axis_index("s")
        wid = sid * NC + cid
        gbase = wid * CPW

        ebufs = (ebuf0, ebuf1)
        avs = (av0, av1)
        rows = (rows0, rows1)
        semgs = (semg0, semg1)
        semss = (sems0, sems1)

        zero16 = jnp.zeros((16,), jnp.float32)

        @pl.loop(0, K)
        def _(r):
            for j in range(N_HID // 16):
                rows0[r, pl.ds(j * 16, 16)] = zero16

        for j in range(K // 16):
            av0[pl.ds(j * 16, 16)] = zero16

        stripe = sid * RPT

        @pl.loop(0, RPT // K)
        def _(c):
            pltpu.sync_copy(rows0, wsum_sh.at[pl.ds(stripe + c * K, K)])
            pltpu.sync_copy(av0, den_sh.at[pl.ds(stripe + c * K, K)])

        plsc.subcore_barrier()

        def load_idx_and_a(b, g):
            pltpu.sync_copy(edata_hbm.at[g], ebufs[b])
            for j in range(K // 16):
                sl = pl.ds(j * 16, 16)
                avs[b][sl] = plsc.bitcast(ebufs[b][2, sl], jnp.float32)

        def start_gather(b):
            pltpu.async_copy(nrep_hbm.at[ebufs[b].at[0]], rows[b], semgs[b])

        def wait_gather(b):
            pltpu.make_async_copy(nrep_hbm.at[ebufs[b].at[0]], rows[b],
                                  semgs[b]).wait()

        def start_scatter(b):
            pltpu.async_copy(rows[b], wsum_sh.at[ebufs[b].at[1]], semss[b],
                             add=True)
            pltpu.async_copy(avs[b], den_sh.at[ebufs[b].at[1]], semss[b],
                             add=True)

        def wait_scatter(b):
            pltpu.make_async_copy(rows[b], wsum_sh.at[ebufs[b].at[1]],
                                  semss[b]).wait()
            pltpu.make_async_copy(avs[b], den_sh.at[ebufs[b].at[1]],
                                  semss[b]).wait()

        def scale(b):
            @pl.loop(0, K)
            def _(k):
                vs = plsc.load_gather(avs[b], [jnp.full((16,), k, jnp.int32)])
                for j in range(N_HID // 16):
                    sl = pl.ds(j * 16, 16)
                    rows[b][k, sl] = rows[b][k, sl] * vs

        load_idx_and_a(0, gbase)
        start_gather(0)

        @pl.loop(0, CPW, step=2)
        def _(c):
            wait_gather(0)

            @pl.when(c >= 2)
            def _():
                wait_scatter(1)

            load_idx_and_a(1, gbase + c + 1)
            start_gather(1)
            scale(0)
            start_scatter(0)

            wait_gather(1)
            wait_scatter(0)

            @pl.when(c + 2 < CPW)
            def _():
                load_idx_and_a(0, gbase + c + 2)
                start_gather(0)

            scale(1)
            start_scatter(1)

        wait_scatter(1)
        plsc.subcore_barrier()

        @pl.loop(0, RPT // K)
        def _(c):
            off = stripe + c * K
            pltpu.sync_copy(wsum_sh.at[pl.ds(off, K)],
                            wsum_hbm.at[cid, pl.ds(off, K)])
            pltpu.sync_copy(den_sh.at[pl.ds(off, K)],
                            den_hbm.at[cid, pl.ds(off, K)])

    return spmm(nrep, edata)


def _dense_body(w_ref, d_ref, x_ref, W_ref, b_ref, g_ref, bb_ref, o_ref):
    ws = w_ref[0] + w_ref[1]
    den = d_ref[0] + d_ref[1]
    aggr = ws * (1.0 / jnp.maximum(den, 1e-30))
    h = jnp.dot(jnp.maximum(aggr, 0.0), W_ref[...],
                preferred_element_type=jnp.float32) + b_ref[...]
    x = h + x_ref[...]
    mean = jnp.mean(x, axis=1, keepdims=True)
    xc = x - mean
    var = jnp.mean(xc * xc, axis=1, keepdims=True)
    o_ref[...] = xc * lax.rsqrt(var + 1e-5) * g_ref[...] + bb_ref[...]


def _dense(wsum, den, nrep, W, b, g, bb):
    grid = NP // DB
    return pl.pallas_call(
        _dense_body,
        grid=(grid,),
        in_specs=[
            pl.BlockSpec((NC, DB, N_HID), lambda i: (0, i, 0)),
            pl.BlockSpec((NC, DB, 1), lambda i: (0, i, 0)),
            pl.BlockSpec((DB, N_HID), lambda i: (i, 0)),
            pl.BlockSpec((N_HID, N_HID), lambda i: (0, 0)),
            pl.BlockSpec((1, N_HID), lambda i: (0, 0)),
            pl.BlockSpec((1, N_HID), lambda i: (0, 0)),
            pl.BlockSpec((1, N_HID), lambda i: (0, 0)),
        ],
        out_specs=pl.BlockSpec((DB, N_HID), lambda i: (i, 0)),
        out_shape=jax.ShapeDtypeStruct((NP, N_HID), jnp.float32),
    )(wsum, den, nrep, W, b, g, bb)


def _pool_body(x_ref, b_ref, W_ref, ob_ref, o_ref, acc, cnt):
    i = pl.program_id(0)

    @pl.when(i == 0)
    def _():
        acc[...] = jnp.zeros_like(acc)
        cnt[...] = jnp.zeros_like(cnt)

    gids = lax.broadcasted_iota(jnp.int32, (N_GRAPHS, DB), 0)
    onehot = (gids == b_ref[0]).astype(jnp.float32)
    acc[...] += jnp.dot(onehot, x_ref[...], preferred_element_type=jnp.float32)
    cnt[...] += jnp.sum(onehot, axis=1, keepdims=True)

    @pl.when(i == pl.num_programs(0) - 1)
    def _():
        pooled = acc[...] / jnp.maximum(cnt[...], 1.0)
        o_ref[...] = jnp.dot(pooled, W_ref[...],
                             preferred_element_type=jnp.float32) + ob_ref[...]


def _pool(nrep, batch2d, out_W, out_b):
    grid = NP // DB
    return pl.pallas_call(
        _pool_body,
        grid=(grid,),
        in_specs=[
            pl.BlockSpec((DB, N_HID), lambda i: (i, 0)),
            pl.BlockSpec((1, 1, DB), lambda i: (i, 0, 0)),
            pl.BlockSpec((N_HID, N_OUT), lambda i: (0, 0)),
            pl.BlockSpec((1, N_OUT), lambda i: (0, 0)),
        ],
        out_specs=pl.BlockSpec((N_GRAPHS, N_OUT), lambda i: (0, 0)),
        out_shape=jax.ShapeDtypeStruct((N_GRAPHS, N_OUT), jnp.float32),
        scratch_shapes=[
            pltpu.VMEM((N_GRAPHS, N_HID), jnp.float32),
            pltpu.VMEM((N_GRAPHS, 1), jnp.float32),
        ],
    )(nrep, batch2d, out_W, out_b)


def kernel(node_attr, edge_index, batch_idx, adv_atts, atom_emb, a_lin_W,
           a_lin_b, ln_g, ln_b, out_W, out_b):
    pad_attr = (jnp.arange(NP - N_NODES, dtype=jnp.int32)[None, :]
                + 7 * jnp.arange(ATOM_FEATS, dtype=jnp.int32)[:, None]) % 100
    attr_c = (jnp.concatenate(
        [node_attr.astype(jnp.int32).T, pad_attr], axis=1)
              .reshape(ATOM_FEATS, NP // NODE_CHUNK, NODE_CHUNK)
              .transpose(1, 0, 2))
    flat_emb = atom_emb.reshape(ATOM_FEATS * ATOM_VOCAB, N_HID)
    pad_idx = jnp.arange(EP - N_EDGES, dtype=jnp.int32) % N_NODES
    src = jnp.concatenate([edge_index[0].astype(jnp.int32), pad_idx])
    dst = jnp.concatenate([edge_index[1].astype(jnp.int32), pad_idx])
    a_p = jnp.pad(adv_atts, ((0, 0), (0, EP - N_EDGES)))
    edatas = [
        jnp.stack([src.reshape(NG, K), dst.reshape(NG, K),
                   lax.bitcast_convert_type(a_p[l], jnp.int32).reshape(NG, K)],
                  axis=1)
        for l in range(N_LAYERS)
    ]
    batch2d = jnp.pad(batch_idx.astype(jnp.int32), (0, NP - N_NODES),
                      constant_values=N_GRAPHS).reshape(NP // DB, 1, DB)

    nrep = _encoder(flat_emb, attr_c)
    for l in range(N_LAYERS):
        wsum, den = _spmm(nrep, edatas[l])
        nrep = _dense(wsum, den.reshape(NC, NP, 1), nrep, a_lin_W[l],
                      a_lin_b[l].reshape(1, N_HID), ln_g[l].reshape(1, N_HID),
                      ln_b[l].reshape(1, N_HID))
    return _pool(nrep, batch2d, out_W, out_b.reshape(1, N_OUT))

# --- scband reference (transcript-rebuilt; emitter-appended) ---
"""Pipeline reference for scband-gnn-46437186404820 (READ-ONLY COPY).

The authoritative reference and input builder live on the scoring server;
editing this copy changes nothing except your own understanding.
"""

import jax, jax.numpy as jnp
import numpy as np

N_NODES = 10000
N_EDGES = 320000
N_HID = 128
N_OUT = 64
N_LAYERS = 2
N_GRAPHS = 64
ATOM_FEATS = 9
ATOM_VOCAB = 119


def setup_inputs(seed: int = 0) -> dict:
    key = jax.random.key(seed)
    ks = jax.random.split(key, 10)
    node_attr = jax.random.randint(ks[0], (N_NODES, ATOM_FEATS), 0, 100)
    edge_index = jax.random.randint(ks[1], (2, N_EDGES), 0, N_NODES)
    batch_idx = jnp.sort(jax.random.randint(ks[2], (N_NODES,), 0, N_GRAPHS))
    adv_atts = jax.random.uniform(ks[3], (N_LAYERS, N_EDGES), dtype=jnp.float32)
    atom_emb = jax.random.normal(ks[4], (ATOM_FEATS, ATOM_VOCAB, N_HID), dtype=jnp.float32) * 0.02
    a_lin_W = jax.random.normal(ks[5], (N_LAYERS, N_HID, N_HID), dtype=jnp.float32) / np.sqrt(N_HID)
    a_lin_b = jnp.zeros((N_LAYERS, N_HID), dtype=jnp.float32)
    ln_g = jnp.ones((N_LAYERS, N_HID), dtype=jnp.float32)
    ln_b = jnp.zeros((N_LAYERS, N_HID), dtype=jnp.float32)
    out_W = jax.random.normal(ks[6], (N_HID, N_OUT), dtype=jnp.float32) / np.sqrt(N_HID)
    out_b = jnp.zeros((N_OUT,), dtype=jnp.float32)
    return {"node_attr": node_attr, "edge_index": edge_index, "batch_idx": batch_idx,
            "adv_atts": adv_atts, "atom_emb": atom_emb, "a_lin_W": a_lin_W, "a_lin_b": a_lin_b,
            "ln_g": ln_g, "ln_b": ln_b, "out_W": out_W, "out_b": out_b}


def _segment_softmax(logits, seg, num_segments):
    maxes = jax.ops.segment_max(logits, seg, num_segments=num_segments)
    maxes = jax.lax.stop_gradient(maxes)
    ex = jnp.exp(logits - maxes[seg])
    denom = jax.ops.segment_sum(ex, seg, num_segments=num_segments)
    return ex / denom[seg]


def _layer_norm(x, g, b, eps=1e-5):
    mean = jnp.mean(x, axis=-1, keepdims=True)
    var = jnp.mean((x - mean) ** 2, axis=-1, keepdims=True)
    return (x - mean) / jnp.sqrt(var + eps) * g + b


def reference(node_attr, edge_index, batch_idx, adv_atts, atom_emb, a_lin_W, a_lin_b, ln_g, ln_b, out_W, out_b):
    # AtomEncoder: sum of per-feature embeddings
    node_rep = jnp.zeros((N_NODES, N_HID), dtype=jnp.float32)
    for f in range(ATOM_FEATS):
        node_rep = node_rep + atom_emb[f][node_attr[:, f]]
    src = edge_index[0]
    dst = edge_index[1]
    for l in range(N_LAYERS):
        att = _segment_softmax(jnp.log(adv_atts[l]), dst, N_NODES)
        msg = node_rep[src] * att[:, None]
        aggr = jax.ops.segment_sum(msg, dst, num_segments=N_NODES)
        h = jnp.maximum(aggr, 0.0) @ a_lin_W[l] + a_lin_b[l]
        # dropout is identity in eval mode
        node_rep = _layer_norm(h + node_rep, ln_g[l], ln_b[l])
    # global_mean_pool
    sums = jax.ops.segment_sum(node_rep, batch_idx, num_segments=N_GRAPHS)
    counts = jax.ops.segment_sum(jnp.ones((N_NODES,), dtype=jnp.float32), batch_idx, num_segments=N_GRAPHS)
    pooled = sums / jnp.maximum(counts, 1.0)[:, None]
    return pooled @ out_W + out_b

if __name__ == "__main__":
    import jax
    _d = setup_inputs()
    print(jax.jit(kernel)(*tuple(_d.values())))

</pallas_src>

<mosaic_0001>
#map = affine_map<(d0, d1) -> (0, 0)>
#map1 = affine_map<(d0, d1) -> (0, 0, 0)>
module attributes {stable_mosaic.version = 14 : i64} {
  func.func @spmm(%arg0: i32, %arg1: i32, %arg2: memref<10240x128xf32, #tpu.memory_space<hbm>>, %arg3: memref<2560x3x128xi32, #tpu.memory_space<hbm>>, %arg4: memref<2x10240x128xf32, #tpu.memory_space<hbm>>, %arg5: memref<2x10240xf32, #tpu.memory_space<hbm>>, %arg6: memref<3x128xi32, #tpu.memory_space<vmem>>, %arg7: memref<3x128xi32, #tpu.memory_space<vmem>>, %arg8: memref<128xf32, #tpu.memory_space<vmem>>, %arg9: memref<128xf32, #tpu.memory_space<vmem>>, %arg10: memref<128x128xf32, #tpu.memory_space<vmem>>, %arg11: memref<128x128xf32, #tpu.memory_space<vmem>>, %arg12: memref<10240x128xf32, #tpu.memory_space<vmem_shared>>, %arg13: memref<10240xf32, #tpu.memory_space<vmem_shared>>, %arg14: memref<!tpu.dma_semaphore, #tpu.memory_space<semaphore_mem>>, %arg15: memref<!tpu.dma_semaphore, #tpu.memory_space<semaphore_mem>>, %arg16: memref<!tpu.dma_semaphore, #tpu.memory_space<semaphore_mem>>, %arg17: memref<!tpu.dma_semaphore, #tpu.memory_space<semaphore_mem>>) attributes {dimension_semantics = [#tpu.dimension_semantics<core_parallel>, #tpu.dimension_semantics<subcore_parallel>], iteration_bounds = array<i64: 2, 16>, scalar_prefetch = 0 : i64, scratch_operands = 12 : i64, tpu.core_type = #tpu.core_type<sc_vector_subcore>, window_params = [{transform_indices = #map}, {transform_indices = #map1}, {transform_indices = #map1}, {transform_indices = #map}]} {
    %mul3A = arith.constant 2 : i32
    %mul3A_0 = arith.muli %arg1, %mul3A : i32
    %add3A = arith.addi %mul3A_0, %arg0 : i32
    %mul3A_1 = arith.constant 80 : i32
    %mul3A_2 = arith.muli %add3A, %mul3A_1 : i32
    %broadcast_in_dim3A = arith.constant 0.000000e+00 : f32
    %broadcast_in_dim3A_3 = vector.broadcast %broadcast_in_dim3A : f32 to vector<16xf32>
    %scan3A = arith.constant 0 : i32
    %scan3A_4 = arith.constant 128 : i32
    %scan3A_5 = arith.addi %scan3A, %scan3A_4 : i32
    %scan3A_6 = arith.constant 1 : i32
    scf.for %scan3A_113 = %scan3A to %scan3A_5 step %scan3A_6  : i32 {
      %mul3A_114 = arith.constant 1 : i32
      %mul3A_115 = arith.muli %scan3A_113, %mul3A_114 : i32
      %add3A_116 = arith.constant 0 : i32
      %add3A_117 = arith.addi %add3A_116, %mul3A_115 : i32
      %swap3A_118 = arith.index_cast %add3A_117 : i32 to index
      %swap3A_119 = arith.constant 0 : index
      %swap3A_120 = tpu.vector_load %arg10[%swap3A_118, %swap3A_119] {strides = array<i32>} : memref<128x128xf32, #tpu.memory_space<vmem>>, vector<16xf32>,
      tpu.vector_store %arg10[%swap3A_118, %swap3A_119], %broadcast_in_dim3A_3 {strides = array<i32>} : memref<128x128xf32, #tpu.memory_space<vmem>>, vector<16xf32>,
      %swap3A_121 = arith.index_cast %add3A_117 : i32 to index
      %swap3A_122 = arith.constant 16 : index
      %swap3A_123 = tpu.vector_load %arg10[%swap3A_121, %swap3A_122] {strides = array<i32>} : memref<128x128xf32, #tpu.memory_space<vmem>>, vector<16xf32>,
      tpu.vector_store %arg10[%swap3A_121, %swap3A_122], %broadcast_in_dim3A_3 {strides = array<i32>} : memref<128x128xf32, #tpu.memory_space<vmem>>, vector<16xf32>,
      %swap3A_124 = arith.index_cast %add3A_117 : i32 to index
      %swap3A_125 = arith.constant 32 : index
      %swap3A_126 = tpu.vector_load %arg10[%swap3A_124, %swap3A_125] {strides = array<i32>} : memref<128x128xf32, #tpu.memory_space<vmem>>, vector<16xf32>,
      tpu.vector_store %arg10[%swap3A_124, %swap3A_125], %broadcast_in_dim3A_3 {strides = array<i32>} : memref<128x128xf32, #tpu.memory_space<vmem>>, vector<16xf32>,
      %swap3A_127 = arith.index_cast %add3A_117 : i32 to index
      %swap3A_128 = arith.constant 48 : index
      %swap3A_129 = tpu.vector_load %arg10[%swap3A_127, %swap3A_128] {strides = array<i32>} : memref<128x128xf32, #tpu.memory_space<vmem>>, vector<16xf32>,
      tpu.vector_store %arg10[%swap3A_127, %swap3A_128], %broadcast_in_dim3A_3 {strides = array<i32>} : memref<128x128xf32, #tpu.memory_space<vmem>>, vector<16xf32>,
      %swap3A_130 = arith.index_cast %add3A_117 : i32 to index
      %swap3A_131 = arith.constant 64 : index
      %swap3A_132 = tpu.vector_load %arg10[%swap3A_130, %swap3A_131] {strides = array<i32>} : memref<128x128xf32, #tpu.memory_space<vmem>>, vector<16xf32>,
      tpu.vector_store %arg10[%swap3A_130, %swap3A_131], %broadcast_in_dim3A_3 {strides = array<i32>} : memref<128x128xf32, #tpu.memory_space<vmem>>, vector<16xf32>,
      %swap3A_133 = arith.index_cast %add3A_117 : i32 to index
      %swap3A_134 = arith.constant 80 : index
      %swap3A_135 = tpu.vector_load %arg10[%swap3A_133, %swap3A_134] {strides = array<i32>} : memref<128x128xf32, #tpu.memory_space<vmem>>, vector<16xf32>,
      tpu.vector_store %arg10[%swap3A_133, %swap3A_134], %broadcast_in_dim3A_3 {strides = array<i32>} : memref<128x128xf32, #tpu.memory_space<vmem>>, vector<16xf32>,
      %swap3A_136 = arith.index_cast %add3A_117 : i32 to index
      %swap3A_137 = arith.constant 96 : index
      %swap3A_138 = tpu.vector_load %arg10[%swap3A_136, %swap3A_137] {strides = array<i32>} : memref<128x128xf32, #tpu.memory_space<vmem>>, vector<16xf32>,
      tpu.vector_store %arg10[%swap3A_136, %swap3A_137], %broadcast_in_dim3A_3 {strides = array<i32>} : memref<128x128xf32, #tpu.memory_space<vmem>>, vector<16xf32>,
      %swap3A_139 = arith.index_cast %add3A_117 : i32 to index
      %swap3A_140 = arith.constant 112 : index
      %swap3A_141 = tpu.vector_load %arg10[%swap3A_139, %swap3A_140] {strides = array<i32>} : memref<128x128xf32, #tpu.memory_space<vmem>>, vector<16xf32>,
      tpu.vector_store %arg10[%swap3A_139, %swap3A_140], %broadcast_in_dim3A_3 {strides = array<i32>} : memref<128x128xf32, #tpu.memory_space<vmem>>, vector<16xf32>,
    }
    %scan3A_7 = arith.constant 128 : i32
    %swap3A = arith.constant 0 : index
    %swap3A_8 = tpu.vector_load %arg8[%swap3A] {strides = array<i32>} : memref<128xf32, #tpu.memory_space<vmem>>, vector<16xf32>,
    tpu.vector_store %arg8[%swap3A], %broadcast_in_dim3A_3 {strides = array<i32>} : memref<128xf32, #tpu.memory_space<vmem>>, vector<16xf32>,
    %swap3A_9 = arith.constant 16 : index
    %swap3A_10 = tpu.vector_load %arg8[%swap3A_9] {strides = array<i32>} : memref<128xf32, #tpu.memory_space<vmem>>, vector<16xf32>,
    tpu.vector_store %arg8[%swap3A_9], %broadcast_in_dim3A_3 {strides = array<i32>} : memref<128xf32, #tpu.memory_space<vmem>>, vector<16xf32>,
    %swap3A_11 = arith.constant 32 : index
    %swap3A_12 = tpu.vector_load %arg8[%swap3A_11] {strides = array<i32>} : memref<128xf32, #tpu.memory_space<vmem>>, vector<16xf32>,
    tpu.vector_store %arg8[%swap3A_11], %broadcast_in_dim3A_3 {strides = array<i32>} : memref<128xf32, #tpu.memory_space<vmem>>, vector<16xf32>,
    %swap3A_13 = arith.constant 48 : index
    %swap3A_14 = tpu.vector_load %arg8[%swap3A_13] {strides = array<i32>} : memref<128xf32, #tpu.memory_space<vmem>>, vector<16xf32>,
    tpu.vector_store %arg8[%swap3A_13], %broadcast_in_dim3A_3 {strides = array<i32>} : memref<128xf32, #tpu.memory_space<vmem>>, vector<16xf32>,
    %swap3A_15 = arith.constant 64 : index
    %swap3A_16 = tpu.vector_load %arg8[%swap3A_15] {strides = array<i32>} : memref<128xf32, #tpu.memory_space<vmem>>, vector<16xf32>,
    tpu.vector_store %arg8[%swap3A_15], %broadcast_in_dim3A_3 {strides = array<i32>} : memref<128xf32, #tpu.memory_space<vmem>>, vector<16xf32>,
    %swap3A_17 = arith.constant 80 : index
    %swap3A_18 = tpu.vector_load %arg8[%swap3A_17] {strides = array<i32>} : memref<128xf32, #tpu.memory_space<vmem>>, vector<16xf32>,
    tpu.vector_store %arg8[%swap3A_17], %broadcast_in_dim3A_3 {strides = array<i32>} : memref<128xf32, #tpu.memory_space<vmem>>, vector<16xf32>,
    %swap3A_19 = arith.constant 96 : index
    %swap3A_20 = tpu.vector_load %arg8[%swap3A_19] {strides = array<i32>} : memref<128xf32, #tpu.memory_space<vmem>>, vector<16xf32>,
    tpu.vector_store %arg8[%swap3A_19], %broadcast_in_dim3A_3 {strides = array<i32>} : memref<128xf32, #tpu.memory_space<vmem>>, vector<16xf32>,
    %swap3A_21 = arith.constant 112 : index
    %swap3A_22 = tpu.vector_load %arg8[%swap3A_21] {strides = array<i32>} : memref<128xf32, #tpu.memory_space<vmem>>, vector<16xf32>,
    tpu.vector_store %arg8[%swap3A_21], %broadcast_in_dim3A_3 {strides = array<i32>} : memref<128xf32, #tpu.memory_space<vmem>>, vector<16xf32>,
    %mul3A_23 = arith.constant 640 : i32
    %mul3A_24 = arith.muli %arg1, %mul3A_23 : i32
    %scan3A_25 = arith.constant 0 : i32
    %scan3A_26 = arith.constant 5 : i32
    %scan3A_27 = arith.addi %scan3A_25, %scan3A_26 : i32
    %scan3A_28 = arith.constant 1 : i32
    scf.for %scan3A_113 = %scan3A_25 to %scan3A_27 step %scan3A_28  : i32 {
      %mul3A_114 = arith.constant 1 : i32
      %mul3A_115 = arith.muli %scan3A_113, %mul3A_114 : i32
      %add3A_116 = arith.constant 0 : i32
      %add3A_117 = arith.addi %add3A_116, %mul3A_115 : i32
      %mul3A_118 = arith.constant 128 : i32
      %mul3A_119 = arith.muli %add3A_117, %mul3A_118 : i32
      %add3A_120 = arith.addi %mul3A_24, %mul3A_119 : i32
      "tpu.region"() ({
        %run_scoped3A = tpu.sem_alloc : memref<!tpu.dma_semaphore, #tpu.memory_space<semaphore_mem>>
        %dma_start3A_124 = arith.constant 0 : i32
        %dma_start3A_125 = tpu.memref_slice %arg12[%add3A_120, %dma_start3A_124] : memref<10240x128xf32, #tpu.memory_space<vmem_shared>> -> memref<128x128xf32, #tpu.memory_space<vmem_shared>>
        %dma_start3A_126 = arith.constant 0 : i32
        %dma_start3A_127 = tpu.memref_slice %arg12[%add3A_120, %dma_start3A_126] : memref<10240x128xf32, #tpu.memory_space<vmem_shared>> -> memref<128x128xf32, #tpu.memory_space<vmem_shared>>
        tpu.enqueue_dma source(%arg10 : memref<128x128xf32, #tpu.memory_space<vmem>>) target(%dma_start3A_127 : memref<128x128xf32, #tpu.memory_space<vmem_shared>>) target_semaphore(%run_scoped3A : memref<!tpu.dma_semaphore, #tpu.memory_space<semaphore_mem>>)
        %dma_wait3A_128 = arith.constant 0 : i32
        %dma_wait3A_129 = tpu.memref_slice %arg12[%add3A_120, %dma_wait3A_128] : memref<10240x128xf32, #tpu.memory_space<vmem_shared>> -> memref<128x128xf32, #tpu.memory_space<vmem_shared>>
        %dma_wait3A_130 = arith.constant 0 : i32
        %dma_wait3A_131 = tpu.memref_slice %arg12[%add3A_120, %dma_wait3A_130] : memref<10240x128xf32, #tpu.memory_space<vmem_shared>> -> memref<128x128xf32, #tpu.memory_space<vmem_shared>>
        tpu.wait_dma2 semaphore(%run_scoped3A : memref<!tpu.dma_semaphore, #tpu.memory_space<semaphore_mem>>) src(%arg10 : memref<128x128xf32, #tpu.memory_space<vmem>>) dst(%dma_wait3A_131 : memref<128x128xf32, #tpu.memory_space<vmem_shared>>)
        tpu.yield
      }) : () -> ()
      %mul3A_121 = arith.constant 128 : i32
      %mul3A_122 = arith.muli %add3A_117, %mul3A_121 : i32
      %add3A_123 = arith.addi %mul3A_24, %mul3A_122 : i32
      "tpu.region"() ({
        %run_scoped3A = tpu.sem_alloc : memref<!tpu.dma_semaphore, #tpu.memory_space<semaphore_mem>>
        %dma_start3A_124 = tpu.memref_slice %arg13[%add3A_123] : memref<10240xf32, #tpu.memory_space<vmem_shared>> -> memref<128xf32, #tpu.memory_space<vmem_shared>>
        %dma_start3A_125 = tpu.memref_slice %arg13[%add3A_123] : memref<10240xf32, #tpu.memory_space<vmem_shared>> -> memref<128xf32, #tpu.memory_space<vmem_shared>>
        tpu.enqueue_dma source(%arg8 : memref<128xf32, #tpu.memory_space<vmem>>) target(%dma_start3A_125 : memref<128xf32, #tpu.memory_space<vmem_shared>>) target_semaphore(%run_scoped3A : memref<!tpu.dma_semaphore, #tpu.memory_space<semaphore_mem>>)
        %dma_wait3A_126 = tpu.memref_slice %arg13[%add3A_123] : memref<10240xf32, #tpu.memory_space<vmem_shared>> -> memref<128xf32, #tpu.memory_space<vmem_shared>>
        %dma_wait3A_127 = tpu.memref_slice %arg13[%add3A_123] : memref<10240xf32, #tpu.memory_space<vmem_shared>> -> memref<128xf32, #tpu.memory_space<vmem_shared>>
        tpu.wait_dma2 semaphore(%run_scoped3A : memref<!tpu.dma_semaphore, #tpu.memory_space<semaphore_mem>>) src(%arg8 : memref<128xf32, #tpu.memory_space<vmem>>) dst(%dma_wait3A_127 : memref<128xf32, #tpu.memory_space<vmem_shared>>)
        tpu.yield
      }) : () -> ()
    }
    %scan3A_29 = arith.constant 5 : i32
    %barrier3A = arith.constant 0 : index
    tpu.barrier barrier_id(%barrier3A)
    "tpu.region"() ({
      %run_scoped3A = tpu.sem_alloc : memref<!tpu.dma_semaphore, #tpu.memory_space<semaphore_mem>>
      %dma_start3A_113 = arith.constant 0 : i32
      %dma_start3A_114 = arith.constant 0 : i32
      %dma_start3A_115 = tpu.memref_slice %arg3[%mul3A_2, %dma_start3A_113, %dma_start3A_114] : memref<2560x3x128xi32, #tpu.memory_space<hbm>> -> memref<1x3x128xi32, #tpu.memory_space<hbm>>
      %dma_start3A_116 = tpu.memref_squeeze %dma_start3A_115 : memref<1x3x128xi32, #tpu.memory_space<hbm>> -> memref<3x128xi32, #tpu.memory_space<hbm>>
      %dma_start3A_117 = arith.constant 0 : i32
      %dma_start3A_118 = arith.constant 0 : i32
      %dma_start3A_119 = tpu.memref_slice %arg3[%mul3A_2, %dma_start3A_117, %dma_start3A_118] : memref<2560x3x128xi32, #tpu.memory_space<hbm>> -> memref<1x3x128xi32, #tpu.memory_space<hbm>>
      %dma_start3A_120 = tpu.memref_squeeze %dma_start3A_119 : memref<1x3x128xi32, #tpu.memory_space<hbm>> -> memref<3x128xi32, #tpu.memory_space<hbm>>
      tpu.enqueue_dma source(%dma_start3A_120 : memref<3x128xi32, #tpu.memory_space<hbm>>) target(%arg6 : memref<3x128xi32, #tpu.memory_space<vmem>>) target_semaphore(%run_scoped3A : memref<!tpu.dma_semaphore, #tpu.memory_space<semaphore_mem>>)
      %dma_wait3A_121 = arith.constant 0 : i32
      %dma_wait3A_122 = arith.constant 0 : i32
      %dma_wait3A_123 = tpu.memref_slice %arg3[%mul3A_2, %dma_wait3A_121, %dma_wait3A_122] : memref<2560x3x128xi32, #tpu.memory_space<hbm>> -> memref<1x3x128xi32, #tpu.memory_space<hbm>>
      %dma_wait3A_124 = tpu.memref_squeeze %dma_wait3A_123 : memref<1x3x128xi32, #tpu.memory_space<hbm>> -> memref<3x128xi32, #tpu.memory_space<hbm>>
      %dma_wait3A_125 = arith.constant 0 : i32
      %dma_wait3A_126 = arith.constant 0 : i32
      %dma_wait3A_127 = tpu.memref_slice %arg3[%mul3A_2, %dma_wait3A_125, %dma_wait3A_126] : memref<2560x3x128xi32, #tpu.memory_space<hbm>> -> memref<1x3x128xi32, #tpu.memory_space<hbm>>
      %dma_wait3A_128 = tpu.memref_squeeze %dma_wait3A_127 : memref<1x3x128xi32, #tpu.memory_space<hbm>> -> memref<3x128xi32, #tpu.memory_space<hbm>>
      tpu.wait_dma2 semaphore(%run_scoped3A : memref<!tpu.dma_semaphore, #tpu.memory_space<semaphore_mem>>) src(%dma_wait3A_128 : memref<3x128xi32, #tpu.memory_space<hbm>>) dst(%arg6 : memref<3x128xi32, #tpu.memory_space<vmem>>)
      tpu.yield
    }) : () -> ()
    %get3A = arith.constant 2 : i32
    %get3A_30 = arith.index_cast %get3A : i32 to index
    %get3A_31 = arith.constant 0 : index
    %get3A_32 = tpu.vector_load %arg6[%get3A_30, %get3A_31] {strides = array<i32>} : memref<3x128xi32, #tpu.memory_space<vmem>>, vector<16xi32>,
    %bitcast3A = vector.bitcast %get3A_32 : vector<16xi32> to vector<16xf32>
    %swap3A_33 = arith.constant 0 : index
    %swap3A_34 = tpu.vector_load %arg8[%swap3A_33] {strides = array<i32>} : memref<128xf32, #tpu.memory_space<vmem>>, vector<16xf32>,
    tpu.vector_store %arg8[%swap3A_33], %bitcast3A {strides = array<i32>} : memref<128xf32, #tpu.memory_space<vmem>>, vector<16xf32>,
    %get3A_35 = arith.constant 2 : i32
    %get3A_36 = arith.index_cast %get3A_35 : i32 to index
    %get3A_37 = arith.constant 16 : index
    %get3A_38 = tpu.vector_load %arg6[%get3A_36, %get3A_37] {strides = array<i32>} : memref<3x128xi32, #tpu.memory_space<vmem>>, vector<16xi32>,
    %bitcast3A_39 = vector.bitcast %get3A_38 : vector<16xi32> to vector<16xf32>
    %swap3A_40 = arith.constant 16 : index
    %swap3A_41 = tpu.vector_load %arg8[%swap3A_40] {strides = array<i32>} : memref<128xf32, #tpu.memory_space<vmem>>, vector<16xf32>,
    tpu.vector_store %arg8[%swap3A_40], %bitcast3A_39 {strides = array<i32>} : memref<128xf32, #tpu.memory_space<vmem>>, vector<16xf32>,
    %get3A_42 = arith.constant 2 : i32
    %get3A_43 = arith.index_cast %get3A_42 : i32 to index
    %get3A_44 = arith.constant 32 : index
    %get3A_45 = tpu.vector_load %arg6[%get3A_43, %get3A_44] {strides = array<i32>} : memref<3x128xi32, #tpu.memory_space<vmem>>, vector<16xi32>,
    %bitcast3A_46 = vector.bitcast %get3A_45 : vector<16xi32> to vector<16xf32>
    %swap3A_47 = arith.constant 32 : index
    %swap3A_48 = tpu.vector_load %arg8[%swap3A_47] {strides = array<i32>} : memref<128xf32, #tpu.memory_space<vmem>>, vector<16xf32>,
    tpu.vector_store %arg8[%swap3A_47], %bitcast3A_46 {strides = array<i32>} : memref<128xf32, #tpu.memory_space<vmem>>, vector<16xf32>,
    %get3A_49 = arith.constant 2 : i32
    %get3A_50 = arith.index_cast %get3A_49 : i32 to index
    %get3A_51 = arith.constant 48 : index
    %get3A_52 = tpu.vector_load %arg6[%get3A_50, %get3A_51] {strides = array<i32>} : memref<3x128xi32, #tpu.memory_space<vmem>>, vector<16xi32>,
    %bitcast3A_53 = vector.bitcast %get3A_52 : vector<16xi32> to vector<16xf32>
    %swap3A_54 = arith.constant 48 : index
    %swap3A_55 = tpu.vector_load %arg8[%swap3A_54] {strides = array<i32>} : memref<128xf32, #tpu.memory_space<vmem>>, vector<16xf32>,
    tpu.vector_store %arg8[%swap3A_54], %bitcast3A_53 {strides = array<i32>} : memref<128xf32, #tpu.memory_space<vmem>>, vector<16xf32>,
    %get3A_56 = arith.constant 2 : i32
    %get3A_57 = arith.index_cast %get3A_56 : i32 to index
    %get3A_58 = arith.constant 64 : index
    %get3A_59 = tpu.vector_load %arg6[%get3A_57, %get3A_58] {strides = array<i32>} : memref<3x128xi32, #tpu.memory_space<vmem>>, vector<16xi32>,
    %bitcast3A_60 = vector.bitcast %get3A_59 : vector<16xi32> to vector<16xf32>
    %swap3A_61 = arith.constant 64 : index
    %swap3A_62 = tpu.vector_load %arg8[%swap3A_61] {strides = array<i32>} : memref<128xf32, #tpu.memory_space<vmem>>, vector<16xf32>,
    tpu.vector_store %arg8[%swap3A_61], %bitcast3A_60 {strides = array<i32>} : memref<128xf32, #tpu.memory_space<vmem>>, vector<16xf32>,
    %get3A_63 = arith.constant 2 : i32
    %get3A_64 = arith.index_cast %get3A_63 : i32 to index
    %get3A_65 = arith.constant 80 : index
    %get3A_66 = tpu.vector_load %arg6[%get3A_64, %get3A_65] {strides = array<i32>} : memref<3x128xi32, #tpu.memory_space<vmem>>, vector<16xi32>,
    %bitcast3A_67 = vector.bitcast %get3A_66 : vector<16xi32> to vector<16xf32>
    %swap3A_68 = arith.constant 80 : index
    %swap3A_69 = tpu.vector_load %arg8[%swap3A_68] {strides = array<i32>} : memref<128xf32, #tpu.memory_space<vmem>>, vector<16xf32>,
    tpu.vector_store %arg8[%swap3A_68], %bitcast3A_67 {strides = array<i32>} : memref<128xf32, #tpu.memory_space<vmem>>, vector<16xf32>,
    %get3A_70 = arith.constant 2 : i32
    %get3A_71 = arith.index_cast %get3A_70 : i32 to index
    %get3A_72 = arith.constant 96 : index
    %get3A_73 = tpu.vector_load %arg6[%get3A_71, %get3A_72] {strides = array<i32>} : memref<3x128xi32, #tpu.memory_space<vmem>>, vector<16xi32>,
    %bitcast3A_74 = vector.bitcast %get3A_73 : vector<16xi32> to vector<16xf32>
    %swap3A_75 = arith.constant 96 : index
    %swap3A_76 = tpu.vector_load %arg8[%swap3A_75] {strides = array<i32>} : memref<128xf32, #tpu.memory_space<vmem>>, vector<16xf32>,
    tpu.vector_store %arg8[%swap3A_75], %bitcast3A_74 {strides = array<i32>} : memref<128xf32, #tpu.memory_space<vmem>>, vector<16xf32>,
    %get3A_77 = arith.constant 2 : i32
    %get3A_78 = arith.index_cast %get3A_77 : i32 to index
    %get3A_79 = arith.constant 112 : index
    %get3A_80 = tpu.vector_load %arg6[%get3A_78, %get3A_79] {strides = array<i32>} : memref<3x128xi32, #tpu.memory_space<vmem>>, vector<16xi32>,
    %bitcast3A_81 = vector.bitcast %get3A_80 : vector<16xi32> to vector<16xf32>
    %swap3A_82 = arith.constant 112 : index
    %swap3A_83 = tpu.vector_load %arg8[%swap3A_82] {strides = array<i32>} : memref<128xf32, #tpu.memory_space<vmem>>, vector<16xf32>,
    tpu.vector_store %arg8[%swap3A_82], %bitcast3A_81 {strides = array<i32>} : memref<128xf32, #tpu.memory_space<vmem>>, vector<16xf32>,
    %dma_start3A = arith.constant 0 : i32
    %dma_start3A_84 = arith.constant 0 : i32
    %dma_start3A_85 = tpu.memref_slice %arg6[%dma_start3A, %dma_start3A_84] : memref<3x128xi32, #tpu.memory_space<vmem>> -> memref<1x128xi32, #tpu.memory_space<vmem>>
    %dma_start3A_86 = tpu.memref_squeeze %dma_start3A_85 : memref<1x128xi32, #tpu.memory_space<vmem>> -> memref<128xi32, #tpu.memory_space<vmem>>
    %dma_start3A_87 = arith.constant 0 : i32
    %dma_start3A_88 = arith.constant 0 : i32
    %dma_start3A_89 = tpu.memref_slice %arg2[%dma_start3A_87, %dma_start3A_88] : memref<10240x128xf32, #tpu.memory_space<hbm>> -> memref<10240x128xf32, #tpu.memory_space<hbm>>
    tpu.enqueue_indirect_dma source(%dma_start3A_89 : memref<10240x128xf32, #tpu.memory_space<hbm>>) target(%arg10 : memref<128x128xf32, #tpu.memory_space<vmem>>) offsets(%dma_start3A_86 : memref<128xi32, #tpu.memory_space<vmem>>) semaphore(%arg14 : memref<!tpu.dma_semaphore, #tpu.memory_space<semaphore_mem>>)
    %scan3A_90 = arith.constant 0 : i32
    %scan3A_91 = arith.constant 40 : i32
    %scan3A_92 = arith.addi %scan3A_90, %scan3A_91 : i32
    %scan3A_93 = arith.constant 1 : i32
    scf.for %scan3A_113 = %scan3A_90 to %scan3A_92 step %scan3A_93  : i32 {
      %mul3A_114 = arith.constant 2 : i32
      %mul3A_115 = arith.muli %scan3A_113, %mul3A_114 : i32
      %add3A_116 = arith.constant 0 : i32
      %add3A_117 = arith.addi %add3A_116, %mul3A_115 : i32
      %dma_wait3A_118 = arith.constant 0 : i32
      %dma_wait3A_119 = arith.constant 0 : i32
      %dma_wait3A_120 = tpu.memref_slice %arg6[%dma_wait3A_118, %dma_wait3A_119] : memref<3x128xi32, #tpu.memory_space<vmem>> -> memref<1x128xi32, #tpu.memory_space<vmem>>
      %dma_wait3A_121 = tpu.memref_squeeze %dma_wait3A_120 : memref<1x128xi32, #tpu.memory_space<vmem>> -> memref<128xi32, #tpu.memory_space<vmem>>
      %dma_wait3A_122 = arith.constant 0 : i32
      %dma_wait3A_123 = arith.constant 0 : i32
      %dma_wait3A_124 = tpu.memref_slice %arg2[%dma_wait3A_122, %dma_wait3A_123] : memref<10240x128xf32, #tpu.memory_space<hbm>> -> memref<10240x128xf32, #tpu.memory_space<hbm>>
      tpu.wait_indirect_dma semaphore(%arg14 : memref<!tpu.dma_semaphore, #tpu.memory_space<semaphore_mem>>) src(%dma_wait3A_124 : memref<10240x128xf32, #tpu.memory_space<hbm>>) dst(%arg10 : memref<128x128xf32, #tpu.memory_space<vmem>>)
      %ge3A = arith.constant 2 : i32
      %ge3A_125 = arith.cmpi sge, %add3A_117, %ge3A : i32
      %convert_element_type3A = arith.extui %ge3A_125 : i1 to i32
      %cond3A = arith.constant 0 : i32
      %cond3A_126 = arith.cmpi ne, %convert_element_type3A, %cond3A : i32
      scf.if %cond3A_126 {
        %dma_wait3A_255 = arith.constant 1 : i32
        %dma_wait3A_256 = arith.constant 0 : i32
        %dma_wait3A_257 = tpu.memref_slice %arg7[%dma_wait3A_255, %dma_wait3A_256] : memref<3x128xi32, #tpu.memory_space<vmem>> -> memref<1x128xi32, #tpu.memory_space<vmem>>
        %dma_wait3A_258 = tpu.memref_squeeze %dma_wait3A_257 : memref<1x128xi32, #tpu.memory_space<vmem>> -> memref<128xi32, #tpu.memory_space<vmem>>
        %dma_wait3A_259 = arith.constant 0 : i32
        %dma_wait3A_260 = arith.constant 0 : i32
        %dma_wait3A_261 = tpu.memref_slice %arg12[%dma_wait3A_259, %dma_wait3A_260] : memref<10240x128xf32, #tpu.memory_space<vmem_shared>> -> memref<10240x128xf32, #tpu.memory_space<vmem_shared>>
        tpu.wait_indirect_dma semaphore(%arg17 : memref<!tpu.dma_semaphore, #tpu.memory_space<semaphore_mem>>) src(%arg11 : memref<128x128xf32, #tpu.memory_space<vmem>>) dst(%dma_wait3A_261 : memref<10240x128xf32, #tpu.memory_space<vmem_shared>>)
        %dma_wait3A_262 = arith.constant 1 : i32
        %dma_wait3A_263 = arith.constant 0 : i32
        %dma_wait3A_264 = tpu.memref_slice %arg7[%dma_wait3A_262, %dma_wait3A_263] : memref<3x128xi32, #tpu.memory_space<vmem>> -> memref<1x128xi32, #tpu.memory_space<vmem>>
        %dma_wait3A_265 = tpu.memref_squeeze %dma_wait3A_264 : memref<1x128xi32, #tpu.memory_space<vmem>> -> memref<128xi32, #tpu.memory_space<vmem>>
        %dma_wait3A_266 = arith.constant 0 : i32
        %dma_wait3A_267 = tpu.memref_slice %arg13[%dma_wait3A_266] : memref<10240xf32, #tpu.memory_space<vmem_shared>> -> memref<10240xf32, #tpu.memory_space<vmem_shared>>
        tpu.wait_indirect_dma semaphore(%arg17 : memref<!tpu.dma_semaphore, #tpu.memory_space<semaphore_mem>>) src(%arg9 : memref<128xf32, #tpu.memory_space<vmem>>) dst(%dma_wait3A_267 : memref<10240xf32, #tpu.memory_space<vmem_shared>>)
      } else {
      }
      %add3A_127 = arith.addi %mul3A_2, %add3A_117 : i32
      %add3A_128 = arith.constant 1 : i32
      %add3A_129 = arith.addi %add3A_127, %add3A_128 : i32
      "tpu.region"() ({
        %run_scoped3A = tpu.sem_alloc : memref<!tpu.dma_semaphore, #tpu.memory_space<semaphore_mem>>
        %dma_start3A_255 = arith.constant 0 : i32
        %dma_start3A_256 = arith.constant 0 : i32
        %dma_start3A_257 = tpu.memref_slice %arg3[%add3A_129, %dma_start3A_255, %dma_start3A_256] : memref<2560x3x128xi32, #tpu.memory_space<hbm>> -> memref<1x3x128xi32, #tpu.memory_space<hbm>>
        %dma_start3A_258 = tpu.memref_squeeze %dma_start3A_257 : memref<1x3x128xi32, #tpu.memory_space<hbm>> -> memref<3x128xi32, #tpu.memory_space<hbm>>
        %dma_start3A_259 = arith.constant 0 : i32
        %dma_start3A_260 = arith.constant 0 : i32
        %dma_start3A_261 = tpu.memref_slice %arg3[%add3A_129, %dma_start3A_259, %dma_start3A_260] : memref<2560x3x128xi32, #tpu.memory_space<hbm>> -> memref<1x3x128xi32, #tpu.memory_space<hbm>>
        %dma_start3A_262 = tpu.memref_squeeze %dma_start3A_261 : memref<1x3x128xi32, #tpu.memory_space<hbm>> -> memref<3x128xi32, #tpu.memory_space<hbm>>
        tpu.enqueue_dma source(%dma_start3A_262 : memref<3x128xi32, #tpu.memory_space<hbm>>) target(%arg7 : memref<3x128xi32, #tpu.memory_space<vmem>>) target_semaphore(%run_scoped3A : memref<!tpu.dma_semaphore, #tpu.memory_space<semaphore_mem>>)
        %dma_wait3A_263 = arith.constant 0 : i32
        %dma_wait3A_264 = arith.constant 0 : i32
        %dma_wait3A_265 = tpu.memref_slice %arg3[%add3A_129, %dma_wait3A_263, %dma_wait3A_264] : memref<2560x3x128xi32, #tpu.memory_space<hbm>> -> memref<1x3x128xi32, #tpu.memory_space<hbm>>
        %dma_wait3A_266 = tpu.memref_squeeze %dma_wait3A_265 : memref<1x3x128xi32, #tpu.memory_space<hbm>> -> memref<3x128xi32, #tpu.memory_space<hbm>>
        %dma_wait3A_267 = arith.constant 0 : i32
        %dma_wait3A_268 = arith.constant 0 : i32
        %dma_wait3A_269 = tpu.memref_slice %arg3[%add3A_129, %dma_wait3A_267, %dma_wait3A_268] : memref<2560x3x128xi32, #tpu.memory_space<hbm>> -> memref<1x3x128xi32, #tpu.memory_space<hbm>>
        %dma_wait3A_270 = tpu.memref_squeeze %dma_wait3A_269 : memref<1x3x128xi32, #tpu.memory_space<hbm>> -> memref<3x128xi32, #tpu.memory_space<hbm>>
        tpu.wait_dma2 semaphore(%run_scoped3A : memref<!tpu.dma_semaphore, #tpu.memory_space<semaphore_mem>>) src(%dma_wait3A_270 : memref<3x128xi32, #tpu.memory_space<hbm>>) dst(%arg7 : memref<3x128xi32, #tpu.memory_space<vmem>>)
        tpu.yield
      }) : () -> ()
      %get3A_130 = arith.constant 2 : i32
      %get3A_131 = arith.index_cast %get3A_130 : i32 to index
      %get3A_132 = arith.constant 0 : index
      %get3A_133 = tpu.vector_load %arg7[%get3A_131, %get3A_132] {strides = array<i32>} : memref<3x128xi32, #tpu.memory_space<vmem>>, vector<16xi32>,
      %bitcast3A_134 = vector.bitcast %get3A_133 : vector<16xi32> to vector<16xf32>
      %swap3A_135 = arith.constant 0 : index
      %swap3A_136 = tpu.vector_load %arg9[%swap3A_135] {strides = array<i32>} : memref<128xf32, #tpu.memory_space<vmem>>, vector<16xf32>,
      tpu.vector_store %arg9[%swap3A_135], %bitcast3A_134 {strides = array<i32>} : memref<128xf32, #tpu.memory_space<vmem>>, vector<16xf32>,
      %get3A_137 = arith.constant 2 : i32
      %get3A_138 = arith.index_cast %get3A_137 : i32 to index
      %get3A_139 = arith.constant 16 : index
      %get3A_140 = tpu.vector_load %arg7[%get3A_138, %get3A_139] {strides = array<i32>} : memref<3x128xi32, #tpu.memory_space<vmem>>, vector<16xi32>,
      %bitcast3A_141 = vector.bitcast %get3A_140 : vector<16xi32> to vector<16xf32>
      %swap3A_142 = arith.constant 16 : index
      %swap3A_143 = tpu.vector_load %arg9[%swap3A_142] {strides = array<i32>} : memref<128xf32, #tpu.memory_space<vmem>>, vector<16xf32>,
      tpu.vector_store %arg9[%swap3A_142], %bitcast3A_141 {strides = array<i32>} : memref<128xf32, #tpu.memory_space<vmem>>, vector<16xf32>,
      %get3A_144 = arith.constant 2 : i32
      %get3A_145 = arith.index_cast %get3A_144 : i32 to index
      %get3A_146 = arith.constant 32 : index
      %get3A_147 = tpu.vector_load %arg7[%get3A_145, %get3A_146] {strides = array<i32>} : memref<3x128xi32, #tpu.memory_space<vmem>>, vector<16xi32>,
      %bitcast3A_148 = vector.bitcast %get3A_147 : vector<16xi32> to vector<16xf32>
      %swap3A_149 = arith.constant 32 : index
      %swap3A_150 = tpu.vector_load %arg9[%swap3A_149] {strides = array<i32>} : memref<128xf32, #tpu.memory_space<vmem>>, vector<16xf32>,
      tpu.vector_store %arg9[%swap3A_149], %bitcast3A_148 {strides = array<i32>} : memref<128xf32, #tpu.memory_space<vmem>>, vector<16xf32>,
      %get3A_151 = arith.constant 2 : i32
      %get3A_152 = arith.index_cast %get3A_151 : i32 to index
      %get3A_153 = arith.constant 48 : index
      %get3A_154 = tpu.vector_load %arg7[%get3A_152, %get3A_153] {strides = array<i32>} : memref<3x128xi32, #tpu.memory_space<vmem>>, vector<16xi32>,
      %bitcast3A_155 = vector.bitcast %get3A_154 : vector<16xi32> to vector<16xf32>
      %swap3A_156 = arith.constant 48 : index
      %swap3A_157 = tpu.vector_load %arg9[%swap3A_156] {strides = array<i32>} : memref<128xf32, #tpu.memory_space<vmem>>, vector<16xf32>,
      tpu.vector_store %arg9[%swap3A_156], %bitcast3A_155 {strides = array<i32>} : memref<128xf32, #tpu.memory_space<vmem>>, vector<16xf32>,
      %get3A_158 = arith.constant 2 : i32
      %get3A_159 = arith.index_cast %get3A_158 : i32 to index
      %get3A_160 = arith.constant 64 : index
      %get3A_161 = tpu.vector_load %arg7[%get3A_159, %get3A_160] {strides = array<i32>} : memref<3x128xi32, #tpu.memory_space<vmem>>, vector<16xi32>,
      %bitcast3A_162 = vector.bitcast %get3A_161 : vector<16xi32> to vector<16xf32>
      %swap3A_163 = arith.constant 64 : index
      %swap3A_164 = tpu.vector_load %arg9[%swap3A_163] {strides = array<i32>} : memref<128xf32, #tpu.memory_space<vmem>>, vector<16xf32>,
      tpu.vector_store %arg9[%swap3A_163], %bitcast3A_162 {strides = array<i32>} : memref<128xf32, #tpu.memory_space<vmem>>, vector<16xf32>,
      %get3A_165 = arith.constant 2 : i32
      %get3A_166 = arith.index_cast %get3A_165 : i32 to index
      %get3A_167 = arith.constant 80 : index
      %get3A_168 = tpu.vector_load %arg7[%get3A_166, %get3A_167] {strides = array<i32>} : memref<3x128xi32, #tpu.memory_space<vmem>>, vector<16xi32>,
      %bitcast3A_169 = vector.bitcast %get3A_168 : vector<16xi32> to vector<16xf32>
      %swap3A_170 = arith.constant 80 : index
      %swap3A_171 = tpu.vector_load %arg9[%swap3A_170] {strides = array<i32>} : memref<128xf32, #tpu.memory_space<vmem>>, vector<16xf32>,
      tpu.vector_store %arg9[%swap3A_170], %bitcast3A_169 {strides = array<i32>} : memref<128xf32, #tpu.memory_space<vmem>>, vector<16xf32>,
      %get3A_172 = arith.constant 2 : i32
      %get3A_173 = arith.index_cast %get3A_172 : i32 to index
      %get3A_174 = arith.constant 96 : index
      %get3A_175 = tpu.vector_load %arg7[%get3A_173, %get3A_174] {strides = array<i32>} : memref<3x128xi32, #tpu.memory_space<vmem>>, vector<16xi32>,
      %bitcast3A_176 = vector.bitcast %get3A_175 : vector<16xi32> to vector<16xf32>
      %swap3A_177 = arith.constant 96 : index
      %swap3A_178 = tpu.vector_load %arg9[%swap3A_177] {strides = array<i32>} : memref<128xf32, #tpu.memory_space<vmem>>, vector<16xf32>,
      tpu.vector_store %arg9[%swap3A_177], %bitcast3A_176 {strides = array<i32>} : memref<128xf32, #tpu.memory_space<vmem>>, vector<16xf32>,
      %get3A_179 = arith.constant 2 : i32
      %get3A_180 = arith.index_cast %get3A_179 : i32 to index
      %get3A_181 = arith.constant 112 : index
      %get3A_182 = tpu.vector_load %arg7[%get3A_180, %get3A_181] {strides = array<i32>} : memref<3x128xi32, #tpu.memory_space<vmem>>, vector<16xi32>,
      %bitcast3A_183 = vector.bitcast %get3A_182 : vector<16xi32> to vector<16xf32>
      %swap3A_184 = arith.constant 112 : index
      %swap3A_185 = tpu.vector_load %arg9[%swap3A_184] {strides = array<i32>} : memref<128xf32, #tpu.memory_space<vmem>>, vector<16xf32>,
      tpu.vector_store %arg9[%swap3A_184], %bitcast3A_183 {strides = array<i32>} : memref<128xf32, #tpu.memory_space<vmem>>, vector<16xf32>,
      %dma_start3A_186 = arith.constant 0 : i32
      %dma_start3A_187 = arith.constant 0 : i32
      %dma_start3A_188 = tpu.memref_slice %arg7[%dma_start3A_186, %dma_start3A_187] : memref<3x128xi32, #tpu.memory_space<vmem>> -> memref<1x128xi32, #tpu.memory_space<vmem>>
      %dma_start3A_189 = tpu.memref_squeeze %dma_start3A_188 : memref<1x128xi32, #tpu.memory_space<vmem>> -> memref<128xi32, #tpu.memory_space<vmem>>
      %dma_start3A_190 = arith.constant 0 : i32
      %dma_start3A_191 = arith.constant 0 : i32
      %dma_start3A_192 = tpu.memref_slice %arg2[%dma_start3A_190, %dma_start3A_191] : memref<10240x128xf32, #tpu.memory_space<hbm>> -> memref<10240x128xf32, #tpu.memory_space<hbm>>
      tpu.enqueue_indirect_dma source(%dma_start3A_192 : memref<10240x128xf32, #tpu.memory_space<hbm>>) target(%arg11 : memref<128x128xf32, #tpu.memory_space<vmem>>) offsets(%dma_start3A_189 : memref<128xi32, #tpu.memory_space<vmem>>) semaphore(%arg15 : memref<!tpu.dma_semaphore, #tpu.memory_space<semaphore_mem>>)
      %scan3A_193 = arith.constant 0 : i32
      %scan3A_194 = arith.constant 128 : i32
      %scan3A_195 = arith.addi %scan3A_193, %scan3A_194 : i32
      %scan3A_196 = arith.constant 1 : i32
      scf.for %scan3A_255 = %scan3A_193 to %scan3A_195 step %scan3A_196  : i32 {
        %mul3A_256 = arith.constant 1 : i32
        %mul3A_257 = arith.muli %scan3A_255, %mul3A_256 : i32
        %add3A_258 = arith.constant 0 : i32
        %add3A_259 = arith.addi %add3A_258, %mul3A_257 : i32
        %broadcast_in_dim3A_260 = vector.broadcast %add3A_259 : i32 to vector<16xi32>
        %gather3A = tpu.vector_load_idx %arg8[%broadcast_in_dim3A_260] : memref<128xf32, #tpu.memory_space<vmem>>[vector<16xi32>], vector<16xf32>,
        %get3A_261 = arith.index_cast %add3A_259 : i32 to index
        %get3A_262 = arith.constant 0 : index
        %get3A_263 = tpu.vector_load %arg10[%get3A_261, %get3A_262] {strides = array<i32>} : memref<128x128xf32, #tpu.memory_space<vmem>>, vector<16xf32>,
        %mul3A_264 = arith.mulf %get3A_263, %gather3A : vector<16xf32>
        %swap3A_265 = arith.index_cast %add3A_259 : i32 to index
        %swap3A_266 = arith.constant 0 : index
        %swap3A_267 = tpu.vector_load %arg10[%swap3A_265, %swap3A_266] {strides = array<i32>} : memref<128x128xf32, #tpu.memory_space<vmem>>, vector<16xf32>,
        tpu.vector_store %arg10[%swap3A_265, %swap3A_266], %mul3A_264 {strides = array<i32>} : memref<128x128xf32, #tpu.memory_space<vmem>>, vector<16xf32>,
        %get3A_268 = arith.index_cast %add3A_259 : i32 to index
        %get3A_269 = arith.constant 16 : index
        %get3A_270 = tpu.vector_load %arg10[%get3A_268, %get3A_269] {strides = array<i32>} : memref<128x128xf32, #tpu.memory_space<vmem>>, vector<16xf32>,
        %mul3A_271 = arith.mulf %get3A_270, %gather3A : vector<16xf32>
        %swap3A_272 = arith.index_cast %add3A_259 : i32 to index
        %swap3A_273 = arith.constant 16 : index
        %swap3A_274 = tpu.vector_load %arg10[%swap3A_272, %swap3A_273] {strides = array<i32>} : memref<128x128xf32, #tpu.memory_space<vmem>>, vector<16xf32>,
        tpu.vector_store %arg10[%swap3A_272, %swap3A_273], %mul3A_271 {strides = array<i32>} : memref<128x128xf32, #tpu.memory_space<vmem>>, vector<16xf32>,
        %get3A_275 = arith.index_cast %add3A_259 : i32 to index
        %get3A_276 = arith.constant 32 : index
        %get3A_277 = tpu.vector_load %arg10[%get3A_275, %get3A_276] {strides = array<i32>} : memref<128x128xf32, #tpu.memory_space<vmem>>, vector<16xf32>,
        %mul3A_278 = arith.mulf %get3A_277, %gather3A : vector<16xf32>
        %swap3A_279 = arith.index_cast %add3A_259 : i32 to index
        %swap3A_280 = arith.constant 32 : index
        %swap3A_281 = tpu.vector_load %arg10[%swap3A_279, %swap3A_280] {strides = array<i32>} : memref<128x128xf32, #tpu.memory_space<vmem>>, vector<16xf32>,
        tpu.vector_store %arg10[%swap3A_279, %swap3A_280], %mul3A_278 {strides = array<i32>} : memref<128x128xf32, #tpu.memory_space<vmem>>, vector<16xf32>,
        %get3A_282 = arith.index_cast %add3A_259 : i32 to index
        %get3A_283 = arith.constant 48 : index
        %get3A_284 = tpu.vector_load %arg10[%get3A_282, %get3A_283] {strides = array<i32>} : memref<128x128xf32, #tpu.memory_space<vmem>>, vector<16xf32>,
        %mul3A_285 = arith.mulf %get3A_284, %gather3A : vector<16xf32>
        %swap3A_286 = arith.index_cast %add3A_259 : i32 to index
        %swap3A_287 = arith.constant 48 : index
        %swap3A_288 = tpu.vector_load %arg10[%swap3A_286, %swap3A_287] {strides = array<i32>} : memref<128x128xf32, #tpu.memory_space<vmem>>, vector<16xf32>,
        tpu.vector_store %arg10[%swap3A_286, %swap3A_287], %mul3A_285 {strides = array<i32>} : memref<128x128xf32, #tpu.memory_space<vmem>>, vector<16xf32>,
        %get3A_289 = arith.index_cast %add3A_259 : i32 to index
        %get3A_290 = arith.constant 64 : index
        %get3A_291 = tpu.vector_load %arg10[%get3A_289, %get3A_290] {strides = array<i32>} : memref<128x128xf32, #tpu.memory_space<vmem>>, vector<16xf32>,
        %mul3A_292 = arith.mulf %get3A_291, %gather3A : vector<16xf32>
        %swap3A_293 = arith.index_cast %add3A_259 : i32 to index
        %swap3A_294 = arith.constant 64 : index
        %swap3A_295 = tpu.vector_load %arg10[%swap3A_293, %swap3A_294] {strides = array<i32>} : memref<128x128xf32, #tpu.memory_space<vmem>>, vector<16xf32>,
        tpu.vector_store %arg10[%swap3A_293, %swap3A_294], %mul3A_292 {strides = array<i32>} : memref<128x128xf32, #tpu.memory_space<vmem>>, vector<16xf32>,
        %get3A_296 = arith.index_cast %add3A_259 : i32 to index
        %get3A_297 = arith.constant 80 : index
        %get3A_298 = tpu.vector_load %arg10[%get3A_296, %get3A_297] {strides = array<i32>} : memref<128x128xf32, #tpu.memory_space<vmem>>, vector<16xf32>,
        %mul3A_299 = arith.mulf %get3A_298, %gather3A : vector<16xf32>
        %swap3A_300 = arith.index_cast %add3A_259 : i32 to index
        %swap3A_301 = arith.constant 80 : index
        %swap3A_302 = tpu.vector_load %arg10[%swap3A_300, %swap3A_301] {strides = array<i32>} : memref<128x128xf32, #tpu.memory_space<vmem>>, vector<16xf32>,
        tpu.vector_store %arg10[%swap3A_300, %swap3A_301], %mul3A_299 {strides = array<i32>} : memref<128x128xf32, #tpu.memory_space<vmem>>, vector<16xf32>,
        %get3A_303 = arith.index_cast %add3A_259 : i32 to index
        %get3A_304 = arith.constant 96 : index
        %get3A_305 = tpu.vector_load %arg10[%get3A_303, %get3A_304] {strides = array<i32>} : memref<128x128xf32, #tpu.memory_space<vmem>>, vector<16xf32>,
        %mul3A_306 = arith.mulf %get3A_305, %gather3A : vector<16xf32>
        %swap3A_307 = arith.index_cast %add3A_259 : i32 to index
        %swap3A_308 = arith.constant 96 : index
        %swap3A_309 = tpu.vector_load %arg10[%swap3A_307, %swap3A_308] {strides = array<i32>} : memref<128x128xf32, #tpu.memory_space<vmem>>, vector<16xf32>,
        tpu.vector_store %arg10[%swap3A_307, %swap3A_308], %mul3A_306 {strides = array<i32>} : memref<128x128xf32, #tpu.memory_space<vmem>>, vector<16xf32>,
        %get3A_310 = arith.index_cast %add3A_259 : i32 to index
        %get3A_311 = arith.constant 112 : index
        %get3A_312 = tpu.vector_load %arg10[%get3A_310, %get3A_311] {strides = array<i32>} : memref<128x128xf32, #tpu.memory_space<vmem>>, vector<16xf32>,
        %mul3A_313 = arith.mulf %get3A_312, %gather3A : vector<16xf32>
        %swap3A_314 = arith.index_cast %add3A_259 : i32 to index
        %swap3A_315 = arith.constant 112 : index
        %swap3A_316 = tpu.vector_load %arg10[%swap3A_314, %swap3A_315] {strides = array<i32>} : memref<128x128xf32, #tpu.memory_space<vmem>>, vector<16xf32>,
        tpu.vector_store %arg10[%swap3A_314, %swap3A_315], %mul3A_313 {strides = array<i32>} : memref<128x128xf32, #tpu.memory_space<vmem>>, vector<16xf32>,
      }
      %scan3A_197 = arith.constant 128 : i32
      %dma_start3A_198 = arith.constant 1 : i32
      %dma_start3A_199 = arith.constant 0 : i32
      %dma_start3A_200 = tpu.memref_slice %arg6[%dma_start3A_198, %dma_start3A_199] : memref<3x128xi32, #tpu.memory_space<vmem>> -> memref<1x128xi32, #tpu.memory_space<vmem>>
      %dma_start3A_201 = tpu.memref_squeeze %dma_start3A_200 : memref<1x128xi32, #tpu.memory_space<vmem>> -> memref<128xi32, #tpu.memory_space<vmem>>
      %dma_start3A_202 = arith.constant 0 : i32
      %dma_start3A_203 = arith.constant 0 : i32
      %dma_start3A_204 = tpu.memref_slice %arg12[%dma_start3A_202, %dma_start3A_203] : memref<10240x128xf32, #tpu.memory_space<vmem_shared>> -> memref<10240x128xf32, #tpu.memory_space<vmem_shared>>
      tpu.enqueue_indirect_dma source(%arg10 : memref<128x128xf32, #tpu.memory_space<vmem>>) target(%dma_start3A_204 : memref<10240x128xf32, #tpu.memory_space<vmem_shared>>) offsets(%dma_start3A_201 : memref<128xi32, #tpu.memory_space<vmem>>) semaphore(%arg16 : memref<!tpu.dma_semaphore, #tpu.memory_space<semaphore_mem>>) {add = true}
      %dma_start3A_205 = arith.constant 1 : i32
      %dma_start3A_206 = arith.constant 0 : i32
      %dma_start3A_207 = tpu.memref_slice %arg6[%dma_start3A_205, %dma_start3A_206] : memref<3x128xi32, #tpu.memory_space<vmem>> -> memref<1x128xi32, #tpu.memory_space<vmem>>
      %dma_start3A_208 = tpu.memref_squeeze %dma_start3A_207 : memref<1x128xi32, #tpu.memory_space<vmem>> -> memref<128xi32, #tpu.memory_space<vmem>>
      %dma_start3A_209 = arith.constant 0 : i32
      %dma_start3A_210 = tpu.memref_slice %arg13[%dma_start3A_209] : memref<10240xf32, #tpu.memory_space<vmem_shared>> -> memref<10240xf32, #tpu.memory_space<vmem_shared>>
      tpu.enqueue_indirect_dma source(%arg8 : memref<128xf32, #tpu.memory_space<vmem>>) target(%dma_start3A_210 : memref<10240xf32, #tpu.memory_space<vmem_shared>>) offsets(%dma_start3A_208 : memref<128xi32, #tpu.memory_space<vmem>>) semaphore(%arg16 : memref<!tpu.dma_semaphore, #tpu.memory_space<semaphore_mem>>) {add = true}
      %dma_wait3A_211 = arith.constant 0 : i32
      %dma_wait3A_212 = arith.constant 0 : i32
      %dma_wait3A_213 = tpu.memref_slice %arg7[%dma_wait3A_211, %dma_wait3A_212] : memref<3x128xi32, #tpu.memory_space<vmem>> -> memref<1x128xi32, #tpu.memory_space<vmem>>
      %dma_wait3A_214 = tpu.memref_squeeze %dma_wait3A_213 : memref<1x128xi32, #tpu.memory_space<vmem>> -> memref<128xi32, #tpu.memory_space<vmem>>
      %dma_wait3A_215 = arith.constant 0 : i32
      %dma_wait3A_216 = arith.constant 0 : i32
      %dma_wait3A_217 = tpu.memref_slice %arg2[%dma_wait3A_215, %dma_wait3A_216] : memref<10240x128xf32, #tpu.memory_space<hbm>> -> memref<10240x128xf32, #tpu.memory_space<hbm>>
      tpu.wait_indirect_dma semaphore(%arg15 : memref<!tpu.dma_semaphore, #tpu.memory_space<semaphore_mem>>) src(%dma_wait3A_217 : memref<10240x128xf32, #tpu.memory_space<hbm>>) dst(%arg11 : memref<128x128xf32, #tpu.memory_space<vmem>>)
      %dma_wait3A_218 = arith.constant 1 : i32
      %dma_wait3A_219 = arith.constant 0 : i32
      %dma_wait3A_220 = tpu.memref_slice %arg6[%dma_wait3A_218, %dma_wait3A_219] : memref<3x128xi32, #tpu.memory_space<vmem>> -> memref<1x128xi32, #tpu.memory_space<vmem>>
      %dma_wait3A_221 = tpu.memref_squeeze %dma_wait3A_220 : memref<1x128xi32, #tpu.memory_space<vmem>> -> memref<128xi32, #tpu.memory_space<vmem>>
      %dma_wait3A_222 = arith.constant 0 : i32
      %dma_wait3A_223 = arith.constant 0 : i32
      %dma_wait3A_224 = tpu.memref_slice %arg12[%dma_wait3A_222, %dma_wait3A_223] : memref<10240x128xf32, #tpu.memory_space<vmem_shared>> -> memref<10240x128xf32, #tpu.memory_space<vmem_shared>>
      tpu.wait_indirect_dma semaphore(%arg16 : memref<!tpu.dma_semaphore, #tpu.memory_space<semaphore_mem>>) src(%arg10 : memref<128x128xf32, #tpu.memory_space<vmem>>) dst(%dma_wait3A_224 : memref<10240x128xf32, #tpu.memory_space<vmem_shared>>)
      %dma_wait3A_225 = arith.constant 1 : i32
      %dma_wait3A_226 = arith.constant 0 : i32
      %dma_wait3A_227 = tpu.memref_slice %arg6[%dma_wait3A_225, %dma_wait3A_226] : memref<3x128xi32, #tpu.memory_space<vmem>> -> memref<1x128xi32, #tpu.memory_space<vmem>>
      %dma_wait3A_228 = tpu.memref_squeeze %dma_wait3A_227 : memref<1x128xi32, #tpu.memory_space<vmem>> -> memref<128xi32, #tpu.memory_space<vmem>>
      %dma_wait3A_229 = arith.constant 0 : i32
      %dma_wait3A_230 = tpu.memref_slice %arg13[%dma_wait3A_229] : memref<10240xf32, #tpu.memory_space<vmem_shared>> -> memref<10240xf32, #tpu.memory_space<vmem_shared>>
      tpu.wait_indirect_dma semaphore(%arg16 : memref<!tpu.dma_semaphore, #tpu.memory_space<semaphore_mem>>) src(%arg8 : memref<128xf32, #tpu.memory_space<vmem>>) dst(%dma_wait3A_230 : memref<10240xf32, #tpu.memory_space<vmem_shared>>)
      %add3A_231 = arith.constant 2 : i32
      %add3A_232 = arith.addi %add3A_117, %add3A_231 : i32
      %lt3A = arith.constant 80 : i32
      %lt3A_233 = arith.cmpi slt, %add3A_232, %lt3A : i32
      %convert_element_type3A_234 = arith.extui %lt3A_233 : i1 to i32
      %cond3A_235 = arith.constant 0 : i32
      %cond3A_236 = arith.cmpi ne, %convert_element_type3A_234, %cond3A_235 : i32
      scf.if %cond3A_236 {
        %add3A_255 = arith.addi %mul3A_2, %add3A_117 : i32
        %add3A_256 = arith.constant 2 : i32
        %add3A_257 = arith.addi %add3A_255, %add3A_256 : i32
        "tpu.region"() ({
          %run_scoped3A = tpu.sem_alloc : memref<!tpu.dma_semaphore, #tpu.memory_space<semaphore_mem>>
          %dma_start3A_321 = arith.constant 0 : i32
          %dma_start3A_322 = arith.constant 0 : i32
          %dma_start3A_323 = tpu.memref_slice %arg3[%add3A_257, %dma_start3A_321, %dma_start3A_322] : memref<2560x3x128xi32, #tpu.memory_space<hbm>> -> memref<1x3x128xi32, #tpu.memory_space<hbm>>
          %dma_start3A_324 = tpu.memref_squeeze %dma_start3A_323 : memref<1x3x128xi32, #tpu.memory_space<hbm>> -> memref<3x128xi32, #tpu.memory_space<hbm>>
          %dma_start3A_325 = arith.constant 0 : i32
          %dma_start3A_326 = arith.constant 0 : i32
          %dma_start3A_327 = tpu.memref_slice %arg3[%add3A_257, %dma_start3A_325, %dma_start3A_326] : memref<2560x3x128xi32, #tpu.memory_space<hbm>> -> memref<1x3x128xi32, #tpu.memory_space<hbm>>
          %dma_start3A_328 = tpu.memref_squeeze %dma_start3A_327 : memref<1x3x128xi32, #tpu.memory_space<hbm>> -> memref<3x128xi32, #tpu.memory_space<hbm>>
          tpu.enqueue_dma source(%dma_start3A_328 : memref<3x128xi32, #tpu.memory_space<hbm>>) target(%arg6 : memref<3x128xi32, #tpu.memory_space<vmem>>) target_semaphore(%run_scoped3A : memref<!tpu.dma_semaphore, #tpu.memory_space<semaphore_mem>>)
          %dma_wait3A_329 = arith.constant 0 : i32
          %dma_wait3A_330 = arith.constant 0 : i32
          %dma_wait3A_331 = tpu.memref_slice %arg3[%add3A_257, %dma_wait3A_329, %dma_wait3A_330] : memref<2560x3x128xi32, #tpu.memory_space<hbm>> -> memref<1x3x128xi32, #tpu.memory_space<hbm>>
          %dma_wait3A_332 = tpu.memref_squeeze %dma_wait3A_331 : memref<1x3x128xi32, #tpu.memory_space<hbm>> -> memref<3x128xi32, #tpu.memory_space<hbm>>
          %dma_wait3A_333 = arith.constant 0 : i32
          %dma_wait3A_334 = arith.constant 0 : i32
          %dma_wait3A_335 = tpu.memref_slice %arg3[%add3A_257, %dma_wait3A_333, %dma_wait3A_334] : memref<2560x3x128xi32, #tpu.memory_space<hbm>> -> memref<1x3x128xi32, #tpu.memory_space<hbm>>
          %dma_wait3A_336 = tpu.memref_squeeze %dma_wait3A_335 : memref<1x3x128xi32, #tpu.memory_space<hbm>> -> memref<3x128xi32, #tpu.memory_space<hbm>>
          tpu.wait_dma2 semaphore(%run_scoped3A : memref<!tpu.dma_semaphore, #tpu.memory_space<semaphore_mem>>) src(%dma_wait3A_336 : memref<3x128xi32, #tpu.memory_space<hbm>>) dst(%arg6 : memref<3x128xi32, #tpu.memory_space<vmem>>)
          tpu.yield
        }) : () -> ()
        %get3A_258 = arith.constant 2 : i32
        %get3A_259 = arith.index_cast %get3A_258 : i32 to index
        %get3A_260 = arith.constant 0 : index
        %get3A_261 = tpu.vector_load %arg6[%get3A_259, %get3A_260] {strides = array<i32>} : memref<3x128xi32, #tpu.memory_space<vmem>>, vector<16xi32>,
        %bitcast3A_262 = vector.bitcast %get3A_261 : vector<16xi32> to vector<16xf32>
        %swap3A_263 = arith.constant 0 : index
        %swap3A_264 = tpu.vector_load %arg8[%swap3A_263] {strides = array<i32>} : memref<128xf32, #tpu.memory_space<vmem>>, vector<16xf32>,
        tpu.vector_store %arg8[%swap3A_263], %bitcast3A_262 {strides = array<i32>} : memref<128xf32, #tpu.memory_space<vmem>>, vector<16xf32>,
        %get3A_265 = arith.constant 2 : i32
        %get3A_266 = arith.index_cast %get3A_265 : i32 to index
        %get3A_267 = arith.constant 16 : index
        %get3A_268 = tpu.vector_load %arg6[%get3A_266, %get3A_267] {strides = array<i32>} : memref<3x128xi32, #tpu.memory_space<vmem>>, vector<16xi32>,
        %bitcast3A_269 = vector.bitcast %get3A_268 : vector<16xi32> to vector<16xf32>
        %swap3A_270 = arith.constant 16 : index
        %swap3A_271 = tpu.vector_load %arg8[%swap3A_270] {strides = array<i32>} : memref<128xf32, #tpu.memory_space<vmem>>, vector<16xf32>,
        tpu.vector_store %arg8[%swap3A_270], %bitcast3A_269 {strides = array<i32>} : memref<128xf32, #tpu.memory_space<vmem>>, vector<16xf32>,
        %get3A_272 = arith.constant 2 : i32
        %get3A_273 = arith.index_cast %get3A_272 : i32 to index
        %get3A_274 = arith.constant 32 : index
        %get3A_275 = tpu.vector_load %arg6[%get3A_273, %get3A_274] {strides = array<i32>} : memref<3x128xi32, #tpu.memory_space<vmem>>, vector<16xi32>,
        %bitcast3A_276 = vector.bitcast %get3A_275 : vector<16xi32> to vector<16xf32>
        %swap3A_277 = arith.constant 32 : index
        %swap3A_278 = tpu.vector_load %arg8[%swap3A_277] {strides = array<i32>} : memref<128xf32, #tpu.memory_space<vmem>>, vector<16xf32>,
        tpu.vector_store %arg8[%swap3A_277], %bitcast3A_276 {strides = array<i32>} : memref<128xf32, #tpu.memory_space<vmem>>, vector<16xf32>,
        %get3A_279 = arith.constant 2 : i32
        %get3A_280 = arith.index_cast %get3A_279 : i32 to index
        %get3A_281 = arith.constant 48 : index
        %get3A_282 = tpu.vector_load %arg6[%get3A_280, %get3A_281] {strides = array<i32>} : memref<3x128xi32, #tpu.memory_space<vmem>>, vector<16xi32>,
        %bitcast3A_283 = vector.bitcast %get3A_282 : vector<16xi32> to vector<16xf32>
        %swap3A_284 = arith.constant 48 : index
        %swap3A_285 = tpu.vector_load %arg8[%swap3A_284] {strides = array<i32>} : memref<128xf32, #tpu.memory_space<vmem>>, vector<16xf32>,
        tpu.vector_store %arg8[%swap3A_284], %bitcast3A_283 {strides = array<i32>} : memref<128xf32, #tpu.memory_space<vmem>>, vector<16xf32>,
        %get3A_286 = arith.constant 2 : i32
        %get3A_287 = arith.index_cast %get3A_286 : i32 to index
        %get3A_288 = arith.constant 64 : index
        %get3A_289 = tpu.vector_load %arg6[%get3A_287, %get3A_288] {strides = array<i32>} : memref<3x128xi32, #tpu.memory_space<vmem>>, vector<16xi32>,
        %bitcast3A_290 = vector.bitcast %get3A_289 : vector<16xi32> to vector<16xf32>
        %swap3A_291 = arith.constant 64 : index
        %swap3A_292 = tpu.vector_load %arg8[%swap3A_291] {strides = array<i32>} : memref<128xf32, #tpu.memory_space<vmem>>, vector<16xf32>,
        tpu.vector_store %arg8[%swap3A_291], %bitcast3A_290 {strides = array<i32>} : memref<128xf32, #tpu.memory_space<vmem>>, vector<16xf32>,
        %get3A_293 = arith.constant 2 : i32
        %get3A_294 = arith.index_cast %get3A_293 : i32 to index
        %get3A_295 = arith.constant 80 : index
        %get3A_296 = tpu.vector_load %arg6[%get3A_294, %get3A_295] {strides = array<i32>} : memref<3x128xi32, #tpu.memory_space<vmem>>, vector<16xi32>,
        %bitcast3A_297 = vector.bitcast %get3A_296 : vector<16xi32> to vector<16xf32>
        %swap3A_298 = arith.constant 80 : index
        %swap3A_299 = tpu.vector_load %arg8[%swap3A_298] {strides = array<i32>} : memref<128xf32, #tpu.memory_space<vmem>>, vector<16xf32>,
        tpu.vector_store %arg8[%swap3A_298], %bitcast3A_297 {strides = array<i32>} : memref<128xf32, #tpu.memory_space<vmem>>, vector<16xf32>,
        %get3A_300 = arith.constant 2 : i32
        %get3A_301 = arith.index_cast %get3A_300 : i32 to index
        %get3A_302 = arith.constant 96 : index
        %get3A_303 = tpu.vector_load %arg6[%get3A_301, %get3A_302] {strides = array<i32>} : memref<3x128xi32, #tpu.memory_space<vmem>>, vector<16xi32>,
        %bitcast3A_304 = vector.bitcast %get3A_303 : vector<16xi32> to vector<16xf32>
        %swap3A_305 = arith.constant 96 : index
        %swap3A_306 = tpu.vector_load %arg8[%swap3A_305] {strides = array<i32>} : memref<128xf32, #tpu.memory_space<vmem>>, vector<16xf32>,
        tpu.vector_store %arg8[%swap3A_305], %bitcast3A_304 {strides = array<i32>} : memref<128xf32, #tpu.memory_space<vmem>>, vector<16xf32>,
        %get3A_307 = arith.constant 2 : i32
        %get3A_308 = arith.index_cast %get3A_307 : i32 to index
        %get3A_309 = arith.constant 112 : index
        %get3A_310 = tpu.vector_load %arg6[%get3A_308, %get3A_309] {strides = array<i32>} : memref<3x128xi32, #tpu.memory_space<vmem>>, vector<16xi32>,
        %bitcast3A_311 = vector.bitcast %get3A_310 : vector<16xi32> to vector<16xf32>
        %swap3A_312 = arith.constant 112 : index
        %swap3A_313 = tpu.vector_load %arg8[%swap3A_312] {strides = array<i32>} : memref<128xf32, #tpu.memory_space<vmem>>, vector<16xf32>,
        tpu.vector_store %arg8[%swap3A_312], %bitcast3A_311 {strides = array<i32>} : memref<128xf32, #tpu.memory_space<vmem>>, vector<16xf32>,
        %dma_start3A_314 = arith.constant 0 : i32
        %dma_start3A_315 = arith.constant 0 : i32
        %dma_start3A_316 = tpu.memref_slice %arg6[%dma_start3A_314, %dma_start3A_315] : memref<3x128xi32, #tpu.memory_space<vmem>> -> memref<1x128xi32, #tpu.memory_space<vmem>>
        %dma_start3A_317 = tpu.memref_squeeze %dma_start3A_316 : memref<1x128xi32, #tpu.memory_space<vmem>> -> memref<128xi32, #tpu.memory_space<vmem>>
        %dma_start3A_318 = arith.constant 0 : i32
        %dma_start3A_319 = arith.constant 0 : i32
        %dma_start3A_320 = tpu.memref_slice %arg2[%dma_start3A_318, %dma_start3A_319] : memref<10240x128xf32, #tpu.memory_space<hbm>> -> memref<10240x128xf32, #tpu.memory_space<hbm>>
        tpu.enqueue_indirect_dma source(%dma_start3A_320 : memref<10240x128xf32, #tpu.memory_space<hbm>>) target(%arg10 : memref<128x128xf32, #tpu.memory_space<vmem>>) offsets(%dma_start3A_317 : memref<128xi32, #tpu.memory_space<vmem>>) semaphore(%arg14 : memref<!tpu.dma_semaphore, #tpu.memory_space<semaphore_mem>>)
      } else {
      }
      %scan3A_237 = arith.constant 0 : i32
      %scan3A_238 = arith.constant 128 : i32
      %scan3A_239 = arith.addi %scan3A_237, %scan3A_238 : i32
      %scan3A_240 = arith.constant 1 : i32
      scf.for %scan3A_255 = %scan3A_237 to %scan3A_239 step %scan3A_240  : i32 {
        %mul3A_256 = arith.constant 1 : i32
        %mul3A_257 = arith.muli %scan3A_255, %mul3A_256 : i32
        %add3A_258 = arith.constant 0 : i32
        %add3A_259 = arith.addi %add3A_258, %mul3A_257 : i32
        %broadcast_in_dim3A_260 = vector.broadcast %add3A_259 : i32 to vector<16xi32>
        %gather3A = tpu.vector_load_idx %arg9[%broadcast_in_dim3A_260] : memref<128xf32, #tpu.memory_space<vmem>>[vector<16xi32>], vector<16xf32>,
        %get3A_261 = arith.index_cast %add3A_259 : i32 to index
        %get3A_262 = arith.constant 0 : index
        %get3A_263 = tpu.vector_load %arg11[%get3A_261, %get3A_262] {strides = array<i32>} : memref<128x128xf32, #tpu.memory_space<vmem>>, vector<16xf32>,
        %mul3A_264 = arith.mulf %get3A_263, %gather3A : vector<16xf32>
        %swap3A_265 = arith.index_cast %add3A_259 : i32 to index
        %swap3A_266 = arith.constant 0 : index
        %swap3A_267 = tpu.vector_load %arg11[%swap3A_265, %swap3A_266] {strides = array<i32>} : memref<128x128xf32, #tpu.memory_space<vmem>>, vector<16xf32>,
        tpu.vector_store %arg11[%swap3A_265, %swap3A_266], %mul3A_264 {strides = array<i32>} : memref<128x128xf32, #tpu.memory_space<vmem>>, vector<16xf32>,
        %get3A_268 = arith.index_cast %add3A_259 : i32 to index
        %get3A_269 = arith.constant 16 : index
        %get3A_270 = tpu.vector_load %arg11[%get3A_268, %get3A_269] {strides = array<i32>} : memref<128x128xf32, #tpu.memory_space<vmem>>, vector<16xf32>,
        %mul3A_271 = arith.mulf %get3A_270, %gather3A : vector<16xf32>
        %swap3A_272 = arith.index_cast %add3A_259 : i32 to index
        %swap3A_273 = arith.constant 16 : index
        %swap3A_274 = tpu.vector_load %arg11[%swap3A_272, %swap3A_273] {strides = array<i32>} : memref<128x128xf32, #tpu.memory_space<vmem>>, vector<16xf32>,
        tpu.vector_store %arg11[%swap3A_272, %swap3A_273], %mul3A_271 {strides = array<i32>} : memref<128x128xf32, #tpu.memory_space<vmem>>, vector<16xf32>,
        %get3A_275 = arith.index_cast %add3A_259 : i32 to index
        %get3A_276 = arith.constant 32 : index
        %get3A_277 = tpu.vector_load %arg11[%get3A_275, %get3A_276] {strides = array<i32>} : memref<128x128xf32, #tpu.memory_space<vmem>>, vector<16xf32>,
        %mul3A_278 = arith.mulf %get3A_277, %gather3A : vector<16xf32>
        %swap3A_279 = arith.index_cast %add3A_259 : i32 to index
        %swap3A_280 = arith.constant 32 : index
        %swap3A_281 = tpu.vector_load %arg11[%swap3A_279, %swap3A_280] {strides = array<i32>} : memref<128x128xf32, #tpu.memory_space<vmem>>, vector<16xf32>,
        tpu.vector_store %arg11[%swap3A_279, %swap3A_280], %mul3A_278 {strides = array<i32>} : memref<128x128xf32, #tpu.memory_space<vmem>>, vector<16xf32>,
        %get3A_282 = arith.index_cast %add3A_259 : i32 to index
        %get3A_283 = arith.constant 48 : index
        %get3A_284 = tpu.vector_load %arg11[%get3A_282, %get3A_283] {strides = array<i32>} : memref<128x128xf32, #tpu.memory_space<vmem>>, vector<16xf32>,
        %mul3A_285 = arith.mulf %get3A_284, %gather3A : vector<16xf32>
        %swap3A_286 = arith.index_cast %add3A_259 : i32 to index
        %swap3A_287 = arith.constant 48 : index
        %swap3A_288 = tpu.vector_load %arg11[%swap3A_286, %swap3A_287] {strides = array<i32>} : memref<128x128xf32, #tpu.memory_space<vmem>>, vector<16xf32>,
        tpu.vector_store %arg11[%swap3A_286, %swap3A_287], %mul3A_285 {strides = array<i32>} : memref<128x128xf32, #tpu.memory_space<vmem>>, vector<16xf32>,
        %get3A_289 = arith.index_cast %add3A_259 : i32 to index
        %get3A_290 = arith.constant 64 : index
        %get3A_291 = tpu.vector_load %arg11[%get3A_289, %get3A_290] {strides = array<i32>} : memref<128x128xf32, #tpu.memory_space<vmem>>, vector<16xf32>,
        %mul3A_292 = arith.mulf %get3A_291, %gather3A : vector<16xf32>
        %swap3A_293 = arith.index_cast %add3A_259 : i32 to index
        %swap3A_294 = arith.constant 64 : index
        %swap3A_295 = tpu.vector_load %arg11[%swap3A_293, %swap3A_294] {strides = array<i32>} : memref<128x128xf32, #tpu.memory_space<vmem>>, vector<16xf32>,
        tpu.vector_store %arg11[%swap3A_293, %swap3A_294], %mul3A_292 {strides = array<i32>} : memref<128x128xf32, #tpu.memory_space<vmem>>, vector<16xf32>,
        %get3A_296 = arith.index_cast %add3A_259 : i32 to index
        %get3A_297 = arith.constant 80 : index
        %get3A_298 = tpu.vector_load %arg11[%get3A_296, %get3A_297] {strides = array<i32>} : memref<128x128xf32, #tpu.memory_space<vmem>>, vector<16xf32>,
        %mul3A_299 = arith.mulf %get3A_298, %gather3A : vector<16xf32>
        %swap3A_300 = arith.index_cast %add3A_259 : i32 to index
        %swap3A_301 = arith.constant 80 : index
        %swap3A_302 = tpu.vector_load %arg11[%swap3A_300, %swap3A_301] {strides = array<i32>} : memref<128x128xf32, #tpu.memory_space<vmem>>, vector<16xf32>,
        tpu.vector_store %arg11[%swap3A_300, %swap3A_301], %mul3A_299 {strides = array<i32>} : memref<128x128xf32, #tpu.memory_space<vmem>>, vector<16xf32>,
        %get3A_303 = arith.index_cast %add3A_259 : i32 to index
        %get3A_304 = arith.constant 96 : index
        %get3A_305 = tpu.vector_load %arg11[%get3A_303, %get3A_304] {strides = array<i32>} : memref<128x128xf32, #tpu.memory_space<vmem>>, vector<16xf32>,
        %mul3A_306 = arith.mulf %get3A_305, %gather3A : vector<16xf32>
        %swap3A_307 = arith.index_cast %add3A_259 : i32 to index
        %swap3A_308 = arith.constant 96 : index
        %swap3A_309 = tpu.vector_load %arg11[%swap3A_307, %swap3A_308] {strides = array<i32>} : memref<128x128xf32, #tpu.memory_space<vmem>>, vector<16xf32>,
        tpu.vector_store %arg11[%swap3A_307, %swap3A_308], %mul3A_306 {strides = array<i32>} : memref<128x128xf32, #tpu.memory_space<vmem>>, vector<16xf32>,
        %get3A_310 = arith.index_cast %add3A_259 : i32 to index
        %get3A_311 = arith.constant 112 : index
        %get3A_312 = tpu.vector_load %arg11[%get3A_310, %get3A_311] {strides = array<i32>} : memref<128x128xf32, #tpu.memory_space<vmem>>, vector<16xf32>,
        %mul3A_313 = arith.mulf %get3A_312, %gather3A : vector<16xf32>
        %swap3A_314 = arith.index_cast %add3A_259 : i32 to index
        %swap3A_315 = arith.constant 112 : index
        %swap3A_316 = tpu.vector_load %arg11[%swap3A_314, %swap3A_315] {strides = array<i32>} : memref<128x128xf32, #tpu.memory_space<vmem>>, vector<16xf32>,
        tpu.vector_store %arg11[%swap3A_314, %swap3A_315], %mul3A_313 {strides = array<i32>} : memref<128x128xf32, #tpu.memory_space<vmem>>, vector<16xf32>,
      }
      %scan3A_241 = arith.constant 128 : i32
      %dma_start3A_242 = arith.constant 1 : i32
      %dma_start3A_243 = arith.constant 0 : i32
      %dma_start3A_244 = tpu.memref_slice %arg7[%dma_start3A_242, %dma_start3A_243] : memref<3x128xi32, #tpu.memory_space<vmem>> -> memref<1x128xi32, #tpu.memory_space<vmem>>
      %dma_start3A_245 = tpu.memref_squeeze %dma_start3A_244 : memref<1x128xi32, #tpu.memory_space<vmem>> -> memref<128xi32, #tpu.memory_space<vmem>>
      %dma_start3A_246 = arith.constant 0 : i32
      %dma_start3A_247 = arith.constant 0 : i32
      %dma_start3A_248 = tpu.memref_slice %arg12[%dma_start3A_246, %dma_start3A_247] : memref<10240x128xf32, #tpu.memory_space<vmem_shared>> -> memref<10240x128xf32, #tpu.memory_space<vmem_shared>>
      tpu.enqueue_indirect_dma source(%arg11 : memref<128x128xf32, #tpu.memory_space<vmem>>) target(%dma_start3A_248 : memref<10240x128xf32, #tpu.memory_space<vmem_shared>>) offsets(%dma_start3A_245 : memref<128xi32, #tpu.memory_space<vmem>>) semaphore(%arg17 : memref<!tpu.dma_semaphore, #tpu.memory_space<semaphore_mem>>) {add = true}
      %dma_start3A_249 = arith.constant 1 : i32
      %dma_start3A_250 = arith.constant 0 : i32
      %dma_start3A_251 = tpu.memref_slice %arg7[%dma_start3A_249, %dma_start3A_250] : memref<3x128xi32, #tpu.memory_space<vmem>> -> memref<1x128xi32, #tpu.memory_space<vmem>>
      %dma_start3A_252 = tpu.memref_squeeze %dma_start3A_251 : memref<1x128xi32, #tpu.memory_space<vmem>> -> memref<128xi32, #tpu.memory_space<vmem>>
      %dma_start3A_253 = arith.constant 0 : i32
      %dma_start3A_254 = tpu.memref_slice %arg13[%dma_start3A_253] : memref<10240xf32, #tpu.memory_space<vmem_shared>> -> memref<10240xf32, #tpu.memory_space<vmem_shared>>
      tpu.enqueue_indirect_dma source(%arg9 : memref<128xf32, #tpu.memory_space<vmem>>) target(%dma_start3A_254 : memref<10240xf32, #tpu.memory_space<vmem_shared>>) offsets(%dma_start3A_252 : memref<128xi32, #tpu.memory_space<vmem>>) semaphore(%arg17 : memref<!tpu.dma_semaphore, #tpu.memory_space<semaphore_mem>>) {add = true}
    }
    %scan3A_94 = arith.constant 40 : i32
    %dma_wait3A = arith.constant 1 : i32
    %dma_wait3A_95 = arith.constant 0 : i32
    %dma_wait3A_96 = tpu.memref_slice %arg7[%dma_wait3A, %dma_wait3A_95] : memref<3x128xi32, #tpu.memory_space<vmem>> -> memref<1x128xi32, #tpu.memory_space<vmem>>
    %dma_wait3A_97 = tpu.memref_squeeze %dma_wait3A_96 : memref<1x128xi32, #tpu.memory_space<vmem>> -> memref<128xi32, #tpu.memory_space<vmem>>
    %dma_wait3A_98 = arith.constant 0 : i32
    %dma_wait3A_99 = arith.constant 0 : i32
    %dma_wait3A_100 = tpu.memref_slice %arg12[%dma_wait3A_98, %dma_wait3A_99] : memref<10240x128xf32, #tpu.memory_space<vmem_shared>> -> memref<10240x128xf32, #tpu.memory_space<vmem_shared>>
    tpu.wait_indirect_dma semaphore(%arg17 : memref<!tpu.dma_semaphore, #tpu.memory_space<semaphore_mem>>) src(%arg11 : memref<128x128xf32, #tpu.memory_space<vmem>>) dst(%dma_wait3A_100 : memref<10240x128xf32, #tpu.memory_space<vmem_shared>>)
    %dma_wait3A_101 = arith.constant 1 : i32
    %dma_wait3A_102 = arith.constant 0 : i32
    %dma_wait3A_103 = tpu.memref_slice %arg7[%dma_wait3A_101, %dma_wait3A_102] : memref<3x128xi32, #tpu.memory_space<vmem>> -> memref<1x128xi32, #tpu.memory_space<vmem>>
    %dma_wait3A_104 = tpu.memref_squeeze %dma_wait3A_103 : memref<1x128xi32, #tpu.memory_space<vmem>> -> memref<128xi32, #tpu.memory_space<vmem>>
    %dma_wait3A_105 = arith.constant 0 : i32
    %dma_wait3A_106 = tpu.memref_slice %arg13[%dma_wait3A_105] : memref<10240xf32, #tpu.memory_space<vmem_shared>> -> memref<10240xf32, #tpu.memory_space<vmem_shared>>
    tpu.wait_indirect_dma semaphore(%arg17 : memref<!tpu.dma_semaphore, #tpu.memory_space<semaphore_mem>>) src(%arg9 : memref<128xf32, #tpu.memory_space<vmem>>) dst(%dma_wait3A_106 : memref<10240xf32, #tpu.memory_space<vmem_shared>>)
    %barrier3A_107 = arith.constant 0 : index
    tpu.barrier barrier_id(%barrier3A_107)
    %scan3A_108 = arith.constant 0 : i32
    %scan3A_109 = arith.constant 5 : i32
    %scan3A_110 = arith.addi %scan3A_108, %scan3A_109 : i32
    %scan3A_111 = arith.constant 1 : i32
    scf.for %scan3A_113 = %scan3A_108 to %scan3A_110 step %scan3A_111  : i32 {
      %mul3A_114 = arith.constant 1 : i32
      %mul3A_115 = arith.muli %scan3A_113, %mul3A_114 : i32
      %add3A_116 = arith.constant 0 : i32
      %add3A_117 = arith.addi %add3A_116, %mul3A_115 : i32
      %mul3A_118 = arith.constant 128 : i32
      %mul3A_119 = arith.muli %add3A_117, %mul3A_118 : i32
      %add3A_120 = arith.addi %mul3A_24, %mul3A_119 : i32
      "tpu.region"() ({
        %run_scoped3A = tpu.sem_alloc : memref<!tpu.dma_semaphore, #tpu.memory_space<semaphore_mem>>
        %dma_start3A_121 = arith.constant 0 : i32
        %dma_start3A_122 = tpu.memref_slice %arg4[%arg0, %add3A_120, %dma_start3A_121] : memref<2x10240x128xf32, #tpu.memory_space<hbm>> -> memref<1x128x128xf32, #tpu.memory_space<hbm>>
        %dma_start3A_123 = tpu.memref_squeeze %dma_start3A_122 : memref<1x128x128xf32, #tpu.memory_space<hbm>> -> memref<128x128xf32, #tpu.memory_space<hbm>>
        %dma_start3A_124 = arith.constant 0 : i32
        %dma_start3A_125 = tpu.memref_slice %arg12[%add3A_120, %dma_start3A_124] : memref<10240x128xf32, #tpu.memory_space<vmem_shared>> -> memref<128x128xf32, #tpu.memory_space<vmem_shared>>
        tpu.enqueue_dma source(%dma_start3A_125 : memref<128x128xf32, #tpu.memory_space<vmem_shared>>) target(%dma_start3A_123 : memref<128x128xf32, #tpu.memory_space<hbm>>) target_semaphore(%run_scoped3A : memref<!tpu.dma_semaphore, #tpu.memory_space<semaphore_mem>>)
        %dma_wait3A_126 = arith.constant 0 : i32
        %dma_wait3A_127 = tpu.memref_slice %arg4[%arg0, %add3A_120, %dma_wait3A_126] : memref<2x10240x128xf32, #tpu.memory_space<hbm>> -> memref<1x128x128xf32, #tpu.memory_space<hbm>>
        %dma_wait3A_128 = tpu.memref_squeeze %dma_wait3A_127 : memref<1x128x128xf32, #tpu.memory_space<hbm>> -> memref<128x128xf32, #tpu.memory_space<hbm>>
        %dma_wait3A_129 = arith.constant 0 : i32
        %dma_wait3A_130 = tpu.memref_slice %arg12[%add3A_120, %dma_wait3A_129] : memref<10240x128xf32, #tpu.memory_space<vmem_shared>> -> memref<128x128xf32, #tpu.memory_space<vmem_shared>>
        tpu.wait_dma2 semaphore(%run_scoped3A : memref<!tpu.dma_semaphore, #tpu.memory_space<semaphore_mem>>) src(%dma_wait3A_130 : memref<128x128xf32, #tpu.memory_space<vmem_shared>>) dst(%dma_wait3A_128 : memref<128x128xf32, #tpu.memory_space<hbm>>)
        tpu.yield
      }) : () -> ()
      "tpu.region"() ({
        %run_scoped3A = tpu.sem_alloc : memref<!tpu.dma_semaphore, #tpu.memory_space<semaphore_mem>>
        %dma_start3A_121 = tpu.memref_slice %arg5[%arg0, %add3A_120] : memref<2x10240xf32, #tpu.memory_space<hbm>> -> memref<1x128xf32, #tpu.memory_space<hbm>>
        %dma_start3A_122 = tpu.memref_squeeze %dma_start3A_121 : memref<1x128xf32, #tpu.memory_space<hbm>> -> memref<128xf32, #tpu.memory_space<hbm>>
        %dma_start3A_123 = tpu.memref_slice %arg13[%add3A_120] : memref<10240xf32, #tpu.memory_space<vmem_shared>> -> memref<128xf32, #tpu.memory_space<vmem_shared>>
        tpu.enqueue_dma source(%dma_start3A_123 : memref<128xf32, #tpu.memory_space<vmem_shared>>) target(%dma_start3A_122 : memref<128xf32, #tpu.memory_space<hbm>>) target_semaphore(%run_scoped3A : memref<!tpu.dma_semaphore, #tpu.memory_space<semaphore_mem>>)
        %dma_wait3A_124 = tpu.memref_slice %arg5[%arg0, %add3A_120] : memref<2x10240xf32, #tpu.memory_space<hbm>> -> memref<1x128xf32, #tpu.memory_space<hbm>>
        %dma_wait3A_125 = tpu.memref_squeeze %dma_wait3A_124 : memref<1x128xf32, #tpu.memory_space<hbm>> -> memref<128xf32, #tpu.memory_space<hbm>>
        %dma_wait3A_126 = tpu.memref_slice %arg13[%add3A_120] : memref<10240xf32, #tpu.memory_space<vmem_shared>> -> memref<128xf32, #tpu.memory_space<vmem_shared>>
        tpu.wait_dma2 semaphore(%run_scoped3A : memref<!tpu.dma_semaphore, #tpu.memory_space<semaphore_mem>>) src(%dma_wait3A_126 : memref<128xf32, #tpu.memory_space<vmem_shared>>) dst(%dma_wait3A_125 : memref<128xf32, #tpu.memory_space<hbm>>)
        tpu.yield
      }) : () -> ()
    }
    %scan3A_112 = arith.constant 5 : i32
    return
  }
}

#map = affine_map<(d0, d1) -> (0, 0)>
#map1 = affine_map<(d0, d1) -> (0, 0, 0)>
module attributes {stable_mosaic.version = 14 : i64} {
  func.func @enc(%arg0: i32, %arg1: i32, %arg2: memref<1071x128xf32, #tpu.memory_space<hbm>>, %arg3: memref<160x9x64xi32, #tpu.memory_space<hbm>>, %arg4: memref<10240x128xf32, #tpu.memory_space<hbm>>, %arg5: memref<9x64xi32, #tpu.memory_space<vmem>>, %arg6: memref<9x64x128xf32, #tpu.memory_space<vmem>>, %arg7: memref<64x128xf32, #tpu.memory_space<vmem>>, %arg8: memref<!tpu.dma_semaphore, #tpu.memory_space<semaphore_mem>>) attributes {dimension_semantics = [#tpu.dimension_semantics<core_parallel>, #tpu.dimension_semantics<subcore_parallel>], iteration_bounds = array<i64: 2, 16>, scalar_prefetch = 0 : i64, scratch_operands = 4 : i64, tpu.core_type = #tpu.core_type<sc_vector_subcore>, window_params = [{transform_indices = #map}, {transform_indices = #map1}, {transform_indices = #map}]} {
    %mul3A = arith.constant 2 : i32
    %mul3A_0 = arith.muli %arg1, %mul3A : i32
    %add3A = arith.addi %mul3A_0, %arg0 : i32
    %mul3A_1 = arith.constant 5 : i32
    %mul3A_2 = arith.muli %add3A, %mul3A_1 : i32
    %scan3A = arith.constant 0 : i32
    %scan3A_3 = arith.constant 5 : i32
    %scan3A_4 = arith.addi %scan3A, %scan3A_3 : i32
    %scan3A_5 = arith.constant 1 : i32
    scf.for %scan3A_7 = %scan3A to %scan3A_4 step %scan3A_5  : i32 {
      %mul3A_8 = arith.constant 1 : i32
      %mul3A_9 = arith.muli %scan3A_7, %mul3A_8 : i32
      %add3A_10 = arith.constant 0 : i32
      %add3A_11 = arith.addi %add3A_10, %mul3A_9 : i32
      %add3A_12 = arith.addi %mul3A_2, %add3A_11 : i32
      "tpu.region"() ({
        %run_scoped3A = tpu.sem_alloc : memref<!tpu.dma_semaphore, #tpu.memory_space<semaphore_mem>>
        %dma_start3A_585 = arith.constant 0 : i32
        %dma_start3A_586 = arith.constant 0 : i32
        %dma_start3A_587 = tpu.memref_slice %arg3[%add3A_12, %dma_start3A_585, %dma_start3A_586] : memref<160x9x64xi32, #tpu.memory_space<hbm>> -> memref<1x9x64xi32, #tpu.memory_space<hbm>>
        %dma_start3A_588 = tpu.memref_squeeze %dma_start3A_587 : memref<1x9x64xi32, #tpu.memory_space<hbm>> -> memref<9x64xi32, #tpu.memory_space<hbm>>
        %dma_start3A_589 = arith.constant 0 : i32
        %dma_start3A_590 = arith.constant 0 : i32
        %dma_start3A_591 = tpu.memref_slice %arg3[%add3A_12, %dma_start3A_589, %dma_start3A_590] : memref<160x9x64xi32, #tpu.memory_space<hbm>> -> memref<1x9x64xi32, #tpu.memory_space<hbm>>
        %dma_start3A_592 = tpu.memref_squeeze %dma_start3A_591 : memref<1x9x64xi32, #tpu.memory_space<hbm>> -> memref<9x64xi32, #tpu.memory_space<hbm>>
        tpu.enqueue_dma source(%dma_start3A_592 : memref<9x64xi32, #tpu.memory_space<hbm>>) target(%arg5 : memref<9x64xi32, #tpu.memory_space<vmem>>) target_semaphore(%run_scoped3A : memref<!tpu.dma_semaphore, #tpu.memory_space<semaphore_mem>>)
        %dma_wait3A_593 = arith.constant 0 : i32
        %dma_wait3A_594 = arith.constant 0 : i32
        %dma_wait3A_595 = tpu.memref_slice %arg3[%add3A_12, %dma_wait3A_593, %dma_wait3A_594] : memref<160x9x64xi32, #tpu.memory_space<hbm>> -> memref<1x9x64xi32, #tpu.memory_space<hbm>>
        %dma_wait3A_596 = tpu.memref_squeeze %dma_wait3A_595 : memref<1x9x64xi32, #tpu.memory_space<hbm>> -> memref<9x64xi32, #tpu.memory_space<hbm>>
        %dma_wait3A_597 = arith.constant 0 : i32
        %dma_wait3A_598 = arith.constant 0 : i32
        %dma_wait3A_599 = tpu.memref_slice %arg3[%add3A_12, %dma_wait3A_597, %dma_wait3A_598] : memref<160x9x64xi32, #tpu.memory_space<hbm>> -> memref<1x9x64xi32, #tpu.memory_space<hbm>>
        %dma_wait3A_600 = tpu.memref_squeeze %dma_wait3A_599 : memref<1x9x64xi32, #tpu.memory_space<hbm>> -> memref<9x64xi32, #tpu.memory_space<hbm>>
        tpu.wait_dma2 semaphore(%run_scoped3A : memref<!tpu.dma_semaphore, #tpu.memory_space<semaphore_mem>>) src(%dma_wait3A_600 : memref<9x64xi32, #tpu.memory_space<hbm>>) dst(%arg5 : memref<9x64xi32, #tpu.memory_space<vmem>>)
        tpu.yield
      }) : () -> ()
      %get3A = arith.constant 1 : i32
      %get3A_13 = arith.index_cast %get3A : i32 to index
      %get3A_14 = arith.constant 0 : index
      %get3A_15 = tpu.vector_load %arg5[%get3A_13, %get3A_14] {strides = array<i32>} : memref<9x64xi32, #tpu.memory_space<vmem>>, vector<16xi32>,
      %add3A_16 = arith.constant 119 : i32
      %add3A_17 = vector.broadcast %add3A_16 : i32 to vector<16xi32>
      %add3A_18 = arith.addi %get3A_15, %add3A_17 : vector<16xi32>
      %swap3A = arith.constant 1 : i32
      %swap3A_19 = arith.index_cast %swap3A : i32 to index
      %swap3A_20 = arith.constant 0 : index
      %swap3A_21 = tpu.vector_load %arg5[%swap3A_19, %swap3A_20] {strides = array<i32>} : memref<9x64xi32, #tpu.memory_space<vmem>>, vector<16xi32>,
      tpu.vector_store %arg5[%swap3A_19, %swap3A_20], %add3A_18 {strides = array<i32>} : memref<9x64xi32, #tpu.memory_space<vmem>>, vector<16xi32>,
      %get3A_22 = arith.constant 1 : i32
      %get3A_23 = arith.index_cast %get3A_22 : i32 to index
      %get3A_24 = arith.constant 16 : index
      %get3A_25 = tpu.vector_load %arg5[%get3A_23, %get3A_24] {strides = array<i32>} : memref<9x64xi32, #tpu.memory_space<vmem>>, vector<16xi32>,
      %add3A_26 = arith.constant 119 : i32
      %add3A_27 = vector.broadcast %add3A_26 : i32 to vector<16xi32>
      %add3A_28 = arith.addi %get3A_25, %add3A_27 : vector<16xi32>
      %swap3A_29 = arith.constant 1 : i32
      %swap3A_30 = arith.index_cast %swap3A_29 : i32 to index
      %swap3A_31 = arith.constant 16 : index
      %swap3A_32 = tpu.vector_load %arg5[%swap3A_30, %swap3A_31] {strides = array<i32>} : memref<9x64xi32, #tpu.memory_space<vmem>>, vector<16xi32>,
      tpu.vector_store %arg5[%swap3A_30, %swap3A_31], %add3A_28 {strides = array<i32>} : memref<9x64xi32, #tpu.memory_space<vmem>>, vector<16xi32>,
      %get3A_33 = arith.constant 1 : i32
      %get3A_34 = arith.index_cast %get3A_33 : i32 to index
      %get3A_35 = arith.constant 32 : index
      %get3A_36 = tpu.vector_load %arg5[%get3A_34, %get3A_35] {strides = array<i32>} : memref<9x64xi32, #tpu.memory_space<vmem>>, vector<16xi32>,
      %add3A_37 = arith.constant 119 : i32
      %add3A_38 = vector.broadcast %add3A_37 : i32 to vector<16xi32>
      %add3A_39 = arith.addi %get3A_36, %add3A_38 : vector<16xi32>
      %swap3A_40 = arith.constant 1 : i32
      %swap3A_41 = arith.index_cast %swap3A_40 : i32 to index
      %swap3A_42 = arith.constant 32 : index
      %swap3A_43 = tpu.vector_load %arg5[%swap3A_41, %swap3A_42] {strides = array<i32>} : memref<9x64xi32, #tpu.memory_space<vmem>>, vector<16xi32>,
      tpu.vector_store %arg5[%swap3A_41, %swap3A_42], %add3A_39 {strides = array<i32>} : memref<9x64xi32, #tpu.memory_space<vmem>>, vector<16xi32>,
      %get3A_44 = arith.constant 1 : i32
      %get3A_45 = arith.index_cast %get3A_44 : i32 to index
      %get3A_46 = arith.constant 48 : index
      %get3A_47 = tpu.vector_load %arg5[%get3A_45, %get3A_46] {strides = array<i32>} : memref<9x64xi32, #tpu.memory_space<vmem>>, vector<16xi32>,
      %add3A_48 = arith.constant 119 : i32
      %add3A_49 = vector.broadcast %add3A_48 : i32 to vector<16xi32>
      %add3A_50 = arith.addi %get3A_47, %add3A_49 : vector<16xi32>
      %swap3A_51 = arith.constant 1 : i32
      %swap3A_52 = arith.index_cast %swap3A_51 : i32 to index
      %swap3A_53 = arith.constant 48 : index
      %swap3A_54 = tpu.vector_load %arg5[%swap3A_52, %swap3A_53] {strides = array<i32>} : memref<9x64xi32, #tpu.memory_space<vmem>>, vector<16xi32>,
      tpu.vector_store %arg5[%swap3A_52, %swap3A_53], %add3A_50 {strides = array<i32>} : memref<9x64xi32, #tpu.memory_space<vmem>>, vector<16xi32>,
      %get3A_55 = arith.constant 2 : i32
      %get3A_56 = arith.index_cast %get3A_55 : i32 to index
      %get3A_57 = arith.constant 0 : index
      %get3A_58 = tpu.vector_load %arg5[%get3A_56, %get3A_57] {strides = array<i32>} : memref<9x64xi32, #tpu.memory_space<vmem>>, vector<16xi32>,
      %add3A_59 = arith.constant 238 : i32
      %add3A_60 = vector.broadcast %add3A_59 : i32 to vector<16xi32>
      %add3A_61 = arith.addi %get3A_58, %add3A_60 : vector<16xi32>
      %swap3A_62 = arith.constant 2 : i32
      %swap3A_63 = arith.index_cast %swap3A_62 : i32 to index
      %swap3A_64 = arith.constant 0 : index
      %swap3A_65 = tpu.vector_load %arg5[%swap3A_63, %swap3A_64] {strides = array<i32>} : memref<9x64xi32, #tpu.memory_space<vmem>>, vector<16xi32>,
      tpu.vector_store %arg5[%swap3A_63, %swap3A_64], %add3A_61 {strides = array<i32>} : memref<9x64xi32, #tpu.memory_space<vmem>>, vector<16xi32>,
      %get3A_66 = arith.constant 2 : i32
      %get3A_67 = arith.index_cast %get3A_66 : i32 to index
      %get3A_68 = arith.constant 16 : index
      %get3A_69 = tpu.vector_load %arg5[%get3A_67, %get3A_68] {strides = array<i32>} : memref<9x64xi32, #tpu.memory_space<vmem>>, vector<16xi32>,
      %add3A_70 = arith.constant 238 : i32
      %add3A_71 = vector.broadcast %add3A_70 : i32 to vector<16xi32>
      %add3A_72 = arith.addi %get3A_69, %add3A_71 : vector<16xi32>
      %swap3A_73 = arith.constant 2 : i32
      %swap3A_74 = arith.index_cast %swap3A_73 : i32 to index
      %swap3A_75 = arith.constant 16 : index
      %swap3A_76 = tpu.vector_load %arg5[%swap3A_74, %swap3A_75] {strides = array<i32>} : memref<9x64xi32, #tpu.memory_space<vmem>>, vector<16xi32>,
      tpu.vector_store %arg5[%swap3A_74, %swap3A_75], %add3A_72 {strides = array<i32>} : memref<9x64xi32, #tpu.memory_space<vmem>>, vector<16xi32>,
      %get3A_77 = arith.constant 2 : i32
      %get3A_78 = arith.index_cast %get3A_77 : i32 to index
      %get3A_79 = arith.constant 32 : index
      %get3A_80 = tpu.vector_load %arg5[%get3A_78, %get3A_79] {strides = array<i32>} : memref<9x64xi32, #tpu.memory_space<vmem>>, vector<16xi32>,
      %add3A_81 = arith.constant 238 : i32
      %add3A_82 = vector.broadcast %add3A_81 : i32 to vector<16xi32>
      %add3A_83 = arith.addi %get3A_80, %add3A_82 : vector<16xi32>
      %swap3A_84 = arith.constant 2 : i32
      %swap3A_85 = arith.index_cast %swap3A_84 : i32 to index
      %swap3A_86 = arith.constant 32 : index
      %swap3A_87 = tpu.vector_load %arg5[%swap3A_85, %swap3A_86] {strides = array<i32>} : memref<9x64xi32, #tpu.memory_space<vmem>>, vector<16xi32>,
      tpu.vector_store %arg5[%swap3A_85, %swap3A_86], %add3A_83 {strides = array<i32>} : memref<9x64xi32, #tpu.memory_space<vmem>>, vector<16xi32>,
      %get3A_88 = arith.constant 2 : i32
      %get3A_89 = arith.index_cast %get3A_88 : i32 to index
      %get3A_90 = arith.constant 48 : index
      %get3A_91 = tpu.vector_load %arg5[%get3A_89, %get3A_90] {strides = array<i32>} : memref<9x64xi32, #tpu.memory_space<vmem>>, vector<16xi32>,
      %add3A_92 = arith.constant 238 : i32
      %add3A_93 = vector.broadcast %add3A_92 : i32 to vector<16xi32>
      %add3A_94 = arith.addi %get3A_91, %add3A_93 : vector<16xi32>
      %swap3A_95 = arith.constant 2 : i32
      %swap3A_96 = arith.index_cast %swap3A_95 : i32 to index
      %swap3A_97 = arith.constant 48 : index
      %swap3A_98 = tpu.vector_load %arg5[%swap3A_96, %swap3A_97] {strides = array<i32>} : memref<9x64xi32, #tpu.memory_space<vmem>>, vector<16xi32>,
      tpu.vector_store %arg5[%swap3A_96, %swap3A_97], %add3A_94 {strides = array<i32>} : memref<9x64xi32, #tpu.memory_space<vmem>>, vector<16xi32>,
      %get3A_99 = arith.constant 3 : i32
      %get3A_100 = arith.index_cast %get3A_99 : i32 to index
      %get3A_101 = arith.constant 0 : index
      %get3A_102 = tpu.vector_load %arg5[%get3A_100, %get3A_101] {strides = array<i32>} : memref<9x64xi32, #tpu.memory_space<vmem>>, vector<16xi32>,
      %add3A_103 = arith.constant 357 : i32
      %add3A_104 = vector.broadcast %add3A_103 : i32 to vector<16xi32>
      %add3A_105 = arith.addi %get3A_102, %add3A_104 : vector<16xi32>
      %swap3A_106 = arith.constant 3 : i32
      %swap3A_107 = arith.index_cast %swap3A_106 : i32 to index
      %swap3A_108 = arith.constant 0 : index
      %swap3A_109 = tpu.vector_load %arg5[%swap3A_107, %swap3A_108] {strides = array<i32>} : memref<9x64xi32, #tpu.memory_space<vmem>>, vector<16xi32>,
      tpu.vector_store %arg5[%swap3A_107, %swap3A_108], %add3A_105 {strides = array<i32>} : memref<9x64xi32, #tpu.memory_space<vmem>>, vector<16xi32>,
      %get3A_110 = arith.constant 3 : i32
      %get3A_111 = arith.index_cast %get3A_110 : i32 to index
      %get3A_112 = arith.constant 16 : index
      %get3A_113 = tpu.vector_load %arg5[%get3A_111, %get3A_112] {strides = array<i32>} : memref<9x64xi32, #tpu.memory_space<vmem>>, vector<16xi32>,
      %add3A_114 = arith.constant 357 : i32
      %add3A_115 = vector.broadcast %add3A_114 : i32 to vector<16xi32>
      %add3A_116 = arith.addi %get3A_113, %add3A_115 : vector<16xi32>
      %swap3A_117 = arith.constant 3 : i32
      %swap3A_118 = arith.index_cast %swap3A_117 : i32 to index
      %swap3A_119 = arith.constant 16 : index
      %swap3A_120 = tpu.vector_load %arg5[%swap3A_118, %swap3A_119] {strides = array<i32>} : memref<9x64xi32, #tpu.memory_space<vmem>>, vector<16xi32>,
      tpu.vector_store %arg5[%swap3A_118, %swap3A_119], %add3A_116 {strides = array<i32>} : memref<9x64xi32, #tpu.memory_space<vmem>>, vector<16xi32>,
      %get3A_121 = arith.constant 3 : i32
      %get3A_122 = arith.index_cast %get3A_121 : i32 to index
      %get3A_123 = arith.constant 32 : index
      %get3A_124 = tpu.vector_load %arg5[%get3A_122, %get3A_123] {strides = array<i32>} : memref<9x64xi32, #tpu.memory_space<vmem>>, vector<16xi32>,
      %add3A_125 = arith.constant 357 : i32
      %add3A_126 = vector.broadcast %add3A_125 : i32 to vector<16xi32>
      %add3A_127 = arith.addi %get3A_124, %add3A_126 : vector<16xi32>
      %swap3A_128 = arith.constant 3 : i32
      %swap3A_129 = arith.index_cast %swap3A_128 : i32 to index
      %swap3A_130 = arith.constant 32 : index
      %swap3A_131 = tpu.vector_load %arg5[%swap3A_129, %swap3A_130] {strides = array<i32>} : memref<9x64xi32, #tpu.memory_space<vmem>>, vector<16xi32>,
      tpu.vector_store %arg5[%swap3A_129, %swap3A_130], %add3A_127 {strides = array<i32>} : memref<9x64xi32, #tpu.memory_space<vmem>>, vector<16xi32>,
      %get3A_132 = arith.constant 3 : i32
      %get3A_133 = arith.index_cast %get3A_132 : i32 to index
      %get3A_134 = arith.constant 48 : index
      %get3A_135 = tpu.vector_load %arg5[%get3A_133, %get3A_134] {strides = array<i32>} : memref<9x64xi32, #tpu.memory_space<vmem>>, vector<16xi32>,
      %add3A_136 = arith.constant 357 : i32
      %add3A_137 = vector.broadcast %add3A_136 : i32 to vector<16xi32>
      %add3A_138 = arith.addi %get3A_135, %add3A_137 : vector<16xi32>
      %swap3A_139 = arith.constant 3 : i32
      %swap3A_140 = arith.index_cast %swap3A_139 : i32 to index
      %swap3A_141 = arith.constant 48 : index
      %swap3A_142 = tpu.vector_load %arg5[%swap3A_140, %swap3A_141] {strides = array<i32>} : memref<9x64xi32, #tpu.memory_space<vmem>>, vector<16xi32>,
      tpu.vector_store %arg5[%swap3A_140, %swap3A_141], %add3A_138 {strides = array<i32>} : memref<9x64xi32, #tpu.memory_space<vmem>>, vector<16xi32>,
      %get3A_143 = arith.constant 4 : i32
      %get3A_144 = arith.index_cast %get3A_143 : i32 to index
      %get3A_145 = arith.constant 0 : index
      %get3A_146 = tpu.vector_load %arg5[%get3A_144, %get3A_145] {strides = array<i32>} : memref<9x64xi32, #tpu.memory_space<vmem>>, vector<16xi32>,
      %add3A_147 = arith.constant 476 : i32
      %add3A_148 = vector.broadcast %add3A_147 : i32 to vector<16xi32>
      %add3A_149 = arith.addi %get3A_146, %add3A_148 : vector<16xi32>
      %swap3A_150 = arith.constant 4 : i32
      %swap3A_151 = arith.index_cast %swap3A_150 : i32 to index
      %swap3A_152 = arith.constant 0 : index
      %swap3A_153 = tpu.vector_load %arg5[%swap3A_151, %swap3A_152] {strides = array<i32>} : memref<9x64xi32, #tpu.memory_space<vmem>>, vector<16xi32>,
      tpu.vector_store %arg5[%swap3A_151, %swap3A_152], %add3A_149 {strides = array<i32>} : memref<9x64xi32, #tpu.memory_space<vmem>>, vector<16xi32>,
      %get3A_154 = arith.constant 4 : i32
      %get3A_155 = arith.index_cast %get3A_154 : i32 to index
      %get3A_156 = arith.constant 16 : index
      %get3A_157 = tpu.vector_load %arg5[%get3A_155, %get3A_156] {strides = array<i32>} : memref<9x64xi32, #tpu.memory_space<vmem>>, vector<16xi32>,
      %add3A_158 = arith.constant 476 : i32
      %add3A_159 = vector.broadcast %add3A_158 : i32 to vector<16xi32>
      %add3A_160 = arith.addi %get3A_157, %add3A_159 : vector<16xi32>
      %swap3A_161 = arith.constant 4 : i32
      %swap3A_162 = arith.index_cast %swap3A_161 : i32 to index
      %swap3A_163 = arith.constant 16 : index
      %swap3A_164 = tpu.vector_load %arg5[%swap3A_162, %swap3A_163] {strides = array<i32>} : memref<9x64xi32, #tpu.memory_space<vmem>>, vector<16xi32>,
      tpu.vector_store %arg5[%swap3A_162, %swap3A_163], %add3A_160 {strides = array<i32>} : memref<9x64xi32, #tpu.memory_space<vmem>>, vector<16xi32>,
      %get3A_165 = arith.constant 4 : i32
      %get3A_166 = arith.index_cast %get3A_165 : i32 to index
      %get3A_167 = arith.constant 32 : index
      %get3A_168 = tpu.vector_load %arg5[%get3A_166, %get3A_167] {strides = array<i32>} : memref<9x64xi32, #tpu.memory_space<vmem>>, vector<16xi32>,
      %add3A_169 = arith.constant 476 : i32
      %add3A_170 = vector.broadcast %add3A_169 : i32 to vector<16xi32>
      %add3A_171 = arith.addi %get3A_168, %add3A_170 : vector<16xi32>
      %swap3A_172 = arith.constant 4 : i32
      %swap3A_173 = arith.index_cast %swap3A_172 : i32 to index
      %swap3A_174 = arith.constant 32 : index
      %swap3A_175 = tpu.vector_load %arg5[%swap3A_173, %swap3A_174] {strides = array<i32>} : memref<9x64xi32, #tpu.memory_space<vmem>>, vector<16xi32>,
      tpu.vector_store %arg5[%swap3A_173, %swap3A_174], %add3A_171 {strides = array<i32>} : memref<9x64xi32, #tpu.memory_space<vmem>>, vector<16xi32>,
      %get3A_176 = arith.constant 4 : i32
      %get3A_177 = arith.index_cast %get3A_176 : i32 to index
      %get3A_178 = arith.constant 48 : index
      %get3A_179 = tpu.vector_load %arg5[%get3A_177, %get3A_178] {strides = array<i32>} : memref<9x64xi32, #tpu.memory_space<vmem>>, vector<16xi32>,
      %add3A_180 = arith.constant 476 : i32
      %add3A_181 = vector.broadcast %add3A_180 : i32 to vector<16xi32>
      %add3A_182 = arith.addi %get3A_179, %add3A_181 : vector<16xi32>
      %swap3A_183 = arith.constant 4 : i32
      %swap3A_184 = arith.index_cast %swap3A_183 : i32 to index
      %swap3A_185 = arith.constant 48 : index
      %swap3A_186 = tpu.vector_load %arg5[%swap3A_184, %swap3A_185] {strides = array<i32>} : memref<9x64xi32, #tpu.memory_space<vmem>>, vector<16xi32>,
      tpu.vector_store %arg5[%swap3A_184, %swap3A_185], %add3A_182 {strides = array<i32>} : memref<9x64xi32, #tpu.memory_space<vmem>>, vector<16xi32>,
      %get3A_187 = arith.constant 5 : i32
      %get3A_188 = arith.index_cast %get3A_187 : i32 to index
      %get3A_189 = arith.constant 0 : index
      %get3A_190 = tpu.vector_load %arg5[%get3A_188, %get3A_189] {strides = array<i32>} : memref<9x64xi32, #tpu.memory_space<vmem>>, vector<16xi32>,
      %add3A_191 = arith.constant 595 : i32
      %add3A_192 = vector.broadcast %add3A_191 : i32 to vector<16xi32>
      %add3A_193 = arith.addi %get3A_190, %add3A_192 : vector<16xi32>
      %swap3A_194 = arith.constant 5 : i32
      %swap3A_195 = arith.index_cast %swap3A_194 : i32 to index
      %swap3A_196 = arith.constant 0 : index
      %swap3A_197 = tpu.vector_load %arg5[%swap3A_195, %swap3A_196] {strides = array<i32>} : memref<9x64xi32, #tpu.memory_space<vmem>>, vector<16xi32>,
      tpu.vector_store %arg5[%swap3A_195, %swap3A_196], %add3A_193 {strides = array<i32>} : memref<9x64xi32, #tpu.memory_space<vmem>>, vector<16xi32>,
      %get3A_198 = arith.constant 5 : i32
      %get3A_199 = arith.index_cast %get3A_198 : i32 to index
      %get3A_200 = arith.constant 16 : index
      %get3A_201 = tpu.vector_load %arg5[%get3A_199, %get3A_200] {strides = array<i32>} : memref<9x64xi32, #tpu.memory_space<vmem>>, vector<16xi32>,
      %add3A_202 = arith.constant 595 : i32
      %add3A_203 = vector.broadcast %add3A_202 : i32 to vector<16xi32>
      %add3A_204 = arith.addi %get3A_201, %add3A_203 : vector<16xi32>
      %swap3A_205 = arith.constant 5 : i32
      %swap3A_206 = arith.index_cast %swap3A_205 : i32 to index
      %swap3A_207 = arith.constant 16 : index
      %swap3A_208 = tpu.vector_load %arg5[%swap3A_206, %swap3A_207] {strides = array<i32>} : memref<9x64xi32, #tpu.memory_space<vmem>>, vector<16xi32>,
      tpu.vector_store %arg5[%swap3A_206, %swap3A_207], %add3A_204 {strides = array<i32>} : memref<9x64xi32, #tpu.memory_space<vmem>>, vector<16xi32>,
      %get3A_209 = arith.constant 5 : i32
      %get3A_210 = arith.index_cast %get3A_209 : i32 to index
      %get3A_211 = arith.constant 32 : index
      %get3A_212 = tpu.vector_load %arg5[%get3A_210, %get3A_211] {strides = array<i32>} : memref<9x64xi32, #tpu.memory_space<vmem>>, vector<16xi32>,
      %add3A_213 = arith.constant 595 : i32
      %add3A_214 = vector.broadcast %add3A_213 : i32 to vector<16xi32>
      %add3A_215 = arith.addi %get3A_212, %add3A_214 : vector<16xi32>
      %swap3A_216 = arith.constant 5 : i32
      %swap3A_217 = arith.index_cast %swap3A_216 : i32 to index
      %swap3A_218 = arith.constant 32 : index
      %swap3A_219 = tpu.vector_load %arg5[%swap3A_217, %swap3A_218] {strides = array<i32>} : memref<9x64xi32, #tpu.memory_space<vmem>>, vector<16xi32>,
      tpu.vector_store %arg5[%swap3A_217, %swap3A_218], %add3A_215 {strides = array<i32>} : memref<9x64xi32, #tpu.memory_space<vmem>>, vector<16xi32>,
      %get3A_220 = arith.constant 5 : i32
      %get3A_221 = arith.index_cast %get3A_220 : i32 to index
      %get3A_222 = arith.constant 48 : index
      %get3A_223 = tpu.vector_load %arg5[%get3A_221, %get3A_222] {strides = array<i32>} : memref<9x64xi32, #tpu.memory_space<vmem>>, vector<16xi32>,
      %add3A_224 = arith.constant 595 : i32
      %add3A_225 = vector.broadcast %add3A_224 : i32 to vector<16xi32>
      %add3A_226 = arith.addi %get3A_223, %add3A_225 : vector<16xi32>
      %swap3A_227 = arith.constant 5 : i32
      %swap3A_228 = arith.index_cast %swap3A_227 : i32 to index
      %swap3A_229 = arith.constant 48 : index
      %swap3A_230 = tpu.vector_load %arg5[%swap3A_228, %swap3A_229] {strides = array<i32>} : memref<9x64xi32, #tpu.memory_space<vmem>>, vector<16xi32>,
      tpu.vector_store %arg5[%swap3A_228, %swap3A_229], %add3A_226 {strides = array<i32>} : memref<9x64xi32, #tpu.memory_space<vmem>>, vector<16xi32>,
      %get3A_231 = arith.constant 6 : i32
      %get3A_232 = arith.index_cast %get3A_231 : i32 to index
      %get3A_233 = arith.constant 0 : index
      %get3A_234 = tpu.vector_load %arg5[%get3A_232, %get3A_233] {strides = array<i32>} : memref<9x64xi32, #tpu.memory_space<vmem>>, vector<16xi32>,
      %add3A_235 = arith.constant 714 : i32
      %add3A_236 = vector.broadcast %add3A_235 : i32 to vector<16xi32>
      %add3A_237 = arith.addi %get3A_234, %add3A_236 : vector<16xi32>
      %swap3A_238 = arith.constant 6 : i32
      %swap3A_239 = arith.index_cast %swap3A_238 : i32 to index
      %swap3A_240 = arith.constant 0 : index
      %swap3A_241 = tpu.vector_load %arg5[%swap3A_239, %swap3A_240] {strides = array<i32>} : memref<9x64xi32, #tpu.memory_space<vmem>>, vector<16xi32>,
      tpu.vector_store %arg5[%swap3A_239, %swap3A_240], %add3A_237 {strides = array<i32>} : memref<9x64xi32, #tpu.memory_space<vmem>>, vector<16xi32>,
      %get3A_242 = arith.constant 6 : i32
      %get3A_243 = arith.index_cast %get3A_242 : i32 to index
      %get3A_244 = arith.constant 16 : index
      %get3A_245 = tpu.vector_load %arg5[%get3A_243, %get3A_244] {strides = array<i32>} : memref<9x64xi32, #tpu.memory_space<vmem>>, vector<16xi32>,
      %add3A_246 = arith.constant 714 : i32
      %add3A_247 = vector.broadcast %add3A_246 : i32 to vector<16xi32>
      %add3A_248 = arith.addi %get3A_245, %add3A_247 : vector<16xi32>
      %swap3A_249 = arith.constant 6 : i32
      %swap3A_250 = arith.index_cast %swap3A_249 : i32 to index
      %swap3A_251 = arith.constant 16 : index
      %swap3A_252 = tpu.vector_load %arg5[%swap3A_250, %swap3A_251] {strides = array<i32>} : memref<9x64xi32, #tpu.memory_space<vmem>>, vector<16xi32>,
      tpu.vector_store %arg5[%swap3A_250, %swap3A_251], %add3A_248 {strides = array<i32>} : memref<9x64xi32, #tpu.memory_space<vmem>>, vector<16xi32>,
      %get3A_253 = arith.constant 6 : i32
      %get3A_254 = arith.index_cast %get3A_253 : i32 to index
      %get3A_255 = arith.constant 32 : index
      %get3A_256 = tpu.vector_load %arg5[%get3A_254, %get3A_255] {strides = array<i32>} : memref<9x64xi32, #tpu.memory_space<vmem>>, vector<16xi32>,
      %add3A_257 = arith.constant 714 : i32
      %add3A_258 = vector.broadcast %add3A_257 : i32 to vector<16xi32>
      %add3A_259 = arith.addi %get3A_256, %add3A_258 : vector<16xi32>
      %swap3A_260 = arith.constant 6 : i32
      %swap3A_261 = arith.index_cast %swap3A_260 : i32 to index
      %swap3A_262 = arith.constant 32 : index
      %swap3A_263 = tpu.vector_load %arg5[%swap3A_261, %swap3A_262] {strides = array<i32>} : memref<9x64xi32, #tpu.memory_space<vmem>>, vector<16xi32>,
      tpu.vector_store %arg5[%swap3A_261, %swap3A_262], %add3A_259 {strides = array<i32>} : memref<9x64xi32, #tpu.memory_space<vmem>>, vector<16xi32>,
      %get3A_264 = arith.constant 6 : i32
      %get3A_265 = arith.index_cast %get3A_264 : i32 to index
      %get3A_266 = arith.constant 48 : index
      %get3A_267 = tpu.vector_load %arg5[%get3A_265, %get3A_266] {strides = array<i32>} : memref<9x64xi32, #tpu.memory_space<vmem>>, vector<16xi32>,
      %add3A_268 = arith.constant 714 : i32
      %add3A_269 = vector.broadcast %add3A_268 : i32 to vector<16xi32>
      %add3A_270 = arith.addi %get3A_267, %add3A_269 : vector<16xi32>
      %swap3A_271 = arith.constant 6 : i32
      %swap3A_272 = arith.index_cast %swap3A_271 : i32 to index
      %swap3A_273 = arith.constant 48 : index
      %swap3A_274 = tpu.vector_load %arg5[%swap3A_272, %swap3A_273] {strides = array<i32>} : memref<9x64xi32, #tpu.memory_space<vmem>>, vector<16xi32>,
      tpu.vector_store %arg5[%swap3A_272, %swap3A_273], %add3A_270 {strides = array<i32>} : memref<9x64xi32, #tpu.memory_space<vmem>>, vector<16xi32>,
      %get3A_275 = arith.constant 7 : i32
      %get3A_276 = arith.index_cast %get3A_275 : i32 to index
      %get3A_277 = arith.constant 0 : index
      %get3A_278 = tpu.vector_load %arg5[%get3A_276, %get3A_277] {strides = array<i32>} : memref<9x64xi32, #tpu.memory_space<vmem>>, vector<16xi32>,
      %add3A_279 = arith.constant 833 : i32
      %add3A_280 = vector.broadcast %add3A_279 : i32 to vector<16xi32>
      %add3A_281 = arith.addi %get3A_278, %add3A_280 : vector<16xi32>
      %swap3A_282 = arith.constant 7 : i32
      %swap3A_283 = arith.index_cast %swap3A_282 : i32 to index
      %swap3A_284 = arith.constant 0 : index
      %swap3A_285 = tpu.vector_load %arg5[%swap3A_283, %swap3A_284] {strides = array<i32>} : memref<9x64xi32, #tpu.memory_space<vmem>>, vector<16xi32>,
      tpu.vector_store %arg5[%swap3A_283, %swap3A_284], %add3A_281 {strides = array<i32>} : memref<9x64xi32, #tpu.memory_space<vmem>>, vector<16xi32>,
      %get3A_286 = arith.constant 7 : i32
      %get3A_287 = arith.index_cast %get3A_286 : i32 to index
      %get3A_288 = arith.constant 16 : index
      %get3A_289 = tpu.vector_load %arg5[%get3A_287, %get3A_288] {strides = array<i32>} : memref<9x64xi32, #tpu.memory_space<vmem>>, vector<16xi32>,
      %add3A_290 = arith.constant 833 : i32
      %add3A_291 = vector.broadcast %add3A_290 : i32 to vector<16xi32>
      %add3A_292 = arith.addi %get3A_289, %add3A_291 : vector<16xi32>
      %swap3A_293 = arith.constant 7 : i32
      %swap3A_294 = arith.index_cast %swap3A_293 : i32 to index
      %swap3A_295 = arith.constant 16 : index
      %swap3A_296 = tpu.vector_load %arg5[%swap3A_294, %swap3A_295] {strides = array<i32>} : memref<9x64xi32, #tpu.memory_space<vmem>>, vector<16xi32>,
      tpu.vector_store %arg5[%swap3A_294, %swap3A_295], %add3A_292 {strides = array<i32>} : memref<9x64xi32, #tpu.memory_space<vmem>>, vector<16xi32>,
      %get3A_297 = arith.constant 7 : i32
      %get3A_298 = arith.index_cast %get3A_297 : i32 to index
      %get3A_299 = arith.constant 32 : index
      %get3A_300 = tpu.vector_load %arg5[%get3A_298, %get3A_299] {strides = array<i32>} : memref<9x64xi32, #tpu.memory_space<vmem>>, vector<16xi32>,
      %add3A_301 = arith.constant 833 : i32
      %add3A_302 = vector.broadcast %add3A_301 : i32 to vector<16xi32>
      %add3A_303 = arith.addi %get3A_300, %add3A_302 : vector<16xi32>
      %swap3A_304 = arith.constant 7 : i32
      %swap3A_305 = arith.index_cast %swap3A_304 : i32 to index
      %swap3A_306 = arith.constant 32 : index
      %swap3A_307 = tpu.vector_load %arg5[%swap3A_305, %swap3A_306] {strides = array<i32>} : memref<9x64xi32, #tpu.memory_space<vmem>>, vector<16xi32>,
      tpu.vector_store %arg5[%swap3A_305, %swap3A_306], %add3A_303 {strides = array<i32>} : memref<9x64xi32, #tpu.memory_space<vmem>>, vector<16xi32>,
      %get3A_308 = arith.constant 7 : i32
      %get3A_309 = arith.index_cast %get3A_308 : i32 to index
      %get3A_310 = arith.constant 48 : index
      %get3A_311 = tpu.vector_load %arg5[%get3A_309, %get3A_310] {strides = array<i32>} : memref<9x64xi32, #tpu.memory_space<vmem>>, vector<16xi32>,
      %add3A_312 = arith.constant 833 : i32
      %add3A_313 = vector.broadcast %add3A_312 : i32 to vector<16xi32>
      %add3A_314 = arith.addi %get3A_311, %add3A_313 : vector<16xi32>
      %swap3A_315 = arith.constant 7 : i32
      %swap3A_316 = arith.index_cast %swap3A_315 : i32 to index
      %swap3A_317 = arith.constant 48 : index
      %swap3A_318 = tpu.vector_load %arg5[%swap3A_316, %swap3A_317] {strides = array<i32>} : memref<9x64xi32, #tpu.memory_space<vmem>>, vector<16xi32>,
      tpu.vector_store %arg5[%swap3A_316, %swap3A_317], %add3A_314 {strides = array<i32>} : memref<9x64xi32, #tpu.memory_space<vmem>>, vector<16xi32>,
      %get3A_319 = arith.constant 8 : i32
      %get3A_320 = arith.index_cast %get3A_319 : i32 to index
      %get3A_321 = arith.constant 0 : index
      %get3A_322 = tpu.vector_load %arg5[%get3A_320, %get3A_321] {strides = array<i32>} : memref<9x64xi32, #tpu.memory_space<vmem>>, vector<16xi32>,
      %add3A_323 = arith.constant 952 : i32
      %add3A_324 = vector.broadcast %add3A_323 : i32 to vector<16xi32>
      %add3A_325 = arith.addi %get3A_322, %add3A_324 : vector<16xi32>
      %swap3A_326 = arith.constant 8 : i32
      %swap3A_327 = arith.index_cast %swap3A_326 : i32 to index
      %swap3A_328 = arith.constant 0 : index
      %swap3A_329 = tpu.vector_load %arg5[%swap3A_327, %swap3A_328] {strides = array<i32>} : memref<9x64xi32, #tpu.memory_space<vmem>>, vector<16xi32>,
      tpu.vector_store %arg5[%swap3A_327, %swap3A_328], %add3A_325 {strides = array<i32>} : memref<9x64xi32, #tpu.memory_space<vmem>>, vector<16xi32>,
      %get3A_330 = arith.constant 8 : i32
      %get3A_331 = arith.index_cast %get3A_330 : i32 to index
      %get3A_332 = arith.constant 16 : index
      %get3A_333 = tpu.vector_load %arg5[%get3A_331, %get3A_332] {strides = array<i32>} : memref<9x64xi32, #tpu.memory_space<vmem>>, vector<16xi32>,
      %add3A_334 = arith.constant 952 : i32
      %add3A_335 = vector.broadcast %add3A_334 : i32 to vector<16xi32>
      %add3A_336 = arith.addi %get3A_333, %add3A_335 : vector<16xi32>
      %swap3A_337 = arith.constant 8 : i32
      %swap3A_338 = arith.index_cast %swap3A_337 : i32 to index
      %swap3A_339 = arith.constant 16 : index
      %swap3A_340 = tpu.vector_load %arg5[%swap3A_338, %swap3A_339] {strides = array<i32>} : memref<9x64xi32, #tpu.memory_space<vmem>>, vector<16xi32>,
      tpu.vector_store %arg5[%swap3A_338, %swap3A_339], %add3A_336 {strides = array<i32>} : memref<9x64xi32, #tpu.memory_space<vmem>>, vector<16xi32>,
      %get3A_341 = arith.constant 8 : i32
      %get3A_342 = arith.index_cast %get3A_341 : i32 to index
      %get3A_343 = arith.constant 32 : index
      %get3A_344 = tpu.vector_load %arg5[%get3A_342, %get3A_343] {strides = array<i32>} : memref<9x64xi32, #tpu.memory_space<vmem>>, vector<16xi32>,
      %add3A_345 = arith.constant 952 : i32
      %add3A_346 = vector.broadcast %add3A_345 : i32 to vector<16xi32>
      %add3A_347 = arith.addi %get3A_344, %add3A_346 : vector<16xi32>
      %swap3A_348 = arith.constant 8 : i32
      %swap3A_349 = arith.index_cast %swap3A_348 : i32 to index
      %swap3A_350 = arith.constant 32 : index
      %swap3A_351 = tpu.vector_load %arg5[%swap3A_349, %swap3A_350] {strides = array<i32>} : memref<9x64xi32, #tpu.memory_space<vmem>>, vector<16xi32>,
      tpu.vector_store %arg5[%swap3A_349, %swap3A_350], %add3A_347 {strides = array<i32>} : memref<9x64xi32, #tpu.memory_space<vmem>>, vector<16xi32>,
      %get3A_352 = arith.constant 8 : i32
      %get3A_353 = arith.index_cast %get3A_352 : i32 to index
      %get3A_354 = arith.constant 48 : index
      %get3A_355 = tpu.vector_load %arg5[%get3A_353, %get3A_354] {strides = array<i32>} : memref<9x64xi32, #tpu.memory_space<vmem>>, vector<16xi32>,
      %add3A_356 = arith.constant 952 : i32
      %add3A_357 = vector.broadcast %add3A_356 : i32 to vector<16xi32>
      %add3A_358 = arith.addi %get3A_355, %add3A_357 : vector<16xi32>
      %swap3A_359 = arith.constant 8 : i32
      %swap3A_360 = arith.index_cast %swap3A_359 : i32 to index
      %swap3A_361 = arith.constant 48 : index
      %swap3A_362 = tpu.vector_load %arg5[%swap3A_360, %swap3A_361] {strides = array<i32>} : memref<9x64xi32, #tpu.memory_space<vmem>>, vector<16xi32>,
      tpu.vector_store %arg5[%swap3A_360, %swap3A_361], %add3A_358 {strides = array<i32>} : memref<9x64xi32, #tpu.memory_space<vmem>>, vector<16xi32>,
      %dma_start3A = arith.constant 0 : i32
      %dma_start3A_363 = arith.constant 0 : i32
      %dma_start3A_364 = arith.constant 0 : i32
      %dma_start3A_365 = arith.constant 0 : i32
      %dma_start3A_366 = tpu.memref_slice %arg6[%dma_start3A_363, %dma_start3A_364, %dma_start3A_365] : memref<9x64x128xf32, #tpu.memory_space<vmem>> -> memref<1x64x128xf32, #tpu.memory_space<vmem>>
      %dma_start3A_367 = tpu.memref_squeeze %dma_start3A_366 : memref<1x64x128xf32, #tpu.memory_space<vmem>> -> memref<64x128xf32, #tpu.memory_space<vmem>>
      %dma_start3A_368 = arith.constant 0 : i32
      %dma_start3A_369 = tpu.memref_slice %arg5[%dma_start3A, %dma_start3A_368] : memref<9x64xi32, #tpu.memory_space<vmem>> -> memref<1x64xi32, #tpu.memory_space<vmem>>
      %dma_start3A_370 = tpu.memref_squeeze %dma_start3A_369 : memref<1x64xi32, #tpu.memory_space<vmem>> -> memref<64xi32, #tpu.memory_space<vmem>>
      %dma_start3A_371 = arith.constant 0 : i32
      %dma_start3A_372 = arith.constant 0 : i32
      %dma_start3A_373 = tpu.memref_slice %arg2[%dma_start3A_371, %dma_start3A_372] : memref<1071x128xf32, #tpu.memory_space<hbm>> -> memref<1071x128xf32, #tpu.memory_space<hbm>>
      tpu.enqueue_indirect_dma source(%dma_start3A_373 : memref<1071x128xf32, #tpu.memory_space<hbm>>) target(%dma_start3A_367 : memref<64x128xf32, #tpu.memory_space<vmem>>) offsets(%dma_start3A_370 : memref<64xi32, #tpu.memory_space<vmem>>) semaphore(%arg8 : memref<!tpu.dma_semaphore, #tpu.memory_space<semaphore_mem>>)
      %dma_start3A_374 = arith.constant 1 : i32
      %dma_start3A_375 = arith.constant 1 : i32
      %dma_start3A_376 = arith.constant 0 : i32
      %dma_start3A_377 = arith.constant 0 : i32
      %dma_start3A_378 = tpu.memref_slice %arg6[%dma_start3A_375, %dma_start3A_376, %dma_start3A_377] : memref<9x64x128xf32, #tpu.memory_space<vmem>> -> memref<1x64x128xf32, #tpu.memory_space<vmem>>
      %dma_start3A_379 = tpu.memref_squeeze %dma_start3A_378 : memref<1x64x128xf32, #tpu.memory_space<vmem>> -> memref<64x128xf32, #tpu.memory_space<vmem>>
      %dma_start3A_380 = arith.constant 0 : i32
      %dma_start3A_381 = tpu.memref_slice %arg5[%dma_start3A_374, %dma_start3A_380] : memref<9x64xi32, #tpu.memory_space<vmem>> -> memref<1x64xi32, #tpu.memory_space<vmem>>
      %dma_start3A_382 = tpu.memref_squeeze %dma_start3A_381 : memref<1x64xi32, #tpu.memory_space<vmem>> -> memref<64xi32, #tpu.memory_space<vmem>>
      %dma_start3A_383 = arith.constant 0 : i32
      %dma_start3A_384 = arith.constant 0 : i32
      %dma_start3A_385 = tpu.memref_slice %arg2[%dma_start3A_383, %dma_start3A_384] : memref<1071x128xf32, #tpu.memory_space<hbm>> -> memref<1071x128xf32, #tpu.memory_space<hbm>>
      tpu.enqueue_indirect_dma source(%dma_start3A_385 : memref<1071x128xf32, #tpu.memory_space<hbm>>) target(%dma_start3A_379 : memref<64x128xf32, #tpu.memory_space<vmem>>) offsets(%dma_start3A_382 : memref<64xi32, #tpu.memory_space<vmem>>) semaphore(%arg8 : memref<!tpu.dma_semaphore, #tpu.memory_space<semaphore_mem>>)
      %dma_start3A_386 = arith.constant 2 : i32
      %dma_start3A_387 = arith.constant 2 : i32
      %dma_start3A_388 = arith.constant 0 : i32
      %dma_start3A_389 = arith.constant 0 : i32
      %dma_start3A_390 = tpu.memref_slice %arg6[%dma_start3A_387, %dma_start3A_388, %dma_start3A_389] : memref<9x64x128xf32, #tpu.memory_space<vmem>> -> memref<1x64x128xf32, #tpu.memory_space<vmem>>
      %dma_start3A_391 = tpu.memref_squeeze %dma_start3A_390 : memref<1x64x128xf32, #tpu.memory_space<vmem>> -> memref<64x128xf32, #tpu.memory_space<vmem>>
      %dma_start3A_392 = arith.constant 0 : i32
      %dma_start3A_393 = tpu.memref_slice %arg5[%dma_start3A_386, %dma_start3A_392] : memref<9x64xi32, #tpu.memory_space<vmem>> -> memref<1x64xi32, #tpu.memory_space<vmem>>
      %dma_start3A_394 = tpu.memref_squeeze %dma_start3A_393 : memref<1x64xi32, #tpu.memory_space<vmem>> -> memref<64xi32, #tpu.memory_space<vmem>>
      %dma_start3A_395 = arith.constant 0 : i32
      %dma_start3A_396 = arith.constant 0 : i32
      %dma_start3A_397 = tpu.memref_slice %arg2[%dma_start3A_395, %dma_start3A_396] : memref<1071x128xf32, #tpu.memory_space<hbm>> -> memref<1071x128xf32, #tpu.memory_space<hbm>>
      tpu.enqueue_indirect_dma source(%dma_start3A_397 : memref<1071x128xf32, #tpu.memory_space<hbm>>) target(%dma_start3A_391 : memref<64x128xf32, #tpu.memory_space<vmem>>) offsets(%dma_start3A_394 : memref<64xi32, #tpu.memory_space<vmem>>) semaphore(%arg8 : memref<!tpu.dma_semaphore, #tpu.memory_space<semaphore_mem>>)
      %dma_start3A_398 = arith.constant 3 : i32
      %dma_start3A_399 = arith.constant 3 : i32
      %dma_start3A_400 = arith.constant 0 : i32
      %dma_start3A_401 = arith.constant 0 : i32
      %dma_start3A_402 = tpu.memref_slice %arg6[%dma_start3A_399, %dma_start3A_400, %dma_start3A_401] : memref<9x64x128xf32, #tpu.memory_space<vmem>> -> memref<1x64x128xf32, #tpu.memory_space<vmem>>
      %dma_start3A_403 = tpu.memref_squeeze %dma_start3A_402 : memref<1x64x128xf32, #tpu.memory_space<vmem>> -> memref<64x128xf32, #tpu.memory_space<vmem>>
      %dma_start3A_404 = arith.constant 0 : i32
      %dma_start3A_405 = tpu.memref_slice %arg5[%dma_start3A_398, %dma_start3A_404] : memref<9x64xi32, #tpu.memory_space<vmem>> -> memref<1x64xi32, #tpu.memory_space<vmem>>
      %dma_start3A_406 = tpu.memref_squeeze %dma_start3A_405 : memref<1x64xi32, #tpu.memory_space<vmem>> -> memref<64xi32, #tpu.memory_space<vmem>>
      %dma_start3A_407 = arith.constant 0 : i32
      %dma_start3A_408 = arith.constant 0 : i32
      %dma_start3A_409 = tpu.memref_slice %arg2[%dma_start3A_407, %dma_start3A_408] : memref<1071x128xf32, #tpu.memory_space<hbm>> -> memref<1071x128xf32, #tpu.memory_space<hbm>>
      tpu.enqueue_indirect_dma source(%dma_start3A_409 : memref<1071x128xf32, #tpu.memory_space<hbm>>) target(%dma_start3A_403 : memref<64x128xf32, #tpu.memory_space<vmem>>) offsets(%dma_start3A_406 : memref<64xi32, #tpu.memory_space<vmem>>) semaphore(%arg8 : memref<!tpu.dma_semaphore, #tpu.memory_space<semaphore_mem>>)
      %dma_start3A_410 = arith.constant 4 : i32
      %dma_start3A_411 = arith.constant 4 : i32
      %dma_start3A_412 = arith.constant 0 : i32
      %dma_start3A_413 = arith.constant 0 : i32
      %dma_start3A_414 = tpu.memref_slice %arg6[%dma_start3A_411, %dma_start3A_412, %dma_start3A_413] : memref<9x64x128xf32, #tpu.memory_space<vmem>> -> memref<1x64x128xf32, #tpu.memory_space<vmem>>
      %dma_start3A_415 = tpu.memref_squeeze %dma_start3A_414 : memref<1x64x128xf32, #tpu.memory_space<vmem>> -> memref<64x128xf32, #tpu.memory_space<vmem>>
      %dma_start3A_416 = arith.constant 0 : i32
      %dma_start3A_417 = tpu.memref_slice %arg5[%dma_start3A_410, %dma_start3A_416] : memref<9x64xi32, #tpu.memory_space<vmem>> -> memref<1x64xi32, #tpu.memory_space<vmem>>
      %dma_start3A_418 = tpu.memref_squeeze %dma_start3A_417 : memref<1x64xi32, #tpu.memory_space<vmem>> -> memref<64xi32, #tpu.memory_space<vmem>>
      %dma_start3A_419 = arith.constant 0 : i32
      %dma_start3A_420 = arith.constant 0 : i32
      %dma_start3A_421 = tpu.memref_slice %arg2[%dma_start3A_419, %dma_start3A_420] : memref<1071x128xf32, #tpu.memory_space<hbm>> -> memref<1071x128xf32, #tpu.memory_space<hbm>>
      tpu.enqueue_indirect_dma source(%dma_start3A_421 : memref<1071x128xf32, #tpu.memory_space<hbm>>) target(%dma_start3A_415 : memref<64x128xf32, #tpu.memory_space<vmem>>) offsets(%dma_start3A_418 : memref<64xi32, #tpu.memory_space<vmem>>) semaphore(%arg8 : memref<!tpu.dma_semaphore, #tpu.memory_space<semaphore_mem>>)
      %dma_start3A_422 = arith.constant 5 : i32
      %dma_start3A_423 = arith.constant 5 : i32
      %dma_start3A_424 = arith.constant 0 : i32
      %dma_start3A_425 = arith.constant 0 : i32
      %dma_start3A_426 = tpu.memref_slice %arg6[%dma_start3A_423, %dma_start3A_424, %dma_start3A_425] : memref<9x64x128xf32, #tpu.memory_space<vmem>> -> memref<1x64x128xf32, #tpu.memory_space<vmem>>
      %dma_start3A_427 = tpu.memref_squeeze %dma_start3A_426 : memref<1x64x128xf32, #tpu.memory_space<vmem>> -> memref<64x128xf32, #tpu.memory_space<vmem>>
      %dma_start3A_428 = arith.constant 0 : i32
      %dma_start3A_429 = tpu.memref_slice %arg5[%dma_start3A_422, %dma_start3A_428] : memref<9x64xi32, #tpu.memory_space<vmem>> -> memref<1x64xi32, #tpu.memory_space<vmem>>
      %dma_start3A_430 = tpu.memref_squeeze %dma_start3A_429 : memref<1x64xi32, #tpu.memory_space<vmem>> -> memref<64xi32, #tpu.memory_space<vmem>>
      %dma_start3A_431 = arith.constant 0 : i32
      %dma_start3A_432 = arith.constant 0 : i32
      %dma_start3A_433 = tpu.memref_slice %arg2[%dma_start3A_431, %dma_start3A_432] : memref<1071x128xf32, #tpu.memory_space<hbm>> -> memref<1071x128xf32, #tpu.memory_space<hbm>>
      tpu.enqueue_indirect_dma source(%dma_start3A_433 : memref<1071x128xf32, #tpu.memory_space<hbm>>) target(%dma_start3A_427 : memref<64x128xf32, #tpu.memory_space<vmem>>) offsets(%dma_start3A_430 : memref<64xi32, #tpu.memory_space<vmem>>) semaphore(%arg8 : memref<!tpu.dma_semaphore, #tpu.memory_space<semaphore_mem>>)
      %dma_start3A_434 = arith.constant 6 : i32
      %dma_start3A_435 = arith.constant 6 : i32
      %dma_start3A_436 = arith.constant 0 : i32
      %dma_start3A_437 = arith.constant 0 : i32
      %dma_start3A_438 = tpu.memref_slice %arg6[%dma_start3A_435, %dma_start3A_436, %dma_start3A_437] : memref<9x64x128xf32, #tpu.memory_space<vmem>> -> memref<1x64x128xf32, #tpu.memory_space<vmem>>
      %dma_start3A_439 = tpu.memref_squeeze %dma_start3A_438 : memref<1x64x128xf32, #tpu.memory_space<vmem>> -> memref<64x128xf32, #tpu.memory_space<vmem>>
      %dma_start3A_440 = arith.constant 0 : i32
      %dma_start3A_441 = tpu.memref_slice %arg5[%dma_start3A_434, %dma_start3A_440] : memref<9x64xi32, #tpu.memory_space<vmem>> -> memref<1x64xi32, #tpu.memory_space<vmem>>
      %dma_start3A_442 = tpu.memref_squeeze %dma_start3A_441 : memref<1x64xi32, #tpu.memory_space<vmem>> -> memref<64xi32, #tpu.memory_space<vmem>>
      %dma_start3A_443 = arith.constant 0 : i32
      %dma_start3A_444 = arith.constant 0 : i32
      %dma_start3A_445 = tpu.memref_slice %arg2[%dma_start3A_443, %dma_start3A_444] : memref<1071x128xf32, #tpu.memory_space<hbm>> -> memref<1071x128xf32, #tpu.memory_space<hbm>>
      tpu.enqueue_indirect_dma source(%dma_start3A_445 : memref<1071x128xf32, #tpu.memory_space<hbm>>) target(%dma_start3A_439 : memref<64x128xf32, #tpu.memory_space<vmem>>) offsets(%dma_start3A_442 : memref<64xi32, #tpu.memory_space<vmem>>) semaphore(%arg8 : memref<!tpu.dma_semaphore, #tpu.memory_space<semaphore_mem>>)
      %dma_start3A_446 = arith.constant 7 : i32
      %dma_start3A_447 = arith.constant 7 : i32
      %dma_start3A_448 = arith.constant 0 : i32
      %dma_start3A_449 = arith.constant 0 : i32
      %dma_start3A_450 = tpu.memref_slice %arg6[%dma_start3A_447, %dma_start3A_448, %dma_start3A_449] : memref<9x64x128xf32, #tpu.memory_space<vmem>> -> memref<1x64x128xf32, #tpu.memory_space<vmem>>
      %dma_start3A_451 = tpu.memref_squeeze %dma_start3A_450 : memref<1x64x128xf32, #tpu.memory_space<vmem>> -> memref<64x128xf32, #tpu.memory_space<vmem>>
      %dma_start3A_452 = arith.constant 0 : i32
      %dma_start3A_453 = tpu.memref_slice %arg5[%dma_start3A_446, %dma_start3A_452] : memref<9x64xi32, #tpu.memory_space<vmem>> -> memref<1x64xi32, #tpu.memory_space<vmem>>
      %dma_start3A_454 = tpu.memref_squeeze %dma_start3A_453 : memref<1x64xi32, #tpu.memory_space<vmem>> -> memref<64xi32, #tpu.memory_space<vmem>>
      %dma_start3A_455 = arith.constant 0 : i32
      %dma_start3A_456 = arith.constant 0 : i32
      %dma_start3A_457 = tpu.memref_slice %arg2[%dma_start3A_455, %dma_start3A_456] : memref<1071x128xf32, #tpu.memory_space<hbm>> -> memref<1071x128xf32, #tpu.memory_space<hbm>>
      tpu.enqueue_indirect_dma source(%dma_start3A_457 : memref<1071x128xf32, #tpu.memory_space<hbm>>) target(%dma_start3A_451 : memref<64x128xf32, #tpu.memory_space<vmem>>) offsets(%dma_start3A_454 : memref<64xi32, #tpu.memory_space<vmem>>) semaphore(%arg8 : memref<!tpu.dma_semaphore, #tpu.memory_space<semaphore_mem>>)
      %dma_start3A_458 = arith.constant 8 : i32
      %dma_start3A_459 = arith.constant 8 : i32
      %dma_start3A_460 = arith.constant 0 : i32
      %dma_start3A_461 = arith.constant 0 : i32
      %dma_start3A_462 = tpu.memref_slice %arg6[%dma_start3A_459, %dma_start3A_460, %dma_start3A_461] : memref<9x64x128xf32, #tpu.memory_space<vmem>> -> memref<1x64x128xf32, #tpu.memory_space<vmem>>
      %dma_start3A_463 = tpu.memref_squeeze %dma_start3A_462 : memref<1x64x128xf32, #tpu.memory_space<vmem>> -> memref<64x128xf32, #tpu.memory_space<vmem>>
      %dma_start3A_464 = arith.constant 0 : i32
      %dma_start3A_465 = tpu.memref_slice %arg5[%dma_start3A_458, %dma_start3A_464] : memref<9x64xi32, #tpu.memory_space<vmem>> -> memref<1x64xi32, #tpu.memory_space<vmem>>
      %dma_start3A_466 = tpu.memref_squeeze %dma_start3A_465 : memref<1x64xi32, #tpu.memory_space<vmem>> -> memref<64xi32, #tpu.memory_space<vmem>>
      %dma_start3A_467 = arith.constant 0 : i32
      %dma_start3A_468 = arith.constant 0 : i32
      %dma_start3A_469 = tpu.memref_slice %arg2[%dma_start3A_467, %dma_start3A_468] : memref<1071x128xf32, #tpu.memory_space<hbm>> -> memref<1071x128xf32, #tpu.memory_space<hbm>>
      tpu.enqueue_indirect_dma source(%dma_start3A_469 : memref<1071x128xf32, #tpu.memory_space<hbm>>) target(%dma_start3A_463 : memref<64x128xf32, #tpu.memory_space<vmem>>) offsets(%dma_start3A_466 : memref<64xi32, #tpu.memory_space<vmem>>) semaphore(%arg8 : memref<!tpu.dma_semaphore, #tpu.memory_space<semaphore_mem>>)
      %dma_wait3A = arith.constant 0 : i32
      %dma_wait3A_470 = arith.constant 0 : i32
      %dma_wait3A_471 = arith.constant 0 : i32
      %dma_wait3A_472 = arith.constant 0 : i32
      %dma_wait3A_473 = tpu.memref_slice %arg6[%dma_wait3A_470, %dma_wait3A_471, %dma_wait3A_472] : memref<9x64x128xf32, #tpu.memory_space<vmem>> -> memref<1x64x128xf32, #tpu.memory_space<vmem>>
      %dma_wait3A_474 = tpu.memref_squeeze %dma_wait3A_473 : memref<1x64x128xf32, #tpu.memory_space<vmem>> -> memref<64x128xf32, #tpu.memory_space<vmem>>
      %dma_wait3A_475 = arith.constant 0 : i32
      %dma_wait3A_476 = tpu.memref_slice %arg5[%dma_wait3A, %dma_wait3A_475] : memref<9x64xi32, #tpu.memory_space<vmem>> -> memref<1x64xi32, #tpu.memory_space<vmem>>
      %dma_wait3A_477 = tpu.memref_squeeze %dma_wait3A_476 : memref<1x64xi32, #tpu.memory_space<vmem>> -> memref<64xi32, #tpu.memory_space<vmem>>
      %dma_wait3A_478 = arith.constant 0 : i32
      %dma_wait3A_479 = arith.constant 0 : i32
      %dma_wait3A_480 = tpu.memref_slice %arg2[%dma_wait3A_478, %dma_wait3A_479] : memref<1071x128xf32, #tpu.memory_space<hbm>> -> memref<1071x128xf32, #tpu.memory_space<hbm>>
      tpu.wait_indirect_dma semaphore(%arg8 : memref<!tpu.dma_semaphore, #tpu.memory_space<semaphore_mem>>) src(%dma_wait3A_480 : memref<1071x128xf32, #tpu.memory_space<hbm>>) dst(%dma_wait3A_474 : memref<64x128xf32, #tpu.memory_space<vmem>>)
      %dma_wait3A_481 = arith.constant 1 : i32
      %dma_wait3A_482 = arith.constant 1 : i32
      %dma_wait3A_483 = arith.constant 0 : i32
      %dma_wait3A_484 = arith.constant 0 : i32
      %dma_wait3A_485 = tpu.memref_slice %arg6[%dma_wait3A_482, %dma_wait3A_483, %dma_wait3A_484] : memref<9x64x128xf32, #tpu.memory_space<vmem>> -> memref<1x64x128xf32, #tpu.memory_space<vmem>>
      %dma_wait3A_486 = tpu.memref_squeeze %dma_wait3A_485 : memref<1x64x128xf32, #tpu.memory_space<vmem>> -> memref<64x128xf32, #tpu.memory_space<vmem>>
      %dma_wait3A_487 = arith.constant 0 : i32
      %dma_wait3A_488 = tpu.memref_slice %arg5[%dma_wait3A_481, %dma_wait3A_487] : memref<9x64xi32, #tpu.memory_space<vmem>> -> memref<1x64xi32, #tpu.memory_space<vmem>>
      %dma_wait3A_489 = tpu.memref_squeeze %dma_wait3A_488 : memref<1x64xi32, #tpu.memory_space<vmem>> -> memref<64xi32, #tpu.memory_space<vmem>>
      %dma_wait3A_490 = arith.constant 0 : i32
      %dma_wait3A_491 = arith.constant 0 : i32
      %dma_wait3A_492 = tpu.memref_slice %arg2[%dma_wait3A_490, %dma_wait3A_491] : memref<1071x128xf32, #tpu.memory_space<hbm>> -> memref<1071x128xf32, #tpu.memory_space<hbm>>
      tpu.wait_indirect_dma semaphore(%arg8 : memref<!tpu.dma_semaphore, #tpu.memory_space<semaphore_mem>>) src(%dma_wait3A_492 : memref<1071x128xf32, #tpu.memory_space<hbm>>) dst(%dma_wait3A_486 : memref<64x128xf32, #tpu.memory_space<vmem>>)
      %dma_wait3A_493 = arith.constant 2 : i32
      %dma_wait3A_494 = arith.constant 2 : i32
      %dma_wait3A_495 = arith.constant 0 : i32
      %dma_wait3A_496 = arith.constant 0 : i32
      %dma_wait3A_497 = tpu.memref_slice %arg6[%dma_wait3A_494, %dma_wait3A_495, %dma_wait3A_496] : memref<9x64x128xf32, #tpu.memory_space<vmem>> -> memref<1x64x128xf32, #tpu.memory_space<vmem>>
      %dma_wait3A_498 = tpu.memref_squeeze %dma_wait3A_497 : memref<1x64x128xf32, #tpu.memory_space<vmem>> -> memref<64x128xf32, #tpu.memory_space<vmem>>
      %dma_wait3A_499 = arith.constant 0 : i32
      %dma_wait3A_500 = tpu.memref_slice %arg5[%dma_wait3A_493, %dma_wait3A_499] : memref<9x64xi32, #tpu.memory_space<vmem>> -> memref<1x64xi32, #tpu.memory_space<vmem>>
      %dma_wait3A_501 = tpu.memref_squeeze %dma_wait3A_500 : memref<1x64xi32, #tpu.memory_space<vmem>> -> memref<64xi32, #tpu.memory_space<vmem>>
      %dma_wait3A_502 = arith.constant 0 : i32
      %dma_wait3A_503 = arith.constant 0 : i32
      %dma_wait3A_504 = tpu.memref_slice %arg2[%dma_wait3A_502, %dma_wait3A_503] : memref<1071x128xf32, #tpu.memory_space<hbm>> -> memref<1071x128xf32, #tpu.memory_space<hbm>>
      tpu.wait_indirect_dma semaphore(%arg8 : memref<!tpu.dma_semaphore, #tpu.memory_space<semaphore_mem>>) src(%dma_wait3A_504 : memref<1071x128xf32, #tpu.memory_space<hbm>>) dst(%dma_wait3A_498 : memref<64x128xf32, #tpu.memory_space<vmem>>)
      %dma_wait3A_505 = arith.constant 3 : i32
      %dma_wait3A_506 = arith.constant 3 : i32
      %dma_wait3A_507 = arith.constant 0 : i32
      %dma_wait3A_508 = arith.constant 0 : i32
      %dma_wait3A_509 = tpu.memref_slice %arg6[%dma_wait3A_506, %dma_wait3A_507, %dma_wait3A_508] : memref<9x64x128xf32, #tpu.memory_space<vmem>> -> memref<1x64x128xf32, #tpu.memory_space<vmem>>
      %dma_wait3A_510 = tpu.memref_squeeze %dma_wait3A_509 : memref<1x64x128xf32, #tpu.memory_space<vmem>> -> memref<64x128xf32, #tpu.memory_space<vmem>>
      %dma_wait3A_511 = arith.constant 0 : i32
      %dma_wait3A_512 = tpu.memref_slice %arg5[%dma_wait3A_505, %dma_wait3A_511] : memref<9x64xi32, #tpu.memory_space<vmem>> -> memref<1x64xi32, #tpu.memory_space<vmem>>
      %dma_wait3A_513 = tpu.memref_squeeze %dma_wait3A_512 : memref<1x64xi32, #tpu.memory_space<vmem>> -> memref<64xi32, #tpu.memory_space<vmem>>
      %dma_wait3A_514 = arith.constant 0 : i32
      %dma_wait3A_515 = arith.constant 0 : i32
      %dma_wait3A_516 = tpu.memref_slice %arg2[%dma_wait3A_514, %dma_wait3A_515] : memref<1071x128xf32, #tpu.memory_space<hbm>> -> memref<1071x128xf32, #tpu.memory_space<hbm>>
      tpu.wait_indirect_dma semaphore(%arg8 : memref<!tpu.dma_semaphore, #tpu.memory_space<semaphore_mem>>) src(%dma_wait3A_516 : memref<1071x128xf32, #tpu.memory_space<hbm>>) dst(%dma_wait3A_510 : memref<64x128xf32, #tpu.memory_space<vmem>>)
      %dma_wait3A_517 = arith.constant 4 : i32
      %dma_wait3A_518 = arith.constant 4 : i32
      %dma_wait3A_519 = arith.constant 0 : i32
      %dma_wait3A_520 = arith.constant 0 : i32
      %dma_wait3A_521 = tpu.memref_slice %arg6[%dma_wait3A_518, %dma_wait3A_519, %dma_wait3A_520] : memref<9x64x128xf32, #tpu.memory_space<vmem>> -> memref<1x64x128xf32, #tpu.memory_space<vmem>>
      %dma_wait3A_522 = tpu.memref_squeeze %dma_wait3A_521 : memref<1x64x128xf32, #tpu.memory_space<vmem>> -> memref<64x128xf32, #tpu.memory_space<vmem>>
      %dma_wait3A_523 = arith.constant 0 : i32
      %dma_wait3A_524 = tpu.memref_slice %arg5[%dma_wait3A_517, %dma_wait3A_523] : memref<9x64xi32, #tpu.memory_space<vmem>> -> memref<1x64xi32, #tpu.memory_space<vmem>>
      %dma_wait3A_525 = tpu.memref_squeeze %dma_wait3A_524 : memref<1x64xi32, #tpu.memory_space<vmem>> -> memref<64xi32, #tpu.memory_space<vmem>>
      %dma_wait3A_526 = arith.constant 0 : i32
      %dma_wait3A_527 = arith.constant 0 : i32
      %dma_wait3A_528 = tpu.memref_slice %arg2[%dma_wait3A_526, %dma_wait3A_527] : memref<1071x128xf32, #tpu.memory_space<hbm>> -> memref<1071x128xf32, #tpu.memory_space<hbm>>
      tpu.wait_indirect_dma semaphore(%arg8 : memref<!tpu.dma_semaphore, #tpu.memory_space<semaphore_mem>>) src(%dma_wait3A_528 : memref<1071x128xf32, #tpu.memory_space<hbm>>) dst(%dma_wait3A_522 : memref<64x128xf32, #tpu.memory_space<vmem>>)
      %dma_wait3A_529 = arith.constant 5 : i32
      %dma_wait3A_530 = arith.constant 5 : i32
      %dma_wait3A_531 = arith.constant 0 : i32
      %dma_wait3A_532 = arith.constant 0 : i32
      %dma_wait3A_533 = tpu.memref_slice %arg6[%dma_wait3A_530, %dma_wait3A_531, %dma_wait3A_532] : memref<9x64x128xf32, #tpu.memory_space<vmem>> -> memref<1x64x128xf32, #tpu.memory_space<vmem>>
      %dma_wait3A_534 = tpu.memref_squeeze %dma_wait3A_533 : memref<1x64x128xf32, #tpu.memory_space<vmem>> -> memref<64x128xf32, #tpu.memory_space<vmem>>
      %dma_wait3A_535 = arith.constant 0 : i32
      %dma_wait3A_536 = tpu.memref_slice %arg5[%dma_wait3A_529, %dma_wait3A_535] : memref<9x64xi32, #tpu.memory_space<vmem>> -> memref<1x64xi32, #tpu.memory_space<vmem>>
      %dma_wait3A_537 = tpu.memref_squeeze %dma_wait3A_536 : memref<1x64xi32, #tpu.memory_space<vmem>> -> memref<64xi32, #tpu.memory_space<vmem>>
      %dma_wait3A_538 = arith.constant 0 : i32
      %dma_wait3A_539 = arith.constant 0 : i32
      %dma_wait3A_540 = tpu.memref_slice %arg2[%dma_wait3A_538, %dma_wait3A_539] : memref<1071x128xf32, #tpu.memory_space<hbm>> -> memref<1071x128xf32, #tpu.memory_space<hbm>>
      tpu.wait_indirect_dma semaphore(%arg8 : memref<!tpu.dma_semaphore, #tpu.memory_space<semaphore_mem>>) src(%dma_wait3A_540 : memref<1071x128xf32, #tpu.memory_space<hbm>>) dst(%dma_wait3A_534 : memref<64x128xf32, #tpu.memory_space<vmem>>)
      %dma_wait3A_541 = arith.constant 6 : i32
      %dma_wait3A_542 = arith.constant 6 : i32
      %dma_wait3A_543 = arith.constant 0 : i32
      %dma_wait3A_544 = arith.constant 0 : i32
      %dma_wait3A_545 = tpu.memref_slice %arg6[%dma_wait3A_542, %dma_wait3A_543, %dma_wait3A_544] : memref<9x64x128xf32, #tpu.memory_space<vmem>> -> memref<1x64x128xf32, #tpu.memory_space<vmem>>
      %dma_wait3A_546 = tpu.memref_squeeze %dma_wait3A_545 : memref<1x64x128xf32, #tpu.memory_space<vmem>> -> memref<64x128xf32, #tpu.memory_space<vmem>>
      %dma_wait3A_547 = arith.constant 0 : i32
      %dma_wait3A_548 = tpu.memref_slice %arg5[%dma_wait3A_541, %dma_wait3A_547] : memref<9x64xi32, #tpu.memory_space<vmem>> -> memref<1x64xi32, #tpu.memory_space<vmem>>
      %dma_wait3A_549 = tpu.memref_squeeze %dma_wait3A_548 : memref<1x64xi32, #tpu.memory_space<vmem>> -> memref<64xi32, #tpu.memory_space<vmem>>
      %dma_wait3A_550 = arith.constant 0 : i32
      %dma_wait3A_551 = arith.constant 0 : i32
      %dma_wait3A_552 = tpu.memref_slice %arg2[%dma_wait3A_550, %dma_wait3A_551] : memref<1071x128xf32, #tpu.memory_space<hbm>> -> memref<1071x128xf32, #tpu.memory_space<hbm>>
      tpu.wait_indirect_dma semaphore(%arg8 : memref<!tpu.dma_semaphore, #tpu.memory_space<semaphore_mem>>) src(%dma_wait3A_552 : memref<1071x128xf32, #tpu.memory_space<hbm>>) dst(%dma_wait3A_546 : memref<64x128xf32, #tpu.memory_space<vmem>>)
      %dma_wait3A_553 = arith.constant 7 : i32
      %dma_wait3A_554 = arith.constant 7 : i32
      %dma_wait3A_555 = arith.constant 0 : i32
      %dma_wait3A_556 = arith.constant 0 : i32
      %dma_wait3A_557 = tpu.memref_slice %arg6[%dma_wait3A_554, %dma_wait3A_555, %dma_wait3A_556] : memref<9x64x128xf32, #tpu.memory_space<vmem>> -> memref<1x64x128xf32, #tpu.memory_space<vmem>>
      %dma_wait3A_558 = tpu.memref_squeeze %dma_wait3A_557 : memref<1x64x128xf32, #tpu.memory_space<vmem>> -> memref<64x128xf32, #tpu.memory_space<vmem>>
      %dma_wait3A_559 = arith.constant 0 : i32
      %dma_wait3A_560 = tpu.memref_slice %arg5[%dma_wait3A_553, %dma_wait3A_559] : memref<9x64xi32, #tpu.memory_space<vmem>> -> memref<1x64xi32, #tpu.memory_space<vmem>>
      %dma_wait3A_561 = tpu.memref_squeeze %dma_wait3A_560 : memref<1x64xi32, #tpu.memory_space<vmem>> -> memref<64xi32, #tpu.memory_space<vmem>>
      %dma_wait3A_562 = arith.constant 0 : i32
      %dma_wait3A_563 = arith.constant 0 : i32
      %dma_wait3A_564 = tpu.memref_slice %arg2[%dma_wait3A_562, %dma_wait3A_563] : memref<1071x128xf32, #tpu.memory_space<hbm>> -> memref<1071x128xf32, #tpu.memory_space<hbm>>
      tpu.wait_indirect_dma semaphore(%arg8 : memref<!tpu.dma_semaphore, #tpu.memory_space<semaphore_mem>>) src(%dma_wait3A_564 : memref<1071x128xf32, #tpu.memory_space<hbm>>) dst(%dma_wait3A_558 : memref<64x128xf32, #tpu.memory_space<vmem>>)
      %dma_wait3A_565 = arith.constant 8 : i32
      %dma_wait3A_566 = arith.constant 8 : i32
      %dma_wait3A_567 = arith.constant 0 : i32
      %dma_wait3A_568 = arith.constant 0 : i32
      %dma_wait3A_569 = tpu.memref_slice %arg6[%dma_wait3A_566, %dma_wait3A_567, %dma_wait3A_568] : memref<9x64x128xf32, #tpu.memory_space<vmem>> -> memref<1x64x128xf32, #tpu.memory_space<vmem>>
      %dma_wait3A_570 = tpu.memref_squeeze %dma_wait3A_569 : memref<1x64x128xf32, #tpu.memory_space<vmem>> -> memref<64x128xf32, #tpu.memory_space<vmem>>
      %dma_wait3A_571 = arith.constant 0 : i32
      %dma_wait3A_572 = tpu.memref_slice %arg5[%dma_wait3A_565, %dma_wait3A_571] : memref<9x64xi32, #tpu.memory_space<vmem>> -> memref<1x64xi32, #tpu.memory_space<vmem>>
      %dma_wait3A_573 = tpu.memref_squeeze %dma_wait3A_572 : memref<1x64xi32, #tpu.memory_space<vmem>> -> memref<64xi32, #tpu.memory_space<vmem>>
      %dma_wait3A_574 = arith.constant 0 : i32
      %dma_wait3A_575 = arith.constant 0 : i32
      %dma_wait3A_576 = tpu.memref_slice %arg2[%dma_wait3A_574, %dma_wait3A_575] : memref<1071x128xf32, #tpu.memory_space<hbm>> -> memref<1071x128xf32, #tpu.memory_space<hbm>>
      tpu.wait_indirect_dma semaphore(%arg8 : memref<!tpu.dma_semaphore, #tpu.memory_space<semaphore_mem>>) src(%dma_wait3A_576 : memref<1071x128xf32, #tpu.memory_space<hbm>>) dst(%dma_wait3A_570 : memref<64x128xf32, #tpu.memory_space<vmem>>)
      %scan3A_577 = arith.constant 0 : i32
      %scan3A_578 = arith.constant 64 : i32
      %scan3A_579 = arith.addi %scan3A_577, %scan3A_578 : i32
      %scan3A_580 = arith.constant 1 : i32
      scf.for %scan3A_585 = %scan3A_577 to %scan3A_579 step %scan3A_580  : i32 {
        %mul3A_586 = arith.constant 1 : i32
        %mul3A_587 = arith.muli %scan3A_585, %mul3A_586 : i32
        %add3A_588 = arith.constant 0 : i32
        %add3A_589 = arith.addi %add3A_588, %mul3A_587 : i32
        %get3A_590 = arith.constant 0 : i32
        %get3A_591 = arith.index_cast %get3A_590 : i32 to index
        %get3A_592 = arith.index_cast %add3A_589 : i32 to index
        %get3A_593 = arith.constant 0 : index
        %get3A_594 = tpu.vector_load %arg6[%get3A_591, %get3A_592, %get3A_593] {strides = array<i32>} : memref<9x64x128xf32, #tpu.memory_space<vmem>>, vector<16xf32>,
        %get3A_595 = arith.constant 1 : i32
        %get3A_596 = arith.index_cast %get3A_595 : i32 to index
        %get3A_597 = arith.index_cast %add3A_589 : i32 to index
        %get3A_598 = arith.constant 0 : index
        %get3A_599 = tpu.vector_load %arg6[%get3A_596, %get3A_597, %get3A_598] {strides = array<i32>} : memref<9x64x128xf32, #tpu.memory_space<vmem>>, vector<16xf32>,
        %add3A_600 = arith.addf %get3A_594, %get3A_599 : vector<16xf32>
        %get3A_601 = arith.constant 2 : i32
        %get3A_602 = arith.index_cast %get3A_601 : i32 to index
        %get3A_603 = arith.index_cast %add3A_589 : i32 to index
        %get3A_604 = arith.constant 0 : index
        %get3A_605 = tpu.vector_load %arg6[%get3A_602, %get3A_603, %get3A_604] {strides = array<i32>} : memref<9x64x128xf32, #tpu.memory_space<vmem>>, vector<16xf32>,
        %add3A_606 = arith.addf %add3A_600, %get3A_605 : vector<16xf32>
        %get3A_607 = arith.constant 3 : i32
        %get3A_608 = arith.index_cast %get3A_607 : i32 to index
        %get3A_609 = arith.index_cast %add3A_589 : i32 to index
        %get3A_610 = arith.constant 0 : index
        %get3A_611 = tpu.vector_load %arg6[%get3A_608, %get3A_609, %get3A_610] {strides = array<i32>} : memref<9x64x128xf32, #tpu.memory_space<vmem>>, vector<16xf32>,
        %add3A_612 = arith.addf %add3A_606, %get3A_611 : vector<16xf32>
        %get3A_613 = arith.constant 4 : i32
        %get3A_614 = arith.index_cast %get3A_613 : i32 to index
        %get3A_615 = arith.index_cast %add3A_589 : i32 to index
        %get3A_616 = arith.constant 0 : index
        %get3A_617 = tpu.vector_load %arg6[%get3A_614, %get3A_615, %get3A_616] {strides = array<i32>} : memref<9x64x128xf32, #tpu.memory_space<vmem>>, vector<16xf32>,
        %add3A_618 = arith.addf %add3A_612, %get3A_617 : vector<16xf32>
        %get3A_619 = arith.constant 5 : i32
        %get3A_620 = arith.index_cast %get3A_619 : i32 to index
        %get3A_621 = arith.index_cast %add3A_589 : i32 to index
        %get3A_622 = arith.constant 0 : index
        %get3A_623 = tpu.vector_load %arg6[%get3A_620, %get3A_621, %get3A_622] {strides = array<i32>} : memref<9x64x128xf32, #tpu.memory_space<vmem>>, vector<16xf32>,
        %add3A_624 = arith.addf %add3A_618, %get3A_623 : vector<16xf32>
        %get3A_625 = arith.constant 6 : i32
        %get3A_626 = arith.index_cast %get3A_625 : i32 to index
        %get3A_627 = arith.index_cast %add3A_589 : i32 to index
        %get3A_628 = arith.constant 0 : index
        %get3A_629 = tpu.vector_load %arg6[%get3A_626, %get3A_627, %get3A_628] {strides = array<i32>} : memref<9x64x128xf32, #tpu.memory_space<vmem>>, vector<16xf32>,
        %add3A_630 = arith.addf %add3A_624, %get3A_629 : vector<16xf32>
        %get3A_631 = arith.constant 7 : i32
        %get3A_632 = arith.index_cast %get3A_631 : i32 to index
        %get3A_633 = arith.index_cast %add3A_589 : i32 to index
        %get3A_634 = arith.constant 0 : index
        %get3A_635 = tpu.vector_load %arg6[%get3A_632, %get3A_633, %get3A_634] {strides = array<i32>} : memref<9x64x128xf32, #tpu.memory_space<vmem>>, vector<16xf32>,
        %add3A_636 = arith.addf %add3A_630, %get3A_635 : vector<16xf32>
        %get3A_637 = arith.constant 8 : i32
        %get3A_638 = arith.index_cast %get3A_637 : i32 to index
        %get3A_639 = arith.index_cast %add3A_589 : i32 to index
        %get3A_640 = arith.constant 0 : index
        %get3A_641 = tpu.vector_load %arg6[%get3A_638, %get3A_639, %get3A_640] {strides = array<i32>} : memref<9x64x128xf32, #tpu.memory_space<vmem>>, vector<16xf32>,
        %add3A_642 = arith.addf %add3A_636, %get3A_641 : vector<16xf32>
        %swap3A_643 = arith.index_cast %add3A_589 : i32 to index
        %swap3A_644 = arith.constant 0 : index
        %swap3A_645 = tpu.vector_load %arg7[%swap3A_643, %swap3A_644] {strides = array<i32>} : memref<64x128xf32, #tpu.memory_space<vmem>>, vector<16xf32>,
        tpu.vector_store %arg7[%swap3A_643, %swap3A_644], %add3A_642 {strides = array<i32>} : memref<64x128xf32, #tpu.memory_space<vmem>>, vector<16xf32>,
        %get3A_646 = arith.constant 0 : i32
        %get3A_647 = arith.index_cast %get3A_646 : i32 to index
        %get3A_648 = arith.index_cast %add3A_589 : i32 to index
        %get3A_649 = arith.constant 16 : index
        %get3A_650 = tpu.vector_load %arg6[%get3A_647, %get3A_648, %get3A_649] {strides = array<i32>} : memref<9x64x128xf32, #tpu.memory_space<vmem>>, vector<16xf32>,
        %get3A_651 = arith.constant 1 : i32
        %get3A_652 = arith.index_cast %get3A_651 : i32 to index
        %get3A_653 = arith.index_cast %add3A_589 : i32 to index
        %get3A_654 = arith.constant 16 : index
        %get3A_655 = tpu.vector_load %arg6[%get3A_652, %get3A_653, %get3A_654] {strides = array<i32>} : memref<9x64x128xf32, #tpu.memory_space<vmem>>, vector<16xf32>,
        %add3A_656 = arith.addf %get3A_650, %get3A_655 : vector<16xf32>
        %get3A_657 = arith.constant 2 : i32
        %get3A_658 = arith.index_cast %get3A_657 : i32 to index
        %get3A_659 = arith.index_cast %add3A_589 : i32 to index
        %get3A_660 = arith.constant 16 : index
        %get3A_661 = tpu.vector_load %arg6[%get3A_658, %get3A_659, %get3A_660] {strides = array<i32>} : memref<9x64x128xf32, #tpu.memory_space<vmem>>, vector<16xf32>,
        %add3A_662 = arith.addf %add3A_656, %get3A_661 : vector<16xf32>
        %get3A_663 = arith.constant 3 : i32
        %get3A_664 = arith.index_cast %get3A_663 : i32 to index
        %get3A_665 = arith.index_cast %add3A_589 : i32 to index
        %get3A_666 = arith.constant 16 : index
        %get3A_667 = tpu.vector_load %arg6[%get3A_664, %get3A_665, %get3A_666] {strides = array<i32>} : memref<9x64x128xf32, #tpu.memory_space<vmem>>, vector<16xf32>,
        %add3A_668 = arith.addf %add3A_662, %get3A_667 : vector<16xf32>
        %get3A_669 = arith.constant 4 : i32
        %get3A_670 = arith.index_cast %get3A_669 : i32 to index
        %get3A_671 = arith.index_cast %add3A_589 : i32 to index
        %get3A_672 = arith.constant 16 : index
        %get3A_673 = tpu.vector_load %arg6[%get3A_670, %get3A_671, %get3A_672] {strides = array<i32>} : memref<9x64x128xf32, #tpu.memory_space<vmem>>, vector<16xf32>,
        %add3A_674 = arith.addf %add3A_668, %get3A_673 : vector<16xf32>
        %get3A_675 = arith.constant 5 : i32
        %get3A_676 = arith.index_cast %get3A_675 : i32 to index
        %get3A_677 = arith.index_cast %add3A_589 : i32 to index
        %get3A_678 = arith.constant 16 : index
        %get3A_679 = tpu.vector_load %arg6[%get3A_676, %get3A_677, %get3A_678] {strides = array<i32>} : memref<9x64x128xf32, #tpu.memory_space<vmem>>, vector<16xf32>,
        %add3A_680 = arith.addf %add3A_674, %get3A_679 : vector<16xf32>
        %get3A_681 = arith.constant 6 : i32
        %get3A_682 = arith.index_cast %get3A_681 : i32 to index
        %get3A_683 = arith.index_cast %add3A_589 : i32 to index
        %get3A_684 = arith.constant 16 : index
        %get3A_685 = tpu.vector_load %arg6[%get3A_682, %get3A_683, %get3A_684] {strides = array<i32>} : memref<9x64x128xf32, #tpu.memory_space<vmem>>, vector<16xf32>,
        %add3A_686 = arith.addf %add3A_680, %get3A_685 : vector<16xf32>
        %get3A_687 = arith.constant 7 : i32
        %get3A_688 = arith.index_cast %get3A_687 : i32 to index
        %get3A_689 = arith.index_cast %add3A_589 : i32 to index
        %get3A_690 = arith.constant 16 : index
        %get3A_691 = tpu.vector_load %arg6[%get3A_688, %get3A_689, %get3A_690] {strides = array<i32>} : memref<9x64x128xf32, #tpu.memory_space<vmem>>, vector<16xf32>,
        %add3A_692 = arith.addf %add3A_686, %get3A_691 : vector<16xf32>
        %get3A_693 = arith.constant 8 : i32
        %get3A_694 = arith.index_cast %get3A_693 : i32 to index
        %get3A_695 = arith.index_cast %add3A_589 : i32 to index
        %get3A_696 = arith.constant 16 : index
        %get3A_697 = tpu.vector_load %arg6[%get3A_694, %get3A_695, %get3A_696] {strides = array<i32>} : memref<9x64x128xf32, #tpu.memory_space<vmem>>, vector<16xf32>,
        %add3A_698 = arith.addf %add3A_692, %get3A_697 : vector<16xf32>
        %swap3A_699 = arith.index_cast %add3A_589 : i32 to index
        %swap3A_700 = arith.constant 16 : index
        %swap3A_701 = tpu.vector_load %arg7[%swap3A_699, %swap3A_700] {strides = array<i32>} : memref<64x128xf32, #tpu.memory_space<vmem>>, vector<16xf32>,
        tpu.vector_store %arg7[%swap3A_699, %swap3A_700], %add3A_698 {strides = array<i32>} : memref<64x128xf32, #tpu.memory_space<vmem>>, vector<16xf32>,
        %get3A_702 = arith.constant 0 : i32
        %get3A_703 = arith.index_cast %get3A_702 : i32 to index
        %get3A_704 = arith.index_cast %add3A_589 : i32 to index
        %get3A_705 = arith.constant 32 : index
        %get3A_706 = tpu.vector_load %arg6[%get3A_703, %get3A_704, %get3A_705] {strides = array<i32>} : memref<9x64x128xf32, #tpu.memory_space<vmem>>, vector<16xf32>,
        %get3A_707 = arith.constant 1 : i32
        %get3A_708 = arith.index_cast %get3A_707 : i32 to index
        %get3A_709 = arith.index_cast %add3A_589 : i32 to index
        %get3A_710 = arith.constant 32 : index
        %get3A_711 = tpu.vector_load %arg6[%get3A_708, %get3A_709, %get3A_710] {strides = array<i32>} : memref<9x64x128xf32, #tpu.memory_space<vmem>>, vector<16xf32>,
        %add3A_712 = arith.addf %get3A_706, %get3A_711 : vector<16xf32>
        %get3A_713 = arith.constant 2 : i32
        %get3A_714 = arith.index_cast %get3A_713 : i32 to index
        %get3A_715 = arith.index_cast %add3A_589 : i32 to index
        %get3A_716 = arith.constant 32 : index
        %get3A_717 = tpu.vector_load %arg6[%get3A_714, %get3A_715, %get3A_716] {strides = array<i32>} : memref<9x64x128xf32, #tpu.memory_space<vmem>>, vector<16xf32>,
        %add3A_718 = arith.addf %add3A_712, %get3A_717 : vector<16xf32>
        %get3A_719 = arith.constant 3 : i32
        %get3A_720 = arith.index_cast %get3A_719 : i32 to index
        %get3A_721 = arith.index_cast %add3A_589 : i32 to index
        %get3A_722 = arith.constant 32 : index
        %get3A_723 = tpu.vector_load %arg6[%get3A_720, %get3A_721, %get3A_722] {strides = array<i32>} : memref<9x64x128xf32, #tpu.memory_space<vmem>>, vector<16xf32>,
        %add3A_724 = arith.addf %add3A_718, %get3A_723 : vector<16xf32>
        %get3A_725 = arith.constant 4 : i32
        %get3A_726 = arith.index_cast %get3A_725 : i32 to index
        %get3A_727 = arith.index_cast %add3A_589 : i32 to index
        %get3A_728 = arith.constant 32 : index
        %get3A_729 = tpu.vector_load %arg6[%get3A_726, %get3A_727, %get3A_728] {strides = array<i32>} : memref<9x64x128xf32, #tpu.memory_space<vmem>>, vector<16xf32>,
        %add3A_730 = arith.addf %add3A_724, %get3A_729 : vector<16xf32>
        %get3A_731 = arith.constant 5 : i32
        %get3A_732 = arith.index_cast %get3A_731 : i32 to index
        %get3A_733 = arith.index_cast %add3A_589 : i32 to index
        %get3A_734 = arith.constant 32 : index
        %get3A_735 = tpu.vector_load %arg6[%get3A_732, %get3A_733, %get3A_734] {strides = array<i32>} : memref<9x64x128xf32, #tpu.memory_space<vmem>>, vector<16xf32>,
        %add3A_736 = arith.addf %add3A_730, %get3A_735 : vector<16xf32>
        %get3A_737 = arith.constant 6 : i32
        %get3A_738 = arith.index_cast %get3A_737 : i32 to index
        %get3A_739 = arith.index_cast %add3A_589 : i32 to index
        %get3A_740 = arith.constant 32 : index
        %get3A_741 = tpu.vector_load %arg6[%get3A_738, %get3A_739, %get3A_740] {strides = array<i32>} : memref<9x64x128xf32, #tpu.memory_space<vmem>>, vector<16xf32>,
        %add3A_742 = arith.addf %add3A_736, %get3A_741 : vector<16xf32>
        %get3A_743 = arith.constant 7 : i32
        %get3A_744 = arith.index_cast %get3A_743 : i32 to index
        %get3A_745 = arith.index_cast %add3A_589 : i32 to index
        %get3A_746 = arith.constant 32 : index
        %get3A_747 = tpu.vector_load %arg6[%get3A_744, %get3A_745, %get3A_746] {strides = array<i32>} : memref<9x64x128xf32, #tpu.memory_space<vmem>>, vector<16xf32>,
        %add3A_748 = arith.addf %add3A_742, %get3A_747 : vector<16xf32>
        %get3A_749 = arith.constant 8 : i32
        %get3A_750 = arith.index_cast %get3A_749 : i32 to index
        %get3A_751 = arith.index_cast %add3A_589 : i32 to index
        %get3A_752 = arith.constant 32 : index
        %get3A_753 = tpu.vector_load %arg6[%get3A_750, %get3A_751, %get3A_752] {strides = array<i32>} : memref<9x64x128xf32, #tpu.memory_space<vmem>>, vector<16xf32>,
        %add3A_754 = arith.addf %add3A_748, %get3A_753 : vector<16xf32>
        %swap3A_755 = arith.index_cast %add3A_589 : i32 to index
        %swap3A_756 = arith.constant 32 : index
        %swap3A_757 = tpu.vector_load %arg7[%swap3A_755, %swap3A_756] {strides = array<i32>} : memref<64x128xf32, #tpu.memory_space<vmem>>, vector<16xf32>,
        tpu.vector_store %arg7[%swap3A_755, %swap3A_756], %add3A_754 {strides = array<i32>} : memref<64x128xf32, #tpu.memory_space<vmem>>, vector<16xf32>,
        %get3A_758 = arith.constant 0 : i32
        %get3A_759 = arith.index_cast %get3A_758 : i32 to index
        %get3A_760 = arith.index_cast %add3A_589 : i32 to index
        %get3A_761 = arith.constant 48 : index
        %get3A_762 = tpu.vector_load %arg6[%get3A_759, %get3A_760, %get3A_761] {strides = array<i32>} : memref<9x64x128xf32, #tpu.memory_space<vmem>>, vector<16xf32>,
        %get3A_763 = arith.constant 1 : i32
        %get3A_764 = arith.index_cast %get3A_763 : i32 to index
        %get3A_765 = arith.index_cast %add3A_589 : i32 to index
        %get3A_766 = arith.constant 48 : index
        %get3A_767 = tpu.vector_load %arg6[%get3A_764, %get3A_765, %get3A_766] {strides = array<i32>} : memref<9x64x128xf32, #tpu.memory_space<vmem>>, vector<16xf32>,
        %add3A_768 = arith.addf %get3A_762, %get3A_767 : vector<16xf32>
        %get3A_769 = arith.constant 2 : i32
        %get3A_770 = arith.index_cast %get3A_769 : i32 to index
        %get3A_771 = arith.index_cast %add3A_589 : i32 to index
        %get3A_772 = arith.constant 48 : index
        %get3A_773 = tpu.vector_load %arg6[%get3A_770, %get3A_771, %get3A_772] {strides = array<i32>} : memref<9x64x128xf32, #tpu.memory_space<vmem>>, vector<16xf32>,
        %add3A_774 = arith.addf %add3A_768, %get3A_773 : vector<16xf32>
        %get3A_775 = arith.constant 3 : i32
        %get3A_776 = arith.index_cast %get3A_775 : i32 to index
        %get3A_777 = arith.index_cast %add3A_589 : i32 to index
        %get3A_778 = arith.constant 48 : index
        %get3A_779 = tpu.vector_load %arg6[%get3A_776, %get3A_777, %get3A_778] {strides = array<i32>} : memref<9x64x128xf32, #tpu.memory_space<vmem>>, vector<16xf32>,
        %add3A_780 = arith.addf %add3A_774, %get3A_779 : vector<16xf32>
        %get3A_781 = arith.constant 4 : i32
        %get3A_782 = arith.index_cast %get3A_781 : i32 to index
        %get3A_783 = arith.index_cast %add3A_589 : i32 to index
        %get3A_784 = arith.constant 48 : index
        %get3A_785 = tpu.vector_load %arg6[%get3A_782, %get3A_783, %get3A_784] {strides = array<i32>} : memref<9x64x128xf32, #tpu.memory_space<vmem>>, vector<16xf32>,
        %add3A_786 = arith.addf %add3A_780, %get3A_785 : vector<16xf32>
        %get3A_787 = arith.constant 5 : i32
        %get3A_788 = arith.index_cast %get3A_787 : i32 to index
        %get3A_789 = arith.index_cast %add3A_589 : i32 to index
        %get3A_790 = arith.constant 48 : index
        %get3A_791 = tpu.vector_load %arg6[%get3A_788, %get3A_789, %get3A_790] {strides = array<i32>} : memref<9x64x128xf32, #tpu.memory_space<vmem>>, vector<16xf32>,
        %add3A_792 = arith.addf %add3A_786, %get3A_791 : vector<16xf32>
        %get3A_793 = arith.constant 6 : i32
        %get3A_794 = arith.index_cast %get3A_793 : i32 to index
        %get3A_795 = arith.index_cast %add3A_589 : i32 to index
        %get3A_796 = arith.constant 48 : index
        %get3A_797 = tpu.vector_load %arg6[%get3A_794, %get3A_795, %get3A_796] {strides = array<i32>} : memref<9x64x128xf32, #tpu.memory_space<vmem>>, vector<16xf32>,
        %add3A_798 = arith.addf %add3A_792, %get3A_797 : vector<16xf32>
        %get3A_799 = arith.constant 7 : i32
        %get3A_800 = arith.index_cast %get3A_799 : i32 to index
        %get3A_801 = arith.index_cast %add3A_589 : i32 to index
        %get3A_802 = arith.constant 48 : index
        %get3A_803 = tpu.vector_load %arg6[%get3A_800, %get3A_801, %get3A_802] {strides = array<i32>} : memref<9x64x128xf32, #tpu.memory_space<vmem>>, vector<16xf32>,
        %add3A_804 = arith.addf %add3A_798, %get3A_803 : vector<16xf32>
        %get3A_805 = arith.constant 8 : i32
        %get3A_806 = arith.index_cast %get3A_805 : i32 to index
        %get3A_807 = arith.index_cast %add3A_589 : i32 to index
        %get3A_808 = arith.constant 48 : index
        %get3A_809 = tpu.vector_load %arg6[%get3A_806, %get3A_807, %get3A_808] {strides = array<i32>} : memref<9x64x128xf32, #tpu.memory_space<vmem>>, vector<16xf32>,
        %add3A_810 = arith.addf %add3A_804, %get3A_809 : vector<16xf32>
        %swap3A_811 = arith.index_cast %add3A_589 : i32 to index
        %swap3A_812 = arith.constant 48 : index
        %swap3A_813 = tpu.vector_load %arg7[%swap3A_811, %swap3A_812] {strides = array<i32>} : memref<64x128xf32, #tpu.memory_space<vmem>>, vector<16xf32>,
        tpu.vector_store %arg7[%swap3A_811, %swap3A_812], %add3A_810 {strides = array<i32>} : memref<64x128xf32, #tpu.memory_space<vmem>>, vector<16xf32>,
        %get3A_814 = arith.constant 0 : i32
        %get3A_815 = arith.index_cast %get3A_814 : i32 to index
        %get3A_816 = arith.index_cast %add3A_589 : i32 to index
        %get3A_817 = arith.constant 64 : index
        %get3A_818 = tpu.vector_load %arg6[%get3A_815, %get3A_816, %get3A_817] {strides = array<i32>} : memref<9x64x128xf32, #tpu.memory_space<vmem>>, vector<16xf32>,
        %get3A_819 = arith.constant 1 : i32
        %get3A_820 = arith.index_cast %get3A_819 : i32 to index
        %get3A_821 = arith.index_cast %add3A_589 : i32 to index
        %get3A_822 = arith.constant 64 : index
        %get3A_823 = tpu.vector_load %arg6[%get3A_820, %get3A_821, %get3A_822] {strides = array<i32>} : memref<9x64x128xf32, #tpu.memory_space<vmem>>, vector<16xf32>,
        %add3A_824 = arith.addf %get3A_818, %get3A_823 : vector<16xf32>
        %get3A_825 = arith.constant 2 : i32
        %get3A_826 = arith.index_cast %get3A_825 : i32 to index
        %get3A_827 = arith.index_cast %add3A_589 : i32 to index
        %get3A_828 = arith.constant 64 : index
        %get3A_829 = tpu.vector_load %arg6[%get3A_826, %get3A_827, %get3A_828] {strides = array<i32>} : memref<9x64x128xf32, #tpu.memory_space<vmem>>, vector<16xf32>,
        %add3A_830 = arith.addf %add3A_824, %get3A_829 : vector<16xf32>
        %get3A_831 = arith.constant 3 : i32
        %get3A_832 = arith.index_cast %get3A_831 : i32 to index
        %get3A_833 = arith.index_cast %add3A_589 : i32 to index
        %get3A_834 = arith.constant 64 : index
        %get3A_835 = tpu.vector_load %arg6[%get3A_832, %get3A_833, %get3A_834] {strides = array<i32>} : memref<9x64x128xf32, #tpu.memory_space<vmem>>, vector<16xf32>,
        %add3A_836 = arith.addf %add3A_830, %get3A_835 : vector<16xf32>
        %get3A_837 = arith.constant 4 : i32
        %get3A_838 = arith.index_cast %get3A_837 : i32 to index
        %get3A_839 = arith.index_cast %add3A_589 : i32 to index
        %get3A_840 = arith.constant 64 : index
        %get3A_841 = tpu.vector_load %arg6[%get3A_838, %get3A_839, %get3A_840] {strides = array<i32>} : memref<9x64x128xf32, #tpu.memory_space<vmem>>, vector<16xf32>,
        %add3A_842 = arith.addf %add3A_836, %get3A_841 : vector<16xf32>
        %get3A_843 = arith.constant 5 : i32
        %get3A_844 = arith.index_cast %get3A_843 : i32 to index
        %get3A_845 = arith.index_cast %add3A_589 : i32 to index
        %get3A_846 = arith.constant 64 : index
        %get3A_847 = tpu.vector_load %arg6[%get3A_844, %get3A_845, %get3A_846] {strides = array<i32>} : memref<9x64x128xf32, #tpu.memory_space<vmem>>, vector<16xf32>,
        %add3A_848 = arith.addf %add3A_842, %get3A_847 : vector<16xf32>
        %get3A_849 = arith.constant 6 : i32
        %get3A_850 = arith.index_cast %get3A_849 : i32 to index
        %get3A_851 = arith.index_cast %add3A_589 : i32 to index
        %get3A_852 = arith.constant 64 : index
        %get3A_853 = tpu.vector_load %arg6[%get3A_850, %get3A_851, %get3A_852] {strides = array<i32>} : memref<9x64x128xf32, #tpu.memory_space<vmem>>, vector<16xf32>,
        %add3A_854 = arith.addf %add3A_848, %get3A_853 : vector<16xf32>
        %get3A_855 = arith.constant 7 : i32
        %get3A_856 = arith.index_cast %get3A_855 : i32 to index
        %get3A_857 = arith.index_cast %add3A_589 : i32 to index
        %get3A_858 = arith.constant 64 : index
        %get3A_859 = tpu.vector_load %arg6[%get3A_856, %get3A_857, %get3A_858] {strides = array<i32>} : memref<9x64x128xf32, #tpu.memory_space<vmem>>, vector<16xf32>,
        %add3A_860 = arith.addf %add3A_854, %get3A_859 : vector<16xf32>
        %get3A_861 = arith.constant 8 : i32
        %get3A_862 = arith.index_cast %get3A_861 : i32 to index
        %get3A_863 = arith.index_cast %add3A_589 : i32 to index
        %get3A_864 = arith.constant 64 : index
        %get3A_865 = tpu.vector_load %arg6[%get3A_862, %get3A_863, %get3A_864] {strides = array<i32>} : memref<9x64x128xf32, #tpu.memory_space<vmem>>, vector<16xf32>,
        %add3A_866 = arith.addf %add3A_860, %get3A_865 : vector<16xf32>
        %swap3A_867 = arith.index_cast %add3A_589 : i32 to index
        %swap3A_868 = arith.constant 64 : index
        %swap3A_869 = tpu.vector_load %arg7[%swap3A_867, %swap3A_868] {strides = array<i32>} : memref<64x128xf32, #tpu.memory_space<vmem>>, vector<16xf32>,
        tpu.vector_store %arg7[%swap3A_867, %swap3A_868], %add3A_866 {strides = array<i32>} : memref<64x128xf32, #tpu.memory_space<vmem>>, vector<16xf32>,
        %get3A_870 = arith.constant 0 : i32
        %get3A_871 = arith.index_cast %get3A_870 : i32 to index
        %get3A_872 = arith.index_cast %add3A_589 : i32 to index
        %get3A_873 = arith.constant 80 : index
        %get3A_874 = tpu.vector_load %arg6[%get3A_871, %get3A_872, %get3A_873] {strides = array<i32>} : memref<9x64x128xf32, #tpu.memory_space<vmem>>, vector<16xf32>,
        %get3A_875 = arith.constant 1 : i32
        %get3A_876 = arith.index_cast %get3A_875 : i32 to index
        %get3A_877 = arith.index_cast %add3A_589 : i32 to index
        %get3A_878 = arith.constant 80 : index
        %get3A_879 = tpu.vector_load %arg6[%get3A_876, %get3A_877, %get3A_878] {strides = array<i32>} : memref<9x64x128xf32, #tpu.memory_space<vmem>>, vector<16xf32>,
        %add3A_880 = arith.addf %get3A_874, %get3A_879 : vector<16xf32>
        %get3A_881 = arith.constant 2 : i32
        %get3A_882 = arith.index_cast %get3A_881 : i32 to index
        %get3A_883 = arith.index_cast %add3A_589 : i32 to index
        %get3A_884 = arith.constant 80 : index
        %get3A_885 = tpu.vector_load %arg6[%get3A_882, %get3A_883, %get3A_884] {strides = array<i32>} : memref<9x64x128xf32, #tpu.memory_space<vmem>>, vector<16xf32>,
        %add3A_886 = arith.addf %add3A_880, %get3A_885 : vector<16xf32>
        %get3A_887 = arith.constant 3 : i32
        %get3A_888 = arith.index_cast %get3A_887 : i32 to index
        %get3A_889 = arith.index_cast %add3A_589 : i32 to index
        %get3A_890 = arith.constant 80 : index
        %get3A_891 = tpu.vector_load %arg6[%get3A_888, %get3A_889, %get3A_890] {strides = array<i32>} : memref<9x64x128xf32, #tpu.memory_space<vmem>>, vector<16xf32>,
        %add3A_892 = arith.addf %add3A_886, %get3A_891 : vector<16xf32>
        %get3A_893 = arith.constant 4 : i32
        %get3A_894 = arith.index_cast %get3A_893 : i32 to index
        %get3A_895 = arith.index_cast %add3A_589 : i32 to index
        %get3A_896 = arith.constant 80 : index
        %get3A_897 = tpu.vector_load %arg6[%get3A_894, %get3A_895, %get3A_896] {strides = array<i32>} : memref<9x64x128xf32, #tpu.memory_space<vmem>>, vector<16xf32>,
        %add3A_898 = arith.addf %add3A_892, %get3A_897 : vector<16xf32>
        %get3A_899 = arith.constant 5 : i32
        %get3A_900 = arith.index_cast %get3A_899 : i32 to index
        %get3A_901 = arith.index_cast %add3A_589 : i32 to index
        %get3A_902 = arith.constant 80 : index
        %get3A_903 = tpu.vector_load %arg6[%get3A_900, %get3A_901, %get3A_902] {strides = array<i32>} : memref<9x64x128xf32, #tpu.memory_space<vmem>>, vector<16xf32>,
        %add3A_904 = arith.addf %add3A_898, %get3A_903 : vector<16xf32>
        %get3A_905 = arith.constant 6 : i32
        %get3A_906 = arith.index_cast %get3A_905 : i32 to index
        %get3A_907 = arith.index_cast %add3A_589 : i32 to index
        %get3A_908 = arith.constant 80 : index
        %get3A_909 = tpu.vector_load %arg6[%get3A_906, %get3A_907, %get3A_908] {strides = array<i32>} : memref<9x64x128xf32, #tpu.memory_space<vmem>>, vector<16xf32>,
        %add3A_910 = arith.addf %add3A_904, %get3A_909 : vector<16xf32>
        %get3A_911 = arith.constant 7 : i32
        %get3A_912 = arith.index_cast %get3A_911 : i32 to index
        %get3A_913 = arith.index_cast %add3A_589 : i32 to index
        %get3A_914 = arith.constant 80 : index
        %get3A_915 = tpu.vector_load %arg6[%get3A_912, %get3A_913, %get3A_914] {strides = array<i32>} : memref<9x64x128xf32, #tpu.memory_space<vmem>>, vector<16xf32>,
        %add3A_916 = arith.addf %add3A_910, %get3A_915 : vector<16xf32>
        %get3A_917 = arith.constant 8 : i32
        %get3A_918 = arith.index_cast %get3A_917 : i32 to index
        %get3A_919 = arith.index_cast %add3A_589 : i32 to index
        %get3A_920 = arith.constant 80 : index
        %get3A_921 = tpu.vector_load %arg6[%get3A_918, %get3A_919, %get3A_920] {strides = array<i32>} : memref<9x64x128xf32, #tpu.memory_space<vmem>>, vector<16xf32>,
        %add3A_922 = arith.addf %add3A_916, %get3A_921 : vector<16xf32>
        %swap3A_923 = arith.index_cast %add3A_589 : i32 to index
        %swap3A_924 = arith.constant 80 : index
        %swap3A_925 = tpu.vector_load %arg7[%swap3A_923, %swap3A_924] {strides = array<i32>} : memref<64x128xf32, #tpu.memory_space<vmem>>, vector<16xf32>,
        tpu.vector_store %arg7[%swap3A_923, %swap3A_924], %add3A_922 {strides = array<i32>} : memref<64x128xf32, #tpu.memory_space<vmem>>, vector<16xf32>,
        %get3A_926 = arith.constant 0 : i32
        %get3A_927 = arith.index_cast %get3A_926 : i32 to index
        %get3A_928 = arith.index_cast %add3A_589 : i32 to index
        %get3A_929 = arith.constant 96 : index
        %get3A_930 = tpu.vector_load %arg6[%get3A_927, %get3A_928, %get3A_929] {strides = array<i32>} : memref<9x64x128xf32, #tpu.memory_space<vmem>>, vector<16xf32>,
        %get3A_931 = arith.constant 1 : i32
        %get3A_932 = arith.index_cast %get3A_931 : i32 to index
        %get3A_933 = arith.index_cast %add3A_589 : i32 to index
        %get3A_934 = arith.constant 96 : index
        %get3A_935 = tpu.vector_load %arg6[%get3A_932, %get3A_933, %get3A_934] {strides = array<i32>} : memref<9x64x128xf32, #tpu.memory_space<vmem>>, vector<16xf32>,
        %add3A_936 = arith.addf %get3A_930, %get3A_935 : vector<16xf32>
        %get3A_937 = arith.constant 2 : i32
        %get3A_938 = arith.index_cast %get3A_937 : i32 to index
        %get3A_939 = arith.index_cast %add3A_589 : i32 to index
        %get3A_940 = arith.constant 96 : index
        %get3A_941 = tpu.vector_load %arg6[%get3A_938, %get3A_939, %get3A_940] {strides = array<i32>} : memref<9x64x128xf32, #tpu.memory_space<vmem>>, vector<16xf32>,
        %add3A_942 = arith.addf %add3A_936, %get3A_941 : vector<16xf32>
        %get3A_943 = arith.constant 3 : i32
        %get3A_944 = arith.index_cast %get3A_943 : i32 to index
        %get3A_945 = arith.index_cast %add3A_589 : i32 to index
        %get3A_946 = arith.constant 96 : index
        %get3A_947 = tpu.vector_load %arg6[%get3A_944, %get3A_945, %get3A_946] {strides = array<i32>} : memref<9x64x128xf32, #tpu.memory_space<vmem>>, vector<16xf32>,
        %add3A_948 = arith.addf %add3A_942, %get3A_947 : vector<16xf32>
        %get3A_949 = arith.constant 4 : i32
        %get3A_950 = arith.index_cast %get3A_949 : i32 to index
        %get3A_951 = arith.index_cast %add3A_589 : i32 to index
        %get3A_952 = arith.constant 96 : index
        %get3A_953 = tpu.vector_load %arg6[%get3A_950, %get3A_951, %get3A_952] {strides = array<i32>} : memref<9x64x128xf32, #tpu.memory_space<vmem>>, vector<16xf32>,
        %add3A_954 = arith.addf %add3A_948, %get3A_953 : vector<16xf32>
        %get3A_955 = arith.constant 5 : i32
        %get3A_956 = arith.index_cast %get3A_955 : i32 to index
        %get3A_957 = arith.index_cast %add3A_589 : i32 to index
        %get3A_958 = arith.constant 96 : index
        %get3A_959 = tpu.vector_load %arg6[%get3A_956, %get3A_957, %get3A_958] {strides = array<i32>} : memref<9x64x128xf32, #tpu.memory_space<vmem>>, vector<16xf32>,
        %add3A_960 = arith.addf %add3A_954, %get3A_959 : vector<16xf32>
        %get3A_961 = arith.constant 6 : i32
        %get3A_962 = arith.index_cast %get3A_961 : i32 to index
        %get3A_963 = arith.index_cast %add3A_589 : i32 to index
        %get3A_964 = arith.constant 96 : index
        %get3A_965 = tpu.vector_load %arg6[%get3A_962, %get3A_963, %get3A_964] {strides = array<i32>} : memref<9x64x128xf32, #tpu.memory_space<vmem>>, vector<16xf32>,
        %add3A_966 = arith.addf %add3A_960, %get3A_965 : vector<16xf32>
        %get3A_967 = arith.constant 7 : i32
        %get3A_968 = arith.index_cast %get3A_967 : i32 to index
        %get3A_969 = arith.index_cast %add3A_589 : i32 to index
        %get3A_970 = arith.constant 96 : index
        %get3A_971 = tpu.vector_load %arg6[%get3A_968, %get3A_969, %get3A_970] {strides = array<i32>} : memref<9x64x128xf32, #tpu.memory_space<vmem>>, vector<16xf32>,
        %add3A_972 = arith.addf %add3A_966, %get3A_971 : vector<16xf32>
        %get3A_973 = arith.constant 8 : i32
        %get3A_974 = arith.index_cast %get3A_973 : i32 to index
        %get3A_975 = arith.index_cast %add3A_589 : i32 to index
        %get3A_976 = arith.constant 96 : index
        %get3A_977 = tpu.vector_load %arg6[%get3A_974, %get3A_975, %get3A_976] {strides = array<i32>} : memref<9x64x128xf32, #tpu.memory_space<vmem>>, vector<16xf32>,
        %add3A_978 = arith.addf %add3A_972, %get3A_977 : vector<16xf32>
        %swap3A_979 = arith.index_cast %add3A_589 : i32 to index
        %swap3A_980 = arith.constant 96 : index
        %swap3A_981 = tpu.vector_load %arg7[%swap3A_979, %swap3A_980] {strides = array<i32>} : memref<64x128xf32, #tpu.memory_space<vmem>>, vector<16xf32>,
        tpu.vector_store %arg7[%swap3A_979, %swap3A_980], %add3A_978 {strides = array<i32>} : memref<64x128xf32, #tpu.memory_space<vmem>>, vector<16xf32>,
        %get3A_982 = arith.constant 0 : i32
        %get3A_983 = arith.index_cast %get3A_982 : i32 to index
        %get3A_984 = arith.index_cast %add3A_589 : i32 to index
        %get3A_985 = arith.constant 112 : index
        %get3A_986 = tpu.vector_load %arg6[%get3A_983, %get3A_984, %get3A_985] {strides = array<i32>} : memref<9x64x128xf32, #tpu.memory_space<vmem>>, vector<16xf32>,
        %get3A_987 = arith.constant 1 : i32
        %get3A_988 = arith.index_cast %get3A_987 : i32 to index
        %get3A_989 = arith.index_cast %add3A_589 : i32 to index
        %get3A_990 = arith.constant 112 : index
        %get3A_991 = tpu.vector_load %arg6[%get3A_988, %get3A_989, %get3A_990] {strides = array<i32>} : memref<9x64x128xf32, #tpu.memory_space<vmem>>, vector<16xf32>,
        %add3A_992 = arith.addf %get3A_986, %get3A_991 : vector<16xf32>
        %get3A_993 = arith.constant 2 : i32
        %get3A_994 = arith.index_cast %get3A_993 : i32 to index
        %get3A_995 = arith.index_cast %add3A_589 : i32 to index
        %get3A_996 = arith.constant 112 : index
        %get3A_997 = tpu.vector_load %arg6[%get3A_994, %get3A_995, %get3A_996] {strides = array<i32>} : memref<9x64x128xf32, #tpu.memory_space<vmem>>, vector<16xf32>,
        %add3A_998 = arith.addf %add3A_992, %get3A_997 : vector<16xf32>
        %get3A_999 = arith.constant 3 : i32
        %get3A_1000 = arith.index_cast %get3A_999 : i32 to index
        %get3A_1001 = arith.index_cast %add3A_589 : i32 to index
        %get3A_1002 = arith.constant 112 : index
        %get3A_1003 = tpu.vector_load %arg6[%get3A_1000, %get3A_1001, %get3A_1002] {strides = array<i32>} : memref<9x64x128xf32, #tpu.memory_space<vmem>>, vector<16xf32>,
        %add3A_1004 = arith.addf %add3A_998, %get3A_1003 : vector<16xf32>
        %get3A_1005 = arith.constant 4 : i32
        %get3A_1006 = arith.index_cast %get3A_1005 : i32 to index
        %get3A_1007 = arith.index_cast %add3A_589 : i32 to index
        %get3A_1008 = arith.constant 112 : index
        %get3A_1009 = tpu.vector_load %arg6[%get3A_1006, %get3A_1007, %get3A_1008] {strides = array<i32>} : memref<9x64x128xf32, #tpu.memory_space<vmem>>, vector<16xf32>,
        %add3A_1010 = arith.addf %add3A_1004, %get3A_1009 : vector<16xf32>
        %get3A_1011 = arith.constant 5 : i32
        %get3A_1012 = arith.index_cast %get3A_1011 : i32 to index
        %get3A_1013 = arith.index_cast %add3A_589 : i32 to index
        %get3A_1014 = arith.constant 112 : index
        %get3A_1015 = tpu.vector_load %arg6[%get3A_1012, %get3A_1013, %get3A_1014] {strides = array<i32>} : memref<9x64x128xf32, #tpu.memory_space<vmem>>, vector<16xf32>,
        %add3A_1016 = arith.addf %add3A_1010, %get3A_1015 : vector<16xf32>
        %get3A_1017 = arith.constant 6 : i32
        %get3A_1018 = arith.index_cast %get3A_1017 : i32 to index
        %get3A_1019 = arith.index_cast %add3A_589 : i32 to index
        %get3A_1020 = arith.constant 112 : index
        %get3A_1021 = tpu.vector_load %arg6[%get3A_1018, %get3A_1019, %get3A_1020] {strides = array<i32>} : memref<9x64x128xf32, #tpu.memory_space<vmem>>, vector<16xf32>,
        %add3A_1022 = arith.addf %add3A_1016, %get3A_1021 : vector<16xf32>
        %get3A_1023 = arith.constant 7 : i32
        %get3A_1024 = arith.index_cast %get3A_1023 : i32 to index
        %get3A_1025 = arith.index_cast %add3A_589 : i32 to index
        %get3A_1026 = arith.constant 112 : index
        %get3A_1027 = tpu.vector_load %arg6[%get3A_1024, %get3A_1025, %get3A_1026] {strides = array<i32>} : memref<9x64x128xf32, #tpu.memory_space<vmem>>, vector<16xf32>,
        %add3A_1028 = arith.addf %add3A_1022, %get3A_1027 : vector<16xf32>
        %get3A_1029 = arith.constant 8 : i32
        %get3A_1030 = arith.index_cast %get3A_1029 : i32 to index
        %get3A_1031 = arith.index_cast %add3A_589 : i32 to index
        %get3A_1032 = arith.constant 112 : index
        %get3A_1033 = tpu.vector_load %arg6[%get3A_1030, %get3A_1031, %get3A_1032] {strides = array<i32>} : memref<9x64x128xf32, #tpu.memory_space<vmem>>, vector<16xf32>,
        %add3A_1034 = arith.addf %add3A_1028, %get3A_1033 : vector<16xf32>
        %swap3A_1035 = arith.index_cast %add3A_589 : i32 to index
        %swap3A_1036 = arith.constant 112 : index
        %swap3A_1037 = tpu.vector_load %arg7[%swap3A_1035, %swap3A_1036] {strides = array<i32>} : memref<64x128xf32, #tpu.memory_space<vmem>>, vector<16xf32>,
        tpu.vector_store %arg7[%swap3A_1035, %swap3A_1036], %add3A_1034 {strides = array<i32>} : memref<64x128xf32, #tpu.memory_space<vmem>>, vector<16xf32>,
      }
      %scan3A_581 = arith.constant 64 : i32
      %add3A_582 = arith.addi %mul3A_2, %add3A_11 : i32
      %mul3A_583 = arith.constant 64 : i32
      %mul3A_584 = arith.muli %add3A_582, %mul3A_583 : i32
      "tpu.region"() ({
        %run_scoped3A = tpu.sem_alloc : memref<!tpu.dma_semaphore, #tpu.memory_space<semaphore_mem>>
        %dma_start3A_585 = arith.constant 0 : i32
        %dma_start3A_586 = tpu.memref_slice %arg4[%mul3A_584, %dma_start3A_585] : memref<10240x128xf32, #tpu.memory_space<hbm>> -> memref<64x128xf32, #tpu.memory_space<hbm>>
        %dma_start3A_587 = arith.constant 0 : i32
        %dma_start3A_588 = tpu.memref_slice %arg4[%mul3A_584, %dma_start3A_587] : memref<10240x128xf32, #tpu.memory_space<hbm>> -> memref<64x128xf32, #tpu.memory_space<hbm>>
        tpu.enqueue_dma source(%arg7 : memref<64x128xf32, #tpu.memory_space<vmem>>) target(%dma_start3A_588 : memref<64x128xf32, #tpu.memory_space<hbm>>) target_semaphore(%run_scoped3A : memref<!tpu.dma_semaphore, #tpu.memory_space<semaphore_mem>>)
        %dma_wait3A_589 = arith.constant 0 : i32
        %dma_wait3A_590 = tpu.memref_slice %arg4[%mul3A_584, %dma_wait3A_589] : memref<10240x128xf32, #tpu.memory_space<hbm>> -> memref<64x128xf32, #tpu.memory_space<hbm>>
        %dma_wait3A_591 = arith.constant 0 : i32
        %dma_wait3A_592 = tpu.memref_slice %arg4[%mul3A_584, %dma_wait3A_591] : memref<10240x128xf32, #tpu.memory_space<hbm>> -> memref<64x128xf32, #tpu.memory_space<hbm>>
        tpu.wait_dma2 semaphore(%run_scoped3A : memref<!tpu.dma_semaphore, #tpu.memory_space<semaphore_mem>>) src(%arg7 : memref<64x128xf32, #tpu.memory_space<vmem>>) dst(%dma_wait3A_592 : memref<64x128xf32, #tpu.memory_space<hbm>>)
        tpu.yield
      }) : () -> ()
    }
    %scan3A_6 = arith.constant 5 : i32
    return
  }
}

#map = affine_map<(d0, d1) -> (0, 0)>
#map1 = affine_map<(d0, d1) -> (0, 0, 0)>
module attributes {stable_mosaic.version = 14 : i64} {
  func.func @spmm(%arg0: i32, %arg1: i32, %arg2: memref<10240x128xf32, #tpu.memory_space<hbm>>, %arg3: memref<2560x3x128xi32, #tpu.memory_space<hbm>>, %arg4: memref<2x10240x128xf32, #tpu.memory_space<hbm>>, %arg5: memref<2x10240xf32, #tpu.memory_space<hbm>>, %arg6: memref<3x128xi32, #tpu.memory_space<vmem>>, %arg7: memref<3x128xi32, #tpu.memory_space<vmem>>, %arg8: memref<128xf32, #tpu.memory_space<vmem>>, %arg9: memref<128xf32, #tpu.memory_space<vmem>>, %arg10: memref<128x128xf32, #tpu.memory_space<vmem>>, %arg11: memref<128x128xf32, #tpu.memory_space<vmem>>, %arg12: memref<10240x128xf32, #tpu.memory_space<vmem_shared>>, %arg13: memref<10240xf32, #tpu.memory_space<vmem_shared>>, %arg14: memref<!tpu.dma_semaphore, #tpu.memory_space<semaphore_mem>>, %arg15: memref<!tpu.dma_semaphore, #tpu.memory_space<semaphore_mem>>, %arg16: memref<!tpu.dma_semaphore, #tpu.memory_space<semaphore_mem>>, %arg17: memref<!tpu.dma_semaphore, #tpu.memory_space<semaphore_mem>>) attributes {dimension_semantics = [#tpu.dimension_semantics<core_parallel>, #tpu.dimension_semantics<subcore_parallel>], iteration_bounds = array<i64: 2, 16>, scalar_prefetch = 0 : i64, scratch_operands = 12 : i64, tpu.core_type = #tpu.core_type<sc_vector_subcore>, window_params = [{transform_indices = #map}, {transform_indices = #map1}, {transform_indices = #map1}, {transform_indices = #map}]} {
    %mul3A = arith.constant 2 : i32
    %mul3A_0 = arith.muli %arg1, %mul3A : i32
    %add3A = arith.addi %mul3A_0, %arg0 : i32
    %mul3A_1 = arith.constant 80 : i32
    %mul3A_2 = arith.muli %add3A, %mul3A_1 : i32
    %broadcast_in_dim3A = arith.constant 0.000000e+00 : f32
    %broadcast_in_dim3A_3 = vector.broadcast %broadcast_in_dim3A : f32 to vector<16xf32>
    %scan3A = arith.constant 0 : i32
    %scan3A_4 = arith.constant 128 : i32
    %scan3A_5 = arith.addi %scan3A, %scan3A_4 : i32
    %scan3A_6 = arith.constant 1 : i32
    scf.for %scan3A_113 = %scan3A to %scan3A_5 step %scan3A_6  : i32 {
      %mul3A_114 = arith.constant 1 : i32
      %mul3A_115 = arith.muli %scan3A_113, %mul3A_114 : i32
      %add3A_116 = arith.constant 0 : i32
      %add3A_117 = arith.addi %add3A_116, %mul3A_115 : i32
      %swap3A_118 = arith.index_cast %add3A_117 : i32 to index
      %swap3A_119 = arith.constant 0 : index
      %swap3A_120 = tpu.vector_load %arg10[%swap3A_118, %swap3A_119] {strides = array<i32>} : memref<128x128xf32, #tpu.memory_space<vmem>>, vector<16xf32>,
      tpu.vector_store %arg10[%swap3A_118, %swap3A_119], %broadcast_in_dim3A_3 {strides = array<i32>} : memref<128x128xf32, #tpu.memory_space<vmem>>, vector<16xf32>,
      %swap3A_121 = arith.index_cast %add3A_117 : i32 to index
      %swap3A_122 = arith.constant 16 : index
      %swap3A_123 = tpu.vector_load %arg10[%swap3A_121, %swap3A_122] {strides = array<i32>} : memref<128x128xf32, #tpu.memory_space<vmem>>, vector<16xf32>,
      tpu.vector_store %arg10[%swap3A_121, %swap3A_122], %broadcast_in_dim3A_3 {strides = array<i32>} : memref<128x128xf32, #tpu.memory_space<vmem>>, vector<16xf32>,
      %swap3A_124 = arith.index_cast %add3A_117 : i32 to index
      %swap3A_125 = arith.constant 32 : index
      %swap3A_126 = tpu.vector_load %arg10[%swap3A_124, %swap3A_125] {strides = array<i32>} : memref<128x128xf32, #tpu.memory_space<vmem>>, vector<16xf32>,
      tpu.vector_store %arg10[%swap3A_124, %swap3A_125], %broadcast_in_dim3A_3 {strides = array<i32>} : memref<128x128xf32, #tpu.memory_space<vmem>>, vector<16xf32>,
      %swap3A_127 = arith.index_cast %add3A_117 : i32 to index
      %swap3A_128 = arith.constant 48 : index
      %swap3A_129 = tpu.vector_load %arg10[%swap3A_127, %swap3A_128] {strides = array<i32>} : memref<128x128xf32, #tpu.memory_space<vmem>>, vector<16xf32>,
      tpu.vector_store %arg10[%swap3A_127, %swap3A_128], %broadcast_in_dim3A_3 {strides = array<i32>} : memref<128x128xf32, #tpu.memory_space<vmem>>, vector<16xf32>,
      %swap3A_130 = arith.index_cast %add3A_117 : i32 to index
      %swap3A_131 = arith.constant 64 : index
      %swap3A_132 = tpu.vector_load %arg10[%swap3A_130, %swap3A_131] {strides = array<i32>} : memref<128x128xf32, #tpu.memory_space<vmem>>, vector<16xf32>,
      tpu.vector_store %arg10[%swap3A_130, %swap3A_131], %broadcast_in_dim3A_3 {strides = array<i32>} : memref<128x128xf32, #tpu.memory_space<vmem>>, vector<16xf32>,
      %swap3A_133 = arith.index_cast %add3A_117 : i32 to index
      %swap3A_134 = arith.constant 80 : index
      %swap3A_135 = tpu.vector_load %arg10[%swap3A_133, %swap3A_134] {strides = array<i32>} : memref<128x128xf32, #tpu.memory_space<vmem>>, vector<16xf32>,
      tpu.vector_store %arg10[%swap3A_133, %swap3A_134], %broadcast_in_dim3A_3 {strides = array<i32>} : memref<128x128xf32, #tpu.memory_space<vmem>>, vector<16xf32>,
      %swap3A_136 = arith.index_cast %add3A_117 : i32 to index
      %swap3A_137 = arith.constant 96 : index
      %swap3A_138 = tpu.vector_load %arg10[%swap3A_136, %swap3A_137] {strides = array<i32>} : memref<128x128xf32, #tpu.memory_space<vmem>>, vector<16xf32>,
      tpu.vector_store %arg10[%swap3A_136, %swap3A_137], %broadcast_in_dim3A_3 {strides = array<i32>} : memref<128x128xf32, #tpu.memory_space<vmem>>, vector<16xf32>,
      %swap3A_139 = arith.index_cast %add3A_117 : i32 to index
      %swap3A_140 = arith.constant 112 : index
      %swap3A_141 = tpu.vector_load %arg10[%swap3A_139, %swap3A_140] {strides = array<i32>} : memref<128x128xf32, #tpu.memory_space<vmem>>, vector<16xf32>,
      tpu.vector_store %arg10[%swap3A_139, %swap3A_140], %broadcast_in_dim3A_3 {strides = array<i32>} : memref<128x128xf32, #tpu.memory_space<vmem>>, vector<16xf32>,
    }
    %scan3A_7 = arith.constant 128 : i32
    %swap3A = arith.constant 0 : index
    %swap3A_8 = tpu.vector_load %arg8[%swap3A] {strides = array<i32>} : memref<128xf32, #tpu.memory_space<vmem>>, vector<16xf32>,
    tpu.vector_store %arg8[%swap3A], %broadcast_in_dim3A_3 {strides = array<i32>} : memref<128xf32, #tpu.memory_space<vmem>>, vector<16xf32>,
    %swap3A_9 = arith.constant 16 : index
    %swap3A_10 = tpu.vector_load %arg8[%swap3A_9] {strides = array<i32>} : memref<128xf32, #tpu.memory_space<vmem>>, vector<16xf32>,
    tpu.vector_store %arg8[%swap3A_9], %broadcast_in_dim3A_3 {strides = array<i32>} : memref<128xf32, #tpu.memory_space<vmem>>, vector<16xf32>,
    %swap3A_11 = arith.constant 32 : index
    %swap3A_12 = tpu.vector_load %arg8[%swap3A_11] {strides = array<i32>} : memref<128xf32, #tpu.memory_space<vmem>>, vector<16xf32>,
    tpu.vector_store %arg8[%swap3A_11], %broadcast_in_dim3A_3 {strides = array<i32>} : memref<128xf32, #tpu.memory_space<vmem>>, vector<16xf32>,
    %swap3A_13 = arith.constant 48 : index
    %swap3A_14 = tpu.vector_load %arg8[%swap3A_13] {strides = array<i32>} : memref<128xf32, #tpu.memory_space<vmem>>, vector<16xf32>,
    tpu.vector_store %arg8[%swap3A_13], %broadcast_in_dim3A_3 {strides = array<i32>} : memref<128xf32, #tpu.memory_space<vmem>>, vector<16xf32>,
    %swap3A_15 = arith.constant 64 : index
    %swap3A_16 = tpu.vector_load %arg8[%swap3A_15] {strides = array<i32>} : memref<128xf32, #tpu.memory_space<vmem>>, vector<16xf32>,
    tpu.vector_store %arg8[%swap3A_15], %broadcast_in_dim3A_3 {strides = array<i32>} : memref<128xf32, #tpu.memory_space<vmem>>, vector<16xf32>,
    %swap3A_17 = arith.constant 80 : index
    %swap3A_18 = tpu.vector_load %arg8[%swap3A_17] {strides = array<i32>} : memref<128xf32, #tpu.memory_space<vmem>>, vector<16xf32>,
    tpu.vector_store %arg8[%swap3A_17], %broadcast_in_dim3A_3 {strides = array<i32>} : memref<128xf32, #tpu.memory_space<vmem>>, vector<16xf32>,
    %swap3A_19 = arith.constant 96 : index
    %swap3A_20 = tpu.vector_load %arg8[%swap3A_19] {strides = array<i32>} : memref<128xf32, #tpu.memory_space<vmem>>, vector<16xf32>,
    tpu.vector_store %arg8[%swap3A_19], %broadcast_in_dim3A_3 {strides = array<i32>} : memref<128xf32, #tpu.memory_space<vmem>>, vector<16xf32>,
    %swap3A_21 = arith.constant 112 : index
    %swap3A_22 = tpu.vector_load %arg8[%swap3A_21] {strides = array<i32>} : memref<128xf32, #tpu.memory_space<vmem>>, vector<16xf32>,
    tpu.vector_store %arg8[%swap3A_21], %broadcast_in_dim3A_3 {strides = array<i32>} : memref<128xf32, #tpu.memory_space<vmem>>, vector<16xf32>,
    %mul3A_23 = arith.constant 640 : i32
    %mul3A_24 = arith.muli %arg1, %mul3A_23 : i32
    %scan3A_25 = arith.constant 0 : i32
    %scan3A_26 = arith.constant 5 : i32
    %scan3A_27 = arith.addi %scan3A_25, %scan3A_26 : i32
    %scan3A_28 = arith.constant 1 : i32
    scf.for %scan3A_113 = %scan3A_25 to %scan3A_27 step %scan3A_28  : i32 {
      %mul3A_114 = arith.constant 1 : i32
      %mul3A_115 = arith.muli %scan3A_113, %mul3A_114 : i32
      %add3A_116 = arith.constant 0 : i32
      %add3A_117 = arith.addi %add3A_116, %mul3A_115 : i32
      %mul3A_118 = arith.constant 128 : i32
      %mul3A_119 = arith.muli %add3A_117, %mul3A_118 : i32
      %add3A_120 = arith.addi %mul3A_24, %mul3A_119 : i32
      "tpu.region"() ({
        %run_scoped3A = tpu.sem_alloc : memref<!tpu.dma_semaphore, #tpu.memory_space<semaphore_mem>>
        %dma_start3A_124 = arith.constant 0 : i32
        %dma_start3A_125 = tpu.memref_slice %arg12[%add3A_120, %dma_start3A_124] : memref<10240x128xf32, #tpu.memory_space<vmem_shared>> -> memref<128x128xf32, #tpu.memory_space<vmem_shared>>
        %dma_start3A_126 = arith.constant 0 : i32
        %dma_start3A_127 = tpu.memref_slice %arg12[%add3A_120, %dma_start3A_126] : memref<10240x128xf32, #tpu.memory_space<vmem_shared>> -> memref<128x128xf32, #tpu.memory_space<vmem_shared>>
        tpu.enqueue_dma source(%arg10 : memref<128x128xf32, #tpu.memory_space<vmem>>) target(%dma_start3A_127 : memref<128x128xf32, #tpu.memory_space<vmem_shared>>) target_semaphore(%run_scoped3A : memref<!tpu.dma_semaphore, #tpu.memory_space<semaphore_mem>>)
        %dma_wait3A_128 = arith.constant 0 : i32
        %dma_wait3A_129 = tpu.memref_slice %arg12[%add3A_120, %dma_wait3A_128] : memref<10240x128xf32, #tpu.memory_space<vmem_shared>> -> memref<128x128xf32, #tpu.memory_space<vmem_shared>>
        %dma_wait3A_130 = arith.constant 0 : i32
        %dma_wait3A_131 = tpu.memref_slice %arg12[%add3A_120, %dma_wait3A_130] : memref<10240x128xf32, #tpu.memory_space<vmem_shared>> -> memref<128x128xf32, #tpu.memory_space<vmem_shared>>
        tpu.wait_dma2 semaphore(%run_scoped3A : memref<!tpu.dma_semaphore, #tpu.memory_space<semaphore_mem>>) src(%arg10 : memref<128x128xf32, #tpu.memory_space<vmem>>) dst(%dma_wait3A_131 : memref<128x128xf32, #tpu.memory_space<vmem_shared>>)
        tpu.yield
      }) : () -> ()
      %mul3A_121 = arith.constant 128 : i32
      %mul3A_122 = arith.muli %add3A_117, %mul3A_121 : i32
      %add3A_123 = arith.addi %mul3A_24, %mul3A_122 : i32
      "tpu.region"() ({
        %run_scoped3A = tpu.sem_alloc : memref<!tpu.dma_semaphore, #tpu.memory_space<semaphore_mem>>
        %dma_start3A_124 = tpu.memref_slice %arg13[%add3A_123] : memref<10240xf32, #tpu.memory_space<vmem_shared>> -> memref<128xf32, #tpu.memory_space<vmem_shared>>
        %dma_start3A_125 = tpu.memref_slice %arg13[%add3A_123] : memref<10240xf32, #tpu.memory_space<vmem_shared>> -> memref<128xf32, #tpu.memory_space<vmem_shared>>
        tpu.enqueue_dma source(%arg8 : memref<128xf32, #tpu.memory_space<vmem>>) target(%dma_start3A_125 : memref<128xf32, #tpu.memory_space<vmem_shared>>) target_semaphore(%run_scoped3A : memref<!tpu.dma_semaphore, #tpu.memory_space<semaphore_mem>>)
        %dma_wait3A_126 = tpu.memref_slice %arg13[%add3A_123] : memref<10240xf32, #tpu.memory_space<vmem_shared>> -> memref<128xf32, #tpu.memory_space<vmem_shared>>
        %dma_wait3A_127 = tpu.memref_slice %arg13[%add3A_123] : memref<10240xf32, #tpu.memory_space<vmem_shared>> -> memref<128xf32, #tpu.memory_space<vmem_shared>>
        tpu.wait_dma2 semaphore(%run_scoped3A : memref<!tpu.dma_semaphore, #tpu.memory_space<semaphore_mem>>) src(%arg8 : memref<128xf32, #tpu.memory_space<vmem>>) dst(%dma_wait3A_127 : memref<128xf32, #tpu.memory_space<vmem_shared>>)
        tpu.yield
      }) : () -> ()
    }
    %scan3A_29 = arith.constant 5 : i32
    %barrier3A = arith.constant 0 : index
    tpu.barrier barrier_id(%barrier3A)
    "tpu.region"() ({
      %run_scoped3A = tpu.sem_alloc : memref<!tpu.dma_semaphore, #tpu.memory_space<semaphore_mem>>
      %dma_start3A_113 = arith.constant 0 : i32
      %dma_start3A_114 = arith.constant 0 : i32
      %dma_start3A_115 = tpu.memref_slice %arg3[%mul3A_2, %dma_start3A_113, %dma_start3A_114] : memref<2560x3x128xi32, #tpu.memory_space<hbm>> -> memref<1x3x128xi32, #tpu.memory_space<hbm>>
      %dma_start3A_116 = tpu.memref_squeeze %dma_start3A_115 : memref<1x3x128xi32, #tpu.memory_space<hbm>> -> memref<3x128xi32, #tpu.memory_space<hbm>>
      %dma_start3A_117 = arith.constant 0 : i32
      %dma_start3A_118 = arith.constant 0 : i32
      %dma_start3A_119 = tpu.memref_slice %arg3[%mul3A_2, %dma_start3A_117, %dma_start3A_118] : memref<2560x3x128xi32, #tpu.memory_space<hbm>> -> memref<1x3x128xi32, #tpu.memory_space<hbm>>
      %dma_start3A_120 = tpu.memref_squeeze %dma_start3A_119 : memref<1x3x128xi32, #tpu.memory_space<hbm>> -> memref<3x128xi32, #tpu.memory_space<hbm>>
      tpu.enqueue_dma source(%dma_start3A_120 : memref<3x128xi32, #tpu.memory_space<hbm>>) target(%arg6 : memref<3x128xi32, #tpu.memory_space<vmem>>) target_semaphore(%run_scoped3A : memref<!tpu.dma_semaphore, #tpu.memory_space<semaphore_mem>>)
      %dma_wait3A_121 = arith.constant 0 : i32
      %dma_wait3A_122 = arith.constant 0 : i32
      %dma_wait3A_123 = tpu.memref_slice %arg3[%mul3A_2, %dma_wait3A_121, %dma_wait3A_122] : memref<2560x3x128xi32, #tpu.memory_space<hbm>> -> memref<1x3x128xi32, #tpu.memory_space<hbm>>
      %dma_wait3A_124 = tpu.memref_squeeze %dma_wait3A_123 : memref<1x3x128xi32, #tpu.memory_space<hbm>> -> memref<3x128xi32, #tpu.memory_space<hbm>>
      %dma_wait3A_125 = arith.constant 0 : i32
      %dma_wait3A_126 = arith.constant 0 : i32
      %dma_wait3A_127 = tpu.memref_slice %arg3[%mul3A_2, %dma_wait3A_125, %dma_wait3A_126] : memref<2560x3x128xi32, #tpu.memory_space<hbm>> -> memref<1x3x128xi32, #tpu.memory_space<hbm>>
      %dma_wait3A_128 = tpu.memref_squeeze %dma_wait3A_127 : memref<1x3x128xi32, #tpu.memory_space<hbm>> -> memref<3x128xi32, #tpu.memory_space<hbm>>
      tpu.wait_dma2 semaphore(%run_scoped3A : memref<!tpu.dma_semaphore, #tpu.memory_space<semaphore_mem>>) src(%dma_wait3A_128 : memref<3x128xi32, #tpu.memory_space<hbm>>) dst(%arg6 : memref<3x128xi32, #tpu.memory_space<vmem>>)
      tpu.yield
    }) : () -> ()
    %get3A = arith.constant 2 : i32
    %get3A_30 = arith.index_cast %get3A : i32 to index
    %get3A_31 = arith.constant 0 : index
    %get3A_32 = tpu.vector_load %arg6[%get3A_30, %get3A_31] {strides = array<i32>} : memref<3x128xi32, #tpu.memory_space<vmem>>, vector<16xi32>,
    %bitcast3A = vector.bitcast %get3A_32 : vector<16xi32> to vector<16xf32>
    %swap3A_33 = arith.constant 0 : index
    %swap3A_34 = tpu.vector_load %arg8[%swap3A_33] {strides = array<i32>} : memref<128xf32, #tpu.memory_space<vmem>>, vector<16xf32>,
    tpu.vector_store %arg8[%swap3A_33], %bitcast3A {strides = array<i32>} : memref<128xf32, #tpu.memory_space<vmem>>, vector<16xf32>,
    %get3A_35 = arith.constant 2 : i32
    %get3A_36 = arith.index_cast %get3A_35 : i32 to index
    %get3A_37 = arith.constant 16 : index
    %get3A_38 = tpu.vector_load %arg6[%get3A_36, %get3A_37] {strides = array<i32>} : memref<3x128xi32, #tpu.memory_space<vmem>>, vector<16xi32>,
    %bitcast3A_39 = vector.bitcast %get3A_38 : vector<16xi32> to vector<16xf32>
    %swap3A_40 = arith.constant 16 : index
    %swap3A_41 = tpu.vector_load %arg8[%swap3A_40] {strides = array<i32>} : memref<128xf32, #tpu.memory_space<vmem>>, vector<16xf32>,
    tpu.vector_store %arg8[%swap3A_40], %bitcast3A_39 {strides = array<i32>} : memref<128xf32, #tpu.memory_space<vmem>>, vector<16xf32>,
    %get3A_42 = arith.constant 2 : i32
    %get3A_43 = arith.index_cast %get3A_42 : i32 to index
    %get3A_44 = arith.constant 32 : index
    %get3A_45 = tpu.vector_load %arg6[%get3A_43, %get3A_44] {strides = array<i32>} : memref<3x128xi32, #tpu.memory_space<vmem>>, vector<16xi32>,
    %bitcast3A_46 = vector.bitcast %get3A_45 : vector<16xi32> to vector<16xf32>
    %swap3A_47 = arith.constant 32 : index
    %swap3A_48 = tpu.vector_load %arg8[%swap3A_47] {strides = array<i32>} : memref<128xf32, #tpu.memory_space<vmem>>, vector<16xf32>,
    tpu.vector_store %arg8[%swap3A_47], %bitcast3A_46 {strides = array<i32>} : memref<128xf32, #tpu.memory_space<vmem>>, vector<16xf32>,
    %get3A_49 = arith.constant 2 : i32
    %get3A_50 = arith.index_cast %get3A_49 : i32 to index
    %get3A_51 = arith.constant 48 : index
    %get3A_52 = tpu.vector_load %arg6[%get3A_50, %get3A_51] {strides = array<i32>} : memref<3x128xi32, #tpu.memory_space<vmem>>, vector<16xi32>,
    %bitcast3A_53 = vector.bitcast %get3A_52 : vector<16xi32> to vector<16xf32>
    %swap3A_54 = arith.constant 48 : index
    %swap3A_55 = tpu.vector_load %arg8[%swap3A_54] {strides = array<i32>} : memref<128xf32, #tpu.memory_space<vmem>>, vector<16xf32>,
    tpu.vector_store %arg8[%swap3A_54], %bitcast3A_53 {strides = array<i32>} : memref<128xf32, #tpu.memory_space<vmem>>, vector<16xf32>,
    %get3A_56 = arith.constant 2 : i32
    %get3A_57 = arith.index_cast %get3A_56 : i32 to index
    %get3A_58 = arith.constant 64 : index
    %get3A_59 = tpu.vector_load %arg6[%get3A_57, %get3A_58] {strides = array<i32>} : memref<3x128xi32, #tpu.memory_space<vmem>>, vector<16xi32>,
    %bitcast3A_60 = vector.bitcast %get3A_59 : vector<16xi32> to vector<16xf32>
    %swap3A_61 = arith.constant 64 : index
    %swap3A_62 = tpu.vector_load %arg8[%swap3A_61] {strides = array<i32>} : memref<128xf32, #tpu.memory_space<vmem>>, vector<16xf32>,
    tpu.vector_store %arg8[%swap3A_61], %bitcast3A_60 {strides = array<i32>} : memref<128xf32, #tpu.memory_space<vmem>>, vector<16xf32>,
    %get3A_63 = arith.constant 2 : i32
    %get3A_64 = arith.index_cast %get3A_63 : i32 to index
    %get3A_65 = arith.constant 80 : index
    %get3A_66 = tpu.vector_load %arg6[%get3A_64, %get3A_65] {strides = array<i32>} : memref<3x128xi32, #tpu.memory_space<vmem>>, vector<16xi32>,
    %bitcast3A_67 = vector.bitcast %get3A_66 : vector<16xi32> to vector<16xf32>
    %swap3A_68 = arith.constant 80 : index
    %swap3A_69 = tpu.vector_load %arg8[%swap3A_68] {strides = array<i32>} : memref<128xf32, #tpu.memory_space<vmem>>, vector<16xf32>,
    tpu.vector_store %arg8[%swap3A_68], %bitcast3A_67 {strides = array<i32>} : memref<128xf32, #tpu.memory_space<vmem>>, vector<16xf32>,
    %get3A_70 = arith.constant 2 : i32
    %get3A_71 = arith.index_cast %get3A_70 : i32 to index
    %get3A_72 = arith.constant 96 : index
    %get3A_73 = tpu.vector_load %arg6[%get3A_71, %get3A_72] {strides = array<i32>} : memref<3x128xi32, #tpu.memory_space<vmem>>, vector<16xi32>,
    %bitcast3A_74 = vector.bitcast %get3A_73 : vector<16xi32> to vector<16xf32>
    %swap3A_75 = arith.constant 96 : index
    %swap3A_76 = tpu.vector_load %arg8[%swap3A_75] {strides = array<i32>} : memref<128xf32, #tpu.memory_space<vmem>>, vector<16xf32>,
    tpu.vector_store %arg8[%swap3A_75], %bitcast3A_74 {strides = array<i32>} : memref<128xf32, #tpu.memory_space<vmem>>, vector<16xf32>,
    %get3A_77 = arith.constant 2 : i32
    %get3A_78 = arith.index_cast %get3A_77 : i32 to index
    %get3A_79 = arith.constant 112 : index
    %get3A_80 = tpu.vector_load %arg6[%get3A_78, %get3A_79] {strides = array<i32>} : memref<3x128xi32, #tpu.memory_space<vmem>>, vector<16xi32>,
    %bitcast3A_81 = vector.bitcast %get3A_80 : vector<16xi32> to vector<16xf32>
    %swap3A_82 = arith.constant 112 : index
    %swap3A_83 = tpu.vector_load %arg8[%swap3A_82] {strides = array<i32>} : memref<128xf32, #tpu.memory_space<vmem>>, vector<16xf32>,
    tpu.vector_store %arg8[%swap3A_82], %bitcast3A_81 {strides = array<i32>} : memref<128xf32, #tpu.memory_space<vmem>>, vector<16xf32>,
    %dma_start3A = arith.constant 0 : i32
    %dma_start3A_84 = arith.constant 0 : i32
    %dma_start3A_85 = tpu.memref_slice %arg6[%dma_start3A, %dma_start3A_84] : memref<3x128xi32, #tpu.memory_space<vmem>> -> memref<1x128xi32, #tpu.memory_space<vmem>>
    %dma_start3A_86 = tpu.memref_squeeze %dma_start3A_85 : memref<1x128xi32, #tpu.memory_space<vmem>> -> memref<128xi32, #tpu.memory_space<vmem>>
    %dma_start3A_87 = arith.constant 0 : i32
    %dma_start3A_88 = arith.constant 0 : i32
    %dma_start3A_89 = tpu.memref_slice %arg2[%dma_start3A_87, %dma_start3A_88] : memref<10240x128xf32, #tpu.memory_space<hbm>> -> memref<10240x128xf32, #tpu.memory_space<hbm>>
    tpu.enqueue_indirect_dma source(%dma_start3A_89 : memref<10240x128xf32, #tpu.memory_space<hbm>>) target(%arg10 : memref<128x128xf32, #tpu.memory_space<vmem>>) offsets(%dma_start3A_86 : memref<128xi32, #tpu.memory_space<vmem>>) semaphore(%arg14 : memref<!tpu.dma_semaphore, #tpu.memory_space<semaphore_mem>>)
    %scan3A_90 = arith.constant 0 : i32
    %scan3A_91 = arith.constant 40 : i32
    %scan3A_92 = arith.addi %scan3A_90, %scan3A_91 : i32
    %scan3A_93 = arith.constant 1 : i32
    scf.for %scan3A_113 = %scan3A_90 to %scan3A_92 step %scan3A_93  : i32 {
      %mul3A_114 = arith.constant 2 : i32
      %mul3A_115 = arith.muli %scan3A_113, %mul3A_114 : i32
      %add3A_116 = arith.constant 0 : i32
      %add3A_117 = arith.addi %add3A_116, %mul3A_115 : i32
      %dma_wait3A_118 = arith.constant 0 : i32
      %dma_wait3A_119 = arith.constant 0 : i32
      %dma_wait3A_120 = tpu.memref_slice %arg6[%dma_wait3A_118, %dma_wait3A_119] : memref<3x128xi32, #tpu.memory_space<vmem>> -> memref<1x128xi32, #tpu.memory_space<vmem>>
      %dma_wait3A_121 = tpu.memref_squeeze %dma_wait3A_120 : memref<1x128xi32, #tpu.memory_space<vmem>> -> memref<128xi32, #tpu.memory_space<vmem>>
      %dma_wait3A_122 = arith.constant 0 : i32
      %dma_wait3A_123 = arith.constant 0 : i32
      %dma_wait3A_124 = tpu.memref_slice %arg2[%dma_wait3A_122, %dma_wait3A_123] : memref<10240x128xf32, #tpu.memory_space<hbm>> -> memref<10240x128xf32, #tpu.memory_space<hbm>>
      tpu.wait_indirect_dma semaphore(%arg14 : memref<!tpu.dma_semaphore, #tpu.memory_space<semaphore_mem>>) src(%dma_wait3A_124 : memref<10240x128xf32, #tpu.memory_space<hbm>>) dst(%arg10 : memref<128x128xf32, #tpu.memory_space<vmem>>)
      %ge3A = arith.constant 2 : i32
      %ge3A_125 = arith.cmpi sge, %add3A_117, %ge3A : i32
      %convert_element_type3A = arith.extui %ge3A_125 : i1 to i32
      %cond3A = arith.constant 0 : i32
      %cond3A_126 = arith.cmpi ne, %convert_element_type3A, %cond3A : i32
      scf.if %cond3A_126 {
        %dma_wait3A_255 = arith.constant 1 : i32
        %dma_wait3A_256 = arith.constant 0 : i32
        %dma_wait3A_257 = tpu.memref_slice %arg7[%dma_wait3A_255, %dma_wait3A_256] : memref<3x128xi32, #tpu.memory_space<vmem>> -> memref<1x128xi32, #tpu.memory_space<vmem>>
        %dma_wait3A_258 = tpu.memref_squeeze %dma_wait3A_257 : memref<1x128xi32, #tpu.memory_space<vmem>> -> memref<128xi32, #tpu.memory_space<vmem>>
        %dma_wait3A_259 = arith.constant 0 : i32
        %dma_wait3A_260 = arith.constant 0 : i32
        %dma_wait3A_261 = tpu.memref_slice %arg12[%dma_wait3A_259, %dma_wait3A_260] : memref<10240x128xf32, #tpu.memory_space<vmem_shared>> -> memref<10240x128xf32, #tpu.memory_space<vmem_shared>>
        tpu.wait_indirect_dma semaphore(%arg17 : memref<!tpu.dma_semaphore, #tpu.memory_space<semaphore_mem>>) src(%arg11 : memref<128x128xf32, #tpu.memory_space<vmem>>) dst(%dma_wait3A_261 : memref<10240x128xf32, #tpu.memory_space<vmem_shared>>)
        %dma_wait3A_262 = arith.constant 1 : i32
        %dma_wait3A_263 = arith.constant 0 : i32
        %dma_wait3A_264 = tpu.memref_slice %arg7[%dma_wait3A_262, %dma_wait3A_263] : memref<3x128xi32, #tpu.memory_space<vmem>> -> memref<1x128xi32, #tpu.memory_space<vmem>>
        %dma_wait3A_265 = tpu.memref_squeeze %dma_wait3A_264 : memref<1x128xi32, #tpu.memory_space<vmem>> -> memref<128xi32, #tpu.memory_space<vmem>>
        %dma_wait3A_266 = arith.constant 0 : i32
        %dma_wait3A_267 = tpu.memref_slice %arg13[%dma_wait3A_266] : memref<10240xf32, #tpu.memory_space<vmem_shared>> -> memref<10240xf32, #tpu.memory_space<vmem_shared>>
        tpu.wait_indirect_dma semaphore(%arg17 : memref<!tpu.dma_semaphore, #tpu.memory_space<semaphore_mem>>) src(%arg9 : memref<128xf32, #tpu.memory_space<vmem>>) dst(%dma_wait3A_267 : memref<10240xf32, #tpu.memory_space<vmem_shared>>)
      } else {
      }
      %add3A_127 = arith.addi %mul3A_2, %add3A_117 : i32
      %add3A_128 = arith.constant 1 : i32
      %add3A_129 = arith.addi %add3A_127, %add3A_128 : i32
      "tpu.region"() ({
        %run_scoped3A = tpu.sem_alloc : memref<!tpu.dma_semaphore, #tpu.memory_space<semaphore_mem>>
        %dma_start3A_255 = arith.constant 0 : i32
        %dma_start3A_256 = arith.constant 0 : i32
        %dma_start3A_257 = tpu.memref_slice %arg3[%add3A_129, %dma_start3A_255, %dma_start3A_256] : memref<2560x3x128xi32, #tpu.memory_space<hbm>> -> memref<1x3x128xi32, #tpu.memory_space<hbm>>
        %dma_start3A_258 = tpu.memref_squeeze %dma_start3A_257 : memref<1x3x128xi32, #tpu.memory_space<hbm>> -> memref<3x128xi32, #tpu.memory_space<hbm>>
        %dma_start3A_259 = arith.constant 0 : i32
        %dma_start3A_260 = arith.constant 0 : i32
        %dma_start3A_261 = tpu.memref_slice %arg3[%add3A_129, %dma_start3A_259, %dma_start3A_260] : memref<2560x3x128xi32, #tpu.memory_space<hbm>> -> memref<1x3x128xi32, #tpu.memory_space<hbm>>
        %dma_start3A_262 = tpu.memref_squeeze %dma_start3A_261 : memref<1x3x128xi32, #tpu.memory_space<hbm>> -> memref<3x128xi32, #tpu.memory_space<hbm>>
        tpu.enqueue_dma source(%dma_start3A_262 : memref<3x128xi32, #tpu.memory_space<hbm>>) target(%arg7 : memref<3x128xi32, #tpu.memory_space<vmem>>) target_semaphore(%run_scoped3A : memref<!tpu.dma_semaphore, #tpu.memory_space<semaphore_mem>>)
        %dma_wait3A_263 = arith.constant 0 : i32
        %dma_wait3A_264 = arith.constant 0 : i32
        %dma_wait3A_265 = tpu.memref_slice %arg3[%add3A_129, %dma_wait3A_263, %dma_wait3A_264] : memref<2560x3x128xi32, #tpu.memory_space<hbm>> -> memref<1x3x128xi32, #tpu.memory_space<hbm>>
        %dma_wait3A_266 = tpu.memref_squeeze %dma_wait3A_265 : memref<1x3x128xi32, #tpu.memory_space<hbm>> -> memref<3x128xi32, #tpu.memory_space<hbm>>
        %dma_wait3A_267 = arith.constant 0 : i32
        %dma_wait3A_268 = arith.constant 0 : i32
        %dma_wait3A_269 = tpu.memref_slice %arg3[%add3A_129, %dma_wait3A_267, %dma_wait3A_268] : memref<2560x3x128xi32, #tpu.memory_space<hbm>> -> memref<1x3x128xi32, #tpu.memory_space<hbm>>
        %dma_wait3A_270 = tpu.memref_squeeze %dma_wait3A_269 : memref<1x3x128xi32, #tpu.memory_space<hbm>> -> memref<3x128xi32, #tpu.memory_space<hbm>>
        tpu.wait_dma2 semaphore(%run_scoped3A : memref<!tpu.dma_semaphore, #tpu.memory_space<semaphore_mem>>) src(%dma_wait3A_270 : memref<3x128xi32, #tpu.memory_space<hbm>>) dst(%arg7 : memref<3x128xi32, #tpu.memory_space<vmem>>)
        tpu.yield
      }) : () -> ()
      %get3A_130 = arith.constant 2 : i32
      %get3A_131 = arith.index_cast %get3A_130 : i32 to index
      %get3A_132 = arith.constant 0 : index
      %get3A_133 = tpu.vector_load %arg7[%get3A_131, %get3A_132] {strides = array<i32>} : memref<3x128xi32, #tpu.memory_space<vmem>>, vector<16xi32>,
      %bitcast3A_134 = vector.bitcast %get3A_133 : vector<16xi32> to vector<16xf32>
      %swap3A_135 = arith.constant 0 : index
      %swap3A_136 = tpu.vector_load %arg9[%swap3A_135] {strides = array<i32>} : memref<128xf32, #tpu.memory_space<vmem>>, vector<16xf32>,
      tpu.vector_store %arg9[%swap3A_135], %bitcast3A_134 {strides = array<i32>} : memref<128xf32, #tpu.memory_space<vmem>>, vector<16xf32>,
      %get3A_137 = arith.constant 2 : i32
      %get3A_138 = arith.index_cast %get3A_137 : i32 to index
      %get3A_139 = arith.constant 16 : index
      %get3A_140 = tpu.vector_load %arg7[%get3A_138, %get3A_139] {strides = array<i32>} : memref<3x128xi32, #tpu.memory_space<vmem>>, vector<16xi32>,
      %bitcast3A_141 = vector.bitcast %get3A_140 : vector<16xi32> to vector<16xf32>
      %swap3A_142 = arith.constant 16 : index
      %swap3A_143 = tpu.vector_load %arg9[%swap3A_142] {strides = array<i32>} : memref<128xf32, #tpu.memory_space<vmem>>, vector<16xf32>,
      tpu.vector_store %arg9[%swap3A_142], %bitcast3A_141 {strides = array<i32>} : memref<128xf32, #tpu.memory_space<vmem>>, vector<16xf32>,
      %get3A_144 = arith.constant 2 : i32
      %get3A_145 = arith.index_cast %get3A_144 : i32 to index
      %get3A_146 = arith.constant 32 : index
      %get3A_147 = tpu.vector_load %arg7[%get3A_145, %get3A_146] {strides = array<i32>} : memref<3x128xi32, #tpu.memory_space<vmem>>, vector<16xi32>,
      %bitcast3A_148 = vector.bitcast %get3A_147 : vector<16xi32> to vector<16xf32>
      %swap3A_149 = arith.constant 32 : index
      %swap3A_150 = tpu.vector_load %arg9[%swap3A_149] {strides = array<i32>} : memref<128xf32, #tpu.memory_space<vmem>>, vector<16xf32>,
      tpu.vector_store %arg9[%swap3A_149], %bitcast3A_148 {strides = array<i32>} : memref<128xf32, #tpu.memory_space<vmem>>, vector<16xf32>,
      %get3A_151 = arith.constant 2 : i32
      %get3A_152 = arith.index_cast %get3A_151 : i32 to index
      %get3A_153 = arith.constant 48 : index
      %get3A_154 = tpu.vector_load %arg7[%get3A_152, %get3A_153] {strides = array<i32>} : memref<3x128xi32, #tpu.memory_space<vmem>>, vector<16xi32>,
      %bitcast3A_155 = vector.bitcast %get3A_154 : vector<16xi32> to vector<16xf32>
      %swap3A_156 = arith.constant 48 : index
      %swap3A_157 = tpu.vector_load %arg9[%swap3A_156] {strides = array<i32>} : memref<128xf32, #tpu.memory_space<vmem>>, vector<16xf32>,
      tpu.vector_store %arg9[%swap3A_156], %bitcast3A_155 {strides = array<i32>} : memref<128xf32, #tpu.memory_space<vmem>>, vector<16xf32>,
      %get3A_158 = arith.constant 2 : i32
      %get3A_159 = arith.index_cast %get3A_158 : i32 to index
      %get3A_160 = arith.constant 64 : index
      %get3A_161 = tpu.vector_load %arg7[%get3A_159, %get3A_160] {strides = array<i32>} : memref<3x128xi32, #tpu.memory_space<vmem>>, vector<16xi32>,
      %bitcast3A_162 = vector.bitcast %get3A_161 : vector<16xi32> to vector<16xf32>
      %swap3A_163 = arith.constant 64 : index
      %swap3A_164 = tpu.vector_load %arg9[%swap3A_163] {strides = array<i32>} : memref<128xf32, #tpu.memory_space<vmem>>, vector<16xf32>,
      tpu.vector_store %arg9[%swap3A_163], %bitcast3A_162 {strides = array<i32>} : memref<128xf32, #tpu.memory_space<vmem>>, vector<16xf32>,
      %get3A_165 = arith.constant 2 : i32
      %get3A_166 = arith.index_cast %get3A_165 : i32 to index
      %get3A_167 = arith.constant 80 : index
      %get3A_168 = tpu.vector_load %arg7[%get3A_166, %get3A_167] {strides = array<i32>} : memref<3x128xi32, #tpu.memory_space<vmem>>, vector<16xi32>,
      %bitcast3A_169 = vector.bitcast %get3A_168 : vector<16xi32> to vector<16xf32>
      %swap3A_170 = arith.constant 80 : index
      %swap3A_171 = tpu.vector_load %arg9[%swap3A_170] {strides = array<i32>} : memref<128xf32, #tpu.memory_space<vmem>>, vector<16xf32>,
      tpu.vector_store %arg9[%swap3A_170], %bitcast3A_169 {strides = array<i32>} : memref<128xf32, #tpu.memory_space<vmem>>, vector<16xf32>,
      %get3A_172 = arith.constant 2 : i32
      %get3A_173 = arith.index_cast %get3A_172 : i32 to index
      %get3A_174 = arith.constant 96 : index
      %get3A_175 = tpu.vector_load %arg7[%get3A_173, %get3A_174] {strides = array<i32>} : memref<3x128xi32, #tpu.memory_space<vmem>>, vector<16xi32>,
      %bitcast3A_176 = vector.bitcast %get3A_175 : vector<16xi32> to vector<16xf32>
      %swap3A_177 = arith.constant 96 : index
      %swap3A_178 = tpu.vector_load %arg9[%swap3A_177] {strides = array<i32>} : memref<128xf32, #tpu.memory_space<vmem>>, vector<16xf32>,
      tpu.vector_store %arg9[%swap3A_177], %bitcast3A_176 {strides = array<i32>} : memref<128xf32, #tpu.memory_space<vmem>>, vector<16xf32>,
      %get3A_179 = arith.constant 2 : i32
      %get3A_180 = arith.index_cast %get3A_179 : i32 to index
      %get3A_181 = arith.constant 112 : index
      %get3A_182 = tpu.vector_load %arg7[%get3A_180, %get3A_181] {strides = array<i32>} : memref<3x128xi32, #tpu.memory_space<vmem>>, vector<16xi32>,
      %bitcast3A_183 = vector.bitcast %get3A_182 : vector<16xi32> to vector<16xf32>
      %swap3A_184 = arith.constant 112 : index
      %swap3A_185 = tpu.vector_load %arg9[%swap3A_184] {strides = array<i32>} : memref<128xf32, #tpu.memory_space<vmem>>, vector<16xf32>,
      tpu.vector_store %arg9[%swap3A_184], %bitcast3A_183 {strides = array<i32>} : memref<128xf32, #tpu.memory_space<vmem>>, vector<16xf32>,
      %dma_start3A_186 = arith.constant 0 : i32
      %dma_start3A_187 = arith.constant 0 : i32
      %dma_start3A_188 = tpu.memref_slice %arg7[%dma_start3A_186, %dma_start3A_187] : memref<3x128xi32, #tpu.memory_space<vmem>> -> memref<1x128xi32, #tpu.memory_space<vmem>>
      %dma_start3A_189 = tpu.memref_squeeze %dma_start3A_188 : memref<1x128xi32, #tpu.memory_space<vmem>> -> memref<128xi32, #tpu.memory_space<vmem>>
      %dma_start3A_190 = arith.constant 0 : i32
      %dma_start3A_191 = arith.constant 0 : i32
      %dma_start3A_192 = tpu.memref_slice %arg2[%dma_start3A_190, %dma_start3A_191] : memref<10240x128xf32, #tpu.memory_space<hbm>> -> memref<10240x128xf32, #tpu.memory_space<hbm>>
      tpu.enqueue_indirect_dma source(%dma_start3A_192 : memref<10240x128xf32, #tpu.memory_space<hbm>>) target(%arg11 : memref<128x128xf32, #tpu.memory_space<vmem>>) offsets(%dma_start3A_189 : memref<128xi32, #tpu.memory_space<vmem>>) semaphore(%arg15 : memref<!tpu.dma_semaphore, #tpu.memory_space<semaphore_mem>>)
      %scan3A_193 = arith.constant 0 : i32
      %scan3A_194 = arith.constant 128 : i32
      %scan3A_195 = arith.addi %scan3A_193, %scan3A_194 : i32
      %scan3A_196 = arith.constant 1 : i32
      scf.for %scan3A_255 = %scan3A_193 to %scan3A_195 step %scan3A_196  : i32 {
        %mul3A_256 = arith.constant 1 : i32
        %mul3A_257 = arith.muli %scan3A_255, %mul3A_256 : i32
        %add3A_258 = arith.constant 0 : i32
        %add3A_259 = arith.addi %add3A_258, %mul3A_257 : i32
        %broadcast_in_dim3A_260 = vector.broadcast %add3A_259 : i32 to vector<16xi32>
        %gather3A = tpu.vector_load_idx %arg8[%broadcast_in_dim3A_260] : memref<128xf32, #tpu.memory_space<vmem>>[vector<16xi32>], vector<16xf32>,
        %get3A_261 = arith.index_cast %add3A_259 : i32 to index
        %get3A_262 = arith.constant 0 : index
        %get3A_263 = tpu.vector_load %arg10[%get3A_261, %get3A_262] {strides = array<i32>} : memref<128x128xf32, #tpu.memory_space<vmem>>, vector<16xf32>,
        %mul3A_264 = arith.mulf %get3A_263, %gather3A : vector<16xf32>
        %swap3A_265 = arith.index_cast %add3A_259 : i32 to index
        %swap3A_266 = arith.constant 0 : index
        %swap3A_267 = tpu.vector_load %arg10[%swap3A_265, %swap3A_266] {strides = array<i32>} : memref<128x128xf32, #tpu.memory_space<vmem>>, vector<16xf32>,
        tpu.vector_store %arg10[%swap3A_265, %swap3A_266], %mul3A_264 {strides = array<i32>} : memref<128x128xf32, #tpu.memory_space<vmem>>, vector<16xf32>,
        %get3A_268 = arith.index_cast %add3A_259 : i32 to index
        %get3A_269 = arith.constant 16 : index
        %get3A_270 = tpu.vector_load %arg10[%get3A_268, %get3A_269] {strides = array<i32>} : memref<128x128xf32, #tpu.memory_space<vmem>>, vector<16xf32>,
        %mul3A_271 = arith.mulf %get3A_270, %gather3A : vector<16xf32>
        %swap3A_272 = arith.index_cast %add3A_259 : i32 to index
        %swap3A_273 = arith.constant 16 : index
        %swap3A_274 = tpu.vector_load %arg10[%swap3A_272, %swap3A_273] {strides = array<i32>} : memref<128x128xf32, #tpu.memory_space<vmem>>, vector<16xf32>,
        tpu.vector_store %arg10[%swap3A_272, %swap3A_273], %mul3A_271 {strides = array<i32>} : memref<128x128xf32, #tpu.memory_space<vmem>>, vector<16xf32>,
        %get3A_275 = arith.index_cast %add3A_259 : i32 to index
        %get3A_276 = arith.constant 32 : index
        %get3A_277 = tpu.vector_load %arg10[%get3A_275, %get3A_276] {strides = array<i32>} : memref<128x128xf32, #tpu.memory_space<vmem>>, vector<16xf32>,
        %mul3A_278 = arith.mulf %get3A_277, %gather3A : vector<16xf32>
        %swap3A_279 = arith.index_cast %add3A_259 : i32 to index
        %swap3A_280 = arith.constant 32 : index
        %swap3A_281 = tpu.vector_load %arg10[%swap3A_279, %swap3A_280] {strides = array<i32>} : memref<128x128xf32, #tpu.memory_space<vmem>>, vector<16xf32>,
        tpu.vector_store %arg10[%swap3A_279, %swap3A_280], %mul3A_278 {strides = array<i32>} : memref<128x128xf32, #tpu.memory_space<vmem>>, vector<16xf32>,
        %get3A_282 = arith.index_cast %add3A_259 : i32 to index
        %get3A_283 = arith.constant 48 : index
        %get3A_284 = tpu.vector_load %arg10[%get3A_282, %get3A_283] {strides = array<i32>} : memref<128x128xf32, #tpu.memory_space<vmem>>, vector<16xf32>,
        %mul3A_285 = arith.mulf %get3A_284, %gather3A : vector<16xf32>
        %swap3A_286 = arith.index_cast %add3A_259 : i32 to index
        %swap3A_287 = arith.constant 48 : index
        %swap3A_288 = tpu.vector_load %arg10[%swap3A_286, %swap3A_287] {strides = array<i32>} : memref<128x128xf32, #tpu.memory_space<vmem>>, vector<16xf32>,
        tpu.vector_store %arg10[%swap3A_286, %swap3A_287], %mul3A_285 {strides = array<i32>} : memref<128x128xf32, #tpu.memory_space<vmem>>, vector<16xf32>,
        %get3A_289 = arith.index_cast %add3A_259 : i32 to index
        %get3A_290 = arith.constant 64 : index
        %get3A_291 = tpu.vector_load %arg10[%get3A_289, %get3A_290] {strides = array<i32>} : memref<128x128xf32, #tpu.memory_space<vmem>>, vector<16xf32>,
        %mul3A_292 = arith.mulf %get3A_291, %gather3A : vector<16xf32>
        %swap3A_293 = arith.index_cast %add3A_259 : i32 to index
        %swap3A_294 = arith.constant 64 : index
        %swap3A_295 = tpu.vector_load %arg10[%swap3A_293, %swap3A_294] {strides = array<i32>} : memref<128x128xf32, #tpu.memory_space<vmem>>, vector<16xf32>,
        tpu.vector_store %arg10[%swap3A_293, %swap3A_294], %mul3A_292 {strides = array<i32>} : memref<128x128xf32, #tpu.memory_space<vmem>>, vector<16xf32>,
        %get3A_296 = arith.index_cast %add3A_259 : i32 to index
        %get3A_297 = arith.constant 80 : index
        %get3A_298 = tpu.vector_load %arg10[%get3A_296, %get3A_297] {strides = array<i32>} : memref<128x128xf32, #tpu.memory_space<vmem>>, vector<16xf32>,
        %mul3A_299 = arith.mulf %get3A_298, %gather3A : vector<16xf32>
        %swap3A_300 = arith.index_cast %add3A_259 : i32 to index
        %swap3A_301 = arith.constant 80 : index
        %swap3A_302 = tpu.vector_load %arg10[%swap3A_300, %swap3A_301] {strides = array<i32>} : memref<128x128xf32, #tpu.memory_space<vmem>>, vector<16xf32>,
        tpu.vector_store %arg10[%swap3A_300, %swap3A_301], %mul3A_299 {strides = array<i32>} : memref<128x128xf32, #tpu.memory_space<vmem>>, vector<16xf32>,
        %get3A_303 = arith.index_cast %add3A_259 : i32 to index
        %get3A_304 = arith.constant 96 : index
        %get3A_305 = tpu.vector_load %arg10[%get3A_303, %get3A_304] {strides = array<i32>} : memref<128x128xf32, #tpu.memory_space<vmem>>, vector<16xf32>,
        %mul3A_306 = arith.mulf %get3A_305, %gather3A : vector<16xf32>
        %swap3A_307 = arith.index_cast %add3A_259 : i32 to index
        %swap3A_308 = arith.constant 96 : index
        %swap3A_309 = tpu.vector_load %arg10[%swap3A_307, %swap3A_308] {strides = array<i32>} : memref<128x128xf32, #tpu.memory_space<vmem>>, vector<16xf32>,
        tpu.vector_store %arg10[%swap3A_307, %swap3A_308], %mul3A_306 {strides = array<i32>} : memref<128x128xf32, #tpu.memory_space<vmem>>, vector<16xf32>,
        %get3A_310 = arith.index_cast %add3A_259 : i32 to index
        %get3A_311 = arith.constant 112 : index
        %get3A_312 = tpu.vector_load %arg10[%get3A_310, %get3A_311] {strides = array<i32>} : memref<128x128xf32, #tpu.memory_space<vmem>>, vector<16xf32>,
        %mul3A_313 = arith.mulf %get3A_312, %gather3A : vector<16xf32>
        %swap3A_314 = arith.index_cast %add3A_259 : i32 to index
        %swap3A_315 = arith.constant 112 : index
        %swap3A_316 = tpu.vector_load %arg10[%swap3A_314, %swap3A_315] {strides = array<i32>} : memref<128x128xf32, #tpu.memory_space<vmem>>, vector<16xf32>,
        tpu.vector_store %arg10[%swap3A_314, %swap3A_315], %mul3A_313 {strides = array<i32>} : memref<128x128xf32, #tpu.memory_space<vmem>>, vector<16xf32>,
      }
      %scan3A_197 = arith.constant 128 : i32
      %dma_start3A_198 = arith.constant 1 : i32
      %dma_start3A_199 = arith.constant 0 : i32
      %dma_start3A_200 = tpu.memref_slice %arg6[%dma_start3A_198, %dma_start3A_199] : memref<3x128xi32, #tpu.memory_space<vmem>> -> memref<1x128xi32, #tpu.memory_space<vmem>>
      %dma_start3A_201 = tpu.memref_squeeze %dma_start3A_200 : memref<1x128xi32, #tpu.memory_space<vmem>> -> memref<128xi32, #tpu.memory_space<vmem>>
      %dma_start3A_202 = arith.constant 0 : i32
      %dma_start3A_203 = arith.constant 0 : i32
      %dma_start3A_204 = tpu.memref_slice %arg12[%dma_start3A_202, %dma_start3A_203] : memref<10240x128xf32, #tpu.memory_space<vmem_shared>> -> memref<10240x128xf32, #tpu.memory_space<vmem_shared>>
      tpu.enqueue_indirect_dma source(%arg10 : memref<128x128xf32, #tpu.memory_space<vmem>>) target(%dma_start3A_204 : memref<10240x128xf32, #tpu.memory_space<vmem_shared>>) offsets(%dma_start3A_201 : memref<128xi32, #tpu.memory_space<vmem>>) semaphore(%arg16 : memref<!tpu.dma_semaphore, #tpu.memory_space<semaphore_mem>>) {add = true}
      %dma_start3A_205 = arith.constant 1 : i32
      %dma_start3A_206 = arith.constant 0 : i32
      %dma_start3A_207 = tpu.memref_slice %arg6[%dma_start3A_205, %dma_start3A_206] : memref<3x128xi32, #tpu.memory_space<vmem>> -> memref<1x128xi32, #tpu.memory_space<vmem>>
      %dma_start3A_208 = tpu.memref_squeeze %dma_start3A_207 : memref<1x128xi32, #tpu.memory_space<vmem>> -> memref<128xi32, #tpu.memory_space<vmem>>
      %dma_start3A_209 = arith.constant 0 : i32
      %dma_start3A_210 = tpu.memref_slice %arg13[%dma_start3A_209] : memref<10240xf32, #tpu.memory_space<vmem_shared>> -> memref<10240xf32, #tpu.memory_space<vmem_shared>>
      tpu.enqueue_indirect_dma source(%arg8 : memref<128xf32, #tpu.memory_space<vmem>>) target(%dma_start3A_210 : memref<10240xf32, #tpu.memory_space<vmem_shared>>) offsets(%dma_start3A_208 : memref<128xi32, #tpu.memory_space<vmem>>) semaphore(%arg16 : memref<!tpu.dma_semaphore, #tpu.memory_space<semaphore_mem>>) {add = true}
      %dma_wait3A_211 = arith.constant 0 : i32
      %dma_wait3A_212 = arith.constant 0 : i32
      %dma_wait3A_213 = tpu.memref_slice %arg7[%dma_wait3A_211, %dma_wait3A_212] : memref<3x128xi32, #tpu.memory_space<vmem>> -> memref<1x128xi32, #tpu.memory_space<vmem>>
      %dma_wait3A_214 = tpu.memref_squeeze %dma_wait3A_213 : memref<1x128xi32, #tpu.memory_space<vmem>> -> memref<128xi32, #tpu.memory_space<vmem>>
      %dma_wait3A_215 = arith.constant 0 : i32
      %dma_wait3A_216 = arith.constant 0 : i32
      %dma_wait3A_217 = tpu.memref_slice %arg2[%dma_wait3A_215, %dma_wait3A_216] : memref<10240x128xf32, #tpu.memory_space<hbm>> -> memref<10240x128xf32, #tpu.memory_space<hbm>>
      tpu.wait_indirect_dma semaphore(%arg15 : memref<!tpu.dma_semaphore, #tpu.memory_space<semaphore_mem>>) src(%dma_wait3A_217 : memref<10240x128xf32, #tpu.memory_space<hbm>>) dst(%arg11 : memref<128x128xf32, #tpu.memory_space<vmem>>)
      %dma_wait3A_218 = arith.constant 1 : i32
      %dma_wait3A_219 = arith.constant 0 : i32
      %dma_wait3A_220 = tpu.memref_slice %arg6[%dma_wait3A_218, %dma_wait3A_219] : memref<3x128xi32, #tpu.memory_space<vmem>> -> memref<1x128xi32, #tpu.memory_space<vmem>>
      %dma_wait3A_221 = tpu.memref_squeeze %dma_wait3A_220 : memref<1x128xi32, #tpu.memory_space<vmem>> -> memref<128xi32, #tpu.memory_space<vmem>>
      %dma_wait3A_222 = arith.constant 0 : i32
      %dma_wait3A_223 = arith.constant 0 : i32
      %dma_wait3A_224 = tpu.memref_slice %arg12[%dma_wait3A_222, %dma_wait3A_223] : memref<10240x128xf32, #tpu.memory_space<vmem_shared>> -> memref<10240x128xf32, #tpu.memory_space<vmem_shared>>
      tpu.wait_indirect_dma semaphore(%arg16 : memref<!tpu.dma_semaphore, #tpu.memory_space<semaphore_mem>>) src(%arg10 : memref<128x128xf32, #tpu.memory_space<vmem>>) dst(%dma_wait3A_224 : memref<10240x128xf32, #tpu.memory_space<vmem_shared>>)
      %dma_wait3A_225 = arith.constant 1 : i32
      %dma_wait3A_226 = arith.constant 0 : i32
      %dma_wait3A_227 = tpu.memref_slice %arg6[%dma_wait3A_225, %dma_wait3A_226] : memref<3x128xi32, #tpu.memory_space<vmem>> -> memref<1x128xi32, #tpu.memory_space<vmem>>
      %dma_wait3A_228 = tpu.memref_squeeze %dma_wait3A_227 : memref<1x128xi32, #tpu.memory_space<vmem>> -> memref<128xi32, #tpu.memory_space<vmem>>
      %dma_wait3A_229 = arith.constant 0 : i32
      %dma_wait3A_230 = tpu.memref_slice %arg13[%dma_wait3A_229] : memref<10240xf32, #tpu.memory_space<vmem_shared>> -> memref<10240xf32, #tpu.memory_space<vmem_shared>>
      tpu.wait_indirect_dma semaphore(%arg16 : memref<!tpu.dma_semaphore, #tpu.memory_space<semaphore_mem>>) src(%arg8 : memref<128xf32, #tpu.memory_space<vmem>>) dst(%dma_wait3A_230 : memref<10240xf32, #tpu.memory_space<vmem_shared>>)
      %add3A_231 = arith.constant 2 : i32
      %add3A_232 = arith.addi %add3A_117, %add3A_231 : i32
      %lt3A = arith.constant 80 : i32
      %lt3A_233 = arith.cmpi slt, %add3A_232, %lt3A : i32
      %convert_element_type3A_234 = arith.extui %lt3A_233 : i1 to i32
      %cond3A_235 = arith.constant 0 : i32
      %cond3A_236 = arith.cmpi ne, %convert_element_type3A_234, %cond3A_235 : i32
      scf.if %cond3A_236 {
        %add3A_255 = arith.addi %mul3A_2, %add3A_117 : i32
        %add3A_256 = arith.constant 2 : i32
        %add3A_257 = arith.addi %add3A_255, %add3A_256 : i32
        "tpu.region"() ({
          %run_scoped3A = tpu.sem_alloc : memref<!tpu.dma_semaphore, #tpu.memory_space<semaphore_mem>>
          %dma_start3A_321 = arith.constant 0 : i32
          %dma_start3A_322 = arith.constant 0 : i32
          %dma_start3A_323 = tpu.memref_slice %arg3[%add3A_257, %dma_start3A_321, %dma_start3A_322] : memref<2560x3x128xi32, #tpu.memory_space<hbm>> -> memref<1x3x128xi32, #tpu.memory_space<hbm>>
          %dma_start3A_324 = tpu.memref_squeeze %dma_start3A_323 : memref<1x3x128xi32, #tpu.memory_space<hbm>> -> memref<3x128xi32, #tpu.memory_space<hbm>>
          %dma_start3A_325 = arith.constant 0 : i32
          %dma_start3A_326 = arith.constant 0 : i32
          %dma_start3A_327 = tpu.memref_slice %arg3[%add3A_257, %dma_start3A_325, %dma_start3A_326] : memref<2560x3x128xi32, #tpu.memory_space<hbm>> -> memref<1x3x128xi32, #tpu.memory_space<hbm>>
          %dma_start3A_328 = tpu.memref_squeeze %dma_start3A_327 : memref<1x3x128xi32, #tpu.memory_space<hbm>> -> memref<3x128xi32, #tpu.memory_space<hbm>>
          tpu.enqueue_dma source(%dma_start3A_328 : memref<3x128xi32, #tpu.memory_space<hbm>>) target(%arg6 : memref<3x128xi32, #tpu.memory_space<vmem>>) target_semaphore(%run_scoped3A : memref<!tpu.dma_semaphore, #tpu.memory_space<semaphore_mem>>)
          %dma_wait3A_329 = arith.constant 0 : i32
          %dma_wait3A_330 = arith.constant 0 : i32
          %dma_wait3A_331 = tpu.memref_slice %arg3[%add3A_257, %dma_wait3A_329, %dma_wait3A_330] : memref<2560x3x128xi32, #tpu.memory_space<hbm>> -> memref<1x3x128xi32, #tpu.memory_space<hbm>>
          %dma_wait3A_332 = tpu.memref_squeeze %dma_wait3A_331 : memref<1x3x128xi32, #tpu.memory_space<hbm>> -> memref<3x128xi32, #tpu.memory_space<hbm>>
          %dma_wait3A_333 = arith.constant 0 : i32
          %dma_wait3A_334 = arith.constant 0 : i32
          %dma_wait3A_335 = tpu.memref_slice %arg3[%add3A_257, %dma_wait3A_333, %dma_wait3A_334] : memref<2560x3x128xi32, #tpu.memory_space<hbm>> -> memref<1x3x128xi32, #tpu.memory_space<hbm>>
          %dma_wait3A_336 = tpu.memref_squeeze %dma_wait3A_335 : memref<1x3x128xi32, #tpu.memory_space<hbm>> -> memref<3x128xi32, #tpu.memory_space<hbm>>
          tpu.wait_dma2 semaphore(%run_scoped3A : memref<!tpu.dma_semaphore, #tpu.memory_space<semaphore_mem>>) src(%dma_wait3A_336 : memref<3x128xi32, #tpu.memory_space<hbm>>) dst(%arg6 : memref<3x128xi32, #tpu.memory_space<vmem>>)
          tpu.yield
        }) : () -> ()
        %get3A_258 = arith.constant 2 : i32
        %get3A_259 = arith.index_cast %get3A_258 : i32 to index
        %get3A_260 = arith.constant 0 : index
        %get3A_261 = tpu.vector_load %arg6[%get3A_259, %get3A_260] {strides = array<i32>} : memref<3x128xi32, #tpu.memory_space<vmem>>, vector<16xi32>,
        %bitcast3A_262 = vector.bitcast %get3A_261 : vector<16xi32> to vector<16xf32>
        %swap3A_263 = arith.constant 0 : index
        %swap3A_264 = tpu.vector_load %arg8[%swap3A_263] {strides = array<i32>} : memref<128xf32, #tpu.memory_space<vmem>>, vector<16xf32>,
        tpu.vector_store %arg8[%swap3A_263], %bitcast3A_262 {strides = array<i32>} : memref<128xf32, #tpu.memory_space<vmem>>, vector<16xf32>,
        %get3A_265 = arith.constant 2 : i32
        %get3A_266 = arith.index_cast %get3A_265 : i32 to index
        %get3A_267 = arith.constant 16 : index
        %get3A_268 = tpu.vector_load %arg6[%get3A_266, %get3A_267] {strides = array<i32>} : memref<3x128xi32, #tpu.memory_space<vmem>>, vector<16xi32>,
        %bitcast3A_269 = vector.bitcast %get3A_268 : vector<16xi32> to vector<16xf32>
        %swap3A_270 = arith.constant 16 : index
        %swap3A_271 = tpu.vector_load %arg8[%swap3A_270] {strides = array<i32>} : memref<128xf32, #tpu.memory_space<vmem>>, vector<16xf32>,
        tpu.vector_store %arg8[%swap3A_270], %bitcast3A_269 {strides = array<i32>} : memref<128xf32, #tpu.memory_space<vmem>>, vector<16xf32>,
        %get3A_272 = arith.constant 2 : i32
        %get3A_273 = arith.index_cast %get3A_272 : i32 to index
        %get3A_274 = arith.constant 32 : index
        %get3A_275 = tpu.vector_load %arg6[%get3A_273, %get3A_274] {strides = array<i32>} : memref<3x128xi32, #tpu.memory_space<vmem>>, vector<16xi32>,
        %bitcast3A_276 = vector.bitcast %get3A_275 : vector<16xi32> to vector<16xf32>
        %swap3A_277 = arith.constant 32 : index
        %swap3A_278 = tpu.vector_load %arg8[%swap3A_277] {strides = array<i32>} : memref<128xf32, #tpu.memory_space<vmem>>, vector<16xf32>,
        tpu.vector_store %arg8[%swap3A_277], %bitcast3A_276 {strides = array<i32>} : memref<128xf32, #tpu.memory_space<vmem>>, vector<16xf32>,
        %get3A_279 = arith.constant 2 : i32
        %get3A_280 = arith.index_cast %get3A_279 : i32 to index
        %get3A_281 = arith.constant 48 : index
        %get3A_282 = tpu.vector_load %arg6[%get3A_280, %get3A_281] {strides = array<i32>} : memref<3x128xi32, #tpu.memory_space<vmem>>, vector<16xi32>,
        %bitcast3A_283 = vector.bitcast %get3A_282 : vector<16xi32> to vector<16xf32>
        %swap3A_284 = arith.constant 48 : index
        %swap3A_285 = tpu.vector_load %arg8[%swap3A_284] {strides = array<i32>} : memref<128xf32, #tpu.memory_space<vmem>>, vector<16xf32>,
        tpu.vector_store %arg8[%swap3A_284], %bitcast3A_283 {strides = array<i32>} : memref<128xf32, #tpu.memory_space<vmem>>, vector<16xf32>,
        %get3A_286 = arith.constant 2 : i32
        %get3A_287 = arith.index_cast %get3A_286 : i32 to index
        %get3A_288 = arith.constant 64 : index
        %get3A_289 = tpu.vector_load %arg6[%get3A_287, %get3A_288] {strides = array<i32>} : memref<3x128xi32, #tpu.memory_space<vmem>>, vector<16xi32>,
        %bitcast3A_290 = vector.bitcast %get3A_289 : vector<16xi32> to vector<16xf32>
        %swap3A_291 = arith.constant 64 : index
        %swap3A_292 = tpu.vector_load %arg8[%swap3A_291] {strides = array<i32>} : memref<128xf32, #tpu.memory_space<vmem>>, vector<16xf32>,
        tpu.vector_store %arg8[%swap3A_291], %bitcast3A_290 {strides = array<i32>} : memref<128xf32, #tpu.memory_space<vmem>>, vector<16xf32>,
        %get3A_293 = arith.constant 2 : i32
        %get3A_294 = arith.index_cast %get3A_293 : i32 to index
        %get3A_295 = arith.constant 80 : index
        %get3A_296 = tpu.vector_load %arg6[%get3A_294, %get3A_295] {strides = array<i32>} : memref<3x128xi32, #tpu.memory_space<vmem>>, vector<16xi32>,
        %bitcast3A_297 = vector.bitcast %get3A_296 : vector<16xi32> to vector<16xf32>
        %swap3A_298 = arith.constant 80 : index
        %swap3A_299 = tpu.vector_load %arg8[%swap3A_298] {strides = array<i32>} : memref<128xf32, #tpu.memory_space<vmem>>, vector<16xf32>,
        tpu.vector_store %arg8[%swap3A_298], %bitcast3A_297 {strides = array<i32>} : memref<128xf32, #tpu.memory_space<vmem>>, vector<16xf32>,
        %get3A_300 = arith.constant 2 : i32
        %get3A_301 = arith.index_cast %get3A_300 : i32 to index
        %get3A_302 = arith.constant 96 : index
        %get3A_303 = tpu.vector_load %arg6[%get3A_301, %get3A_302] {strides = array<i32>} : memref<3x128xi32, #tpu.memory_space<vmem>>, vector<16xi32>,
        %bitcast3A_304 = vector.bitcast %get3A_303 : vector<16xi32> to vector<16xf32>
        %swap3A_305 = arith.constant 96 : index
        %swap3A_306 = tpu.vector_load %arg8[%swap3A_305] {strides = array<i32>} : memref<128xf32, #tpu.memory_space<vmem>>, vector<16xf32>,
        tpu.vector_store %arg8[%swap3A_305], %bitcast3A_304 {strides = array<i32>} : memref<128xf32, #tpu.memory_space<vmem>>, vector<16xf32>,
        %get3A_307 = arith.constant 2 : i32
        %get3A_308 = arith.index_cast %get3A_307 : i32 to index
        %get3A_309 = arith.constant 112 : index
        %get3A_310 = tpu.vector_load %arg6[%get3A_308, %get3A_309] {strides = array<i32>} : memref<3x128xi32, #tpu.memory_space<vmem>>, vector<16xi32>,
        %bitcast3A_311 = vector.bitcast %get3A_310 : vector<16xi32> to vector<16xf32>
        %swap3A_312 = arith.constant 112 : index
        %swap3A_313 = tpu.vector_load %arg8[%swap3A_312] {strides = array<i32>} : memref<128xf32, #tpu.memory_space<vmem>>, vector<16xf32>,
        tpu.vector_store %arg8[%swap3A_312], %bitcast3A_311 {strides = array<i32>} : memref<128xf32, #tpu.memory_space<vmem>>, vector<16xf32>,
        %dma_start3A_314 = arith.constant 0 : i32
        %dma_start3A_315 = arith.constant 0 : i32
        %dma_start3A_316 = tpu.memref_slice %arg6[%dma_start3A_314, %dma_start3A_315] : memref<3x128xi32, #tpu.memory_space<vmem>> -> memref<1x128xi32, #tpu.memory_space<vmem>>
        %dma_start3A_317 = tpu.memref_squeeze %dma_start3A_316 : memref<1x128xi32, #tpu.memory_space<vmem>> -> memref<128xi32, #tpu.memory_space<vmem>>
        %dma_start3A_318 = arith.constant 0 : i32
        %dma_start3A_319 = arith.constant 0 : i32
        %dma_start3A_320 = tpu.memref_slice %arg2[%dma_start3A_318, %dma_start3A_319] : memref<10240x128xf32, #tpu.memory_space<hbm>> -> memref<10240x128xf32, #tpu.memory_space<hbm>>
        tpu.enqueue_indirect_dma source(%dma_start3A_320 : memref<10240x128xf32, #tpu.memory_space<hbm>>) target(%arg10 : memref<128x128xf32, #tpu.memory_space<vmem>>) offsets(%dma_start3A_317 : memref<128xi32, #tpu.memory_space<vmem>>) semaphore(%arg14 : memref<!tpu.dma_semaphore, #tpu.memory_space<semaphore_mem>>)
      } else {
      }
      %scan3A_237 = arith.constant 0 : i32
      %scan3A_238 = arith.constant 128 : i32
      %scan3A_239 = arith.addi %scan3A_237, %scan3A_238 : i32
      %scan3A_240 = arith.constant 1 : i32
      scf.for %scan3A_255 = %scan3A_237 to %scan3A_239 step %scan3A_240  : i32 {
        %mul3A_256 = arith.constant 1 : i32
        %mul3A_257 = arith.muli %scan3A_255, %mul3A_256 : i32
        %add3A_258 = arith.constant 0 : i32
        %add3A_259 = arith.addi %add3A_258, %mul3A_257 : i32
        %broadcast_in_dim3A_260 = vector.broadcast %add3A_259 : i32 to vector<16xi32>
        %gather3A = tpu.vector_load_idx %arg9[%broadcast_in_dim3A_260] : memref<128xf32, #tpu.memory_space<vmem>>[vector<16xi32>], vector<16xf32>,
        %get3A_261 = arith.index_cast %add3A_259 : i32 to index
        %get3A_262 = arith.constant 0 : index
        %get3A_263 = tpu.vector_load %arg11[%get3A_261, %get3A_262] {strides = array<i32>} : memref<128x128xf32, #tpu.memory_space<vmem>>, vector<16xf32>,
        %mul3A_264 = arith.mulf %get3A_263, %gather3A : vector<16xf32>
        %swap3A_265 = arith.index_cast %add3A_259 : i32 to index
        %swap3A_266 = arith.constant 0 : index
        %swap3A_267 = tpu.vector_load %arg11[%swap3A_265, %swap3A_266] {strides = array<i32>} : memref<128x128xf32, #tpu.memory_space<vmem>>, vector<16xf32>,
        tpu.vector_store %arg11[%swap3A_265, %swap3A_266], %mul3A_264 {strides = array<i32>} : memref<128x128xf32, #tpu.memory_space<vmem>>, vector<16xf32>,
        %get3A_268 = arith.index_cast %add3A_259 : i32 to index
        %get3A_269 = arith.constant 16 : index
        %get3A_270 = tpu.vector_load %arg11[%get3A_268, %get3A_269] {strides = array<i32>} : memref<128x128xf32, #tpu.memory_space<vmem>>, vector<16xf32>,
        %mul3A_271 = arith.mulf %get3A_270, %gather3A : vector<16xf32>
        %swap3A_272 = arith.index_cast %add3A_259 : i32 to index
        %swap3A_273 = arith.constant 16 : index
        %swap3A_274 = tpu.vector_load %arg11[%swap3A_272, %swap3A_273] {strides = array<i32>} : memref<128x128xf32, #tpu.memory_space<vmem>>, vector<16xf32>,
        tpu.vector_store %arg11[%swap3A_272, %swap3A_273], %mul3A_271 {strides = array<i32>} : memref<128x128xf32, #tpu.memory_space<vmem>>, vector<16xf32>,
        %get3A_275 = arith.index_cast %add3A_259 : i32 to index
        %get3A_276 = arith.constant 32 : index
        %get3A_277 = tpu.vector_load %arg11[%get3A_275, %get3A_276] {strides = array<i32>} : memref<128x128xf32, #tpu.memory_space<vmem>>, vector<16xf32>,
        %mul3A_278 = arith.mulf %get3A_277, %gather3A : vector<16xf32>
        %swap3A_279 = arith.index_cast %add3A_259 : i32 to index
        %swap3A_280 = arith.constant 32 : index
        %swap3A_281 = tpu.vector_load %arg11[%swap3A_279, %swap3A_280] {strides = array<i32>} : memref<128x128xf32, #tpu.memory_space<vmem>>, vector<16xf32>,
        tpu.vector_store %arg11[%swap3A_279, %swap3A_280], %mul3A_278 {strides = array<i32>} : memref<128x128xf32, #tpu.memory_space<vmem>>, vector<16xf32>,
        %get3A_282 = arith.index_cast %add3A_259 : i32 to index
        %get3A_283 = arith.constant 48 : index
        %get3A_284 = tpu.vector_load %arg11[%get3A_282, %get3A_283] {strides = array<i32>} : memref<128x128xf32, #tpu.memory_space<vmem>>, vector<16xf32>,
        %mul3A_285 = arith.mulf %get3A_284, %gather3A : vector<16xf32>
        %swap3A_286 = arith.index_cast %add3A_259 : i32 to index
        %swap3A_287 = arith.constant 48 : index
        %swap3A_288 = tpu.vector_load %arg11[%swap3A_286, %swap3A_287] {strides = array<i32>} : memref<128x128xf32, #tpu.memory_space<vmem>>, vector<16xf32>,
        tpu.vector_store %arg11[%swap3A_286, %swap3A_287], %mul3A_285 {strides = array<i32>} : memref<128x128xf32, #tpu.memory_space<vmem>>, vector<16xf32>,
        %get3A_289 = arith.index_cast %add3A_259 : i32 to index
        %get3A_290 = arith.constant 64 : index
        %get3A_291 = tpu.vector_load %arg11[%get3A_289, %get3A_290] {strides = array<i32>} : memref<128x128xf32, #tpu.memory_space<vmem>>, vector<16xf32>,
        %mul3A_292 = arith.mulf %get3A_291, %gather3A : vector<16xf32>
        %swap3A_293 = arith.index_cast %add3A_259 : i32 to index
        %swap3A_294 = arith.constant 64 : index
        %swap3A_295 = tpu.vector_load %arg11[%swap3A_293, %swap3A_294] {strides = array<i32>} : memref<128x128xf32, #tpu.memory_space<vmem>>, vector<16xf32>,
        tpu.vector_store %arg11[%swap3A_293, %swap3A_294], %mul3A_292 {strides = array<i32>} : memref<128x128xf32, #tpu.memory_space<vmem>>, vector<16xf32>,
        %get3A_296 = arith.index_cast %add3A_259 : i32 to index
        %get3A_297 = arith.constant 80 : index
        %get3A_298 = tpu.vector_load %arg11[%get3A_296, %get3A_297] {strides = array<i32>} : memref<128x128xf32, #tpu.memory_space<vmem>>, vector<16xf32>,
        %mul3A_299 = arith.mulf %get3A_298, %gather3A : vector<16xf32>
        %swap3A_300 = arith.index_cast %add3A_259 : i32 to index
        %swap3A_301 = arith.constant 80 : index
        %swap3A_302 = tpu.vector_load %arg11[%swap3A_300, %swap3A_301] {strides = array<i32>} : memref<128x128xf32, #tpu.memory_space<vmem>>, vector<16xf32>,
        tpu.vector_store %arg11[%swap3A_300, %swap3A_301], %mul3A_299 {strides = array<i32>} : memref<128x128xf32, #tpu.memory_space<vmem>>, vector<16xf32>,
        %get3A_303 = arith.index_cast %add3A_259 : i32 to index
        %get3A_304 = arith.constant 96 : index
        %get3A_305 = tpu.vector_load %arg11[%get3A_303, %get3A_304] {strides = array<i32>} : memref<128x128xf32, #tpu.memory_space<vmem>>, vector<16xf32>,
        %mul3A_306 = arith.mulf %get3A_305, %gather3A : vector<16xf32>
        %swap3A_307 = arith.index_cast %add3A_259 : i32 to index
        %swap3A_308 = arith.constant 96 : index
        %swap3A_309 = tpu.vector_load %arg11[%swap3A_307, %swap3A_308] {strides = array<i32>} : memref<128x128xf32, #tpu.memory_space<vmem>>, vector<16xf32>,
        tpu.vector_store %arg11[%swap3A_307, %swap3A_308], %mul3A_306 {strides = array<i32>} : memref<128x128xf32, #tpu.memory_space<vmem>>, vector<16xf32>,
        %get3A_310 = arith.index_cast %add3A_259 : i32 to index
        %get3A_311 = arith.constant 112 : index
        %get3A_312 = tpu.vector_load %arg11[%get3A_310, %get3A_311] {strides = array<i32>} : memref<128x128xf32, #tpu.memory_space<vmem>>, vector<16xf32>,
        %mul3A_313 = arith.mulf %get3A_312, %gather3A : vector<16xf32>
        %swap3A_314 = arith.index_cast %add3A_259 : i32 to index
        %swap3A_315 = arith.constant 112 : index
        %swap3A_316 = tpu.vector_load %arg11[%swap3A_314, %swap3A_315] {strides = array<i32>} : memref<128x128xf32, #tpu.memory_space<vmem>>, vector<16xf32>,
        tpu.vector_store %arg11[%swap3A_314, %swap3A_315], %mul3A_313 {strides = array<i32>} : memref<128x128xf32, #tpu.memory_space<vmem>>, vector<16xf32>,
      }
      %scan3A_241 = arith.constant 128 : i32
      %dma_start3A_242 = arith.constant 1 : i32
      %dma_start3A_243 = arith.constant 0 : i32
      %dma_start3A_244 = tpu.memref_slice %arg7[%dma_start3A_242, %dma_start3A_243] : memref<3x128xi32, #tpu.memory_space<vmem>> -> memref<1x128xi32, #tpu.memory_space<vmem>>
      %dma_start3A_245 = tpu.memref_squeeze %dma_start3A_244 : memref<1x128xi32, #tpu.memory_space<vmem>> -> memref<128xi32, #tpu.memory_space<vmem>>
      %dma_start3A_246 = arith.constant 0 : i32
      %dma_start3A_247 = arith.constant 0 : i32
      %dma_start3A_248 = tpu.memref_slice %arg12[%dma_start3A_246, %dma_start3A_247] : memref<10240x128xf32, #tpu.memory_space<vmem_shared>> -> memref<10240x128xf32, #tpu.memory_space<vmem_shared>>
      tpu.enqueue_indirect_dma source(%arg11 : memref<128x128xf32, #tpu.memory_space<vmem>>) target(%dma_start3A_248 : memref<10240x128xf32, #tpu.memory_space<vmem_shared>>) offsets(%dma_start3A_245 : memref<128xi32, #tpu.memory_space<vmem>>) semaphore(%arg17 : memref<!tpu.dma_semaphore, #tpu.memory_space<semaphore_mem>>) {add = true}
      %dma_start3A_249 = arith.constant 1 : i32
      %dma_start3A_250 = arith.constant 0 : i32
      %dma_start3A_251 = tpu.memref_slice %arg7[%dma_start3A_249, %dma_start3A_250] : memref<3x128xi32, #tpu.memory_space<vmem>> -> memref<1x128xi32, #tpu.memory_space<vmem>>
      %dma_start3A_252 = tpu.memref_squeeze %dma_start3A_251 : memref<1x128xi32, #tpu.memory_space<vmem>> -> memref<128xi32, #tpu.memory_space<vmem>>
      %dma_start3A_253 = arith.constant 0 : i32
      %dma_start3A_254 = tpu.memref_slice %arg13[%dma_start3A_253] : memref<10240xf32, #tpu.memory_space<vmem_shared>> -> memref<10240xf32, #tpu.memory_space<vmem_shared>>
      tpu.enqueue_indirect_dma source(%arg9 : memref<128xf32, #tpu.memory_space<vmem>>) target(%dma_start3A_254 : memref<10240xf32, #tpu.memory_space<vmem_shared>>) offsets(%dma_start3A_252 : memref<128xi32, #tpu.memory_space<vmem>>) semaphore(%arg17 : memref<!tpu.dma_semaphore, #tpu.memory_space<semaphore_mem>>) {add = true}
    }
    %scan3A_94 = arith.constant 40 : i32
    %dma_wait3A = arith.constant 1 : i32
    %dma_wait3A_95 = arith.constant 0 : i32
    %dma_wait3A_96 = tpu.memref_slice %arg7[%dma_wait3A, %dma_wait3A_95] : memref<3x128xi32, #tpu.memory_space<vmem>> -> memref<1x128xi32, #tpu.memory_space<vmem>>
    %dma_wait3A_97 = tpu.memref_squeeze %dma_wait3A_96 : memref<1x128xi32, #tpu.memory_space<vmem>> -> memref<128xi32, #tpu.memory_space<vmem>>
    %dma_wait3A_98 = arith.constant 0 : i32
    %dma_wait3A_99 = arith.constant 0 : i32
    %dma_wait3A_100 = tpu.memref_slice %arg12[%dma_wait3A_98, %dma_wait3A_99] : memref<10240x128xf32, #tpu.memory_space<vmem_shared>> -> memref<10240x128xf32, #tpu.memory_space<vmem_shared>>
    tpu.wait_indirect_dma semaphore(%arg17 : memref<!tpu.dma_semaphore, #tpu.memory_space<semaphore_mem>>) src(%arg11 : memref<128x128xf32, #tpu.memory_space<vmem>>) dst(%dma_wait3A_100 : memref<10240x128xf32, #tpu.memory_space<vmem_shared>>)
    %dma_wait3A_101 = arith.constant 1 : i32
    %dma_wait3A_102 = arith.constant 0 : i32
    %dma_wait3A_103 = tpu.memref_slice %arg7[%dma_wait3A_101, %dma_wait3A_102] : memref<3x128xi32, #tpu.memory_space<vmem>> -> memref<1x128xi32, #tpu.memory_space<vmem>>
    %dma_wait3A_104 = tpu.memref_squeeze %dma_wait3A_103 : memref<1x128xi32, #tpu.memory_space<vmem>> -> memref<128xi32, #tpu.memory_space<vmem>>
    %dma_wait3A_105 = arith.constant 0 : i32
    %dma_wait3A_106 = tpu.memref_slice %arg13[%dma_wait3A_105] : memref<10240xf32, #tpu.memory_space<vmem_shared>> -> memref<10240xf32, #tpu.memory_space<vmem_shared>>
    tpu.wait_indirect_dma semaphore(%arg17 : memref<!tpu.dma_semaphore, #tpu.memory_space<semaphore_mem>>) src(%arg9 : memref<128xf32, #tpu.memory_space<vmem>>) dst(%dma_wait3A_106 : memref<10240xf32, #tpu.memory_space<vmem_shared>>)
    %barrier3A_107 = arith.constant 0 : index
    tpu.barrier barrier_id(%barrier3A_107)
    %scan3A_108 = arith.constant 0 : i32
    %scan3A_109 = arith.constant 5 : i32
    %scan3A_110 = arith.addi %scan3A_108, %scan3A_109 : i32
    %scan3A_111 = arith.constant 1 : i32
    scf.for %scan3A_113 = %scan3A_108 to %scan3A_110 step %scan3A_111  : i32 {
      %mul3A_114 = arith.constant 1 : i32
      %mul3A_115 = arith.muli %scan3A_113, %mul3A_114 : i32
      %add3A_116 = arith.constant 0 : i32
      %add3A_117 = arith.addi %add3A_116, %mul3A_115 : i32
      %mul3A_118 = arith.constant 128 : i32
      %mul3A_119 = arith.muli %add3A_117, %mul3A_118 : i32
      %add3A_120 = arith.addi %mul3A_24, %mul3A_119 : i32
      "tpu.region"() ({
        %run_scoped3A = tpu.sem_alloc : memref<!tpu.dma_semaphore, #tpu.memory_space<semaphore_mem>>
        %dma_start3A_121 = arith.constant 0 : i32
        %dma_start3A_122 = tpu.memref_slice %arg4[%arg0, %add3A_120, %dma_start3A_121] : memref<2x10240x128xf32, #tpu.memory_space<hbm>> -> memref<1x128x128xf32, #tpu.memory_space<hbm>>
        %dma_start3A_123 = tpu.memref_squeeze %dma_start3A_122 : memref<1x128x128xf32, #tpu.memory_space<hbm>> -> memref<128x128xf32, #tpu.memory_space<hbm>>
        %dma_start3A_124 = arith.constant 0 : i32
        %dma_start3A_125 = tpu.memref_slice %arg12[%add3A_120, %dma_start3A_124] : memref<10240x128xf32, #tpu.memory_space<vmem_shared>> -> memref<128x128xf32, #tpu.memory_space<vmem_shared>>
        tpu.enqueue_dma source(%dma_start3A_125 : memref<128x128xf32, #tpu.memory_space<vmem_shared>>) target(%dma_start3A_123 : memref<128x128xf32, #tpu.memory_space<hbm>>) target_semaphore(%run_scoped3A : memref<!tpu.dma_semaphore, #tpu.memory_space<semaphore_mem>>)
        %dma_wait3A_126 = arith.constant 0 : i32
        %dma_wait3A_127 = tpu.memref_slice %arg4[%arg0, %add3A_120, %dma_wait3A_126] : memref<2x10240x128xf32, #tpu.memory_space<hbm>> -> memref<1x128x128xf32, #tpu.memory_space<hbm>>
        %dma_wait3A_128 = tpu.memref_squeeze %dma_wait3A_127 : memref<1x128x128xf32, #tpu.memory_space<hbm>> -> memref<128x128xf32, #tpu.memory_space<hbm>>
        %dma_wait3A_129 = arith.constant 0 : i32
        %dma_wait3A_130 = tpu.memref_slice %arg12[%add3A_120, %dma_wait3A_129] : memref<10240x128xf32, #tpu.memory_space<vmem_shared>> -> memref<128x128xf32, #tpu.memory_space<vmem_shared>>
        tpu.wait_dma2 semaphore(%run_scoped3A : memref<!tpu.dma_semaphore, #tpu.memory_space<semaphore_mem>>) src(%dma_wait3A_130 : memref<128x128xf32, #tpu.memory_space<vmem_shared>>) dst(%dma_wait3A_128 : memref<128x128xf32, #tpu.memory_space<hbm>>)
        tpu.yield
      }) : () -> ()
      "tpu.region"() ({
        %run_scoped3A = tpu.sem_alloc : memref<!tpu.dma_semaphore, #tpu.memory_space<semaphore_mem>>
        %dma_start3A_121 = tpu.memref_slice %arg5[%arg0, %add3A_120] : memref<2x10240xf32, #tpu.memory_space<hbm>> -> memref<1x128xf32, #tpu.memory_space<hbm>>
        %dma_start3A_122 = tpu.memref_squeeze %dma_start3A_121 : memref<1x128xf32, #tpu.memory_space<hbm>> -> memref<128xf32, #tpu.memory_space<hbm>>
        %dma_start3A_123 = tpu.memref_slice %arg13[%add3A_120] : memref<10240xf32, #tpu.memory_space<vmem_shared>> -> memref<128xf32, #tpu.memory_space<vmem_shared>>
        tpu.enqueue_dma source(%dma_start3A_123 : memref<128xf32, #tpu.memory_space<vmem_shared>>) target(%dma_start3A_122 : memref<128xf32, #tpu.memory_space<hbm>>) target_semaphore(%run_scoped3A : memref<!tpu.dma_semaphore, #tpu.memory_space<semaphore_mem>>)
        %dma_wait3A_124 = tpu.memref_slice %arg5[%arg0, %add3A_120] : memref<2x10240xf32, #tpu.memory_space<hbm>> -> memref<1x128xf32, #tpu.memory_space<hbm>>
        %dma_wait3A_125 = tpu.memref_squeeze %dma_wait3A_124 : memref<1x128xf32, #tpu.memory_space<hbm>> -> memref<128xf32, #tpu.memory_space<hbm>>
        %dma_wait3A_126 = tpu.memref_slice %arg13[%add3A_120] : memref<10240xf32, #tpu.memory_space<vmem_shared>> -> memref<128xf32, #tpu.memory_space<vmem_shared>>
        tpu.wait_dma2 semaphore(%run_scoped3A : memref<!tpu.dma_semaphore, #tpu.memory_space<semaphore_mem>>) src(%dma_wait3A_126 : memref<128xf32, #tpu.memory_space<vmem_shared>>) dst(%dma_wait3A_125 : memref<128xf32, #tpu.memory_space<hbm>>)
        tpu.yield
      }) : () -> ()
    }
    %scan3A_112 = arith.constant 5 : i32
    return
  }
}

module attributes {stable_mosaic.version = 14 : i64} {
  func.func @_dense_body(%arg0: i32, %arg1: memref<2x512x128xf32, #tpu.memory_space<vmem>>, %arg2: memref<2x512x1xf32, #tpu.memory_space<vmem>>, %arg3: memref<512x128xf32, #tpu.memory_space<vmem>>, %arg4: memref<128x128xf32, #tpu.memory_space<vmem>>, %arg5: memref<1x128xf32, #tpu.memory_space<vmem>>, %arg6: memref<1x128xf32, #tpu.memory_space<vmem>>, %arg7: memref<1x128xf32, #tpu.memory_space<vmem>>, %arg8: memref<512x128xf32, #tpu.memory_space<vmem>>) attributes {dimension_semantics = [#tpu.dimension_semantics<arbitrary>], iteration_bounds = array<i64: 20>, scalar_prefetch = 0 : i64, scratch_operands = 0 : i64, tpu.core_type = #tpu.core_type<tc>, window_params = [{transform_indices = @transform_0, window_bounds = array<i64: 2, 512, 128>}, {transform_indices = @transform_1, window_bounds = array<i64: 2, 512, 1>}, {transform_indices = @transform_2, window_bounds = array<i64: 512, 128>}, {pipeline_mode = #tpu.pipeline_mode<synchronous>, transform_indices = @transform_3, window_bounds = array<i64: 128, 128>}, {pipeline_mode = #tpu.pipeline_mode<synchronous>, transform_indices = @transform_4, window_bounds = array<i64: 1, 128>}, {pipeline_mode = #tpu.pipeline_mode<synchronous>, transform_indices = @transform_5, window_bounds = array<i64: 1, 128>}, {pipeline_mode = #tpu.pipeline_mode<synchronous>, transform_indices = @transform_6, window_bounds = array<i64: 1, 128>}, {transform_indices = @transform_7, window_bounds = array<i64: 512, 128>}]} {
    %get3A = arith.constant 0 : index
    %get3A_0 = arith.constant 0 : index
    %get3A_1 = arith.constant 0 : index
    %get3A_2 = vector.load %arg1[%get3A, %get3A_0, %get3A_1] : memref<2x512x128xf32, #tpu.memory_space<vmem>>, vector<1x512x128xf32>
    %get3A_3 = vector.shape_cast %get3A_2 : vector<1x512x128xf32> to vector<512x128xf32>
    %get3A_4 = arith.constant 1 : index
    %get3A_5 = arith.constant 0 : index
    %get3A_6 = arith.constant 0 : index
    %get3A_7 = vector.load %arg1[%get3A_4, %get3A_5, %get3A_6] : memref<2x512x128xf32, #tpu.memory_space<vmem>>, vector<1x512x128xf32>
    %get3A_8 = vector.shape_cast %get3A_7 : vector<1x512x128xf32> to vector<512x128xf32>
    %add3A = arith.addf %get3A_3, %get3A_8 : vector<512x128xf32>
    %get3A_9 = arith.constant 0 : index
    %get3A_10 = arith.constant 0 : index
    %get3A_11 = arith.constant 0 : index
    %get3A_12 = vector.load %arg2[%get3A_9, %get3A_10, %get3A_11] : memref<2x512x1xf32, #tpu.memory_space<vmem>>, vector<1x512x1xf32>
    %get3A_13 = vector.shape_cast %get3A_12 : vector<1x512x1xf32> to vector<512x1xf32>
    %get3A_14 = arith.constant 1 : index
    %get3A_15 = arith.constant 0 : index
    %get3A_16 = arith.constant 0 : index
    %get3A_17 = vector.load %arg2[%get3A_14, %get3A_15, %get3A_16] : memref<2x512x1xf32, #tpu.memory_space<vmem>>, vector<1x512x1xf32>
    %get3A_18 = vector.shape_cast %get3A_17 : vector<1x512x1xf32> to vector<512x1xf32>
    %add3A_19 = arith.addf %get3A_13, %get3A_18 : vector<512x1xf32>
    %max3A = arith.constant 1.000000e-30 : f32
    %max3A_20 = vector.broadcast %max3A : f32 to vector<512x1xf32>
    %max3A_21 = arith.maximumf %add3A_19, %max3A_20 : vector<512x1xf32>
    %div3A = arith.constant 1.000000e+00 : f32
    %div3A_22 = vector.broadcast %div3A : f32 to vector<512x1xf32>
    %div3A_23 = arith.divf %div3A_22, %max3A_21 : vector<512x1xf32>
    %mul3A = vector.broadcast %div3A_23 : vector<512x1xf32> to vector<512x128xf32>
    %mul3A_24 = arith.mulf %add3A, %mul3A : vector<512x128xf32>
    %max3A_25 = arith.constant 0.000000e+00 : f32
    %max3A_26 = vector.broadcast %max3A_25 : f32 to vector<512x128xf32>
    %max3A_27 = arith.maximumf %mul3A_24, %max3A_26 : vector<512x128xf32>
    %get3A_28 = arith.constant 0 : index
    %get3A_29 = arith.constant 0 : index
    %get3A_30 = vector.load %arg4[%get3A_28, %get3A_29] : memref<128x128xf32, #tpu.memory_space<vmem>>, vector<128x128xf32>
    %dot_general3A = arith.constant dense<0.000000e+00> : vector<512x128xf32>
    %dot_general3A_31 = tpu.matmul %max3A_27, %get3A_30, %dot_general3A {dimension_numbers = #tpu.dot_dimension_numbers<[1], [0], [0], [1], [0, 0, 1, 1], [], []>, transpose_lhs_hint = false} : vector<512x128xf32>, vector<128x128xf32>, vector<512x128xf32> -> vector<512x128xf32>
    %get3A_32 = arith.constant 0 : index
    %get3A_33 = arith.constant 0 : index
    %get3A_34 = vector.load %arg5[%get3A_32, %get3A_33] : memref<1x128xf32, #tpu.memory_space<vmem>>, vector<1x128xf32>
    %add3A_35 = vector.broadcast %get3A_34 : vector<1x128xf32> to vector<512x128xf32>
    %add3A_36 = arith.addf %dot_general3A_31, %add3A_35 : vector<512x128xf32>
    %get3A_37 = arith.constant 0 : index
    %get3A_38 = arith.constant 0 : index
    %get3A_39 = vector.load %arg3[%get3A_37, %get3A_38] : memref<512x128xf32, #tpu.memory_space<vmem>>, vector<512x128xf32>
    %add3A_40 = arith.addf %add3A_36, %get3A_39 : vector<512x128xf32>
    %reduce_sum3A = arith.constant dense<0.000000e+00> : vector<512xf32>
    %reduce_sum3A_41 = vector.multi_reduction <add>, %add3A_40, %reduce_sum3A [1] : vector<512x128xf32> to vector<512xf32>
    %broadcast_in_dim3A = vector.shape_cast %reduce_sum3A_41 : vector<512xf32> to vector<512x1xf32>
    %div3A_42 = arith.constant 1.280000e+02 : f32
    %div3A_43 = vector.broadcast %div3A_42 : f32 to vector<512x1xf32>
    %div3A_44 = arith.divf %broadcast_in_dim3A, %div3A_43 : vector<512x1xf32>
    %sub3A = vector.broadcast %div3A_44 : vector<512x1xf32> to vector<512x128xf32>
    %sub3A_45 = arith.subf %add3A_40, %sub3A : vector<512x128xf32>
    %mul3A_46 = arith.mulf %sub3A_45, %sub3A_45 : vector<512x128xf32>
    %reduce_sum3A_47 = arith.constant dense<0.000000e+00> : vector<512xf32>
    %reduce_sum3A_48 = vector.multi_reduction <add>, %mul3A_46, %reduce_sum3A_47 [1] : vector<512x128xf32> to vector<512xf32>
    %broadcast_in_dim3A_49 = vector.shape_cast %reduce_sum3A_48 : vector<512xf32> to vector<512x1xf32>
    %div3A_50 = arith.constant 1.280000e+02 : f32
    %div3A_51 = vector.broadcast %div3A_50 : f32 to vector<512x1xf32>
    %div3A_52 = arith.divf %broadcast_in_dim3A_49, %div3A_51 : vector<512x1xf32>
    %add3A_53 = arith.constant 9.99999974E-6 : f32
    %add3A_54 = vector.broadcast %add3A_53 : f32 to vector<512x1xf32>
    %add3A_55 = arith.addf %div3A_52, %add3A_54 : vector<512x1xf32>
    %rsqrt3A = math.rsqrt %add3A_55 : vector<512x1xf32>
    %mul3A_56 = vector.broadcast %rsqrt3A : vector<512x1xf32> to vector<512x128xf32>
    %mul3A_57 = arith.mulf %sub3A_45, %mul3A_56 : vector<512x128xf32>
    %get3A_58 = arith.constant 0 : index
    %get3A_59 = arith.constant 0 : index
    %get3A_60 = vector.load %arg6[%get3A_58, %get3A_59] : memref<1x128xf32, #tpu.memory_space<vmem>>, vector<1x128xf32>
    %mul3A_61 = vector.broadcast %get3A_60 : vector<1x128xf32> to vector<512x128xf32>
    %mul3A_62 = arith.mulf %mul3A_57, %mul3A_61 : vector<512x128xf32>
    %get3A_63 = arith.constant 0 : index
    %get3A_64 = arith.constant 0 : index
    %get3A_65 = vector.load %arg7[%get3A_63, %get3A_64] : memref<1x128xf32, #tpu.memory_space<vmem>>, vector<1x128xf32>
    %add3A_66 = vector.broadcast %get3A_65 : vector<1x128xf32> to vector<512x128xf32>
    %add3A_67 = arith.addf %mul3A_62, %add3A_66 : vector<512x128xf32>
    %swap3A = arith.constant 0 : index
    %swap3A_68 = arith.constant 0 : index
    %swap3A_69 = vector.load %arg8[%swap3A, %swap3A_68] : memref<512x128xf32, #tpu.memory_space<vmem>>, vector<512x128xf32>
    tpu.vector_store %arg8[%swap3A, %swap3A_68], %add3A_67 {strides = array<i32>} : memref<512x128xf32, #tpu.memory_space<vmem>>, vector<512x128xf32>,
    return
  }
  func.func @transform_0(%arg0: i32) -> (i32, i32, i32) {
    %c0_i32 = arith.constant 0 : i32
    %c0_i32_0 = arith.constant 0 : i32
    %c0_i32_1 = arith.constant 0 : i32
    return %c0_i32, %arg0, %c0_i32_0 : i32, i32, i32
  }
  func.func @transform_1(%arg0: i32) -> (i32, i32, i32) {
    %c0_i32 = arith.constant 0 : i32
    %c0_i32_0 = arith.constant 0 : i32
    %c0_i32_1 = arith.constant 0 : i32
    return %c0_i32, %arg0, %c0_i32_0 : i32, i32, i32
  }
  func.func @transform_2(%arg0: i32) -> (i32, i32) {
    %c0_i32 = arith.constant 0 : i32
    %c0_i32_0 = arith.constant 0 : i32
    return %arg0, %c0_i32 : i32, i32
  }
  func.func @transform_3(%arg0: i32) -> (i32, i32) {
    %c0_i32 = arith.constant 0 : i32
    %c0_i32_0 = arith.constant 0 : i32
    %c0_i32_1 = arith.constant 0 : i32
    return %c0_i32, %c0_i32_0 : i32, i32
  }
  func.func @transform_4(%arg0: i32) -> (i32, i32) {
    %c0_i32 = arith.constant 0 : i32
    %c0_i32_0 = arith.constant 0 : i32
    %c0_i32_1 = arith.constant 0 : i32
    return %c0_i32, %c0_i32_0 : i32, i32
  }
  func.func @transform_5(%arg0: i32) -> (i32, i32) {
    %c0_i32 = arith.constant 0 : i32
    %c0_i32_0 = arith.constant 0 : i32
    %c0_i32_1 = arith.constant 0 : i32
    return %c0_i32, %c0_i32_0 : i32, i32
  }
  func.func @transform_6(%arg0: i32) -> (i32, i32) {
    %c0_i32 = arith.constant 0 : i32
    %c0_i32_0 = arith.constant 0 : i32
    %c0_i32_1 = arith.constant 0 : i32
    return %c0_i32, %c0_i32_0 : i32, i32
  }
  func.func @transform_7(%arg0: i32) -> (i32, i32) {
    %c0_i32 = arith.constant 0 : i32
    %c0_i32_0 = arith.constant 0 : i32
    return %arg0, %c0_i32 : i32, i32
  }
}

module attributes {stable_mosaic.version = 14 : i64} {
  func.func @_pool_body(%arg0: i32, %arg1: memref<512x128xf32, #tpu.memory_space<vmem>>, %arg2: memref<1x1x512xi32, #tpu.memory_space<vmem>>, %arg3: memref<128x64xf32, #tpu.memory_space<vmem>>, %arg4: memref<1x64xf32, #tpu.memory_space<vmem>>, %arg5: memref<64x64xf32, #tpu.memory_space<vmem>>, %arg6: memref<64x128xf32, #tpu.memory_space<vmem>>, %arg7: memref<64x1xf32, #tpu.memory_space<vmem>>) attributes {dimension_semantics = [#tpu.dimension_semantics<arbitrary>], iteration_bounds = array<i64: 20>, scalar_prefetch = 0 : i64, scratch_operands = 2 : i64, tpu.core_type = #tpu.core_type<tc>, window_params = [{transform_indices = @transform_0, window_bounds = array<i64: 512, 128>}, {transform_indices = @transform_1, window_bounds = array<i64: 1, 1, 512>}, {pipeline_mode = #tpu.pipeline_mode<synchronous>, transform_indices = @transform_2, window_bounds = array<i64: 128, 64>}, {pipeline_mode = #tpu.pipeline_mode<synchronous>, transform_indices = @transform_3, window_bounds = array<i64: 1, 64>}, {pipeline_mode = #tpu.pipeline_mode<synchronous>, transform_indices = @transform_4, window_bounds = array<i64: 64, 64>}]} {
    %eq3A = arith.constant 0 : i32
    %eq3A_0 = arith.cmpi eq, %arg0, %eq3A : i32
    %convert_element_type3A = arith.extui %eq3A_0 : i1 to i32
    %cond3A = arith.constant 0 : i32
    %cond3A_1 = arith.cmpi ne, %convert_element_type3A, %cond3A : i32
    scf.if %cond3A_1 {
      %broadcast_in_dim3A_32 = arith.constant 0.000000e+00 : f32
      %broadcast_in_dim3A_33 = vector.broadcast %broadcast_in_dim3A_32 : f32 to vector<64x128xf32>
      %swap3A_34 = arith.constant 0 : index
      %swap3A_35 = arith.constant 0 : index
      %swap3A_36 = vector.load %arg6[%swap3A_34, %swap3A_35] : memref<64x128xf32, #tpu.memory_space<vmem>>, vector<64x128xf32>
      tpu.vector_store %arg6[%swap3A_34, %swap3A_35], %broadcast_in_dim3A_33 {strides = array<i32>} : memref<64x128xf32, #tpu.memory_space<vmem>>, vector<64x128xf32>,
      %broadcast_in_dim3A_37 = arith.constant 0.000000e+00 : f32
      %broadcast_in_dim3A_38 = vector.broadcast %broadcast_in_dim3A_37 : f32 to vector<64x1xf32>
      %swap3A_39 = arith.constant 0 : index
      %swap3A_40 = arith.constant 0 : index
      %swap3A_41 = vector.load %arg7[%swap3A_39, %swap3A_40] : memref<64x1xf32, #tpu.memory_space<vmem>>, vector<64x1xf32>
      tpu.vector_store %arg7[%swap3A_39, %swap3A_40], %broadcast_in_dim3A_38 {strides = array<i32>} : memref<64x1xf32, #tpu.memory_space<vmem>>, vector<64x1xf32>,
    } else {
    }
    %iota3A = tpu.iota {dimensions = array<i32: 0>} : vector<64x512xi32>
    %get3A = arith.constant 0 : index
    %get3A_2 = arith.constant 0 : index
    %get3A_3 = arith.constant 0 : index
    %get3A_4 = vector.load %arg2[%get3A, %get3A_2, %get3A_3] : memref<1x1x512xi32, #tpu.memory_space<vmem>>, vector<1x1x512xi32>
    %get3A_5 = vector.shape_cast %get3A_4 : vector<1x1x512xi32> to vector<1x512xi32>
    %eq3A_6 = vector.broadcast %get3A_5 : vector<1x512xi32> to vector<64x512xi32>
    %eq3A_7 = arith.cmpi eq, %iota3A, %eq3A_6 : vector<64x512xi32>
    %convert_element_type3A_8 = arith.extui %eq3A_7 : vector<64x512xi1> to vector<64x512xi32>
    %convert_element_type3A_9 = arith.sitofp %convert_element_type3A_8 : vector<64x512xi32> to vector<64x512xf32>
    %get3A_10 = arith.constant 0 : index
    %get3A_11 = arith.constant 0 : index
    %get3A_12 = vector.load %arg6[%get3A_10, %get3A_11] : memref<64x128xf32, #tpu.memory_space<vmem>>, vector<64x128xf32>
    %get3A_13 = arith.constant 0 : index
    %get3A_14 = arith.constant 0 : index
    %get3A_15 = vector.load %arg1[%get3A_13, %get3A_14] : memref<512x128xf32, #tpu.memory_space<vmem>>, vector<512x128xf32>
    %dot_general3A = arith.constant dense<0.000000e+00> : vector<64x128xf32>
    %dot_general3A_16 = tpu.matmul %convert_element_type3A_9, %get3A_15, %dot_general3A {dimension_numbers = #tpu.dot_dimension_numbers<[1], [0], [0], [1], [0, 0, 1, 1], [], []>, transpose_lhs_hint = false} : vector<64x512xf32>, vector<512x128xf32>, vector<64x128xf32> -> vector<64x128xf32>
    %add3A = arith.addf %get3A_12, %dot_general3A_16 : vector<64x128xf32>
    %swap3A = arith.constant 0 : index
    %swap3A_17 = arith.constant 0 : index
    %swap3A_18 = vector.load %arg6[%swap3A, %swap3A_17] : memref<64x128xf32, #tpu.memory_space<vmem>>, vector<64x128xf32>
    tpu.vector_store %arg6[%swap3A, %swap3A_17], %add3A {strides = array<i32>} : memref<64x128xf32, #tpu.memory_space<vmem>>, vector<64x128xf32>,
    %get3A_19 = arith.constant 0 : index
    %get3A_20 = arith.constant 0 : index
    %get3A_21 = vector.load %arg7[%get3A_19, %get3A_20] : memref<64x1xf32, #tpu.memory_space<vmem>>, vector<64x1xf32>
    %reduce_sum3A = arith.constant dense<0.000000e+00> : vector<64xf32>
    %reduce_sum3A_22 = vector.multi_reduction <add>, %convert_element_type3A_9, %reduce_sum3A [1] : vector<64x512xf32> to vector<64xf32>
    %broadcast_in_dim3A = vector.shape_cast %reduce_sum3A_22 : vector<64xf32> to vector<64x1xf32>
    %add3A_23 = arith.addf %get3A_21, %broadcast_in_dim3A : vector<64x1xf32>
    %swap3A_24 = arith.constant 0 : index
    %swap3A_25 = arith.constant 0 : index
    %swap3A_26 = vector.load %arg7[%swap3A_24, %swap3A_25] : memref<64x1xf32, #tpu.memory_space<vmem>>, vector<64x1xf32>
    tpu.vector_store %arg7[%swap3A_24, %swap3A_25], %add3A_23 {strides = array<i32>} : memref<64x1xf32, #tpu.memory_space<vmem>>, vector<64x1xf32>,
    %eq3A_27 = arith.constant 19 : i32
    %eq3A_28 = arith.cmpi eq, %arg0, %eq3A_27 : i32
    %convert_element_type3A_29 = arith.extui %eq3A_28 : i1 to i32
    %cond3A_30 = arith.constant 0 : i32
    %cond3A_31 = arith.cmpi ne, %convert_element_type3A_29, %cond3A_30 : i32
    scf.if %cond3A_31 {
      %get3A_32 = arith.constant 0 : index
      %get3A_33 = arith.constant 0 : index
      %get3A_34 = vector.load %arg6[%get3A_32, %get3A_33] : memref<64x128xf32, #tpu.memory_space<vmem>>, vector<64x128xf32>
      %get3A_35 = arith.constant 0 : index
      %get3A_36 = arith.constant 0 : index
      %get3A_37 = vector.load %arg7[%get3A_35, %get3A_36] : memref<64x1xf32, #tpu.memory_space<vmem>>, vector<64x1xf32>
      %max3A = arith.constant 1.000000e+00 : f32
      %max3A_38 = vector.broadcast %max3A : f32 to vector<64x1xf32>
      %max3A_39 = arith.maximumf %get3A_37, %max3A_38 : vector<64x1xf32>
      %div3A = vector.broadcast %max3A_39 : vector<64x1xf32> to vector<64x128xf32>
      %div3A_40 = arith.divf %get3A_34, %div3A : vector<64x128xf32>
      %get3A_41 = arith.constant 0 : index
      %get3A_42 = arith.constant 0 : index
      %get3A_43 = vector.load %arg3[%get3A_41, %get3A_42] : memref<128x64xf32, #tpu.memory_space<vmem>>, vector<128x64xf32>
      %dot_general3A_44 = arith.constant dense<0.000000e+00> : vector<64x64xf32>
      %dot_general3A_45 = tpu.matmul %div3A_40, %get3A_43, %dot_general3A_44 {dimension_numbers = #tpu.dot_dimension_numbers<[1], [0], [0], [1], [0, 0, 1, 1], [], []>, transpose_lhs_hint = false} : vector<64x128xf32>, vector<128x64xf32>, vector<64x64xf32> -> vector<64x64xf32>
      %get3A_46 = arith.constant 0 : index
      %get3A_47 = arith.constant 0 : index
      %get3A_48 = vector.load %arg4[%get3A_46, %get3A_47] : memref<1x64xf32, #tpu.memory_space<vmem>>, vector<1x64xf32>
      %add3A_49 = vector.broadcast %get3A_48 : vector<1x64xf32> to vector<64x64xf32>
      %add3A_50 = arith.addf %dot_general3A_45, %add3A_49 : vector<64x64xf32>
      %swap3A_51 = arith.constant 0 : index
      %swap3A_52 = arith.constant 0 : index
      %swap3A_53 = vector.load %arg5[%swap3A_51, %swap3A_52] : memref<64x64xf32, #tpu.memory_space<vmem>>, vector<64x64xf32>
      tpu.vector_store %arg5[%swap3A_51, %swap3A_52], %add3A_50 {strides = array<i32>} : memref<64x64xf32, #tpu.memory_space<vmem>>, vector<64x64xf32>,
    } else {
    }
    return
  }
  func.func @transform_0(%arg0: i32) -> (i32, i32) {
    %c0_i32 = arith.constant 0 : i32
    %c0_i32_0 = arith.constant 0 : i32
    return %arg0, %c0_i32 : i32, i32
  }
  func.func @transform_1(%arg0: i32) -> (i32, i32, i32) {
    %c0_i32 = arith.constant 0 : i32
    %c0_i32_0 = arith.constant 0 : i32
    %c0_i32_1 = arith.constant 0 : i32
    return %arg0, %c0_i32, %c0_i32_0 : i32, i32, i32
  }
  func.func @transform_2(%arg0: i32) -> (i32, i32) {
    %c0_i32 = arith.constant 0 : i32
    %c0_i32_0 = arith.constant 0 : i32
    %c0_i32_1 = arith.constant 0 : i32
    return %c0_i32, %c0_i32_0 : i32, i32
  }
  func.func @transform_3(%arg0: i32) -> (i32, i32) {
    %c0_i32 = arith.constant 0 : i32
    %c0_i32_0 = arith.constant 0 : i32
    %c0_i32_1 = arith.constant 0 : i32
    return %c0_i32, %c0_i32_0 : i32, i32
  }
  func.func @transform_4(%arg0: i32) -> (i32, i32) {
    %c0_i32 = arith.constant 0 : i32
    %c0_i32_0 = arith.constant 0 : i32
    %c0_i32_1 = arith.constant 0 : i32
    return %c0_i32, %c0_i32_0 : i32, i32
  }
}

</mosaic_0001>

<sc_bundles>
// kernel: kernel.11.cloned.1.call-start
scs
__scs_entry_jumppad:
0x0: {  	(pc) =	sbr.rel $0x88, $3  }
0x1: {  	(tag) =	ssettag $0x0;
	lr =	simm.s32 $0x1  }
0x2: {  	[smem:$0x3F96] =	sst lr;
	_ =	strace $0xD0000000  }
0x3: {  	_ = 	snop  }
0x4: {  	_ = 	snop  }
0x5: {  	_ = 	snop  }
0x6: {  	_ = 	snop  }
0x7: {  	_ = 	snop  }
__scs_overlays_trampoline_lowered:
0x8: {  	[smem:$0x3FA5] =	sst s0  }
0x9: {  	[smem:$0x3FA6] =	sst s1  }
0xa: {  	[smem:$0x3FA7] =	sst s2  }
0xb: {  	[smem:$0x3FA8] =	sst s3  }
0xc: {  	[smem:$0x3FA9] =	sst s4  }
0xd: {  	[smem:$0x3FAA] =	sst s5  }
0xe: {  	[smem:$0x3FAB] =	sst s6  }
0xf: {  	[smem:$0x3FAC] =	sst s7  }
0x10: {  	[smem:$0x3FAD] =	sst s8  }
0x11: {  	[smem:$0x3FAE] =	sst s9;
	s0 =	simm.s32 @!p0 $0x0  }
0x12: {  	s1 =	sld [smem:$0x3F94];
	s0 =	simm.s32 @p0 $0x1  }
0x13: {  	[smem:$0x3FAF] =	sst s0;
	s0 =	simm.s32 @!p1 $0x0  }
0x14: {  	s2 =	sld [smem:$0x3F93];
	s0 =	simm.s32 @p1 $0x1  }
0x15: {  	[smem:$0x3FB0] =	sst s0;
	s0 =	simm.s32 @!p2 $0x0  }
0x16: {  	s3 =	sld [smem:$0x3FDB];
	s0 =	simm.s32 @p2 $0x1  }
0x17: {  	s4 =	simm.s32 $0x1BF5;
	[smem:$0x3FB2] =	sst s0  }
0x18: {  	s0 =	sld [smem:$0x3F95];
	_ =	swait.ge [sflag:s4], $0x0  }
0x19: {  	s7 =	sld [smem:$0x3F96]  }
0x1a: {  	s8 =	sadd.s32 $0xFFFFE003, lr  }
0x1b: {  	s9 =	sadd.s32 $0xFFFFFEF7, lr;
	s5 =	simm.s32 $0xFFFFFFFF;
	p2 =	slt.u32 s8, $0xFFFFF086  }
0x1c: {  	p1 =	slt.u32 s9, $0xF7A;
	s5 =	simm.s32 @!p2 $0x0  }
0x1d: {  	s5 =	simm.s32 @p1 $0x1;
	p0 =	seq.s32 s7, s2  }
0x1e: {  	s7 =	smul.u32 @!p0 $0xF7A, s2;
	p2 =	seq.s32 @!p0 s5, $0x0  }
0x1f: {  	s9 =	smul.u32 $0xF7A, s1;
	s8 =	simm.s32 @!p0 $0x1BF5;
	p2 =	por !p2, p0  }
0x20: {  	[sflag:s8] =	ssyncset.s32 @!p0 $0xFFFFF086;
	s6 =	sadd.s32 @!p0 s3, s7;
	s7 =	simm.s32 @!p0 $0x108  }
0x21: {  	s3 =	sadd.s32 s3, s9;
	s6 =	sadd.s32 @!p0 $0x88, s6;
	s7 =	simm.s32 @p2 $0x1082  }
0x22: {  	[simem:s7], [sflag:s8] =	dma.local @!p0 [hbm:s6], $0xF7A  }
0x23: {  	s9 =	sor.u32 $0xD0000000, s2;
	s6 =	simm.s32 $0x108;
	_ =	swait.ge @!p0 [sflag:s8], $0x0  }
0x24: {  	s3 =	sadd.s32 $0x88, s3;
	s6 =	simm.s32 @!p1 $0x1082;
	[sflag:s4] =	ssyncset.s32 $0xFFFFF086  }
0x25: {  	[simem:s6], [sflag:s4] =	dma.local [hbm:s3], $0xF7A  }
0x26: {  	[smem:$0x3F96] =	sst s1;
	(tag) =	ssettag s2;
	_ =	strace s9  }
0x27: {  	s1 =	sld [smem:$0x3FA6]  }
0x28: {  	s2 =	sld [smem:$0x3FA7]  }
0x29: {  	s4 =	sld [smem:$0x3FA9]  }
0x2a: {  	p0 =	seq.s32 s5, $0x0;
	s5 =	sld [smem:$0x3FAA]  }
0x2b: {  	s6 =	sld [smem:$0x3FAB]  }
0x2c: {  	s7 =	sld [smem:$0x3FAC]  }
0x2d: {  	s3 =	simm.s32 $0x108;
	s8 =	sld [smem:$0x3FAD]  }
0x2e: {  	s3 =	simm.s32 @!p0 $0x1082;
	s9 =	sld [smem:$0x3FAE]  }
0x2f: {  	lr =	sadd.s32 s0, s3;
	s0 =	sld [smem:$0x3FA5]  }
0x30: {  	s3 =	sld [smem:$0x3FA8]  }
0x31: {  	[smem:$0x3FB1] =	sst s10  }
0x32: {  	s10 =	sld [smem:$0x3FAF];
	_ =	sdelay $0x3  }
0x33: {  	p0 =	seq.s32 s10, $0x1;
	s10 =	sld [smem:$0x3FB1];
	_ =	sdelay $0x3  }
0x34: {  	[smem:$0x3FB1] =	sst s10  }
0x35: {  	s10 =	sld [smem:$0x3FB0];
	_ =	sdelay $0x3  }
0x36: {  	p1 =	seq.s32 s10, $0x1;
	s10 =	sld [smem:$0x3FB1];
	_ =	sdelay $0x3  }
0x37: {  	[smem:$0x3FB1] =	sst s10  }
0x38: {  	s10 =	sld [smem:$0x3FB2]  }
0x39: {  	_ = 	snop;
	(pc) =	sbr.ind lr, $3  }
0x3a: {  	_ = 	snop  }
0x3b: {  	_ = 	snop  }
0x3c: {  	p2 =	seq.s32 s10, $0x1;
	s10 =	sld [smem:$0x3FB1]  }
0x3d: {  	_ =	shalt  }
0x3e: {  	_ =	shalt  }
0x3f: {  	_ =	shalt  }
0x40: {  	_ =	shalt  }
0x41: {  	_ =	shalt  }
0x42: {  	_ =	shalt  }
0x43: {  	_ =	shalt  }
0x44: {  	_ =	shalt  }
0x45: {  	_ =	shalt  }
0x46: {  	_ =	shalt  }
0x47: {  	_ =	shalt  }
0x48: {  	_ =	shalt  }
0x49: {  	_ =	shalt  }
0x4a: {  	_ =	shalt  }
0x4b: {  	_ =	shalt  }
0x4c: {  	_ =	shalt  }
0x4d: {  	_ =	shalt  }
0x4e: {  	_ =	shalt  }
0x4f: {  	_ =	shalt  }
0x50: {  	_ =	shalt  }
0x51: {  	_ =	shalt  }
0x52: {  	_ =	shalt  }
0x53: {  	_ =	shalt  }
0x54: {  	_ =	shalt  }
0x55: {  	_ =	shalt  }
0x56: {  	_ =	shalt  }
0x57: {  	_ =	shalt  }
0x58: {  	_ =	shalt  }
0x59: {  	_ =	shalt  }
0x5a: {  	_ =	shalt  }
0x5b: {  	_ =	shalt  }
0x5c: {  	_ =	shalt  }
0x5d: {  	_ =	shalt  }
0x5e: {  	_ =	shalt  }
0x5f: {  	_ =	shalt  }
0x60: {  	_ =	shalt  }
0x61: {  	_ =	shalt  }
0x62: {  	_ =	shalt  }
0x63: {  	_ =	shalt  }
0x64: {  	_ =	shalt  }
0x65: {  	_ =	shalt  }
0x66: {  	_ =	shalt  }
0x67: {  	_ =	shalt  }
0x68: {  	_ =	shalt  }
0x69: {  	_ =	shalt  }
0x6a: {  	_ =	shalt  }
0x6b: {  	_ =	shalt  }
0x6c: {  	_ =	shalt  }
0x6d: {  	_ =	shalt  }
0x6e: {  	_ =	shalt  }
0x6f: {  	_ =	shalt  }
0x70: {  	_ =	shalt  }
0x71: {  	_ =	shalt  }
0x72: {  	_ =	shalt  }
0x73: {  	_ =	shalt  }
0x74: {  	_ =	shalt  }
0x75: {  	_ =	shalt  }
0x76: {  	_ =	shalt  }
0x77: {  	_ =	shalt  }
0x78: {  	_ =	shalt  }
0x79: {  	_ =	shalt  }
0x7a: {  	_ =	shalt  }
0x7b: {  	_ =	shalt  }
0x7c: {  	_ =	shalt  }
0x7d: {  	_ =	shalt  }
0x7e: {  	_ =	shalt  }
0x7f: {  	_ =	shalt  }
0x80: {  	_ =	shalt  }
0x81: {  	_ =	shalt  }
0x82: {  	_ =	shalt  }
0x83: {  	_ =	shalt  }
0x84: {  	_ =	shalt  }
0x85: {  	_ =	shalt  }
0x86: {  	_ =	shalt  }
0x87: {  	_ =	shalt  }
.Lfunc_end0:
.L_simem_size_0:
called_computation.1_lowered:
.L_overlay_start_0:
0x88: {  	s2 =	sld [smem:$0x3FD9]  }
0x89: {  	s3 =	sld [smem:$0x3FFE];
	_ =	sdelay $0x1  }
0x8a: {  	s1 =	srdreg.scid  }
0x8b: {  	s0 =	sand.u32 $0x1, s1  }
0x8c: {  	s16 =	sshll.u32 s0, $0xA;
	s2 =	sadd.s32 s3, s2  }
0x8d: {  	s2 =	sadd.s32 s2, s16  }
0x8e: {  	[smem:$0x3FBD] =	sst s2  }
0x8f: {  	_ = 	snop  }
0x90: {  	(tm) =	ssettm $0x1  }
0x91: {  	s17 =	sld [smem:$0x3FFB];
	_ =	sdelay $0x3  }
0x92: {  	_ =	strace s17  }
0x93: {  	s2 =	sld [smem:$0x3FFC];
	_ =	sdelay $0x3  }
0x94: {  	_ =	strace s2  }
0x95: {  	s2 =	sld [smem:$0x3FFD];
	_ =	sdelay $0x3  }
0x96: {  	_ =	strace s2  }
0x97: {  	_ =	strace $0x8FFFFFFF  }
0x98: {  	s18 =	sld [smem:$0x3FDB];
	_ =	sdelay $0x1  }
0x99: {  	s19 =	simm.s32 $_scs_section_size  }
0x9a: {  	s4 =	simm.s32 $_size__tile_overlayer_lowered;
	s5 =	simm.s32 $_tile_overlayer_lowered  }
0x9b: {  	s22 =	simm.s32 $0x1BFF;
	s21 =	sshll.u32 s5, $0x1;
	s2 =	sadd.s32 s19, s18  }
0x9c: {  	s6 =	simm.s32 $0x0;
	s20 =	sshll.u32 s4, $0x1;
	s4 =	sadd.s32 s21, s2  }
0x9d: {  	[timem:s6], [sflag:s22] =	dma.local [hbm:s4], s20  }
0x9e: {  	_ =	swait.ge [sflag:s22], s20  }
0x9f: {  	s3 =	ssub.s32 $0x0, s20;
	[sflag:s22] =	ssyncset.done $0x0  }
0xa0: {  	[sflag:s22] =	ssyncadd.s32 s3;
	_ =	sdelay $0x1  }
0xa1: {  	s23 =	simm.s32 $0x1B8B  }
0xa2: {  	_ =	swait.ge [sflag:s23], $0x1  }
0xa3: {  	[sflag:s23] =	ssyncset.done $0x0  }
0xa4: {  	s25 =	simm.s32 $0x1B8E;
	s24 =	sld [smem:$0x3FFE];
	[sflag:s23] =	ssyncadd.s32 $0xFFFFFFFF  }
0xa5: {  	s26 =	simm.s32 $execute0_lowered;
	[smem:$0x3FD2] =	sst s25  }
0xa6: {  	s4 =	sshll.u32 s26, $0x1;
	_ =	strace $0x80000049;
	[dreg:$0x1] =	wrdreg $0xFFFFFFFF  }
0xa7: {  	s28 =	simm.s32 $_size_execute0_lowered;
	s2 =	sadd.s32 s2, s4;
	[dreg:$0x0] =	wrdreg $0x0  }
0xa8: {  	s4 =	sshll.u32 s28, $0x1;
	[dreg:$0x2] =	wrdreg s2  }
0xa9: {  	[dreg:$0x3] =	wrdreg s4  }
0xaa: {  	[dreg:$0x4] =	wrdreg $0xC0  }
0xab: {  	_ =	task [dreg:s6], $0x5FFFF  }
0xac: {  	[dreg:$0x1] =	wrdreg $0xFFFFFFFF  }
0xad: {  	[dreg:$0x0] =	wrdreg $0x60  }
0xae: {  	[dreg:$0x2] =	wrdreg s24  }
0xaf: {  	[dreg:$0x3] =	wrdreg $0x85000  }
0xb0: {  	[dreg:$0x4] =	wrdreg $0x1C5000  }
0xb1: {  	[dreg:$0x5] =	wrdreg $0x9  }
0xb2: {  	_ =	task.clear_ibuf [dreg:s6], $0x6FFFF;
	_ =	strace $0x90000049  }
0xb3: {  	s29 =	simm.s32 $0x9;
	_ =	strace $0x8000004B  }
0xb4: {  	_ =	swait.ge [sflag:s29], $0x1  }
0xb5: {  	[sflag:s29] =	ssyncadd.s32 $0xFFFFFFFF  }
0xb6: {  	_ =	strace $0x9000004B  }
0xb7: {  	_ =	sfence  }
0xb8: {  	s30 =	sld [smem:$0x0];
	_ =	sdelay $0x2  }
0xb9: {  	s31 =	sshll.u32 s1, $0xD;
	s1 =	sshrl.u32 s1, $0x2  }
0xba: {  	s3 =	sand.u32 $0x4000, s31;
	s1 =	sadd.s32 s1, s30  }
0xbb: {  	s0 =	sor.u32 s3, s0;
	s1 =	sshll.u32 s1, $0x11  }
0xbc: {  	s0 =	sor.u32 s1, s0  }
0xbd: {  	s0 =	sadd.s32 $0x8F2B, s0  }
0xbe: {  	[sflag:s0] =	ssyncadd.remote.s32 $0x1  }
0xbf: {  	_ =	sfence.sel $0xFFFF  }
0xc0: {  	[dreg:$0x0] =	wrdreg $0xFFFFFFFF;
	(pc) =	sbr.abs _section_cstart, $3  }
0xc1: {  	[dreg:$0x1] =	wrdreg $0xFFFFFFFF  }
0xc2: {  	_ =	task.clear_ibuf [dreg:s6], $0x2FFFF;
	_ =	strace $0x9FFFFFFF  }
0xc3: {  	(tm) =	ssettm $0x7FFFFFFF  }
tec
execute0_lowered:
.L_overlay_start_1:
0x0: {  	(tag) =	ssettag $0x1  }
0x1: {  	s19 =	stileid.u32  }
0x2: {  	s0 =	srdreg.scid;
	s6 =	smul.u32 $0x14000, s19  }
0x3: {  	s2 =	rddreg [dreg:$0x1];
	s3 =	simm.s32 $0x0;
	s8 =	smul.u32 $0x280, s19  }
0x4: {  	s4 =	sand.u32 $0x1, s0;
	s24 =	sshll.u32 s19, $0x1;
	s13 =	smul.u32 $0x500, s19  }
0x5: {  	[smem:$0x7FF] =	sst s3;
	s0 =	sor.u32 s4, s24;
	s5 =	smul.u32 $0x140000, s4  }
0x6: {  	s7 =	ssub.s32 $0x2, s4;
	s4 =	sshll.u32 s4, $0x7;
	s1 =	smul.u32 $0x1400, s0  }
0x7: {  	s0 =	rddreg [dreg:$0x0];
	s10 =	sshrl.u32 s7, $0x1;
	s11 =	sadd.s32 $0x100, s8  }
0x8: {  	s12 =	sadd.s32 $0x180, s8;
	s20 =	sadd.s32 $0x200, s8;
	s13 =	sor.u32 s4, s13  }
0x9: {  	s9 =	sadd.s32 $0x8A600, s0;
	s6 =	sadd.s32 s5, s6;
	s7 =	ssub.s32 s7, s10  }
0xa: {  	s10 =	sadd.s32 $0x80, s8;
	s15 =	sshll.u32 s11, $0x7;
	s16 =	sshll.u32 s12, $0x7  }
0xb: {  	s21 =	sshll.u32 s20, $0x7;
	s28 =	sshll.u32 s11, $0x1;
	s30 =	sshll.u32 s12, $0x1  }
0xc: {  	s22 =	sadd.s32 $0x4200, s0;
	s23 =	sshrl.u32 s13, $0x3;
	s6 =	sshrl.u32 s6, $0x3  }
0xd: {  	s17 =	sshll.u32 s10, $0x1;
	s18 =	sadd.s32 s5, s15;
	s29 =	sadd.s32 s5, s16  }
0xe: {  	s13 =	smax.u32 s7, $0x1;
	s15 =	sadd.s32 s15, s2;
	s7 =	simm.s32 $0x200  }
0xf: {  	s6 =	sadd.s32 s9, s6;
	s25 =	sor.u32 s4, s17;
	s26 =	sshrl.u32 s18, $0x3  }
0x10: {  	s18 =	sshrl.u32 s29, $0x3;
	s29 =	sadd.s32 s1, s0;
	[dreg:$0x4] =	wrdreg s6  }
0x11: {  	s6 =	sshll.u32 s10, $0x7;
	s17 =	sadd.s32 s9, s26;
	s18 =	sadd.s32 s9, s18  }
0x12: {  	s24 =	sshrl.u32 s25, $0x3;
	s14 =	sadd.s32 s5, s6;
	[dreg:$0x6] =	wrdreg s17  }
0x13: {  	s17 =	sor.u32 s4, s28;
	s5 =	sadd.s32 s5, s21;
	[dreg:$0x7] =	wrdreg s18  }
0x14: {  	s18 =	sor.u32 s4, s30;
	s30 =	smul.u32 $0x50000, s19;
	s19 =	sadd.s32 $0x3A680, s0  }
0x15: {  	s14 =	sshrl.u32 s14, $0x3;
	s5 =	sshrl.u32 s5, $0x3;
	s25 =	sshrl.u32 s17, $0x3  }
0x16: {  	s28 =	sshrl.u32 s18, $0x3;
	s17 =	sadd.s32 $0x12600, s0;
	s14 =	sadd.s32 s9, s14  }
0x17: {  	s18 =	sadd.s32 $0x3A640, s0;
	s5 =	sadd.s32 s9, s5;
	[dreg:$0x5] =	wrdreg s14  }
0x18: {  	s9 =	sshll.u32 s20, $0x1;
	s26 =	sadd.s32 s22, s25;
	[dreg:$0x8] =	wrdreg s5  }
0x19: {  	s0 =	simm.s32 $0x5;
	s4 =	sor.u32 s4, s9;
	[dreg:$0xb] =	wrdreg s26  }
0x1a: {  	s9 =	sadd.s32 s22, s23;
	s14 =	rddreg [dreg:$0x2];
	s5 =	sadd.s32 $0x3A600, s29  }
0x1b: {  	[dreg:$0x9] =	wrdreg s9;
	s9 =	sadd.s32 s22, s24;
	s4 =	sshrl.u32 s4, $0x3  }
0x1c: {  	s23 =	sadd.s32 s8, s14;
	[dreg:$0xa] =	wrdreg s9;
	s9 =	sadd.s32 s22, s28  }
0x1d: {  	s24 =	sadd.s32 s6, s2;
	s4 =	sadd.s32 s22, s4;
	[dreg:$0xc] =	wrdreg s9  }
0x1e: {  	s25 =	sadd.s32 s10, s14;
	s26 =	sadd.s32 s11, s14;
	[dreg:$0xd] =	wrdreg s4  }
0x1f: {  	s29 =	sadd.s32 s12, s14;
	_ =	strace $0x8000004A;
	[dreg:$0xe] =	wrdreg s5  }
0x20: {  	s31 =	sadd.s32 s20, s14;
	s10 =	simm.s32 $0x500;
	[dreg:$0xf] =	wrdreg s13  }
0x21: {  	s6 =	simm.s32 $0x1;
	s8 =	simm.s32 $0x4500;
	[dreg:$0x10] =	wrdreg s15  }
0x22: {  	s11 =	simm.s32 $0x3;
	s28 =	sadd.s32 s16, s2;
	[dreg:$0x11] =	wrdreg s26  }
0x23: {  	s12 =	simm.s32 $0x480;
	s9 =	sshrl.u32 s30, $0x2;
	[dreg:$0x12] =	wrdreg s28  }
0x24: {  	s30 =	sadd.s32 s21, s2;
	s4 =	simm.s32 $0x400;
	[dreg:$0x13] =	wrdreg s29  }
0x25: {  	s22 =	sadd.s32 s9, s2;
	[dreg:$0x14] =	wrdreg s30;
	s5 =	simm.s32 $0x80  }
0x26: {  	v0 =	vimm.f32 $0.0e+00;
	s9 =	simm.s32 $0x2;
	s13 =	simm.s32 $0x280;
	s15 =	simm.s32 $0x4  }
.LBB2_1:
0x27: {  	s16 =	simm.s32 $0x0;
	s20 =	simm.s32 $0x200  }
.LBB2_2:
0x28: {  	p0 =	sne.s32 s20, $0xFE00;
	[tilespmem:s16+$0x570] =	vst v0  }
0x29: {  	[tilespmem:s16+$0x500] =	vst v0  }
0x2a: {  	[tilespmem:s16+$0x510] =	vst v0  }
.Ltmp0:
0x2b: {  	[tilespmem:s16+$0x520] =	vst v0;
	(pc) =	sbr.rel @p0 .LBB2_2-.Ltmp0, $4  }
0x2c: {  	[tilespmem:s16+$0x530] =	vst v0  }
0x2d: {  	[tilespmem:s16+$0x540] =	vst v0  }
0x2e: {  	[tilespmem:s16+$0x550] =	vst v0  }
0x2f: {  	[tilespmem:s16+$0x560] =	vst v0;
	s16 =	sshra.s32 s20, $0x2;
	s20 =	sadd.s32 $0x200, s20  }
0x30: {  	[tilespmem:s16+$0x570] =	vst v0  }
0x31: {  	[tilespmem:s16+$0x500] =	vst v0  }
0x32: {  	[tilespmem:s16+$0x510] =	vst v0  }
0x33: {  	[tilespmem:s16+$0x520] =	vst v0  }
0x34: {  	[tilespmem:s16+$0x530] =	vst v0  }
0x35: {  	[tilespmem:s16+$0x540] =	vst v0  }
0x36: {  	[tilespmem:s16+$0x550] =	vst v0  }
0x37: {  	[tilespmem:s16+$0x560] =	vst v0  }
0x38: {  	[tilespmem:$0x400] =	vst v0  }
0x39: {  	[tilespmem:$0x410] =	vst v0  }
0x3a: {  	[tilespmem:$0x420] =	vst v0  }
0x3b: {  	[tilespmem:$0x430] =	vst v0  }
0x3c: {  	[tilespmem:$0x440] =	vst v0  }
0x3d: {  	[tilespmem:$0x450] =	vst v0  }
0x3e: {  	[tilespmem:$0x460] =	vst v0  }
0x3f: {  	[tilespmem:$0x470] =	vst v0  }
0x40: {  	[spmem:s22] =	stream.linear.scatter [tilespmem:s10], [sflag:$0x5], $0x4000, $0x38;
	[tilespmem:$0x1C780] =	vst v63  }
0x41: {  	_ =	swait.ge [sflag:s0], $0x4000  }
0x42: {  	[sflag:s0] =	ssyncset.done $0x0  }
0x43: {  	[sflag:s0] =	ssyncadd.s32 $0xFFFFC000  }
0x44: {  	[spmem:s23] =	stream.linear.scatter [tilespmem:s4], [sflag:$0x5], $0x80, $0x38;
	[tilespmem:$0x1C780] =	vst v63  }
0x45: {  	_ =	swait.ge [sflag:s0], $0x80  }
0x46: {  	[sflag:s0] =	ssyncset.done $0x0  }
0x47: {  	[sflag:s0] =	ssyncadd.s32 $0xFFFFFF80  }
0x48: {  	[spmem:s24] =	stream.linear.scatter [tilespmem:s10], [sflag:$0x5], $0x4000, $0x38;
	[tilespmem:$0x1C780] =	vst v63  }
0x49: {  	_ =	swait.ge [sflag:s0], $0x4000  }
0x4a: {  	[sflag:s0] =	ssyncset.done $0x0  }
0x4b: {  	[sflag:s0] =	ssyncadd.s32 $0xFFFFC000  }
0x4c: {  	[spmem:s25] =	stream.linear.scatter [tilespmem:s4], [sflag:$0x5], $0x80, $0x38;
	[tilespmem:$0x1C780] =	vst v63  }
0x4d: {  	_ =	swait.ge [sflag:s0], $0x80  }
0x4e: {  	[sflag:s0] =	ssyncset.done $0x0  }
0x4f: {  	s21 =	rddreg [dreg:$0x10];
	[sflag:s0] =	ssyncadd.s32 $0xFFFFFF80  }
0x50: {  	[spmem:s21] =	stream.linear.scatter [tilespmem:s10], [sflag:$0x5], $0x4000, $0x38;
	[tilespmem:$0x1C780] =	vst v63  }
0x51: {  	_ =	swait.ge [sflag:s0], $0x4000  }
0x52: {  	[sflag:s0] =	ssyncset.done $0x0  }
0x53: {  	s26 =	smov.u32 s22;
	s22 =	rddreg [dreg:$0x11];
	[sflag:s0] =	ssyncadd.s32 $0xFFFFC000  }
0x54: {  	[spmem:s22] =	stream.linear.scatter [tilespmem:s4], [sflag:$0x5], $0x80, $0x38;
	[tilespmem:$0x1C780] =	vst v63  }
0x55: {  	_ =	swait.ge [sflag:s0], $0x80  }
0x56: {  	[sflag:s0] =	ssyncset.done $0x0  }
0x57: {  	s28 =	smov.u32 s23;
	s23 =	rddreg [dreg:$0x12];
	[sflag:s0] =	ssyncadd.s32 $0xFFFFFF80  }
0x58: {  	[spmem:s23] =	stream.linear.scatter [tilespmem:s10], [sflag:$0x5], $0x4000, $0x38;
	[tilespmem:$0x1C780] =	vst v63  }
0x59: {  	_ =	swait.ge [sflag:s0], $0x4000  }
0x5a: {  	[sflag:s0] =	ssyncset.done $0x0  }
0x5b: {  	s29 =	smov.u32 s24;
	s24 =	rddreg [dreg:$0x13];
	[sflag:s0] =	ssyncadd.s32 $0xFFFFC000  }
0x5c: {  	[spmem:s24] =	stream.linear.scatter [tilespmem:s4], [sflag:$0x5], $0x80, $0x38;
	[tilespmem:$0x1C780] =	vst v63  }
0x5d: {  	_ =	swait.ge [sflag:s0], $0x80  }
0x5e: {  	[sflag:s0] =	ssyncset.done $0x0  }
0x5f: {  	s30 =	smov.u32 s25;
	s25 =	rddreg [dreg:$0x14];
	[sflag:s0] =	ssyncadd.s32 $0xFFFFFF80  }
0x60: {  	[spmem:s25] =	stream.linear.scatter [tilespmem:s10], [sflag:$0x5], $0x4000, $0x38;
	[tilespmem:$0x1C780] =	vst v63  }
0x61: {  	_ =	swait.ge [sflag:s0], $0x4000  }
0x62: {  	[sflag:s0] =	ssyncset.done $0x0  }
0x63: {  	[sflag:s0] =	ssyncadd.s32 $0xFFFFC000  }
0x64: {  	[spmem:s31] =	stream.linear.scatter [tilespmem:s4], [sflag:$0x5], $0x80, $0x38;
	[tilespmem:$0x1C780] =	vst v63  }
0x65: {  	_ =	swait.ge [sflag:s0], $0x80  }
0x66: {  	[sflag:s0] =	ssyncset.done $0x0  }
0x67: {  	[sflag:s0] =	ssyncadd.s32 $0xFFFFFF80  }
0x68: {  	[bflag:$0x0] =	sbarrier.arrive $0xFFFF  }
0x69: {  	s16 =	simm.s32 $0x0;
	s20 =	rddreg [dreg:$0xe]  }
0x6a: {  	[tilespmem:s16], [sflag:$0x5] =	stream.linear.gather [hbm4b:s20+s16], $0x180, $0x38;
	[tilespmem:$0x1C780] =	vst v63  }
0x6b: {  	_ =	swait.ge [sflag:s0], $0x180  }
0x6c: {  	[sflag:s0] =	ssyncset.done $0x0  }
0x6d: {  	[sflag:s0] =	ssyncadd.s32 $0xFFFFFE80  }
0x6e: {  	v1 =	vld [tilespmem:$0x100]  }
0x6f: {  	v2 =	vld [tilespmem:$0x110]  }
0x70: {  	v3 =	vld [tilespmem:$0x120]  }
0x71: {  	v4 =	vld [tilespmem:$0x130]  }
0x72: {  	v5 =	vld [tilespmem:$0x140]  }
0x73: {  	[tilespmem:$0x400] =	vst v1;
	v1 =	vld [tilespmem:$0x150]  }
0x74: {  	[tilespmem:$0x410] =	vst v2;
	v2 =	vld [tilespmem:$0x160]  }
0x75: {  	[tilespmem:$0x420] =	vst v3;
	v3 =	vld [tilespmem:$0x170]  }
0x76: {  	[tilespmem:$0x430] =	vst v4  }
0x77: {  	[tilespmem:$0x440] =	vst v5  }
0x78: {  	[tilespmem:$0x450] =	vst v1  }
0x79: {  	[tilespmem:$0x460] =	vst v2  }
0x7a: {  	s20 =	simm.s32 $0x0;
	[tilespmem:$0x470] =	vst v3  }
0x7b: {  	[tilespmem:s10], [sflag:$0x1] =	stream.indirect.gather [hbm4b:s17+s5], $0x80, s16, s5, $0xb8;
	[tilespmem:$0x1C780] =	vst v63  }
.LBB2_4:
0x7c: {  	_ =	swait.ge [sflag:s6], $0x4000  }
0x7d: {  	p0 =	seq.s32 s20, $0x0;
	[sflag:s6] =	ssyncset.done $0x0  }
0x7e: {  	s22 =	simm.s32 @!p0 $0x4;
	[sflag:s6] =	ssyncadd.s32 $0xFFFFC000  }
0x7f: {  	_ =	swait.ge @!p0 [sflag:s22], $0x4000  }
0x80: {  	[sflag:s22] =	ssyncset.done @!p0 $0x0  }
0x81: {  	[sflag:s22] =	ssyncadd.s32 @!p0 $0xFFFFC000  }
0x82: {  	s21 =	sshll.u32 s20, $0x7;
	_ =	swait.ge @!p0 [sflag:s22], $0x80  }
0x83: {  	s21 =	sadd.s32 s1, s21;
	[sflag:s22] =	ssyncset.done @!p0 $0x0  }
0x84: {  	s25 =	sadd.s32 s21, s18;
	[sflag:s22] =	ssyncadd.s32 @!p0 $0xFFFFFF80  }
0x85: {  	[tilespmem:s7], [sflag:$0x5] =	stream.linear.gather [hbm4b:s25+s16], $0x180, $0x38;
	[tilespmem:$0x1C780] =	vst v63  }
0x86: {  	_ =	swait.ge [sflag:s0], $0x180  }
0x87: {  	[sflag:s0] =	ssyncset.done $0x0  }
0x88: {  	[sflag:s0] =	ssyncadd.s32 $0xFFFFFE80  }
0x89: {  	v1 =	vld [tilespmem:$0x300]  }
0x8a: {  	v2 =	vld [tilespmem:$0x310]  }
0x8b: {  	v3 =	vld [tilespmem:$0x320]  }
0x8c: {  	v4 =	vld [tilespmem:$0x330]  }
0x8d: {  	v5 =	vld [tilespmem:$0x340]  }
0x8e: {  	[tilespmem:$0x480] =	vst v1;
	v1 =	vld [tilespmem:$0x350]  }
0x8f: {  	[tilespmem:$0x490] =	vst v2;
	v2 =	vld [tilespmem:$0x360]  }
0x90: {  	[tilespmem:$0x4A0] =	vst v3;
	v3 =	vld [tilespmem:$0x370]  }
0x91: {  	[tilespmem:$0x4B0] =	vst v4  }
0x92: {  	[tilespmem:$0x4C0] =	vst v5  }
0x93: {  	[tilespmem:$0x4D0] =	vst v1  }
0x94: {  	[tilespmem:$0x4E0] =	vst v2  }
0x95: {  	s22 =	simm.s32 $0x540;
	[tilespmem:$0x4F0] =	vst v3;
	v1 =	vmov s16  }
0x96: {  	[tilespmem:s8], [sflag:$0x2] =	stream.indirect.gather [hbm4b:s17+s5], $0x80, s7, s5, $0xb8;
	[tilespmem:$0x1C780] =	vst v63  }
0x97: {  	v5 =	vld [tilespmem:s22+$0x30]  }
0x98: {  	v8 =	vld [tilespmem:s22+$0x10]  }
0x99: {  	v6 =	vld [tilespmem:s22+$0xFFFFFFC0]  }
0x9a: {  	v2 =	vld.idx.msk [tilespmem:v1+s4+$0x0], $0xffff  }
0x9b: {  	v10 =	vld [tilespmem:s22+$0xFFFFFFE0]  }
0x9c: {  	v3 =	vld [tilespmem:s22+$0x20]  }
0x9d: {  	v4 =	vld [tilespmem:s22+$0xFFFFFFD0]  }
0x9e: {  	v1 =	vld [tilespmem:s22+$0xFFFFFFF0]  }
0x9f: {  	v9 =	vmul.f32 v5, v2;
	v5 =	vld [tilespmem:s22+$0x0]  }
0xa0: {  	v7 =	vmul.f32 v6, v2  }
0xa1: {  	s23 =	simm.s32 $0x1;
	s24 =	simm.s32 $0x540;
	v6 =	vmul.f32 v10, v2;
	v8 =	vmul.f32 v8, v2  }
.LBB2_5:
0xa2: {  	p0 =	sne.s32 s23, $0x7F  }
0xa3: {  	v4 =	vmul.f32 v4, v2;
	v3 =	vmul.f32 v3, v2;
	[tilespmem:s22+$0x30] =	vst v9;
	s24 =	sadd.s32 $0x80, s24;
	s25 =	smov.u32 s23;
	s23 =	sadd.s32 $0x1, s23  }
0xa4: {  	[tilespmem:s22+$0xFFFFFFC0] =	vst v7;
	v7 =	vmul.f32 v1, v2;
	v2 =	vmul.f32 v5, v2  }
0xa5: {  	[tilespmem:s22+$0x10] =	vst v8  }
0xa6: {  	v5 =	vmov s25;
	[tilespmem:s22+$0xFFFFFFE0] =	vst v6  }
0xa7: {  	v1 =	vld [tilespmem:s24+$0xFFFFFFF0];
	[tilespmem:s22+$0xFFFFFFF0] =	vst v7  }
0xa8: {  	v6 =	vld [tilespmem:s24+$0x30];
	[tilespmem:s22+$0x0] =	vst v2  }
0xa9: {  	v8 =	vld [tilespmem:s24+$0x10];
	[tilespmem:s22+$0x20] =	vst v3  }
0xaa: {  	v7 =	vld [tilespmem:s24+$0xFFFFFFC0];
	[tilespmem:s22+$0xFFFFFFD0] =	vst v4;
	s22 =	smov.u32 s24  }
0xab: {  	v2 =	vld.idx.msk [tilespmem:v5+s4+$0x0], $0xffff  }
0xac: {  	v10 =	vld [tilespmem:s24+$0xFFFFFFE0]  }
0xad: {  	v3 =	vld [tilespmem:s24+$0x20]  }
.Ltmp1:
0xae: {  	v4 =	vld [tilespmem:s24+$0xFFFFFFD0];
	(pc) =	sbr.rel @p0 .LBB2_5-.Ltmp1, $3  }
0xaf: {  	v5 =	vld [tilespmem:s24+$0x0];
	_ =	sdelay $0x1  }
0xb0: {  	v7 =	vmul.f32 v7, v2;
	v9 =	vmul.f32 v6, v2  }
0xb1: {  	v8 =	vmul.f32 v8, v2;
	v6 =	vmul.f32 v10, v2  }
0xb2: {  	[tilespmem:s22+$0x30] =	vst v9  }
0xb3: {  	[tilespmem:s22+$0xFFFFFFC0] =	vst v7  }
0xb4: {  	v1 =	vmul.f32 v1, v2;
	[tilespmem:s22+$0x10] =	vst v8  }
0xb5: {  	v3 =	vmul.f32 v3, v2;
	[tilespmem:s22+$0xFFFFFFE0] =	vst v6  }
0xb6: {  	v5 =	vmul.f32 v5, v2;
	[tilespmem:s22+$0xFFFFFFF0] =	vst v1  }
0xb7: {  	v1 =	vmul.f32 v4, v2;
	[tilespmem:s22+$0x20] =	vst v3  }
0xb8: {  	[tilespmem:s22+$0x0] =	vst v5  }
0xb9: {  	[tilespmem:s22+$0xFFFFFFD0] =	vst v1  }
0xba: {  	[spmem:s2] =	stream.indirect.scatter.add.f32 [tilespmem:s10], [sflag:$0x3], $0x80, s5, s5, $0xb8;
	[tilespmem:$0x1C780] =	vst v63  }
0xbb: {  	_ = 	snop  }
0xbc: {  	[spmem:s14] =	stream.indirect.scatter.add.f32 [tilespmem:s4], [sflag:$0x3], $0x1, s5, s5, $0xb8;
	[tilespmem:$0x1C780] =	vst v63  }
0xbd: {  	_ =	swait.ge [sflag:s9], $0x4000  }
0xbe: {  	[sflag:s9] =	ssyncset.done $0x0  }
0xbf: {  	[sflag:s9] =	ssyncadd.s32 $0xFFFFC000  }
0xc0: {  	_ =	swait.ge [sflag:s11], $0x4000  }
0xc1: {  	[sflag:s11] =	ssyncset.done $0x0  }
0xc2: {  	[sflag:s11] =	ssyncadd.s32 $0xFFFFC000  }
0xc3: {  	_ =	swait.ge [sflag:s11], $0x80  }
0xc4: {  	p0 =	seq.s32 s20, $0x27;
	[sflag:s11] =	ssyncset.done $0x0  }
0xc5: {  	s21 =	sadd.s32 @!p0 s21, s19;
	s22 =	simm.s32 @!p0 $0x0;
	[sflag:s11] =	ssyncadd.s32 $0xFFFFFF80  }
0xc6: {  	[tilespmem:s22], [sflag:$0x5] =	stream.linear.gather @!p0 [hbm4b:s21+s22], $0x180, $0x38;
	[tilespmem:$0x1C780] =	vst v63  }
0xc7: {  	s21 =	simm.s32 @!p0 $0x5  }
0xc8: {  	_ =	swait.ge @!p0 [sflag:s21], $0x180  }
0xc9: {  	[sflag:s21] =	ssyncset.done @!p0 $0x0  }
0xca: {  	[sflag:s21] =	ssyncadd.s32 @!p0 $0xFFFFFE80  }
0xcb: {  	v1 =	vld @!p0 [tilespmem:$0x100]  }
0xcc: {  	v2 =	vld @!p0 [tilespmem:$0x110]  }
0xcd: {  	v3 =	vld @!p0 [tilespmem:$0x120]  }
0xce: {  	v4 =	vld @!p0 [tilespmem:$0x130]  }
0xcf: {  	v5 =	vld @!p0 [tilespmem:$0x140]  }
0xd0: {  	[tilespmem:$0x400] =	vst @!p0 v1;
	v1 =	vld @!p0 [tilespmem:$0x150]  }
0xd1: {  	[tilespmem:$0x410] =	vst @!p0 v2;
	v2 =	vld @!p0 [tilespmem:$0x160]  }
0xd2: {  	[tilespmem:$0x420] =	vst @!p0 v3;
	v3 =	vld @!p0 [tilespmem:$0x170]  }
0xd3: {  	[tilespmem:$0x430] =	vst @!p0 v4  }
0xd4: {  	[tilespmem:$0x440] =	vst @!p0 v5  }
0xd5: {  	[tilespmem:$0x450] =	vst @!p0 v1  }
0xd6: {  	[tilespmem:$0x460] =	vst @!p0 v2  }
0xd7: {  	s24 =	simm.s32 $0x0;
	s23 =	simm.s32 @!p0 $0x500;
	s21 =	simm.s32 @!p0 $0x80;
	[tilespmem:$0x470] =	vst @!p0 v3  }
0xd8: {  	v1 =	vmov s24;
	[tilespmem:s23], [sflag:$0x1] =	stream.indirect.gather @!p0 [hbm4b:s17+s21], $0x80, s22, s21, $0xb8;
	[tilespmem:$0x1C780] =	vst v63  }
0xd9: {  	s21 =	simm.s32 $0x4540  }
0xda: {  	v5 =	vld [tilespmem:s21+$0x30]  }
0xdb: {  	v8 =	vld [tilespmem:s21+$0x10]  }
0xdc: {  	v6 =	vld [tilespmem:s21+$0xFFFFFFC0]  }
0xdd: {  	v2 =	vld.idx.msk [tilespmem:v1+s12+$0x0], $0xffff  }
0xde: {  	v10 =	vld [tilespmem:s21+$0xFFFFFFE0]  }
0xdf: {  	v3 =	vld [tilespmem:s21+$0x20]  }
0xe0: {  	v4 =	vld [tilespmem:s21+$0xFFFFFFD0]  }
0xe1: {  	v1 =	vld [tilespmem:s21+$0xFFFFFFF0]  }
0xe2: {  	v9 =	vmul.f32 v5, v2;
	v5 =	vld [tilespmem:s21+$0x0]  }
0xe3: {  	v7 =	vmul.f32 v6, v2  }
0xe4: {  	s22 =	simm.s32 $0x1;
	s23 =	simm.s32 $0x4540;
	v6 =	vmul.f32 v10, v2;
	v8 =	vmul.f32 v8, v2  }
.LBB2_7:
0xe5: {  	p0 =	sne.s32 s22, $0x7F  }
0xe6: {  	v4 =	vmul.f32 v4, v2;
	v3 =	vmul.f32 v3, v2;
	[tilespmem:s21+$0x30] =	vst v9;
	s23 =	sadd.s32 $0x80, s23;
	s24 =	smov.u32 s22;
	s22 =	sadd.s32 $0x1, s22  }
0xe7: {  	[tilespmem:s21+$0xFFFFFFC0] =	vst v7;
	v7 =	vmul.f32 v1, v2;
	v2 =	vmul.f32 v5, v2  }
0xe8: {  	[tilespmem:s21+$0x10] =	vst v8  }
0xe9: {  	v5 =	vmov s24;
	[tilespmem:s21+$0xFFFFFFE0] =	vst v6  }
0xea: {  	v1 =	vld [tilespmem:s23+$0xFFFFFFF0];
	[tilespmem:s21+$0xFFFFFFF0] =	vst v7  }
0xeb: {  	v6 =	vld [tilespmem:s23+$0x30];
	[tilespmem:s21+$0x0] =	vst v2  }
0xec: {  	v8 =	vld [tilespmem:s23+$0x10];
	[tilespmem:s21+$0x20] =	vst v3  }
0xed: {  	v7 =	vld [tilespmem:s23+$0xFFFFFFC0];
	[tilespmem:s21+$0xFFFFFFD0] =	vst v4;
	s21 =	smov.u32 s23  }
0xee: {  	v2 =	vld.idx.msk [tilespmem:v5+s12+$0x0], $0xffff  }
0xef: {  	v10 =	vld [tilespmem:s23+$0xFFFFFFE0]  }
0xf0: {  	v3 =	vld [tilespmem:s23+$0x20]  }
.Ltmp2:
0xf1: {  	v4 =	vld [tilespmem:s23+$0xFFFFFFD0];
	(pc) =	sbr.rel @p0 .LBB2_7-.Ltmp2, $3  }
0xf2: {  	v5 =	vld [tilespmem:s23+$0x0];
	_ =	sdelay $0x1  }
0xf3: {  	v7 =	vmul.f32 v7, v2;
	v9 =	vmul.f32 v6, v2  }
0xf4: {  	v8 =	vmul.f32 v8, v2;
	v6 =	vmul.f32 v10, v2  }
0xf5: {  	[tilespmem:s21+$0x30] =	vst v9  }
0xf6: {  	[tilespmem:s21+$0xFFFFFFC0] =	vst v7  }
0xf7: {  	v1 =	vmul.f32 v1, v2;
	[tilespmem:s21+$0x10] =	vst v8  }
0xf8: {  	v3 =	vmul.f32 v3, v2;
	[tilespmem:s21+$0xFFFFFFE0] =	vst v6  }
0xf9: {  	s20 =	sadd.s32 $0x1, s20;
	v5 =	vmul.f32 v5, v2;
	[tilespmem:s21+$0xFFFFFFF0] =	vst v1  }
0xfa: {  	p0 =	sne.s32 s20, $0x28;
	v1 =	vmul.f32 v4, v2;
	[tilespmem:s21+$0x20] =	vst v3  }
.Ltmp3:
0xfb: {  	[tilespmem:s21+$0x0] =	vst v5;
	(pc) =	sbr.rel @p0 .LBB2_4-.Ltmp3, $4  }
0xfc: {  	[tilespmem:s21+$0xFFFFFFD0] =	vst v1  }
0xfd: {  	[spmem:s2] =	stream.indirect.scatter.add.f32 [tilespmem:s8], [sflag:$0x4], $0x80, s13, s5, $0xb8;
	[tilespmem:$0x1C780] =	vst v63  }
0xfe: {  	_ = 	snop  }
0xff: {  	[spmem:s14] =	stream.indirect.scatter.add.f32 [tilespmem:s12], [sflag:$0x4], $0x1, s13, s5, $0xb8;
	[tilespmem:$0x1C780] =	vst v63  }
0x100: {  	_ =	swait.ge [sflag:s15], $0x4000  }
0x101: {  	[sflag:s15] =	ssyncset.done $0x0  }
0x102: {  	[sflag:s15] =	ssyncadd.s32 $0xFFFFC000  }
0x103: {  	_ =	swait.ge [sflag:s15], $0x80  }
0x104: {  	[sflag:s15] =	ssyncset.done $0x0  }
0x105: {  	s16 =	stileid.u32;
	[sflag:s15] =	ssyncadd.s32 $0xFFFFFF80  }
0x106: {  	s16 =	sshll.u32 s16, $0x6;
	[bflag:$0x0] =	sbarrier.arrive $0xFFFF  }
0x107: {  	s20 =	sshrl.u32 s26, $0x3;
	s16 =	sor.u32 $0x1C05, s16;
	s21 =	rddreg [dreg:$0x4]  }
0x108: {  	[hbm:s21], [sflag:s16] =	dma.local [spmem:s20], $0x800  }
0x109: {  	_ =	swait.ge [sflag:s0], $0x800  }
0x10a: {  	[sflag:s0] =	ssyncset.done $0x0  }
0x10b: {  	s24 =	sshrl.u32 s28, $0x3;
	s25 =	rddreg [dreg:$0x9];
	[sflag:s0] =	ssyncadd.s32 $0xFFFFF800  }
0x10c: {  	[hbm:s25], [sflag:s16] =	dma.local [spmem:s24], $0x10  }
0x10d: {  	_ =	swait.ge [sflag:s0], $0x10  }
0x10e: {  	s22 =	smov.u32 s26;
	s23 =	smov.u32 s28;
	[sflag:s0] =	ssyncset.done $0x0  }
0x10f: {  	s26 =	sshrl.u32 s29, $0x3;
	s28 =	rddreg [dreg:$0x5];
	[sflag:s0] =	ssyncadd.s32 $0xFFFFFFF0  }
0x110: {  	[hbm:s28], [sflag:s16] =	dma.local [spmem:s26], $0x800  }
0x111: {  	_ =	swait.ge [sflag:s0], $0x800  }
0x112: {  	s24 =	smov.u32 s29;
	s25 =	smov.u32 s30;
	[sflag:s0] =	ssyncset.done $0x0  }
0x113: {  	s29 =	sshrl.u32 s30, $0x3;
	s30 =	rddreg [dreg:$0xa];
	[sflag:s0] =	ssyncadd.s32 $0xFFFFF800  }
0x114: {  	[hbm:s30], [sflag:s16] =	dma.local [spmem:s29], $0x10  }
0x115: {  	_ =	swait.ge [sflag:s0], $0x10  }
0x116: {  	[sflag:s0] =	ssyncset.done $0x0;
	s26 =	rddreg [dreg:$0x10]  }
0x117: {  	s28 =	rddreg [dreg:$0x6];
	[sflag:s0] =	ssyncadd.s32 $0xFFFFFFF0;
	s20 =	sshrl.u32 s26, $0x3  }
0x118: {  	[hbm:s28], [sflag:s16] =	dma.local [spmem:s20], $0x800  }
0x119: {  	_ =	swait.ge [sflag:s0], $0x800  }
0x11a: {  	[sflag:s0] =	ssyncset.done $0x0;
	s29 =	rddreg [dreg:$0x11]  }
0x11b: {  	s30 =	rddreg [dreg:$0xb];
	[sflag:s0] =	ssyncadd.s32 $0xFFFFF800;
	s20 =	sshrl.u32 s29, $0x3  }
0x11c: {  	[hbm:s30], [sflag:s16] =	dma.local [spmem:s20], $0x10  }
0x11d: {  	_ =	swait.ge [sflag:s0], $0x10  }
0x11e: {  	[sflag:s0] =	ssyncset.done $0x0;
	s26 =	rddreg [dreg:$0x12]  }
0x11f: {  	s28 =	rddreg [dreg:$0x7];
	[sflag:s0] =	ssyncadd.s32 $0xFFFFFFF0;
	s20 =	sshrl.u32 s26, $0x3  }
0x120: {  	[hbm:s28], [sflag:s16] =	dma.local [spmem:s20], $0x800  }
0x121: {  	_ =	swait.ge [sflag:s0], $0x800  }
0x122: {  	[sflag:s0] =	ssyncset.done $0x0;
	s29 =	rddreg [dreg:$0x13]  }
0x123: {  	s30 =	rddreg [dreg:$0xc];
	[sflag:s0] =	ssyncadd.s32 $0xFFFFF800;
	s20 =	sshrl.u32 s29, $0x3  }
0x124: {  	[hbm:s30], [sflag:s16] =	dma.local [spmem:s20], $0x10  }
0x125: {  	_ =	swait.ge [sflag:s0], $0x10  }
0x126: {  	[sflag:s0] =	ssyncset.done $0x0;
	s21 =	rddreg [dreg:$0x14]  }
0x127: {  	s26 =	rddreg [dreg:$0x8];
	[sflag:s0] =	ssyncadd.s32 $0xFFFFFFF0;
	s20 =	sshrl.u32 s21, $0x3  }
0x128: {  	[hbm:s26], [sflag:s16] =	dma.local [spmem:s20], $0x800  }
0x129: {  	_ =	swait.ge [sflag:s0], $0x800  }
0x12a: {  	[sflag:s0] =	ssyncset.done $0x0  }
0x12b: {  	s28 =	sshrl.u32 s31, $0x3;
	s29 =	rddreg [dreg:$0xd];
	[sflag:s0] =	ssyncadd.s32 $0xFFFFF800  }
0x12c: {  	[hbm:s29], [sflag:s16] =	dma.local [spmem:s28], $0x10  }
0x12d: {  	_ =	swait.ge [sflag:s0], $0x10  }
0x12e: {  	s3 =	sadd.s32 $0x1, s3;
	s30 =	rddreg [dreg:$0xf]  }
0x12f: {  	p0 =	sne.s32 s3, s30  }
.Ltmp4:
0x130: {  	_ = 	snop;
	(pc) =	sbr.rel @p0 .LBB2_1-.Ltmp4, $3  }
0x131: {  	_ =	sdelay $0x1  }
0x132: {  	[sflag:s0] =	ssyncset.done $0x0  }
0x133: {  	[sflag:s0] =	ssyncadd.s32 $0xFFFFFFF0  }
0x134: {  	_ =	sfence.sel $0x180000  }
0x135: {  	[bflag:$0x0] =	sbarrier.arrive $0xFFFF  }
0x136: {  	_ =	strace $0x9000004A  }
0x137: {  	s0 =	stileid.u32;
	[bflag:$0x2] =	sbarrier.arrive $0xFFFF  }
0x138: {  	p0 =	sne.s32 s0, $0x0;
	s0 =	rddreg [dreg:$0x3]  }
0x139: {  	s0 =	sadd.s32 @!p0 $0x100000, s0  }
0x13a: {  	[sflag:s0] =	ssyncadd.tile.s32 @!p0 $0x1;
	_ =	shalt  }
.Lfunc_end2:
_tile_overlayer_lowered:
.L_overlay_start_2:
0x13b: {  	(tag) =	ssettag $0x2  }
0x13c: {  	s0 =	rddreg [dreg:$0x0];
	s2 =	stileid.u32  }
0x13d: {  	s1 =	rddreg [dreg:$0x1];
	p0 =	sne.s32 s2, $0x0  }
0x13e: {  	s3 =	rddreg [dreg:$0x2];
	[bflag:$0x3] =	sbarrier.arrive $0xFFFF;
	s2 =	simm.s32 @!p0 $0x1C05  }
0x13f: {  	[timem:s3], [sflag:s2] =	dma.local @!p0 [hbm:s0], s1  }
0x140: {  	s0 =	simm.s32 @!p0 $0x5  }
0x141: {  	_ =	swait.ge @!p0 [sflag:s0], s1  }
0x142: {  	s1 =	ssub.s32 @!p0 $0x0, s1;
	[sflag:s0] =	ssyncset.done @!p0 $0x0  }
0x143: {  	[sflag:s0] =	ssyncadd.s32 @!p0 s1  }
0x144: {  	[bflag:$0x3] =	sbarrier.arrive $0xFFFF  }
0x145: {  	_ =	shalt  }

// kernel: kernel.14.cloned.1.call-start
scs
__scs_entry_jumppad:
0x0: {  	(pc) =	sbr.rel $0x88, $3  }
0x1: {  	(tag) =	ssettag $0x0;
	lr =	simm.s32 $0x1  }
0x2: {  	[smem:$0x3F96] =	sst lr;
	_ =	strace $0xD0000000  }
0x3: {  	_ = 	snop  }
0x4: {  	_ = 	snop  }
0x5: {  	_ = 	snop  }
0x6: {  	_ = 	snop  }
0x7: {  	_ = 	snop  }
__scs_overlays_trampoline_lowered:
0x8: {  	[smem:$0x3FA5] =	sst s0  }
0x9: {  	[smem:$0x3FA6] =	sst s1  }
0xa: {  	[smem:$0x3FA7] =	sst s2  }
0xb: {  	[smem:$0x3FA8] =	sst s3  }
0xc: {  	[smem:$0x3FA9] =	sst s4  }
0xd: {  	[smem:$0x3FAA] =	sst s5  }
0xe: {  	[smem:$0x3FAB] =	sst s6  }
0xf: {  	[smem:$0x3FAC] =	sst s7  }
0x10: {  	[smem:$0x3FAD] =	sst s8  }
0x11: {  	[smem:$0x3FAE] =	sst s9;
	s0 =	simm.s32 @!p0 $0x0  }
0x12: {  	s1 =	sld [smem:$0x3F94];
	s0 =	simm.s32 @p0 $0x1  }
0x13: {  	[smem:$0x3FAF] =	sst s0;
	s0 =	simm.s32 @!p1 $0x0  }
0x14: {  	s2 =	sld [smem:$0x3F93];
	s0 =	simm.s32 @p1 $0x1  }
0x15: {  	[smem:$0x3FB0] =	sst s0;
	s0 =	simm.s32 @!p2 $0x0  }
0x16: {  	s3 =	sld [smem:$0x3FDB];
	s0 =	simm.s32 @p2 $0x1  }
0x17: {  	s4 =	simm.s32 $0x1BF5;
	[smem:$0x3FB2] =	sst s0  }
0x18: {  	s0 =	sld [smem:$0x3F95];
	_ =	swait.ge [sflag:s4], $0x0  }
0x19: {  	s7 =	sld [smem:$0x3F96]  }
0x1a: {  	s8 =	sadd.s32 $0xFFFFE003, lr  }
0x1b: {  	s9 =	sadd.s32 $0xFFFFFEF7, lr;
	s5 =	simm.s32 $0xFFFFFFFF;
	p2 =	slt.u32 s8, $0xFFFFF086  }
0x1c: {  	p1 =	slt.u32 s9, $0xF7A;
	s5 =	simm.s32 @!p2 $0x0  }
0x1d: {  	s5 =	simm.s32 @p1 $0x1;
	p0 =	seq.s32 s7, s2  }
0x1e: {  	s7 =	smul.u32 @!p0 $0xF7A, s2;
	p2 =	seq.s32 @!p0 s5, $0x0  }
0x1f: {  	s9 =	smul.u32 $0xF7A, s1;
	s8 =	simm.s32 @!p0 $0x1BF5;
	p2 =	por !p2, p0  }
0x20: {  	[sflag:s8] =	ssyncset.s32 @!p0 $0xFFFFF086;
	s6 =	sadd.s32 @!p0 s3, s7;
	s7 =	simm.s32 @!p0 $0x108  }
0x21: {  	s3 =	sadd.s32 s3, s9;
	s6 =	sadd.s32 @!p0 $0x88, s6;
	s7 =	simm.s32 @p2 $0x1082  }
0x22: {  	[simem:s7], [sflag:s8] =	dma.local @!p0 [hbm:s6], $0xF7A  }
0x23: {  	s9 =	sor.u32 $0xD0000000, s2;
	s6 =	simm.s32 $0x108;
	_ =	swait.ge @!p0 [sflag:s8], $0x0  }
0x24: {  	s3 =	sadd.s32 $0x88, s3;
	s6 =	simm.s32 @!p1 $0x1082;
	[sflag:s4] =	ssyncset.s32 $0xFFFFF086  }
0x25: {  	[simem:s6], [sflag:s4] =	dma.local [hbm:s3], $0xF7A  }
0x26: {  	[smem:$0x3F96] =	sst s1;
	(tag) =	ssettag s2;
	_ =	strace s9  }
0x27: {  	s1 =	sld [smem:$0x3FA6]  }
0x28: {  	s2 =	sld [smem:$0x3FA7]  }
0x29: {  	s4 =	sld [smem:$0x3FA9]  }
0x2a: {  	p0 =	seq.s32 s5, $0x0;
	s5 =	sld [smem:$0x3FAA]  }
0x2b: {  	s6 =	sld [smem:$0x3FAB]  }
0x2c: {  	s7 =	sld [smem:$0x3FAC]  }
0x2d: {  	s3 =	simm.s32 $0x108;
	s8 =	sld [smem:$0x3FAD]  }
0x2e: {  	s3 =	simm.s32 @!p0 $0x1082;
	s9 =	sld [smem:$0x3FAE]  }
0x2f: {  	lr =	sadd.s32 s0, s3;
	s0 =	sld [smem:$0x3FA5]  }
0x30: {  	s3 =	sld [smem:$0x3FA8]  }
0x31: {  	[smem:$0x3FB1] =	sst s10  }
0x32: {  	s10 =	sld [smem:$0x3FAF];
	_ =	sdelay $0x3  }
0x33: {  	p0 =	seq.s32 s10, $0x1;
	s10 =	sld [smem:$0x3FB1];
	_ =	sdelay $0x3  }
0x34: {  	[smem:$0x3FB1] =	sst s10  }
0x35: {  	s10 =	sld [smem:$0x3FB0];
	_ =	sdelay $0x3  }
0x36: {  	p1 =	seq.s32 s10, $0x1;
	s10 =	sld [smem:$0x3FB1];
	_ =	sdelay $0x3  }
0x37: {  	[smem:$0x3FB1] =	sst s10  }
0x38: {  	s10 =	sld [smem:$0x3FB2]  }
0x39: {  	_ = 	snop;
	(pc) =	sbr.ind lr, $3  }
0x3a: {  	_ = 	snop  }
0x3b: {  	_ = 	snop  }
0x3c: {  	p2 =	seq.s32 s10, $0x1;
	s10 =	sld [smem:$0x3FB1]  }
0x3d: {  	_ =	shalt  }
0x3e: {  	_ =	shalt  }
0x3f: {  	_ =	shalt  }
0x40: {  	_ =	shalt  }
0x41: {  	_ =	shalt  }
0x42: {  	_ =	shalt  }
0x43: {  	_ =	shalt  }
0x44: {  	_ =	shalt  }
0x45: {  	_ =	shalt  }
0x46: {  	_ =	shalt  }
0x47: {  	_ =	shalt  }
0x48: {  	_ =	shalt  }
0x49: {  	_ =	shalt  }
0x4a: {  	_ =	shalt  }
0x4b: {  	_ =	shalt  }
0x4c: {  	_ =	shalt  }
0x4d: {  	_ =	shalt  }
0x4e: {  	_ =	shalt  }
0x4f: {  	_ =	shalt  }
0x50: {  	_ =	shalt  }
0x51: {  	_ =	shalt  }
0x52: {  	_ =	shalt  }
0x53: {  	_ =	shalt  }
0x54: {  	_ =	shalt  }
0x55: {  	_ =	shalt  }
0x56: {  	_ =	shalt  }
0x57: {  	_ =	shalt  }
0x58: {  	_ =	shalt  }
0x59: {  	_ =	shalt  }
0x5a: {  	_ =	shalt  }
0x5b: {  	_ =	shalt  }
0x5c: {  	_ =	shalt  }
0x5d: {  	_ =	shalt  }
0x5e: {  	_ =	shalt  }
0x5f: {  	_ =	shalt  }
0x60: {  	_ =	shalt  }
0x61: {  	_ =	shalt  }
0x62: {  	_ =	shalt  }
0x63: {  	_ =	shalt  }
0x64: {  	_ =	shalt  }
0x65: {  	_ =	shalt  }
0x66: {  	_ =	shalt  }
0x67: {  	_ =	shalt  }
0x68: {  	_ =	shalt  }
0x69: {  	_ =	shalt  }
0x6a: {  	_ =	shalt  }
0x6b: {  	_ =	shalt  }
0x6c: {  	_ =	shalt  }
0x6d: {  	_ =	shalt  }
0x6e: {  	_ =	shalt  }
0x6f: {  	_ =	shalt  }
0x70: {  	_ =	shalt  }
0x71: {  	_ =	shalt  }
0x72: {  	_ =	shalt  }
0x73: {  	_ =	shalt  }
0x74: {  	_ =	shalt  }
0x75: {  	_ =	shalt  }
0x76: {  	_ =	shalt  }
0x77: {  	_ =	shalt  }
0x78: {  	_ =	shalt  }
0x79: {  	_ =	shalt  }
0x7a: {  	_ =	shalt  }
0x7b: {  	_ =	shalt  }
0x7c: {  	_ =	shalt  }
0x7d: {  	_ =	shalt  }
0x7e: {  	_ =	shalt  }
0x7f: {  	_ =	shalt  }
0x80: {  	_ =	shalt  }
0x81: {  	_ =	shalt  }
0x82: {  	_ =	shalt  }
0x83: {  	_ =	shalt  }
0x84: {  	_ =	shalt  }
0x85: {  	_ =	shalt  }
0x86: {  	_ =	shalt  }
0x87: {  	_ =	shalt  }
.Lfunc_end0:
.L_simem_size_0:
called_computation.2_lowered:
.L_overlay_start_0:
0x88: {  	s2 =	sld [smem:$0x3FD9]  }
0x89: {  	s3 =	sld [smem:$0x3FFE];
	_ =	sdelay $0x1  }
0x8a: {  	s1 =	srdreg.scid  }
0x8b: {  	s0 =	sand.u32 $0x1, s1  }
0x8c: {  	s16 =	sshll.u32 s0, $0xA;
	s2 =	sadd.s32 s3, s2  }
0x8d: {  	s2 =	sadd.s32 s2, s16  }
0x8e: {  	[smem:$0x3FBD] =	sst s2  }
0x8f: {  	_ = 	snop  }
0x90: {  	(tm) =	ssettm $0x1  }
0x91: {  	s17 =	sld [smem:$0x3FFB];
	_ =	sdelay $0x3  }
0x92: {  	_ =	strace s17  }
0x93: {  	s2 =	sld [smem:$0x3FFC];
	_ =	sdelay $0x3  }
0x94: {  	_ =	strace s2  }
0x95: {  	s2 =	sld [smem:$0x3FFD];
	_ =	sdelay $0x3  }
0x96: {  	_ =	strace s2  }
0x97: {  	_ =	strace $0x8FFFFFFF  }
0x98: {  	s18 =	sld [smem:$0x3FDB];
	_ =	sdelay $0x1  }
0x99: {  	s19 =	simm.s32 $_scs_section_size  }
0x9a: {  	s4 =	simm.s32 $_size__tile_overlayer_lowered;
	s5 =	simm.s32 $_tile_overlayer_lowered  }
0x9b: {  	s22 =	simm.s32 $0x1BFF;
	s21 =	sshll.u32 s5, $0x1;
	s2 =	sadd.s32 s19, s18  }
0x9c: {  	s6 =	simm.s32 $0x0;
	s20 =	sshll.u32 s4, $0x1;
	s4 =	sadd.s32 s21, s2  }
0x9d: {  	[timem:s6], [sflag:s22] =	dma.local [hbm:s4], s20  }
0x9e: {  	_ =	swait.ge [sflag:s22], s20  }
0x9f: {  	s3 =	ssub.s32 $0x0, s20;
	[sflag:s22] =	ssyncset.done $0x0  }
0xa0: {  	[sflag:s22] =	ssyncadd.s32 s3;
	_ =	sdelay $0x1  }
0xa1: {  	s23 =	simm.s32 $0x1B8B  }
0xa2: {  	_ =	swait.ge [sflag:s23], $0x1  }
0xa3: {  	[sflag:s23] =	ssyncset.done $0x0  }
0xa4: {  	s25 =	simm.s32 $0x1B8E;
	s24 =	sld [smem:$0x3FFE];
	[sflag:s23] =	ssyncadd.s32 $0xFFFFFFFF  }
0xa5: {  	s26 =	simm.s32 $execute0_lowered;
	[smem:$0x3FD2] =	sst s25  }
0xa6: {  	s4 =	sshll.u32 s26, $0x1;
	_ =	strace $0x8000004C;
	[dreg:$0x1] =	wrdreg $0xFFFFFFFF  }
0xa7: {  	s28 =	simm.s32 $_size_execute0_lowered;
	s2 =	sadd.s32 s2, s4;
	[dreg:$0x0] =	wrdreg $0x0  }
0xa8: {  	s4 =	sshll.u32 s28, $0x1;
	[dreg:$0x2] =	wrdreg s2  }
0xa9: {  	[dreg:$0x3] =	wrdreg s4  }
0xaa: {  	[dreg:$0x4] =	wrdreg $0xC0  }
0xab: {  	_ =	task [dreg:s6], $0x5FFFF  }
0xac: {  	[dreg:$0x1] =	wrdreg $0xFFFFFFFF  }
0xad: {  	[dreg:$0x0] =	wrdreg $0x60  }
0xae: {  	[dreg:$0x2] =	wrdreg s24  }
0xaf: {  	[dreg:$0x3] =	wrdreg $0x85000  }
0xb0: {  	[dreg:$0x4] =	wrdreg $0x1C5000  }
0xb1: {  	[dreg:$0x5] =	wrdreg $0x9  }
0xb2: {  	_ =	task.clear_ibuf [dreg:s6], $0x6FFFF;
	_ =	strace $0x9000004C  }
0xb3: {  	s29 =	simm.s32 $0x9;
	_ =	strace $0x8000004E  }
0xb4: {  	_ =	swait.ge [sflag:s29], $0x1  }
0xb5: {  	[sflag:s29] =	ssyncadd.s32 $0xFFFFFFFF  }
0xb6: {  	_ =	strace $0x9000004E  }
0xb7: {  	_ =	sfence  }
0xb8: {  	s30 =	sld [smem:$0x0];
	_ =	sdelay $0x2  }
0xb9: {  	s31 =	sshll.u32 s1, $0xD;
	s1 =	sshrl.u32 s1, $0x2  }
0xba: {  	s3 =	sand.u32 $0x4000, s31;
	s1 =	sadd.s32 s1, s30  }
0xbb: {  	s0 =	sor.u32 s3, s0;
	s1 =	sshll.u32 s1, $0x11  }
0xbc: {  	s0 =	sor.u32 s1, s0  }
0xbd: {  	s0 =	sadd.s32 $0x8F2B, s0  }
0xbe: {  	[sflag:s0] =	ssyncadd.remote.s32 $0x1  }
0xbf: {  	_ =	sfence.sel $0xFFFF  }
0xc0: {  	[dreg:$0x0] =	wrdreg $0xFFFFFFFF;
	(pc) =	sbr.abs _section_cstart, $3  }
0xc1: {  	[dreg:$0x1] =	wrdreg $0xFFFFFFFF  }
0xc2: {  	_ =	task.clear_ibuf [dreg:s6], $0x2FFFF;
	_ =	strace $0x9FFFFFFF  }
0xc3: {  	(tm) =	ssettm $0x7FFFFFFF  }
tec
execute0_lowered:
.L_overlay_start_1:
0x0: {  	(tag) =	ssettag $0x1  }
0x1: {  	s19 =	stileid.u32  }
0x2: {  	s0 =	srdreg.scid;
	s6 =	smul.u32 $0x14000, s19  }
0x3: {  	s2 =	rddreg [dreg:$0x1];
	s3 =	simm.s32 $0x0;
	s8 =	smul.u32 $0x280, s19  }
0x4: {  	s4 =	sand.u32 $0x1, s0;
	s24 =	sshll.u32 s19, $0x1;
	s13 =	smul.u32 $0x500, s19  }
0x5: {  	[smem:$0x7FF] =	sst s3;
	s0 =	sor.u32 s4, s24;
	s5 =	smul.u32 $0x140000, s4  }
0x6: {  	s7 =	ssub.s32 $0x2, s4;
	s4 =	sshll.u32 s4, $0x7;
	s1 =	smul.u32 $0x1400, s0  }
0x7: {  	s0 =	rddreg [dreg:$0x0];
	s10 =	sshrl.u32 s7, $0x1;
	s11 =	sadd.s32 $0x100, s8  }
0x8: {  	s12 =	sadd.s32 $0x180, s8;
	s20 =	sadd.s32 $0x200, s8;
	s13 =	sor.u32 s4, s13  }
0x9: {  	s9 =	sadd.s32 $0x8A600, s0;
	s6 =	sadd.s32 s5, s6;
	s7 =	ssub.s32 s7, s10  }
0xa: {  	s10 =	sadd.s32 $0x80, s8;
	s15 =	sshll.u32 s11, $0x7;
	s16 =	sshll.u32 s12, $0x7  }
0xb: {  	s21 =	sshll.u32 s20, $0x7;
	s28 =	sshll.u32 s11, $0x1;
	s30 =	sshll.u32 s12, $0x1  }
0xc: {  	s22 =	sadd.s32 $0x2C200, s0;
	s23 =	sshrl.u32 s13, $0x3;
	s6 =	sshrl.u32 s6, $0x3  }
0xd: {  	s17 =	sshll.u32 s10, $0x1;
	s18 =	sadd.s32 s5, s15;
	s29 =	sadd.s32 s5, s16  }
0xe: {  	s13 =	smax.u32 s7, $0x1;
	s15 =	sadd.s32 s15, s2;
	s7 =	simm.s32 $0x200  }
0xf: {  	s6 =	sadd.s32 s9, s6;
	s25 =	sor.u32 s4, s17;
	s26 =	sshrl.u32 s18, $0x3  }
0x10: {  	s18 =	sshrl.u32 s29, $0x3;
	s29 =	sadd.s32 s1, s0;
	[dreg:$0x4] =	wrdreg s6  }
0x11: {  	s6 =	sshll.u32 s10, $0x7;
	s17 =	sadd.s32 s9, s26;
	s18 =	sadd.s32 s9, s18  }
0x12: {  	s24 =	sshrl.u32 s25, $0x3;
	s14 =	sadd.s32 s5, s6;
	[dreg:$0x6] =	wrdreg s17  }
0x13: {  	s17 =	sor.u32 s4, s28;
	s5 =	sadd.s32 s5, s21;
	[dreg:$0x7] =	wrdreg s18  }
0x14: {  	s18 =	sor.u32 s4, s30;
	s30 =	smul.u32 $0x50000, s19;
	s19 =	sadd.s32 $0x62680, s0  }
0x15: {  	s14 =	sshrl.u32 s14, $0x3;
	s5 =	sshrl.u32 s5, $0x3;
	s25 =	sshrl.u32 s17, $0x3  }
0x16: {  	s28 =	sshrl.u32 s18, $0x3;
	s17 =	sadd.s32 $0x4200, s0;
	s14 =	sadd.s32 s9, s14  }
0x17: {  	s18 =	sadd.s32 $0x62640, s0;
	s5 =	sadd.s32 s9, s5;
	[dreg:$0x5] =	wrdreg s14  }
0x18: {  	s9 =	sshll.u32 s20, $0x1;
	s26 =	sadd.s32 s22, s25;
	[dreg:$0x8] =	wrdreg s5  }
0x19: {  	s0 =	simm.s32 $0x5;
	s4 =	sor.u32 s4, s9;
	[dreg:$0xb] =	wrdreg s26  }
0x1a: {  	s9 =	sadd.s32 s22, s23;
	s14 =	rddreg [dreg:$0x2];
	s5 =	sadd.s32 $0x62600, s29  }
0x1b: {  	[dreg:$0x9] =	wrdreg s9;
	s9 =	sadd.s32 s22, s24;
	s4 =	sshrl.u32 s4, $0x3  }
0x1c: {  	s23 =	sadd.s32 s8, s14;
	[dreg:$0xa] =	wrdreg s9;
	s9 =	sadd.s32 s22, s28  }
0x1d: {  	s24 =	sadd.s32 s6, s2;
	s4 =	sadd.s32 s22, s4;
	[dreg:$0xc] =	wrdreg s9  }
0x1e: {  	s25 =	sadd.s32 s10, s14;
	s26 =	sadd.s32 s11, s14;
	[dreg:$0xd] =	wrdreg s4  }
0x1f: {  	s29 =	sadd.s32 s12, s14;
	_ =	strace $0x8000004D;
	[dreg:$0xe] =	wrdreg s5  }
0x20: {  	s31 =	sadd.s32 s20, s14;
	s10 =	simm.s32 $0x500;
	[dreg:$0xf] =	wrdreg s13  }
0x21: {  	s6 =	simm.s32 $0x1;
	s8 =	simm.s32 $0x4500;
	[dreg:$0x10] =	wrdreg s15  }
0x22: {  	s11 =	simm.s32 $0x3;
	s28 =	sadd.s32 s16, s2;
	[dreg:$0x11] =	wrdreg s26  }
0x23: {  	s12 =	simm.s32 $0x480;
	s9 =	sshrl.u32 s30, $0x2;
	[dreg:$0x12] =	wrdreg s28  }
0x24: {  	s30 =	sadd.s32 s21, s2;
	s4 =	simm.s32 $0x400;
	[dreg:$0x13] =	wrdreg s29  }
0x25: {  	s22 =	sadd.s32 s9, s2;
	[dreg:$0x14] =	wrdreg s30;
	s5 =	simm.s32 $0x80  }
0x26: {  	v0 =	vimm.f32 $0.0e+00;
	s9 =	simm.s32 $0x2;
	s13 =	simm.s32 $0x280;
	s15 =	simm.s32 $0x4  }
.LBB2_1:
0x27: {  	s16 =	simm.s32 $0x0;
	s20 =	simm.s32 $0x200  }
.LBB2_2:
0x28: {  	p0 =	sne.s32 s20, $0xFE00;
	[tilespmem:s16+$0x570] =	vst v0  }
0x29: {  	[tilespmem:s16+$0x500] =	vst v0  }
0x2a: {  	[tilespmem:s16+$0x510] =	vst v0  }
.Ltmp0:
0x2b: {  	[tilespmem:s16+$0x520] =	vst v0;
	(pc) =	sbr.rel @p0 .LBB2_2-.Ltmp0, $4  }
0x2c: {  	[tilespmem:s16+$0x530] =	vst v0  }
0x2d: {  	[tilespmem:s16+$0x540] =	vst v0  }
0x2e: {  	[tilespmem:s16+$0x550] =	vst v0  }
0x2f: {  	[tilespmem:s16+$0x560] =	vst v0;
	s16 =	sshra.s32 s20, $0x2;
	s20 =	sadd.s32 $0x200, s20  }
0x30: {  	[tilespmem:s16+$0x570] =	vst v0  }
0x31: {  	[tilespmem:s16+$0x500] =	vst v0  }
0x32: {  	[tilespmem:s16+$0x510] =	vst v0  }
0x33: {  	[tilespmem:s16+$0x520] =	vst v0  }
0x34: {  	[tilespmem:s16+$0x530] =	vst v0  }
0x35: {  	[tilespmem:s16+$0x540] =	vst v0  }
0x36: {  	[tilespmem:s16+$0x550] =	vst v0  }
0x37: {  	[tilespmem:s16+$0x560] =	vst v0  }
0x38: {  	[tilespmem:$0x400] =	vst v0  }
0x39: {  	[tilespmem:$0x410] =	vst v0  }
0x3a: {  	[tilespmem:$0x420] =	vst v0  }
0x3b: {  	[tilespmem:$0x430] =	vst v0  }
0x3c: {  	[tilespmem:$0x440] =	vst v0  }
0x3d: {  	[tilespmem:$0x450] =	vst v0  }
0x3e: {  	[tilespmem:$0x460] =	vst v0  }
0x3f: {  	[tilespmem:$0x470] =	vst v0  }
0x40: {  	[spmem:s22] =	stream.linear.scatter [tilespmem:s10], [sflag:$0x5], $0x4000, $0x38;
	[tilespmem:$0x1C780] =	vst v63  }
0x41: {  	_ =	swait.ge [sflag:s0], $0x4000  }
0x42: {  	[sflag:s0] =	ssyncset.done $0x0  }
0x43: {  	[sflag:s0] =	ssyncadd.s32 $0xFFFFC000  }
0x44: {  	[spmem:s23] =	stream.linear.scatter [tilespmem:s4], [sflag:$0x5], $0x80, $0x38;
	[tilespmem:$0x1C780] =	vst v63  }
0x45: {  	_ =	swait.ge [sflag:s0], $0x80  }
0x46: {  	[sflag:s0] =	ssyncset.done $0x0  }
0x47: {  	[sflag:s0] =	ssyncadd.s32 $0xFFFFFF80  }
0x48: {  	[spmem:s24] =	stream.linear.scatter [tilespmem:s10], [sflag:$0x5], $0x4000, $0x38;
	[tilespmem:$0x1C780] =	vst v63  }
0x49: {  	_ =	swait.ge [sflag:s0], $0x4000  }
0x4a: {  	[sflag:s0] =	ssyncset.done $0x0  }
0x4b: {  	[sflag:s0] =	ssyncadd.s32 $0xFFFFC000  }
0x4c: {  	[spmem:s25] =	stream.linear.scatter [tilespmem:s4], [sflag:$0x5], $0x80, $0x38;
	[tilespmem:$0x1C780] =	vst v63  }
0x4d: {  	_ =	swait.ge [sflag:s0], $0x80  }
0x4e: {  	[sflag:s0] =	ssyncset.done $0x0  }
0x4f: {  	s21 =	rddreg [dreg:$0x10];
	[sflag:s0] =	ssyncadd.s32 $0xFFFFFF80  }
0x50: {  	[spmem:s21] =	stream.linear.scatter [tilespmem:s10], [sflag:$0x5], $0x4000, $0x38;
	[tilespmem:$0x1C780] =	vst v63  }
0x51: {  	_ =	swait.ge [sflag:s0], $0x4000  }
0x52: {  	[sflag:s0] =	ssyncset.done $0x0  }
0x53: {  	s26 =	smov.u32 s22;
	s22 =	rddreg [dreg:$0x11];
	[sflag:s0] =	ssyncadd.s32 $0xFFFFC000  }
0x54: {  	[spmem:s22] =	stream.linear.scatter [tilespmem:s4], [sflag:$0x5], $0x80, $0x38;
	[tilespmem:$0x1C780] =	vst v63  }
0x55: {  	_ =	swait.ge [sflag:s0], $0x80  }
0x56: {  	[sflag:s0] =	ssyncset.done $0x0  }
0x57: {  	s28 =	smov.u32 s23;
	s23 =	rddreg [dreg:$0x12];
	[sflag:s0] =	ssyncadd.s32 $0xFFFFFF80  }
0x58: {  	[spmem:s23] =	stream.linear.scatter [tilespmem:s10], [sflag:$0x5], $0x4000, $0x38;
	[tilespmem:$0x1C780] =	vst v63  }
0x59: {  	_ =	swait.ge [sflag:s0], $0x4000  }
0x5a: {  	[sflag:s0] =	ssyncset.done $0x0  }
0x5b: {  	s29 =	smov.u32 s24;
	s24 =	rddreg [dreg:$0x13];
	[sflag:s0] =	ssyncadd.s32 $0xFFFFC000  }
0x5c: {  	[spmem:s24] =	stream.linear.scatter [tilespmem:s4], [sflag:$0x5], $0x80, $0x38;
	[tilespmem:$0x1C780] =	vst v63  }
0x5d: {  	_ =	swait.ge [sflag:s0], $0x80  }
0x5e: {  	[sflag:s0] =	ssyncset.done $0x0  }
0x5f: {  	s30 =	smov.u32 s25;
	s25 =	rddreg [dreg:$0x14];
	[sflag:s0] =	ssyncadd.s32 $0xFFFFFF80  }
0x60: {  	[spmem:s25] =	stream.linear.scatter [tilespmem:s10], [sflag:$0x5], $0x4000, $0x38;
	[tilespmem:$0x1C780] =	vst v63  }
0x61: {  	_ =	swait.ge [sflag:s0], $0x4000  }
0x62: {  	[sflag:s0] =	ssyncset.done $0x0  }
0x63: {  	[sflag:s0] =	ssyncadd.s32 $0xFFFFC000  }
0x64: {  	[spmem:s31] =	stream.linear.scatter [tilespmem:s4], [sflag:$0x5], $0x80, $0x38;
	[tilespmem:$0x1C780] =	vst v63  }
0x65: {  	_ =	swait.ge [sflag:s0], $0x80  }
0x66: {  	[sflag:s0] =	ssyncset.done $0x0  }
0x67: {  	[sflag:s0] =	ssyncadd.s32 $0xFFFFFF80  }
0x68: {  	[bflag:$0x0] =	sbarrier.arrive $0xFFFF  }
0x69: {  	s16 =	simm.s32 $0x0;
	s20 =	rddreg [dreg:$0xe]  }
0x6a: {  	[tilespmem:s16], [sflag:$0x5] =	stream.linear.gather [hbm4b:s20+s16], $0x180, $0x38;
	[tilespmem:$0x1C780] =	vst v63  }
0x6b: {  	_ =	swait.ge [sflag:s0], $0x180  }
0x6c: {  	[sflag:s0] =	ssyncset.done $0x0  }
0x6d: {  	[sflag:s0] =	ssyncadd.s32 $0xFFFFFE80  }
0x6e: {  	v1 =	vld [tilespmem:$0x100]  }
0x6f: {  	v2 =	vld [tilespmem:$0x110]  }
0x70: {  	v3 =	vld [tilespmem:$0x120]  }
0x71: {  	v4 =	vld [tilespmem:$0x130]  }
0x72: {  	v5 =	vld [tilespmem:$0x140]  }
0x73: {  	[tilespmem:$0x400] =	vst v1;
	v1 =	vld [tilespmem:$0x150]  }
0x74: {  	[tilespmem:$0x410] =	vst v2;
	v2 =	vld [tilespmem:$0x160]  }
0x75: {  	[tilespmem:$0x420] =	vst v3;
	v3 =	vld [tilespmem:$0x170]  }
0x76: {  	[tilespmem:$0x430] =	vst v4  }
0x77: {  	[tilespmem:$0x440] =	vst v5  }
0x78: {  	[tilespmem:$0x450] =	vst v1  }
0x79: {  	[tilespmem:$0x460] =	vst v2  }
0x7a: {  	s20 =	simm.s32 $0x0;
	[tilespmem:$0x470] =	vst v3  }
0x7b: {  	[tilespmem:s10], [sflag:$0x1] =	stream.indirect.gather [hbm4b:s17+s5], $0x80, s16, s5, $0xb8;
	[tilespmem:$0x1C780] =	vst v63  }
.LBB2_4:
0x7c: {  	_ =	swait.ge [sflag:s6], $0x4000  }
0x7d: {  	p0 =	seq.s32 s20, $0x0;
	[sflag:s6] =	ssyncset.done $0x0  }
0x7e: {  	s22 =	simm.s32 @!p0 $0x4;
	[sflag:s6] =	ssyncadd.s32 $0xFFFFC000  }
0x7f: {  	_ =	swait.ge @!p0 [sflag:s22], $0x4000  }
0x80: {  	[sflag:s22] =	ssyncset.done @!p0 $0x0  }
0x81: {  	[sflag:s22] =	ssyncadd.s32 @!p0 $0xFFFFC000  }
0x82: {  	s21 =	sshll.u32 s20, $0x7;
	_ =	swait.ge @!p0 [sflag:s22], $0x80  }
0x83: {  	s21 =	sadd.s32 s1, s21;
	[sflag:s22] =	ssyncset.done @!p0 $0x0  }
0x84: {  	s25 =	sadd.s32 s21, s18;
	[sflag:s22] =	ssyncadd.s32 @!p0 $0xFFFFFF80  }
0x85: {  	[tilespmem:s7], [sflag:$0x5] =	stream.linear.gather [hbm4b:s25+s16], $0x180, $0x38;
	[tilespmem:$0x1C780] =	vst v63  }
0x86: {  	_ =	swait.ge [sflag:s0], $0x180  }
0x87: {  	[sflag:s0] =	ssyncset.done $0x0  }
0x88: {  	[sflag:s0] =	ssyncadd.s32 $0xFFFFFE80  }
0x89: {  	v1 =	vld [tilespmem:$0x300]  }
0x8a: {  	v2 =	vld [tilespmem:$0x310]  }
0x8b: {  	v3 =	vld [tilespmem:$0x320]  }
0x8c: {  	v4 =	vld [tilespmem:$0x330]  }
0x8d: {  	v5 =	vld [tilespmem:$0x340]  }
0x8e: {  	[tilespmem:$0x480] =	vst v1;
	v1 =	vld [tilespmem:$0x350]  }
0x8f: {  	[tilespmem:$0x490] =	vst v2;
	v2 =	vld [tilespmem:$0x360]  }
0x90: {  	[tilespmem:$0x4A0] =	vst v3;
	v3 =	vld [tilespmem:$0x370]  }
0x91: {  	[tilespmem:$0x4B0] =	vst v4  }
0x92: {  	[tilespmem:$0x4C0] =	vst v5  }
0x93: {  	[tilespmem:$0x4D0] =	vst v1  }
0x94: {  	[tilespmem:$0x4E0] =	vst v2  }
0x95: {  	s22 =	simm.s32 $0x540;
	[tilespmem:$0x4F0] =	vst v3;
	v1 =	vmov s16  }
0x96: {  	[tilespmem:s8], [sflag:$0x2] =	stream.indirect.gather [hbm4b:s17+s5], $0x80, s7, s5, $0xb8;
	[tilespmem:$0x1C780] =	vst v63  }
0x97: {  	v5 =	vld [tilespmem:s22+$0x30]  }
0x98: {  	v8 =	vld [tilespmem:s22+$0x10]  }
0x99: {  	v6 =	vld [tilespmem:s22+$0xFFFFFFC0]  }
0x9a: {  	v2 =	vld.idx.msk [tilespmem:v1+s4+$0x0], $0xffff  }
0x9b: {  	v10 =	vld [tilespmem:s22+$0xFFFFFFE0]  }
0x9c: {  	v3 =	vld [tilespmem:s22+$0x20]  }
0x9d: {  	v4 =	vld [tilespmem:s22+$0xFFFFFFD0]  }
0x9e: {  	v1 =	vld [tilespmem:s22+$0xFFFFFFF0]  }
0x9f: {  	v9 =	vmul.f32 v5, v2;
	v5 =	vld [tilespmem:s22+$0x0]  }
0xa0: {  	v7 =	vmul.f32 v6, v2  }
0xa1: {  	s23 =	simm.s32 $0x1;
	s24 =	simm.s32 $0x540;
	v6 =	vmul.f32 v10, v2;
	v8 =	vmul.f32 v8, v2  }
.LBB2_5:
0xa2: {  	p0 =	sne.s32 s23, $0x7F  }
0xa3: {  	v4 =	vmul.f32 v4, v2;
	v3 =	vmul.f32 v3, v2;
	[tilespmem:s22+$0x30] =	vst v9;
	s24 =	sadd.s32 $0x80, s24;
	s25 =	smov.u32 s23;
	s23 =	sadd.s32 $0x1, s23  }
0xa4: {  	[tilespmem:s22+$0xFFFFFFC0] =	vst v7;
	v7 =	vmul.f32 v1, v2;
	v2 =	vmul.f32 v5, v2  }
0xa5: {  	[tilespmem:s22+$0x10] =	vst v8  }
0xa6: {  	v5 =	vmov s25;
	[tilespmem:s22+$0xFFFFFFE0] =	vst v6  }
0xa7: {  	v1 =	vld [tilespmem:s24+$0xFFFFFFF0];
	[tilespmem:s22+$0xFFFFFFF0] =	vst v7  }
0xa8: {  	v6 =	vld [tilespmem:s24+$0x30];
	[tilespmem:s22+$0x0] =	vst v2  }
0xa9: {  	v8 =	vld [tilespmem:s24+$0x10];
	[tilespmem:s22+$0x20] =	vst v3  }
0xaa: {  	v7 =	vld [tilespmem:s24+$0xFFFFFFC0];
	[tilespmem:s22+$0xFFFFFFD0] =	vst v4;
	s22 =	smov.u32 s24  }
0xab: {  	v2 =	vld.idx.msk [tilespmem:v5+s4+$0x0], $0xffff  }
0xac: {  	v10 =	vld [tilespmem:s24+$0xFFFFFFE0]  }
0xad: {  	v3 =	vld [tilespmem:s24+$0x20]  }
.Ltmp1:
0xae: {  	v4 =	vld [tilespmem:s24+$0xFFFFFFD0];
	(pc) =	sbr.rel @p0 .LBB2_5-.Ltmp1, $3  }
0xaf: {  	v5 =	vld [tilespmem:s24+$0x0];
	_ =	sdelay $0x1  }
0xb0: {  	v7 =	vmul.f32 v7, v2;
	v9 =	vmul.f32 v6, v2  }
0xb1: {  	v8 =	vmul.f32 v8, v2;
	v6 =	vmul.f32 v10, v2  }
0xb2: {  	[tilespmem:s22+$0x30] =	vst v9  }
0xb3: {  	[tilespmem:s22+$0xFFFFFFC0] =	vst v7  }
0xb4: {  	v1 =	vmul.f32 v1, v2;
	[tilespmem:s22+$0x10] =	vst v8  }
0xb5: {  	v3 =	vmul.f32 v3, v2;
	[tilespmem:s22+$0xFFFFFFE0] =	vst v6  }
0xb6: {  	v5 =	vmul.f32 v5, v2;
	[tilespmem:s22+$0xFFFFFFF0] =	vst v1  }
0xb7: {  	v1 =	vmul.f32 v4, v2;
	[tilespmem:s22+$0x20] =	vst v3  }
0xb8: {  	[tilespmem:s22+$0x0] =	vst v5  }
0xb9: {  	[tilespmem:s22+$0xFFFFFFD0] =	vst v1  }
0xba: {  	[spmem:s2] =	stream.indirect.scatter.add.f32 [tilespmem:s10], [sflag:$0x3], $0x80, s5, s5, $0xb8;
	[tilespmem:$0x1C780] =	vst v63  }
0xbb: {  	_ = 	snop  }
0xbc: {  	[spmem:s14] =	stream.indirect.scatter.add.f32 [tilespmem:s4], [sflag:$0x3], $0x1, s5, s5, $0xb8;
	[tilespmem:$0x1C780] =	vst v63  }
0xbd: {  	_ =	swait.ge [sflag:s9], $0x4000  }
0xbe: {  	[sflag:s9] =	ssyncset.done $0x0  }
0xbf: {  	[sflag:s9] =	ssyncadd.s32 $0xFFFFC000  }
0xc0: {  	_ =	swait.ge [sflag:s11], $0x4000  }
0xc1: {  	[sflag:s11] =	ssyncset.done $0x0  }
0xc2: {  	[sflag:s11] =	ssyncadd.s32 $0xFFFFC000  }
0xc3: {  	_ =	swait.ge [sflag:s11], $0x80  }
0xc4: {  	p0 =	seq.s32 s20, $0x27;
	[sflag:s11] =	ssyncset.done $0x0  }
0xc5: {  	s21 =	sadd.s32 @!p0 s21, s19;
	s22 =	simm.s32 @!p0 $0x0;
	[sflag:s11] =	ssyncadd.s32 $0xFFFFFF80  }
0xc6: {  	[tilespmem:s22], [sflag:$0x5] =	stream.linear.gather @!p0 [hbm4b:s21+s22], $0x180, $0x38;
	[tilespmem:$0x1C780] =	vst v63  }
0xc7: {  	s21 =	simm.s32 @!p0 $0x5  }
0xc8: {  	_ =	swait.ge @!p0 [sflag:s21], $0x180  }
0xc9: {  	[sflag:s21] =	ssyncset.done @!p0 $0x0  }
0xca: {  	[sflag:s21] =	ssyncadd.s32 @!p0 $0xFFFFFE80  }
0xcb: {  	v1 =	vld @!p0 [tilespmem:$0x100]  }
0xcc: {  	v2 =	vld @!p0 [tilespmem:$0x110]  }
0xcd: {  	v3 =	vld @!p0 [tilespmem:$0x120]  }
0xce: {  	v4 =	vld @!p0 [tilespmem:$0x130]  }
0xcf: {  	v5 =	vld @!p0 [tilespmem:$0x140]  }
0xd0: {  	[tilespmem:$0x400] =	vst @!p0 v1;
	v1 =	vld @!p0 [tilespmem:$0x150]  }
0xd1: {  	[tilespmem:$0x410] =	vst @!p0 v2;
	v2 =	vld @!p0 [tilespmem:$0x160]  }
0xd2: {  	[tilespmem:$0x420] =	vst @!p0 v3;
	v3 =	vld @!p0 [tilespmem:$0x170]  }
0xd3: {  	[tilespmem:$0x430] =	vst @!p0 v4  }
0xd4: {  	[tilespmem:$0x440] =	vst @!p0 v5  }
0xd5: {  	[tilespmem:$0x450] =	vst @!p0 v1  }
0xd6: {  	[tilespmem:$0x460] =	vst @!p0 v2  }
0xd7: {  	s24 =	simm.s32 $0x0;
	s23 =	simm.s32 @!p0 $0x500;
	s21 =	simm.s32 @!p0 $0x80;
	[tilespmem:$0x470] =	vst @!p0 v3  }
0xd8: {  	v1 =	vmov s24;
	[tilespmem:s23], [sflag:$0x1] =	stream.indirect.gather @!p0 [hbm4b:s17+s21], $0x80, s22, s21, $0xb8;
	[tilespmem:$0x1C780] =	vst v63  }
0xd9: {  	s21 =	simm.s32 $0x4540  }
0xda: {  	v5 =	vld [tilespmem:s21+$0x30]  }
0xdb: {  	v8 =	vld [tilespmem:s21+$0x10]  }
0xdc: {  	v6 =	vld [tilespmem:s21+$0xFFFFFFC0]  }
0xdd: {  	v2 =	vld.idx.msk [tilespmem:v1+s12+$0x0], $0xffff  }
0xde: {  	v10 =	vld [tilespmem:s21+$0xFFFFFFE0]  }
0xdf: {  	v3 =	vld [tilespmem:s21+$0x20]  }
0xe0: {  	v4 =	vld [tilespmem:s21+$0xFFFFFFD0]  }
0xe1: {  	v1 =	vld [tilespmem:s21+$0xFFFFFFF0]  }
0xe2: {  	v9 =	vmul.f32 v5, v2;
	v5 =	vld [tilespmem:s21+$0x0]  }
0xe3: {  	v7 =	vmul.f32 v6, v2  }
0xe4: {  	s22 =	simm.s32 $0x1;
	s23 =	simm.s32 $0x4540;
	v6 =	vmul.f32 v10, v2;
	v8 =	vmul.f32 v8, v2  }
.LBB2_7:
0xe5: {  	p0 =	sne.s32 s22, $0x7F  }
0xe6: {  	v4 =	vmul.f32 v4, v2;
	v3 =	vmul.f32 v3, v2;
	[tilespmem:s21+$0x30] =	vst v9;
	s23 =	sadd.s32 $0x80, s23;
	s24 =	smov.u32 s22;
	s22 =	sadd.s32 $0x1, s22  }
0xe7: {  	[tilespmem:s21+$0xFFFFFFC0] =	vst v7;
	v7 =	vmul.f32 v1, v2;
	v2 =	vmul.f32 v5, v2  }
0xe8: {  	[tilespmem:s21+$0x10] =	vst v8  }
0xe9: {  	v5 =	vmov s24;
	[tilespmem:s21+$0xFFFFFFE0] =	vst v6  }
0xea: {  	v1 =	vld [tilespmem:s23+$0xFFFFFFF0];
	[tilespmem:s21+$0xFFFFFFF0] =	vst v7  }
0xeb: {  	v6 =	vld [tilespmem:s23+$0x30];
	[tilespmem:s21+$0x0] =	vst v2  }
0xec: {  	v8 =	vld [tilespmem:s23+$0x10];
	[tilespmem:s21+$0x20] =	vst v3  }
0xed: {  	v7 =	vld [tilespmem:s23+$0xFFFFFFC0];
	[tilespmem:s21+$0xFFFFFFD0] =	vst v4;
	s21 =	smov.u32 s23  }
0xee: {  	v2 =	vld.idx.msk [tilespmem:v5+s12+$0x0], $0xffff  }
0xef: {  	v10 =	vld [tilespmem:s23+$0xFFFFFFE0]  }
0xf0: {  	v3 =	vld [tilespmem:s23+$0x20]  }
.Ltmp2:
0xf1: {  	v4 =	vld [tilespmem:s23+$0xFFFFFFD0];
	(pc) =	sbr.rel @p0 .LBB2_7-.Ltmp2, $3  }
0xf2: {  	v5 =	vld [tilespmem:s23+$0x0];
	_ =	sdelay $0x1  }
0xf3: {  	v7 =	vmul.f32 v7, v2;
	v9 =	vmul.f32 v6, v2  }
0xf4: {  	v8 =	vmul.f32 v8, v2;
	v6 =	vmul.f32 v10, v2  }
0xf5: {  	[tilespmem:s21+$0x30] =	vst v9  }
0xf6: {  	[tilespmem:s21+$0xFFFFFFC0] =	vst v7  }
0xf7: {  	v1 =	vmul.f32 v1, v2;
	[tilespmem:s21+$0x10] =	vst v8  }
0xf8: {  	v3 =	vmul.f32 v3, v2;
	[tilespmem:s21+$0xFFFFFFE0] =	vst v6  }
0xf9: {  	s20 =	sadd.s32 $0x1, s20;
	v5 =	vmul.f32 v5, v2;
	[tilespmem:s21+$0xFFFFFFF0] =	vst v1  }
0xfa: {  	p0 =	sne.s32 s20, $0x28;
	v1 =	vmul.f32 v4, v2;
	[tilespmem:s21+$0x20] =	vst v3  }
.Ltmp3:
0xfb: {  	[tilespmem:s21+$0x0] =	vst v5;
	(pc) =	sbr.rel @p0 .LBB2_4-.Ltmp3, $4  }
0xfc: {  	[tilespmem:s21+$0xFFFFFFD0] =	vst v1  }
0xfd: {  	[spmem:s2] =	stream.indirect.scatter.add.f32 [tilespmem:s8], [sflag:$0x4], $0x80, s13, s5, $0xb8;
	[tilespmem:$0x1C780] =	vst v63  }
0xfe: {  	_ = 	snop  }
0xff: {  	[spmem:s14] =	stream.indirect.scatter.add.f32 [tilespmem:s12], [sflag:$0x4], $0x1, s13, s5, $0xb8;
	[tilespmem:$0x1C780] =	vst v63  }
0x100: {  	_ =	swait.ge [sflag:s15], $0x4000  }
0x101: {  	[sflag:s15] =	ssyncset.done $0x0  }
0x102: {  	[sflag:s15] =	ssyncadd.s32 $0xFFFFC000  }
0x103: {  	_ =	swait.ge [sflag:s15], $0x80  }
0x104: {  	[sflag:s15] =	ssyncset.done $0x0  }
0x105: {  	s16 =	stileid.u32;
	[sflag:s15] =	ssyncadd.s32 $0xFFFFFF80  }
0x106: {  	s16 =	sshll.u32 s16, $0x6;
	[bflag:$0x0] =	sbarrier.arrive $0xFFFF  }
0x107: {  	s20 =	sshrl.u32 s26, $0x3;
	s16 =	sor.u32 $0x1C05, s16;
	s21 =	rddreg [dreg:$0x4]  }
0x108: {  	[hbm:s21], [sflag:s16] =	dma.local [spmem:s20], $0x800  }
0x109: {  	_ =	swait.ge [sflag:s0], $0x800  }
0x10a: {  	[sflag:s0] =	ssyncset.done $0x0  }
0x10b: {  	s24 =	sshrl.u32 s28, $0x3;
	s25 =	rddreg [dreg:$0x9];
	[sflag:s0] =	ssyncadd.s32 $0xFFFFF800  }
0x10c: {  	[hbm:s25], [sflag:s16] =	dma.local [spmem:s24], $0x10  }
0x10d: {  	_ =	swait.ge [sflag:s0], $0x10  }
0x10e: {  	s22 =	smov.u32 s26;
	s23 =	smov.u32 s28;
	[sflag:s0] =	ssyncset.done $0x0  }
0x10f: {  	s26 =	sshrl.u32 s29, $0x3;
	s28 =	rddreg [dreg:$0x5];
	[sflag:s0] =	ssyncadd.s32 $0xFFFFFFF0  }
0x110: {  	[hbm:s28], [sflag:s16] =	dma.local [spmem:s26], $0x800  }
0x111: {  	_ =	swait.ge [sflag:s0], $0x800  }
0x112: {  	s24 =	smov.u32 s29;
	s25 =	smov.u32 s30;
	[sflag:s0] =	ssyncset.done $0x0  }
0x113: {  	s29 =	sshrl.u32 s30, $0x3;
	s30 =	rddreg [dreg:$0xa];
	[sflag:s0] =	ssyncadd.s32 $0xFFFFF800  }
0x114: {  	[hbm:s30], [sflag:s16] =	dma.local [spmem:s29], $0x10  }
0x115: {  	_ =	swait.ge [sflag:s0], $0x10  }
0x116: {  	[sflag:s0] =	ssyncset.done $0x0;
	s26 =	rddreg [dreg:$0x10]  }
0x117: {  	s28 =	rddreg [dreg:$0x6];
	[sflag:s0] =	ssyncadd.s32 $0xFFFFFFF0;
	s20 =	sshrl.u32 s26, $0x3  }
0x118: {  	[hbm:s28], [sflag:s16] =	dma.local [spmem:s20], $0x800  }
0x119: {  	_ =	swait.ge [sflag:s0], $0x800  }
0x11a: {  	[sflag:s0] =	ssyncset.done $0x0;
	s29 =	rddreg [dreg:$0x11]  }
0x11b: {  	s30 =	rddreg [dreg:$0xb];
	[sflag:s0] =	ssyncadd.s32 $0xFFFFF800;
	s20 =	sshrl.u32 s29, $0x3  }
0x11c: {  	[hbm:s30], [sflag:s16] =	dma.local [spmem:s20], $0x10  }
0x11d: {  	_ =	swait.ge [sflag:s0], $0x10  }
0x11e: {  	[sflag:s0] =	ssyncset.done $0x0;
	s26 =	rddreg [dreg:$0x12]  }
0x11f: {  	s28 =	rddreg [dreg:$0x7];
	[sflag:s0] =	ssyncadd.s32 $0xFFFFFFF0;
	s20 =	sshrl.u32 s26, $0x3  }
0x120: {  	[hbm:s28], [sflag:s16] =	dma.local [spmem:s20], $0x800  }
0x121: {  	_ =	swait.ge [sflag:s0], $0x800  }
0x122: {  	[sflag:s0] =	ssyncset.done $0x0;
	s29 =	rddreg [dreg:$0x13]  }
0x123: {  	s30 =	rddreg [dreg:$0xc];
	[sflag:s0] =	ssyncadd.s32 $0xFFFFF800;
	s20 =	sshrl.u32 s29, $0x3  }
0x124: {  	[hbm:s30], [sflag:s16] =	dma.local [spmem:s20], $0x10  }
0x125: {  	_ =	swait.ge [sflag:s0], $0x10  }
0x126: {  	[sflag:s0] =	ssyncset.done $0x0;
	s21 =	rddreg [dreg:$0x14]  }
0x127: {  	s26 =	rddreg [dreg:$0x8];
	[sflag:s0] =	ssyncadd.s32 $0xFFFFFFF0;
	s20 =	sshrl.u32 s21, $0x3  }
0x128: {  	[hbm:s26], [sflag:s16] =	dma.local [spmem:s20], $0x800  }
0x129: {  	_ =	swait.ge [sflag:s0], $0x800  }
0x12a: {  	[sflag:s0] =	ssyncset.done $0x0  }
0x12b: {  	s28 =	sshrl.u32 s31, $0x3;
	s29 =	rddreg [dreg:$0xd];
	[sflag:s0] =	ssyncadd.s32 $0xFFFFF800  }
0x12c: {  	[hbm:s29], [sflag:s16] =	dma.local [spmem:s28], $0x10  }
0x12d: {  	_ =	swait.ge [sflag:s0], $0x10  }
0x12e: {  	s3 =	sadd.s32 $0x1, s3;
	s30 =	rddreg [dreg:$0xf]  }
0x12f: {  	p0 =	sne.s32 s3, s30  }
.Ltmp4:
0x130: {  	_ = 	snop;
	(pc) =	sbr.rel @p0 .LBB2_1-.Ltmp4, $3  }
0x131: {  	_ =	sdelay $0x1  }
0x132: {  	[sflag:s0] =	ssyncset.done $0x0  }
0x133: {  	[sflag:s0] =	ssyncadd.s32 $0xFFFFFFF0  }
0x134: {  	_ =	sfence.sel $0x180000  }
0x135: {  	[bflag:$0x0] =	sbarrier.arrive $0xFFFF  }
0x136: {  	_ =	strace $0x9000004D  }
0x137: {  	s0 =	stileid.u32;
	[bflag:$0x2] =	sbarrier.arrive $0xFFFF  }
0x138: {  	p0 =	sne.s32 s0, $0x0;
	s0 =	rddreg [dreg:$0x3]  }
0x139: {  	s0 =	sadd.s32 @!p0 $0x100000, s0  }
0x13a: {  	[sflag:s0] =	ssyncadd.tile.s32 @!p0 $0x1;
	_ =	shalt  }
.Lfunc_end2:
_tile_overlayer_lowered:
.L_overlay_start_2:
0x13b: {  	(tag) =	ssettag $0x2  }
0x13c: {  	s0 =	rddreg [dreg:$0x0];
	s2 =	stileid.u32  }
0x13d: {  	s1 =	rddreg [dreg:$0x1];
	p0 =	sne.s32 s2, $0x0  }
0x13e: {  	s3 =	rddreg [dreg:$0x2];
	[bflag:$0x3] =	sbarrier.arrive $0xFFFF;
	s2 =	simm.s32 @!p0 $0x1C05  }
0x13f: {  	[timem:s3], [sflag:s2] =	dma.local @!p0 [hbm:s0], s1  }
0x140: {  	s0 =	simm.s32 @!p0 $0x5  }
0x141: {  	_ =	swait.ge @!p0 [sflag:s0], s1  }
0x142: {  	s1 =	ssub.s32 @!p0 $0x0, s1;
	[sflag:s0] =	ssyncset.done @!p0 $0x0  }
0x143: {  	[sflag:s0] =	ssyncadd.s32 @!p0 s1  }
0x144: {  	[bflag:$0x3] =	sbarrier.arrive $0xFFFF  }
0x145: {  	_ =	shalt  }

// kernel: kernel.8.cloned.1.call-start
scs
__scs_entry_jumppad:
0x0: {  	(pc) =	sbr.rel $0x88, $3  }
0x1: {  	(tag) =	ssettag $0x0;
	lr =	simm.s32 $0x1  }
0x2: {  	[smem:$0x3F96] =	sst lr;
	_ =	strace $0xD0000000  }
0x3: {  	_ = 	snop  }
0x4: {  	_ = 	snop  }
0x5: {  	_ = 	snop  }
0x6: {  	_ = 	snop  }
0x7: {  	_ = 	snop  }
__scs_overlays_trampoline_lowered:
0x8: {  	[smem:$0x3FA5] =	sst s0  }
0x9: {  	[smem:$0x3FA6] =	sst s1  }
0xa: {  	[smem:$0x3FA7] =	sst s2  }
0xb: {  	[smem:$0x3FA8] =	sst s3  }
0xc: {  	[smem:$0x3FA9] =	sst s4  }
0xd: {  	[smem:$0x3FAA] =	sst s5  }
0xe: {  	[smem:$0x3FAB] =	sst s6  }
0xf: {  	[smem:$0x3FAC] =	sst s7  }
0x10: {  	[smem:$0x3FAD] =	sst s8  }
0x11: {  	[smem:$0x3FAE] =	sst s9;
	s0 =	simm.s32 @!p0 $0x0  }
0x12: {  	s1 =	sld [smem:$0x3F94];
	s0 =	simm.s32 @p0 $0x1  }
0x13: {  	[smem:$0x3FAF] =	sst s0;
	s0 =	simm.s32 @!p1 $0x0  }
0x14: {  	s2 =	sld [smem:$0x3F93];
	s0 =	simm.s32 @p1 $0x1  }
0x15: {  	[smem:$0x3FB0] =	sst s0;
	s0 =	simm.s32 @!p2 $0x0  }
0x16: {  	s3 =	sld [smem:$0x3FDB];
	s0 =	simm.s32 @p2 $0x1  }
0x17: {  	s4 =	simm.s32 $0x1BF5;
	[smem:$0x3FB2] =	sst s0  }
0x18: {  	s0 =	sld [smem:$0x3F95];
	_ =	swait.ge [sflag:s4], $0x0  }
0x19: {  	s7 =	sld [smem:$0x3F96]  }
0x1a: {  	s8 =	sadd.s32 $0xFFFFE003, lr  }
0x1b: {  	s9 =	sadd.s32 $0xFFFFFEF7, lr;
	s5 =	simm.s32 $0xFFFFFFFF;
	p2 =	slt.u32 s8, $0xFFFFF086  }
0x1c: {  	p1 =	slt.u32 s9, $0xF7A;
	s5 =	simm.s32 @!p2 $0x0  }
0x1d: {  	s5 =	simm.s32 @p1 $0x1;
	p0 =	seq.s32 s7, s2  }
0x1e: {  	s7 =	smul.u32 @!p0 $0xF7A, s2;
	p2 =	seq.s32 @!p0 s5, $0x0  }
0x1f: {  	s9 =	smul.u32 $0xF7A, s1;
	s8 =	simm.s32 @!p0 $0x1BF5;
	p2 =	por !p2, p0  }
0x20: {  	[sflag:s8] =	ssyncset.s32 @!p0 $0xFFFFF086;
	s6 =	sadd.s32 @!p0 s3, s7;
	s7 =	simm.s32 @!p0 $0x108  }
0x21: {  	s3 =	sadd.s32 s3, s9;
	s6 =	sadd.s32 @!p0 $0x88, s6;
	s7 =	simm.s32 @p2 $0x1082  }
0x22: {  	[simem:s7], [sflag:s8] =	dma.local @!p0 [hbm:s6], $0xF7A  }
0x23: {  	s9 =	sor.u32 $0xD0000000, s2;
	s6 =	simm.s32 $0x108;
	_ =	swait.ge @!p0 [sflag:s8], $0x0  }
0x24: {  	s3 =	sadd.s32 $0x88, s3;
	s6 =	simm.s32 @!p1 $0x1082;
	[sflag:s4] =	ssyncset.s32 $0xFFFFF086  }
0x25: {  	[simem:s6], [sflag:s4] =	dma.local [hbm:s3], $0xF7A  }
0x26: {  	[smem:$0x3F96] =	sst s1;
	(tag) =	ssettag s2;
	_ =	strace s9  }
0x27: {  	s1 =	sld [smem:$0x3FA6]  }
0x28: {  	s2 =	sld [smem:$0x3FA7]  }
0x29: {  	s4 =	sld [smem:$0x3FA9]  }
0x2a: {  	p0 =	seq.s32 s5, $0x0;
	s5 =	sld [smem:$0x3FAA]  }
0x2b: {  	s6 =	sld [smem:$0x3FAB]  }
0x2c: {  	s7 =	sld [smem:$0x3FAC]  }
0x2d: {  	s3 =	simm.s32 $0x108;
	s8 =	sld [smem:$0x3FAD]  }
0x2e: {  	s3 =	simm.s32 @!p0 $0x1082;
	s9 =	sld [smem:$0x3FAE]  }
0x2f: {  	lr =	sadd.s32 s0, s3;
	s0 =	sld [smem:$0x3FA5]  }
0x30: {  	s3 =	sld [smem:$0x3FA8]  }
0x31: {  	[smem:$0x3FB1] =	sst s10  }
0x32: {  	s10 =	sld [smem:$0x3FAF];
	_ =	sdelay $0x3  }
0x33: {  	p0 =	seq.s32 s10, $0x1;
	s10 =	sld [smem:$0x3FB1];
	_ =	sdelay $0x3  }
0x34: {  	[smem:$0x3FB1] =	sst s10  }
0x35: {  	s10 =	sld [smem:$0x3FB0];
	_ =	sdelay $0x3  }
0x36: {  	p1 =	seq.s32 s10, $0x1;
	s10 =	sld [smem:$0x3FB1];
	_ =	sdelay $0x3  }
0x37: {  	[smem:$0x3FB1] =	sst s10  }
0x38: {  	s10 =	sld [smem:$0x3FB2]  }
0x39: {  	_ = 	snop;
	(pc) =	sbr.ind lr, $3  }
0x3a: {  	_ = 	snop  }
0x3b: {  	_ = 	snop  }
0x3c: {  	p2 =	seq.s32 s10, $0x1;
	s10 =	sld [smem:$0x3FB1]  }
0x3d: {  	_ =	shalt  }
0x3e: {  	_ =	shalt  }
0x3f: {  	_ =	shalt  }
0x40: {  	_ =	shalt  }
0x41: {  	_ =	shalt  }
0x42: {  	_ =	shalt  }
0x43: {  	_ =	shalt  }
0x44: {  	_ =	shalt  }
0x45: {  	_ =	shalt  }
0x46: {  	_ =	shalt  }
0x47: {  	_ =	shalt  }
0x48: {  	_ =	shalt  }
0x49: {  	_ =	shalt  }
0x4a: {  	_ =	shalt  }
0x4b: {  	_ =	shalt  }
0x4c: {  	_ =	shalt  }
0x4d: {  	_ =	shalt  }
0x4e: {  	_ =	shalt  }
0x4f: {  	_ =	shalt  }
0x50: {  	_ =	shalt  }
0x51: {  	_ =	shalt  }
0x52: {  	_ =	shalt  }
0x53: {  	_ =	shalt  }
0x54: {  	_ =	shalt  }
0x55: {  	_ =	shalt  }
0x56: {  	_ =	shalt  }
0x57: {  	_ =	shalt  }
0x58: {  	_ =	shalt  }
0x59: {  	_ =	shalt  }
0x5a: {  	_ =	shalt  }
0x5b: {  	_ =	shalt  }
0x5c: {  	_ =	shalt  }
0x5d: {  	_ =	shalt  }
0x5e: {  	_ =	shalt  }
0x5f: {  	_ =	shalt  }
0x60: {  	_ =	shalt  }
0x61: {  	_ =	shalt  }
0x62: {  	_ =	shalt  }
0x63: {  	_ =	shalt  }
0x64: {  	_ =	shalt  }
0x65: {  	_ =	shalt  }
0x66: {  	_ =	shalt  }
0x67: {  	_ =	shalt  }
0x68: {  	_ =	shalt  }
0x69: {  	_ =	shalt  }
0x6a: {  	_ =	shalt  }
0x6b: {  	_ =	shalt  }
0x6c: {  	_ =	shalt  }
0x6d: {  	_ =	shalt  }
0x6e: {  	_ =	shalt  }
0x6f: {  	_ =	shalt  }
0x70: {  	_ =	shalt  }
0x71: {  	_ =	shalt  }
0x72: {  	_ =	shalt  }
0x73: {  	_ =	shalt  }
0x74: {  	_ =	shalt  }
0x75: {  	_ =	shalt  }
0x76: {  	_ =	shalt  }
0x77: {  	_ =	shalt  }
0x78: {  	_ =	shalt  }
0x79: {  	_ =	shalt  }
0x7a: {  	_ =	shalt  }
0x7b: {  	_ =	shalt  }
0x7c: {  	_ =	shalt  }
0x7d: {  	_ =	shalt  }
0x7e: {  	_ =	shalt  }
0x7f: {  	_ =	shalt  }
0x80: {  	_ =	shalt  }
0x81: {  	_ =	shalt  }
0x82: {  	_ =	shalt  }
0x83: {  	_ =	shalt  }
0x84: {  	_ =	shalt  }
0x85: {  	_ =	shalt  }
0x86: {  	_ =	shalt  }
0x87: {  	_ =	shalt  }
.Lfunc_end0:
.L_simem_size_0:
called_computation_lowered:
.L_overlay_start_0:
0x88: {  	s2 =	sld [smem:$0x3FD9]  }
0x89: {  	s3 =	sld [smem:$0x3FFE];
	_ =	sdelay $0x1  }
0x8a: {  	s1 =	srdreg.scid  }
0x8b: {  	s0 =	sand.u32 $0x1, s1  }
0x8c: {  	s16 =	sshll.u32 s0, $0xA;
	s2 =	sadd.s32 s3, s2  }
0x8d: {  	s2 =	sadd.s32 s2, s16  }
0x8e: {  	[smem:$0x3FBD] =	sst s2  }
0x8f: {  	_ = 	snop  }
0x90: {  	(tm) =	ssettm $0x1  }
0x91: {  	s17 =	sld [smem:$0x3FFB];
	_ =	sdelay $0x3  }
0x92: {  	_ =	strace s17  }
0x93: {  	s2 =	sld [smem:$0x3FFC];
	_ =	sdelay $0x3  }
0x94: {  	_ =	strace s2  }
0x95: {  	s2 =	sld [smem:$0x3FFD];
	_ =	sdelay $0x3  }
0x96: {  	_ =	strace s2  }
0x97: {  	_ =	strace $0x8FFFFFFF  }
0x98: {  	s18 =	sld [smem:$0x3FDB];
	_ =	sdelay $0x1  }
0x99: {  	s19 =	simm.s32 $_scs_section_size  }
0x9a: {  	s4 =	simm.s32 $_size__tile_overlayer_lowered;
	s5 =	simm.s32 $_tile_overlayer_lowered  }
0x9b: {  	s22 =	simm.s32 $0x1BFF;
	s21 =	sshll.u32 s5, $0x1;
	s2 =	sadd.s32 s19, s18  }
0x9c: {  	s6 =	simm.s32 $0x0;
	s20 =	sshll.u32 s4, $0x1;
	s4 =	sadd.s32 s21, s2  }
0x9d: {  	[timem:s6], [sflag:s22] =	dma.local [hbm:s4], s20  }
0x9e: {  	_ =	swait.ge [sflag:s22], s20  }
0x9f: {  	s3 =	ssub.s32 $0x0, s20;
	[sflag:s22] =	ssyncset.done $0x0  }
0xa0: {  	[sflag:s22] =	ssyncadd.s32 s3;
	_ =	sdelay $0x1  }
0xa1: {  	s23 =	simm.s32 $0x1B8B  }
0xa2: {  	_ =	swait.ge [sflag:s23], $0x1  }
0xa3: {  	[sflag:s23] =	ssyncset.done $0x0  }
0xa4: {  	s25 =	simm.s32 $0x1B8E;
	s24 =	sld [smem:$0x3FFE];
	[sflag:s23] =	ssyncadd.s32 $0xFFFFFFFF  }
0xa5: {  	s26 =	simm.s32 $execute0_lowered;
	[smem:$0x3FD2] =	sst s25  }
0xa6: {  	s4 =	sshll.u32 s26, $0x1;
	_ =	strace $0x80000046;
	[dreg:$0x1] =	wrdreg $0xFFFFFFFF  }
0xa7: {  	s28 =	simm.s32 $_size_execute0_lowered;
	s2 =	sadd.s32 s2, s4;
	[dreg:$0x0] =	wrdreg $0x0  }
0xa8: {  	s4 =	sshll.u32 s28, $0x1;
	[dreg:$0x2] =	wrdreg s2  }
0xa9: {  	[dreg:$0x3] =	wrdreg s4  }
0xaa: {  	[dreg:$0x4] =	wrdreg $0xC0  }
0xab: {  	_ =	task [dreg:s6], $0x5FFFF  }
0xac: {  	[dreg:$0x1] =	wrdreg $0xFFFFFFFF  }
0xad: {  	[dreg:$0x0] =	wrdreg $0x60  }
0xae: {  	[dreg:$0x2] =	wrdreg s24  }
0xaf: {  	[dreg:$0x3] =	wrdreg $0x9  }
0xb0: {  	_ =	task.clear_ibuf [dreg:s6], $0x4FFFF;
	_ =	strace $0x90000046  }
0xb1: {  	s29 =	simm.s32 $0x9;
	_ =	strace $0x80000048  }
0xb2: {  	_ =	swait.ge [sflag:s29], $0x1  }
0xb3: {  	[sflag:s29] =	ssyncadd.s32 $0xFFFFFFFF  }
0xb4: {  	_ =	strace $0x90000048  }
0xb5: {  	_ =	sfence  }
0xb6: {  	s30 =	sld [smem:$0x0];
	_ =	sdelay $0x2  }
0xb7: {  	s31 =	sshll.u32 s1, $0xD;
	s1 =	sshrl.u32 s1, $0x2  }
0xb8: {  	s3 =	sand.u32 $0x4000, s31;
	s1 =	sadd.s32 s1, s30  }
0xb9: {  	s0 =	sor.u32 s3, s0;
	s1 =	sshll.u32 s1, $0x11  }
0xba: {  	s0 =	sor.u32 s1, s0  }
0xbb: {  	s0 =	sadd.s32 $0x8F2B, s0  }
0xbc: {  	[sflag:s0] =	ssyncadd.remote.s32 $0x1  }
0xbd: {  	_ =	sfence.sel $0xFFFF  }
0xbe: {  	[dreg:$0x0] =	wrdreg $0xFFFFFFFF;
	(pc) =	sbr.abs _section_cstart, $3  }
0xbf: {  	[dreg:$0x1] =	wrdreg $0xFFFFFFFF  }
0xc0: {  	_ =	task.clear_ibuf [dreg:s6], $0x2FFFF;
	_ =	strace $0x9FFFFFFF  }
0xc1: {  	(tm) =	ssettm $0x7FFFFFFF  }
tec
execute0_lowered:
.L_overlay_start_1:
0x0: {  	(tag) =	ssettag $0x1  }
0x1: {  	s0 =	rddreg [dreg:$0x0]  }
0x2: {  	s1 =	simm.s32 $0x0;
	s2 =	srdreg.scid;
	s5 =	stileid.u32  }
0x3: {  	s9 =	simm.s32 $0x40;
	s10 =	simm.s32 $0x800;
	s11 =	simm.s32 $0x80  }
0x4: {  	s12 =	simm.s32 $0x2800;
	s13 =	simm.s32 $0x100;
	s14 =	simm.s32 $0x4800  }
0x5: {  	s15 =	simm.s32 $0x180;
	s16 =	simm.s32 $0x6800;
	s17 =	simm.s32 $0x200  }
0x6: {  	s18 =	simm.s32 $0x8800;
	s19 =	simm.s32 $0x280;
	s20 =	simm.s32 $0xA800  }
0x7: {  	s21 =	simm.s32 $0x300;
	s22 =	simm.s32 $0xC800;
	s23 =	simm.s32 $0x380  }
0x8: {  	s24 =	simm.s32 $0xE800;
	s25 =	simm.s32 $0x400;
	s26 =	simm.s32 $0x10800  }
0x9: {  	s28 =	simm.s32 $0x1;
	s29 =	simm.s32 $0x12800;
	s2 =	sand.u32 $0x1, s2  }
0xa: {  	[smem:$0x7FF] =	sst s1;
	s3 =	sadd.s32 $0xE200, s0;
	s6 =	ssub.s32 $0x2, s2  }
0xb: {  	s4 =	sadd.s32 $0x4200, s0;
	s8 =	sshll.u32 s5, $0x1;
	s7 =	sshrl.u32 s6, $0x1  }
0xc: {  	s5 =	sadd.s32 $0x12600, s0;
	_ =	strace $0x80000047;
	s31 =	ssub.s32 s6, s7  }
0xd: {  	s2 =	sor.u32 s2, s8;
	s8 =	simm.s32 $0x2;
	s0 =	smax.u32 s31, $0x1  }
0xe: {  	s6 =	smul.u32 $0x5, s2;
	s2 =	simm.s32 $0x0;
	[dreg:$0x2] =	wrdreg s0  }
.LBB2_1:
0xf: {  	[dreg:$0x3] =	wrdreg s2;
	s31 =	simm.s32 $0x0  }
.LBB2_2:
0x10: {  	s0 =	sadd.s32 s6, s31  }
0x11: {  	s2 =	sshll.u32 s0, $0x8  }
0x12: {  	s7 =	sadd.s32 s4, s2;
	s2 =	simm.s32 $0x0  }
0x13: {  	[tilespmem:s2], [sflag:$0x2] =	stream.linear.gather [hbm4b:s7+s2], $0x480, $0x38;
	[tilespmem:$0x14800] =	vst v63  }
0x14: {  	_ =	swait.ge [sflag:s8], $0x480  }
0x15: {  	[sflag:s8] =	ssyncset.done $0x0  }
0x16: {  	[sflag:s8] =	ssyncadd.s32 $0xFFFFFB80  }
0x17: {  	v0 =	vld [tilespmem:$0x80]  }
0x18: {  	v1 =	vld [tilespmem:$0x90]  }
0x19: {  	v2 =	vld [tilespmem:$0xA0]  }
0x1a: {  	v3 =	vld [tilespmem:$0xB0]  }
0x1b: {  	v4 =	vld [tilespmem:$0x100]  }
0x1c: {  	v5 =	vld [tilespmem:$0x110];
	v0 =	vadd.s32 $0x77, v0  }
0x1d: {  	[tilespmem:$0x80] =	vst v0;
	v0 =	vadd.s32 $0x77, v1;
	v1 =	vld [tilespmem:$0x120]  }
0x1e: {  	[tilespmem:$0x90] =	vst v0;
	v0 =	vadd.s32 $0x77, v2;
	v2 =	vld [tilespmem:$0x130]  }
0x1f: {  	[tilespmem:$0xA0] =	vst v0;
	v0 =	vadd.s32 $0x77, v3;
	v3 =	vld [tilespmem:$0x180]  }
0x20: {  	[tilespmem:$0xB0] =	vst v0;
	v0 =	vadd.s32 $0xEE, v4;
	v4 =	vld [tilespmem:$0x190]  }
0x21: {  	[tilespmem:$0x100] =	vst v0;
	v0 =	vadd.s32 $0xEE, v5;
	v5 =	vld [tilespmem:$0x1A0]  }
0x22: {  	[tilespmem:$0x110] =	vst v0;
	v0 =	vadd.s32 $0xEE, v1;
	v1 =	vld [tilespmem:$0x1B0]  }
0x23: {  	[tilespmem:$0x120] =	vst v0;
	v0 =	vadd.s32 $0xEE, v2;
	v2 =	vld [tilespmem:$0x200]  }
0x24: {  	[tilespmem:$0x130] =	vst v0;
	v0 =	vadd.s32 $0x165, v3;
	v3 =	vld [tilespmem:$0x210]  }
0x25: {  	[tilespmem:$0x180] =	vst v0;
	v0 =	vadd.s32 $0x165, v4;
	v4 =	vld [tilespmem:$0x220]  }
0x26: {  	[tilespmem:$0x190] =	vst v0;
	v0 =	vadd.s32 $0x165, v5;
	v5 =	vld [tilespmem:$0x230]  }
0x27: {  	[tilespmem:$0x1A0] =	vst v0;
	v0 =	vadd.s32 $0x165, v1;
	v1 =	vld [tilespmem:$0x280]  }
0x28: {  	[tilespmem:$0x1B0] =	vst v0;
	v0 =	vadd.s32 $0x1DC, v2;
	v2 =	vld [tilespmem:$0x290]  }
0x29: {  	[tilespmem:$0x200] =	vst v0;
	v0 =	vadd.s32 $0x1DC, v3;
	v3 =	vld [tilespmem:$0x2A0]  }
0x2a: {  	[tilespmem:$0x210] =	vst v0;
	v0 =	vadd.s32 $0x1DC, v4;
	v4 =	vld [tilespmem:$0x2B0]  }
0x2b: {  	[tilespmem:$0x220] =	vst v0;
	v0 =	vadd.s32 $0x1DC, v5;
	v5 =	vld [tilespmem:$0x300]  }
0x2c: {  	[tilespmem:$0x230] =	vst v0;
	v0 =	vadd.s32 $0x253, v1;
	v1 =	vld [tilespmem:$0x310]  }
0x2d: {  	[tilespmem:$0x280] =	vst v0;
	v0 =	vadd.s32 $0x253, v2;
	v2 =	vld [tilespmem:$0x320]  }
0x2e: {  	[tilespmem:$0x290] =	vst v0;
	v0 =	vadd.s32 $0x253, v3;
	v3 =	vld [tilespmem:$0x330]  }
0x2f: {  	[tilespmem:$0x2A0] =	vst v0;
	v0 =	vadd.s32 $0x253, v4;
	v4 =	vld [tilespmem:$0x380]  }
0x30: {  	[tilespmem:$0x2B0] =	vst v0;
	v0 =	vadd.s32 $0x2CA, v5;
	v5 =	vld [tilespmem:$0x390]  }
0x31: {  	[tilespmem:$0x300] =	vst v0;
	v0 =	vadd.s32 $0x2CA, v1;
	v1 =	vld [tilespmem:$0x3A0]  }
0x32: {  	[tilespmem:$0x310] =	vst v0;
	v0 =	vadd.s32 $0x2CA, v2;
	v2 =	vld [tilespmem:$0x3B0]  }
0x33: {  	[tilespmem:$0x320] =	vst v0;
	v0 =	vadd.s32 $0x2CA, v3;
	v3 =	vld [tilespmem:$0x400]  }
0x34: {  	[tilespmem:$0x330] =	vst v0;
	v0 =	vadd.s32 $0x341, v4;
	v4 =	vld [tilespmem:$0x410]  }
0x35: {  	[tilespmem:$0x380] =	vst v0;
	v0 =	vadd.s32 $0x341, v5;
	v5 =	vld [tilespmem:$0x420]  }
0x36: {  	[tilespmem:$0x390] =	vst v0;
	v0 =	vadd.s32 $0x341, v1;
	v1 =	vld [tilespmem:$0x430]  }
0x37: {  	[tilespmem:$0x3A0] =	vst v0;
	v0 =	vadd.s32 $0x341, v2  }
0x38: {  	[tilespmem:$0x3B0] =	vst v0;
	v0 =	vadd.s32 $0x3B8, v3  }
0x39: {  	[tilespmem:$0x400] =	vst v0;
	v0 =	vadd.s32 $0x3B8, v4  }
0x3a: {  	[tilespmem:$0x410] =	vst v0;
	v0 =	vadd.s32 $0x3B8, v5  }
0x3b: {  	[tilespmem:$0x420] =	vst v0;
	v0 =	vadd.s32 $0x3B8, v1  }
0x3c: {  	[tilespmem:$0x430] =	vst v0  }
0x3d: {  	[tilespmem:s10], [sflag:$0x1] =	stream.indirect.gather [hbm4b:s3+s9], $0x80, s2, s9, $0xb8;
	[tilespmem:$0x14800] =	vst v63  }
0x3e: {  	_ = 	snop  }
0x3f: {  	[tilespmem:s12], [sflag:$0x1] =	stream.indirect.gather [hbm4b:s3+s9], $0x80, s11, s9, $0xb8;
	[tilespmem:$0x14800] =	vst v63  }
0x40: {  	_ = 	snop  }
0x41: {  	[tilespmem:s14], [sflag:$0x1] =	stream.indirect.gather [hbm4b:s3+s9], $0x80, s13, s9, $0xb8;
	[tilespmem:$0x14800] =	vst v63  }
0x42: {  	_ = 	snop  }
0x43: {  	[tilespmem:s16], [sflag:$0x1] =	stream.indirect.gather [hbm4b:s3+s9], $0x80, s15, s9, $0xb8;
	[tilespmem:$0x14800] =	vst v63  }
0x44: {  	_ = 	snop  }
0x45: {  	[tilespmem:s18], [sflag:$0x1] =	stream.indirect.gather [hbm4b:s3+s9], $0x80, s17, s9, $0xb8;
	[tilespmem:$0x14800] =	vst v63  }
0x46: {  	_ = 	snop  }
0x47: {  	[tilespmem:s20], [sflag:$0x1] =	stream.indirect.gather [hbm4b:s3+s9], $0x80, s19, s9, $0xb8;
	[tilespmem:$0x14800] =	vst v63  }
0x48: {  	_ = 	snop  }
0x49: {  	[tilespmem:s22], [sflag:$0x1] =	stream.indirect.gather [hbm4b:s3+s9], $0x80, s21, s9, $0xb8;
	[tilespmem:$0x14800] =	vst v63  }
0x4a: {  	_ = 	snop  }
0x4b: {  	[tilespmem:s24], [sflag:$0x1] =	stream.indirect.gather [hbm4b:s3+s9], $0x80, s23, s9, $0xb8;
	[tilespmem:$0x14800] =	vst v63  }
0x4c: {  	_ = 	snop  }
0x4d: {  	[tilespmem:s26], [sflag:$0x1] =	stream.indirect.gather [hbm4b:s3+s9], $0x80, s25, s9, $0xb8;
	[tilespmem:$0x14800] =	vst v63  }
0x4e: {  	_ =	swait.ge [sflag:s28], $0x2000  }
0x4f: {  	[sflag:s28] =	ssyncset.done $0x0  }
0x50: {  	[sflag:s28] =	ssyncadd.s32 $0xFFFFE000  }
0x51: {  	_ =	swait.ge [sflag:s28], $0x2000  }
0x52: {  	[sflag:s28] =	ssyncset.done $0x0  }
0x53: {  	[sflag:s28] =	ssyncadd.s32 $0xFFFFE000  }
0x54: {  	_ =	swait.ge [sflag:s28], $0x2000  }
0x55: {  	[sflag:s28] =	ssyncset.done $0x0  }
0x56: {  	[sflag:s28] =	ssyncadd.s32 $0xFFFFE000  }
0x57: {  	_ =	swait.ge [sflag:s28], $0x2000  }
0x58: {  	[sflag:s28] =	ssyncset.done $0x0  }
0x59: {  	[sflag:s28] =	ssyncadd.s32 $0xFFFFE000  }
0x5a: {  	_ =	swait.ge [sflag:s28], $0x2000  }
0x5b: {  	[sflag:s28] =	ssyncset.done $0x0  }
0x5c: {  	[sflag:s28] =	ssyncadd.s32 $0xFFFFE000  }
0x5d: {  	_ =	swait.ge [sflag:s28], $0x2000  }
0x5e: {  	[sflag:s28] =	ssyncset.done $0x0  }
0x5f: {  	[sflag:s28] =	ssyncadd.s32 $0xFFFFE000  }
0x60: {  	_ =	swait.ge [sflag:s28], $0x2000  }
0x61: {  	[sflag:s28] =	ssyncset.done $0x0  }
0x62: {  	[sflag:s28] =	ssyncadd.s32 $0xFFFFE000  }
0x63: {  	_ =	swait.ge [sflag:s28], $0x2000  }
0x64: {  	[sflag:s28] =	ssyncset.done $0x0  }
0x65: {  	[sflag:s28] =	ssyncadd.s32 $0xFFFFE000  }
0x66: {  	_ =	swait.ge [sflag:s28], $0x2000  }
0x67: {  	[sflag:s28] =	ssyncset.done $0x0  }
0x68: {  	s2 =	simm.s32 $0x0;
	[sflag:s28] =	ssyncadd.s32 $0xFFFFE000  }
0x69: {  	v0 =	vld [tilespmem:s2+$0x870]  }
0x6a: {  	v1 =	vld [tilespmem:s2+$0x2870]  }
0x6b: {  	v2 =	vld [tilespmem:s2+$0x800]  }
0x6c: {  	v3 =	vld [tilespmem:s2+$0x4870]  }
0x6d: {  	v4 =	vld [tilespmem:s2+$0x2800]  }
0x6e: {  	v5 =	vld [tilespmem:s2+$0x6870]  }
0x6f: {  	v6 =	vld [tilespmem:s2+$0x810]  }
0x70: {  	v7 =	vld [tilespmem:s2+$0x2810]  }
0x71: {  	v8 =	vld [tilespmem:s2+$0x820]  }
0x72: {  	v9 =	vld [tilespmem:s2+$0x2820]  }
0x73: {  	v10 =	vld [tilespmem:s2+$0x830]  }
0x74: {  	v11 =	vld [tilespmem:s2+$0x2830]  }
0x75: {  	v12 =	vld [tilespmem:s2+$0x2840]  }
0x76: {  	v13 =	vld [tilespmem:s2+$0x2850]  }
0x77: {  	v14 =	vld [tilespmem:s2+$0x2860]  }
0x78: {  	v15 =	vld [tilespmem:s2+$0x4810]  }
0x79: {  	v16 =	vld [tilespmem:s2+$0x4820]  }
0x7a: {  	v17 =	vld [tilespmem:s2+$0x4830]  }
0x7b: {  	v18 =	vld [tilespmem:s2+$0x4840]  }
0x7c: {  	v19 =	vld [tilespmem:s2+$0x4850]  }
0x7d: {  	v20 =	vld [tilespmem:s2+$0x4860]  }
0x7e: {  	v21 =	vld [tilespmem:s2+$0x6800]  }
0x7f: {  	v22 =	vld [tilespmem:s2+$0x6810]  }
0x80: {  	v23 =	vld [tilespmem:s2+$0x6820]  }
0x81: {  	v24 =	vld [tilespmem:s2+$0x6830]  }
0x82: {  	v25 =	vld [tilespmem:s2+$0x6840]  }
0x83: {  	v26 =	vld [tilespmem:s2+$0x6850]  }
0x84: {  	v27 =	vld [tilespmem:s2+$0x6860]  }
0x85: {  	v28 =	vld [tilespmem:s2+$0x8800]  }
0x86: {  	v29 =	vld [tilespmem:s2+$0x8810]  }
0x87: {  	v30 =	vld [tilespmem:s2+$0x8820]  }
0x88: {  	v31 =	vld [tilespmem:s2+$0x8830]  }
0x89: {  	v32 =	vld [tilespmem:s2+$0x8840]  }
0x8a: {  	v33 =	vld [tilespmem:s2+$0x8850]  }
0x8b: {  	v34 =	vld [tilespmem:s2+$0x8860]  }
0x8c: {  	v35 =	vld [tilespmem:s2+$0xA800]  }
0x8d: {  	v36 =	vld [tilespmem:s2+$0xA810]  }
0x8e: {  	v37 =	vld [tilespmem:s2+$0xA820];
	v0 =	vadd.f32 v1, v0  }
0x8f: {  	v1 =	vld [tilespmem:s2+$0x8870]  }
0x90: {  	v38 =	vld [tilespmem:s2+$0xA830];
	v0 =	vadd.f32 v3, v0  }
0x91: {  	v3 =	vld [tilespmem:s2+$0xA870]  }
0x92: {  	v48 =	vld [tilespmem:s2+$0xC820];
	v0 =	vadd.f32 v5, v0  }
0x93: {  	v5 =	vld [tilespmem:s2+$0xC870]  }
0x94: {  	v49 =	vld [tilespmem:s2+$0xC830];
	v0 =	vadd.f32 v1, v0  }
0x95: {  	v2 =	vadd.f32 v4, v2;
	v1 =	vld [tilespmem:s2+$0xE870]  }
0x96: {  	v50 =	vld [tilespmem:s2+$0xC840];
	v4 =	vadd.f32 v7, v6;
	v0 =	vadd.f32 v3, v0  }
0x97: {  	v7 =	vadd.f32 v9, v8;
	v8 =	vadd.f32 v11, v10;
	v3 =	vld [tilespmem:s2+$0x10870]  }
0x98: {  	v51 =	vld [tilespmem:s2+$0xC850];
	v4 =	vadd.f32 v15, v4;
	v0 =	vadd.f32 v5, v0  }
0x99: {  	v52 =	vld [tilespmem:s2+$0xC860];
	v7 =	vadd.f32 v16, v7;
	v8 =	vadd.f32 v17, v8  }
0x9a: {  	v4 =	vadd.f32 v22, v4;
	v5 =	vld [tilespmem:s2+$0x840];
	v0 =	vadd.f32 v1, v0  }
0x9b: {  	v7 =	vadd.f32 v23, v7;
	v8 =	vadd.f32 v24, v8;
	v1 =	vld [tilespmem:s2+$0x850]  }
0x9c: {  	v53 =	vld [tilespmem:s2+$0xE800];
	v4 =	vadd.f32 v29, v4;
	v0 =	vadd.f32 v3, v0  }
0x9d: {  	v8 =	vadd.f32 v31, v8;
	v3 =	vld [tilespmem:s2+$0x860]  }
0x9e: {  	v7 =	vadd.f32 v30, v7;
	v4 =	vadd.f32 v36, v4;
	[tilespmem:s2+$0x12870] =	vst v0;
	v0 =	vld [tilespmem:s2+$0x4800]  }
0x9f: {  	v54 =	vld [tilespmem:s2+$0xE810];
	v8 =	vadd.f32 v38, v8;
	v5 =	vadd.f32 v12, v5  }
0xa0: {  	v55 =	vld [tilespmem:s2+$0xE820];
	v7 =	vadd.f32 v37, v7;
	v1 =	vadd.f32 v13, v1  }
0xa1: {  	v56 =	vld [tilespmem:s2+$0xE830];
	v8 =	vadd.f32 v49, v8;
	v5 =	vadd.f32 v18, v5  }
0xa2: {  	v6 =	vld [tilespmem:s2+$0xA840];
	v3 =	vadd.f32 v14, v3;
	v1 =	vadd.f32 v19, v1  }
0xa3: {  	v9 =	vld [tilespmem:s2+$0xA850];
	v5 =	vadd.f32 v25, v5;
	v0 =	vadd.f32 v0, v2  }
0xa4: {  	v10 =	vld [tilespmem:s2+$0xA860];
	v3 =	vadd.f32 v20, v3;
	v1 =	vadd.f32 v26, v1  }
0xa5: {  	v11 =	vld [tilespmem:s2+$0xC810];
	v5 =	vadd.f32 v32, v5;
	v0 =	vadd.f32 v21, v0  }
0xa6: {  	v2 =	vld [tilespmem:s2+$0xC800];
	v3 =	vadd.f32 v27, v3;
	v1 =	vadd.f32 v33, v1  }
0xa7: {  	v57 =	vld [tilespmem:s2+$0xE840];
	v5 =	vadd.f32 v6, v5;
	v0 =	vadd.f32 v28, v0  }
0xa8: {  	v58 =	vld [tilespmem:s2+$0xE850];
	v6 =	vadd.f32 v48, v7;
	v3 =	vadd.f32 v34, v3  }
0xa9: {  	v1 =	vadd.f32 v9, v1;
	v9 =	vld [tilespmem:s2+$0xE860];
	v0 =	vadd.f32 v35, v0  }
0xaa: {  	v59 =	vadd.f32 v50, v5;
	v3 =	vadd.f32 v10, v3;
	v10 =	vld [tilespmem:s2+$0x10800]  }
0xab: {  	v0 =	vadd.f32 v2, v0;
	v2 =	vadd.f32 v11, v4;
	v11 =	vld [tilespmem:s2+$0x10810]  }
0xac: {  	v60 =	vld [tilespmem:s2+$0x10820];
	v63 =	vadd.f32 v55, v6;
	v6 =	vadd.f32 v56, v8  }
0xad: {  	v7 =	vld [tilespmem:s2+$0x10830];
	v1 =	vadd.f32 v51, v1;
	v0 =	vadd.f32 v53, v0  }
0xae: {  	v61 =	vadd.f32 v52, v3;
	v4 =	vld [tilespmem:s2+$0x10840];
	v62 =	vadd.f32 v54, v2  }
0xaf: {  	v5 =	vld [tilespmem:s2+$0x10850];
	v3 =	vadd.f32 v58, v1;
	v10 =	vadd.f32 v10, v0  }
0xb0: {  	s30 =	simm.s32 $0x80;
	v8 =	vld [tilespmem:s2+$0x10860];
	v0 =	vadd.f32 v9, v61;
	v9 =	vadd.f32 v11, v62  }
0xb1: {  	s7 =	simm.s32 $0x400;
	v1 =	vld [tilespmem:s30+$0x870];
	v2 =	vadd.f32 v57, v59;
	[tilespmem:s2+$0x12800] =	vst v10;
	v10 =	vadd.f32 v60, v63  }
.LBB2_3:
0xb2: {  	p0 =	sne.s32 s7, $0x7E00;
	v11 =	vld [tilespmem:s30+$0x2870];
	[tilespmem:s2+$0x12810] =	vst v9;
	v6 =	vadd.f32 v7, v6  }
0xb3: {  	v7 =	vld [tilespmem:s30+$0x800];
	[tilespmem:s2+$0x12820] =	vst v10;
	v2 =	vadd.f32 v4, v2  }
0xb4: {  	v4 =	vld [tilespmem:s30+$0x4870];
	[tilespmem:s2+$0x12830] =	vst v6;
	v3 =	vadd.f32 v5, v3  }
0xb5: {  	v5 =	vld [tilespmem:s30+$0x2800];
	[tilespmem:s2+$0x12840] =	vst v2;
	v0 =	vadd.f32 v8, v0  }
0xb6: {  	v2 =	vld [tilespmem:s30+$0x6870];
	[tilespmem:s2+$0x12850] =	vst v3  }
0xb7: {  	v3 =	vld [tilespmem:s30+$0x810];
	v1 =	vadd.f32 v11, v1;
	[tilespmem:s2+$0x12860] =	vst v0;
	s2 =	smov.u32 s30  }
0xb8: {  	v0 =	vld [tilespmem:s2+$0x8870]  }
0xb9: {  	v6 =	vld [tilespmem:s2+$0x2810];
	v1 =	vadd.f32 v4, v1  }
0xba: {  	v4 =	vadd.f32 v5, v7;
	v5 =	vld [tilespmem:s2+$0xA870]  }
0xbb: {  	v7 =	vld [tilespmem:s2+$0x820];
	v1 =	vadd.f32 v2, v1  }
0xbc: {  	v2 =	vld [tilespmem:s2+$0xC870]  }
0xbd: {  	v8 =	vld [tilespmem:s2+$0x2820];
	v0 =	vadd.f32 v0, v1  }
0xbe: {  	v1 =	vadd.f32 v6, v3;
	v3 =	vld [tilespmem:s2+$0xE870]  }
0xbf: {  	v6 =	vld [tilespmem:s2+$0x830];
	v0 =	vadd.f32 v5, v0  }
0xc0: {  	v5 =	vld [tilespmem:s2+$0x10870]  }
0xc1: {  	v9 =	vld [tilespmem:s2+$0x2830];
	v0 =	vadd.f32 v2, v0  }
0xc2: {  	v2 =	vadd.f32 v8, v7;
	v7 =	vld [tilespmem:s2+$0x840]  }
0xc3: {  	v8 =	vld [tilespmem:s2+$0x2840];
	v0 =	vadd.f32 v3, v0  }
0xc4: {  	v3 =	vld [tilespmem:s2+$0x850]  }
0xc5: {  	v10 =	vld [tilespmem:s2+$0x2850];
	v0 =	vadd.f32 v5, v0  }
0xc6: {  	v5 =	vadd.f32 v9, v6;
	v6 =	vld [tilespmem:s2+$0x860]  }
0xc7: {  	v9 =	vld [tilespmem:s2+$0x2860];
	[tilespmem:s2+$0x12870] =	vst v0  }
0xc8: {  	v0 =	vld [tilespmem:s2+$0x4800];
	v7 =	vadd.f32 v8, v7  }
0xc9: {  	v8 =	vld [tilespmem:s2+$0x4810]  }
0xca: {  	v11 =	vld [tilespmem:s2+$0x4820];
	v3 =	vadd.f32 v10, v3  }
0xcb: {  	v10 =	vld [tilespmem:s2+$0x4830]  }
0xcc: {  	v12 =	vld [tilespmem:s2+$0x4840];
	v6 =	vadd.f32 v9, v6  }
0xcd: {  	v0 =	vadd.f32 v0, v4;
	v4 =	vld [tilespmem:s2+$0x4850]  }
0xce: {  	v1 =	vadd.f32 v8, v1;
	v8 =	vld [tilespmem:s2+$0x4860]  }
0xcf: {  	v9 =	vld [tilespmem:s2+$0x6800];
	v2 =	vadd.f32 v11, v2  }
0xd0: {  	v11 =	vld [tilespmem:s2+$0x6810];
	v5 =	vadd.f32 v10, v5  }
0xd1: {  	v10 =	vld [tilespmem:s2+$0x6820];
	v7 =	vadd.f32 v12, v7  }
0xd2: {  	v12 =	vld [tilespmem:s2+$0x6830];
	v3 =	vadd.f32 v4, v3  }
0xd3: {  	v4 =	vld [tilespmem:s2+$0x6840];
	v6 =	vadd.f32 v8, v6  }
0xd4: {  	v0 =	vadd.f32 v9, v0;
	v8 =	vld [tilespmem:s2+$0x6850]  }
0xd5: {  	v1 =	vadd.f32 v11, v1;
	v9 =	vld [tilespmem:s2+$0x6860]  }
0xd6: {  	v11 =	vld [tilespmem:s2+$0x8800];
	v2 =	vadd.f32 v10, v2  }
0xd7: {  	v10 =	vld [tilespmem:s2+$0x8810];
	v5 =	vadd.f32 v12, v5  }
0xd8: {  	v12 =	vld [tilespmem:s2+$0x8820];
	v4 =	vadd.f32 v4, v7  }
0xd9: {  	v7 =	vld [tilespmem:s2+$0x8830];
	v3 =	vadd.f32 v8, v3  }
0xda: {  	v8 =	vld [tilespmem:s2+$0x8840];
	v6 =	vadd.f32 v9, v6  }
0xdb: {  	v0 =	vadd.f32 v11, v0;
	v9 =	vld [tilespmem:s2+$0x8850]  }
0xdc: {  	v1 =	vadd.f32 v10, v1;
	v10 =	vld [tilespmem:s2+$0x8860]  }
0xdd: {  	v11 =	vld [tilespmem:s2+$0xA800];
	v2 =	vadd.f32 v12, v2  }
0xde: {  	v12 =	vld [tilespmem:s2+$0xA810];
	v5 =	vadd.f32 v7, v5  }
0xdf: {  	v7 =	vld [tilespmem:s2+$0xA820];
	v4 =	vadd.f32 v8, v4  }
0xe0: {  	v8 =	vld [tilespmem:s2+$0xA830];
	v3 =	vadd.f32 v9, v3  }
0xe1: {  	v9 =	vld [tilespmem:s2+$0xA840];
	v6 =	vadd.f32 v10, v6  }
0xe2: {  	v0 =	vadd.f32 v11, v0;
	v10 =	vld [tilespmem:s2+$0xA850]  }
0xe3: {  	v1 =	vadd.f32 v12, v1;
	v11 =	vld [tilespmem:s2+$0xA860]  }
0xe4: {  	v12 =	vld [tilespmem:s2+$0xC800];
	v2 =	vadd.f32 v7, v2  }
0xe5: {  	v7 =	vld [tilespmem:s2+$0xC810];
	v5 =	vadd.f32 v8, v5  }
0xe6: {  	v8 =	vld [tilespmem:s2+$0xC820];
	v4 =	vadd.f32 v9, v4  }
0xe7: {  	v9 =	vld [tilespmem:s2+$0xC830];
	v3 =	vadd.f32 v10, v3  }
0xe8: {  	v10 =	vld [tilespmem:s2+$0xC840];
	v6 =	vadd.f32 v11, v6  }
0xe9: {  	v0 =	vadd.f32 v12, v0;
	v11 =	vld [tilespmem:s2+$0xC850]  }
0xea: {  	v1 =	vadd.f32 v7, v1;
	v7 =	vld [tilespmem:s2+$0xC860]  }
0xeb: {  	v12 =	vld [tilespmem:s2+$0xE800];
	v2 =	vadd.f32 v8, v2  }
0xec: {  	v8 =	vld [tilespmem:s2+$0xE810];
	v5 =	vadd.f32 v9, v5  }
0xed: {  	v9 =	vld [tilespmem:s2+$0xE820];
	v4 =	vadd.f32 v10, v4  }
0xee: {  	v10 =	vld [tilespmem:s2+$0xE830];
	v3 =	vadd.f32 v11, v3  }
0xef: {  	v11 =	vld [tilespmem:s2+$0xE840];
	v13 =	vadd.f32 v7, v6  }
0xf0: {  	v12 =	vadd.f32 v12, v0;
	v0 =	vld [tilespmem:s2+$0xE850]  }
0xf1: {  	v1 =	vadd.f32 v8, v1;
	v8 =	vld [tilespmem:s2+$0xE860]  }
0xf2: {  	v14 =	vld [tilespmem:s2+$0x10800];
	v15 =	vadd.f32 v9, v2  }
0xf3: {  	v9 =	vld [tilespmem:s2+$0x10810];
	v6 =	vadd.f32 v10, v5  }
0xf4: {  	v10 =	vld [tilespmem:s2+$0x10820];
	v2 =	vadd.f32 v11, v4  }
.Ltmp0:
0xf5: {  	v7 =	vld [tilespmem:s2+$0x10830];
	v3 =	vadd.f32 v0, v3;
	(pc) =	sbr.rel @p0 .LBB2_3-.Ltmp0, $4  }
0xf6: {  	v4 =	vld [tilespmem:s2+$0x10840];
	v0 =	vadd.f32 v8, v13  }
0xf7: {  	v11 =	vadd.f32 v14, v12;
	v5 =	vld [tilespmem:s2+$0x10850]  }
0xf8: {  	s30 =	sshra.s32 s7, $0x2;
	v9 =	vadd.f32 v9, v1;
	v8 =	vld [tilespmem:s2+$0x10860]  }
0xf9: {  	s7 =	sadd.s32 $0x200, s7;
	v1 =	vld [tilespmem:s30+$0x870];
	[tilespmem:s2+$0x12800] =	vst v11;
	v10 =	vadd.f32 v10, v15  }
0xfa: {  	v11 =	vld [tilespmem:s30+$0x2870];
	[tilespmem:s2+$0x12810] =	vst v9;
	v6 =	vadd.f32 v7, v6  }
0xfb: {  	v9 =	vld [tilespmem:s30+$0x800];
	[tilespmem:s2+$0x12820] =	vst v10;
	v2 =	vadd.f32 v4, v2  }
0xfc: {  	v45 =	vld [tilespmem:s30+$0x4870];
	[tilespmem:s2+$0x12830] =	vst v6;
	v3 =	vadd.f32 v5, v3  }
0xfd: {  	v46 =	vld [tilespmem:s30+$0x2800];
	[tilespmem:s2+$0x12840] =	vst v2;
	v0 =	vadd.f32 v8, v0  }
0xfe: {  	v2 =	vld [tilespmem:s30+$0x6870];
	[tilespmem:s2+$0x12850] =	vst v3  }
0xff: {  	v3 =	vld [tilespmem:s30+$0x810];
	[tilespmem:s2+$0x12860] =	vst v0  }
0x100: {  	v48 =	vld [tilespmem:s30+$0x8870]  }
0x101: {  	v49 =	vld [tilespmem:s30+$0x2810]  }
0x102: {  	v6 =	vld [tilespmem:s30+$0xA870]  }
0x103: {  	v50 =	vld [tilespmem:s30+$0x820]  }
0x104: {  	v51 =	vld [tilespmem:s30+$0xC870]  }
0x105: {  	v52 =	vld [tilespmem:s30+$0x2820]  }
0x106: {  	v53 =	vld [tilespmem:s30+$0xE870]  }
0x107: {  	v10 =	vld [tilespmem:s30+$0x830]  }
0x108: {  	v54 =	vld [tilespmem:s30+$0x10870]  }
0x109: {  	v55 =	vld [tilespmem:s30+$0x2830]  }
0x10a: {  	v56 =	vld [tilespmem:s30+$0x840]  }
0x10b: {  	v12 =	vld [tilespmem:s30+$0x2840]  }
0x10c: {  	v57 =	vld [tilespmem:s30+$0x850]  }
0x10d: {  	v13 =	vld [tilespmem:s30+$0x2850]  }
0x10e: {  	v58 =	vld [tilespmem:s30+$0x860]  }
0x10f: {  	v14 =	vld [tilespmem:s30+$0x2860]  }
0x110: {  	v59 =	vld [tilespmem:s30+$0x4800]  }
0x111: {  	v15 =	vld [tilespmem:s30+$0x4810]  }
0x112: {  	v16 =	vld [tilespmem:s30+$0x4820]  }
0x113: {  	v17 =	vld [tilespmem:s30+$0x4830]  }
0x114: {  	v18 =	vld [tilespmem:s30+$0x4840]  }
0x115: {  	v19 =	vld [tilespmem:s30+$0x4850]  }
0x116: {  	v20 =	vld [tilespmem:s30+$0x4860]  }
0x117: {  	v21 =	vld [tilespmem:s30+$0x6800]  }
0x118: {  	v22 =	vld [tilespmem:s30+$0x6810]  }
0x119: {  	v23 =	vld [tilespmem:s30+$0x6820]  }
0x11a: {  	v24 =	vld [tilespmem:s30+$0x6830]  }
0x11b: {  	v25 =	vld [tilespmem:s30+$0x6840]  }
0x11c: {  	v26 =	vld [tilespmem:s30+$0x6850]  }
0x11d: {  	v27 =	vld [tilespmem:s30+$0x6860]  }
0x11e: {  	v28 =	vld [tilespmem:s30+$0x8800]  }
0x11f: {  	v29 =	vld [tilespmem:s30+$0x8810]  }
0x120: {  	v30 =	vld [tilespmem:s30+$0x8820]  }
0x121: {  	v47 =	vadd.f32 v11, v1;
	v31 =	vld [tilespmem:s30+$0x8830]  }
0x122: {  	v32 =	vld [tilespmem:s30+$0x8840]  }
0x123: {  	v33 =	vld [tilespmem:s30+$0x8850];
	v0 =	vadd.f32 v45, v47  }
0x124: {  	v34 =	vld [tilespmem:s30+$0x8860]  }
0x125: {  	v35 =	vld [tilespmem:s30+$0xA800];
	v0 =	vadd.f32 v2, v0  }
0x126: {  	v36 =	vld [tilespmem:s30+$0xA810];
	v4 =	vadd.f32 v46, v9  }
0x127: {  	v37 =	vld [tilespmem:s30+$0xA820];
	v0 =	vadd.f32 v48, v0;
	v3 =	vadd.f32 v49, v3  }
0x128: {  	v38 =	vld [tilespmem:s30+$0xA830];
	v7 =	vadd.f32 v52, v50;
	v61 =	vadd.f32 v55, v10  }
0x129: {  	v60 =	vld [tilespmem:s30+$0xA840];
	v2 =	vadd.f32 v12, v56;
	v1 =	vadd.f32 v13, v57  }
0x12a: {  	v62 =	vld [tilespmem:s30+$0xA850];
	v0 =	vadd.f32 v6, v0;
	v6 =	vadd.f32 v14, v58  }
0x12b: {  	v63 =	vld [tilespmem:s30+$0xA860];
	v3 =	vadd.f32 v15, v3;
	v7 =	vadd.f32 v16, v7  }
0x12c: {  	v39 =	vld [tilespmem:s30+$0xC800];
	v8 =	vadd.f32 v17, v61;
	v2 =	vadd.f32 v18, v2  }
0x12d: {  	v40 =	vld [tilespmem:s30+$0xC810];
	v1 =	vadd.f32 v19, v1;
	v0 =	vadd.f32 v51, v0  }
0x12e: {  	v41 =	vld [tilespmem:s30+$0xC820];
	v6 =	vadd.f32 v20, v6;
	v3 =	vadd.f32 v22, v3  }
0x12f: {  	v42 =	vld [tilespmem:s30+$0xC830];
	v7 =	vadd.f32 v23, v7;
	v8 =	vadd.f32 v24, v8  }
0x130: {  	v43 =	vld [tilespmem:s30+$0xC840];
	v2 =	vadd.f32 v25, v2;
	v1 =	vadd.f32 v26, v1  }
0x131: {  	v44 =	vld [tilespmem:s30+$0xC850];
	v0 =	vadd.f32 v53, v0;
	v6 =	vadd.f32 v27, v6  }
0x132: {  	v45 =	vld [tilespmem:s30+$0xC860];
	v3 =	vadd.f32 v29, v3;
	v7 =	vadd.f32 v30, v7  }
0x133: {  	v47 =	vld [tilespmem:s30+$0xE810];
	v8 =	vadd.f32 v31, v8;
	v2 =	vadd.f32 v32, v2  }
0x134: {  	v46 =	vld [tilespmem:s30+$0xE800];
	v1 =	vadd.f32 v33, v1;
	v0 =	vadd.f32 v54, v0  }
0x135: {  	v48 =	vld [tilespmem:s30+$0xE820];
	v6 =	vadd.f32 v34, v6;
	v3 =	vadd.f32 v36, v3  }
0x136: {  	v49 =	vld [tilespmem:s30+$0xE830];
	v7 =	vadd.f32 v37, v7;
	v8 =	vadd.f32 v38, v8  }
0x137: {  	v50 =	vld [tilespmem:s30+$0xE840];
	v2 =	vadd.f32 v60, v2;
	v1 =	vadd.f32 v62, v1  }
0x138: {  	v52 =	vld [tilespmem:s30+$0xE860];
	[tilespmem:s30+$0x12870] =	vst v0;
	v0 =	vadd.f32 v59, v4;
	v6 =	vadd.f32 v63, v6  }
0x139: {  	v55 =	vld [tilespmem:s30+$0x10820];
	v3 =	vadd.f32 v40, v3;
	v7 =	vadd.f32 v41, v7  }
0x13a: {  	v54 =	vld [tilespmem:s30+$0x10810];
	v8 =	vadd.f32 v42, v8;
	v2 =	vadd.f32 v43, v2  }
0x13b: {  	v51 =	vld [tilespmem:s30+$0xE850];
	v1 =	vadd.f32 v44, v1;
	v0 =	vadd.f32 v21, v0  }
0x13c: {  	v56 =	vld [tilespmem:s30+$0x10830];
	v6 =	vadd.f32 v45, v6;
	v3 =	vadd.f32 v47, v3  }
0x13d: {  	v57 =	vld [tilespmem:s30+$0x10840];
	v7 =	vadd.f32 v48, v7;
	v0 =	vadd.f32 v28, v0  }
0x13e: {  	v58 =	vld [tilespmem:s30+$0x10850];
	v8 =	vadd.f32 v49, v8;
	v2 =	vadd.f32 v50, v2  }
0x13f: {  	v59 =	vld [tilespmem:s30+$0x10860];
	v3 =	vadd.f32 v54, v3;
	v0 =	vadd.f32 v35, v0  }
0x140: {  	v53 =	vld [tilespmem:s30+$0x10800];
	v1 =	vadd.f32 v51, v1;
	v60 =	vadd.f32 v55, v7  }
0x141: {  	v61 =	vadd.f32 v56, v8;
	[tilespmem:s30+$0x12810] =	vst v3;
	v0 =	vadd.f32 v39, v0  }
0x142: {  	v5 =	vadd.f32 v52, v6;
	v62 =	vadd.f32 v57, v2;
	[tilespmem:s30+$0x12820] =	vst v60  }
0x143: {  	v1 =	vadd.f32 v58, v1;
	[tilespmem:s30+$0x12830] =	vst v61;
	v0 =	vadd.f32 v46, v0  }
0x144: {  	[tilespmem:s30+$0x12840] =	vst v62;
	v63 =	vadd.f32 v59, v5  }
0x145: {  	s31 =	sadd.s32 $0x1, s31;
	[tilespmem:s30+$0x12850] =	vst v1;
	v0 =	vadd.f32 v53, v0  }
0x146: {  	s0 =	sshll.u32 s0, $0xA;
	p0 =	sne.s32 s31, $0x5;
	[tilespmem:s30+$0x12860] =	vst v63  }
.Ltmp1:
0x147: {  	s0 =	sadd.s32 s5, s0;
	[tilespmem:s30+$0x12800] =	vst v0;
	(pc) =	sbr.rel @p0 .LBB2_2-.Ltmp1, $4  }
0x148: {  	[hbm4b:s0+s1] =	stream.linear.scatter [tilespmem:s29], [sflag:$0x2], $0x2000, $0x38;
	[tilespmem:$0x14800] =	vst v63  }
0x149: {  	_ =	swait.ge [sflag:s8], $0x2000  }
0x14a: {  	[sflag:s8] =	ssyncset.done $0x0  }
0x14b: {  	[sflag:s8] =	ssyncadd.s32 $0xFFFFE000  }
0x14c: {  	s2 =	rddreg [dreg:$0x3]  }
0x14d: {  	s0 =	rddreg [dreg:$0x2];
	s2 =	sadd.s32 $0x1, s2  }
0x14e: {  	p0 =	sne.s32 s2, s0  }
.Ltmp2:
0x14f: {  	_ = 	snop;
	(pc) =	sbr.rel @p0 .LBB2_1-.Ltmp2, $1  }
0x150: {  	_ =	sdelay $0x3  }
0x151: {  	_ =	sfence.sel $0x180000  }
0x152: {  	[bflag:$0x0] =	sbarrier.arrive $0xFFFF  }
0x153: {  	_ =	strace $0x90000047  }
0x154: {  	s0 =	stileid.u32;
	[bflag:$0x2] =	sbarrier.arrive $0xFFFF  }
0x155: {  	p0 =	sne.s32 s0, $0x0;
	s0 =	rddreg [dreg:$0x1]  }
0x156: {  	s0 =	sadd.s32 @!p0 $0x100000, s0  }
0x157: {  	[sflag:s0] =	ssyncadd.tile.s32 @!p0 $0x1;
	_ =	shalt  }
.Lfunc_end2:
_tile_overlayer_lowered:
.L_overlay_start_2:
0x158: {  	(tag) =	ssettag $0x2  }
0x159: {  	s0 =	rddreg [dreg:$0x0];
	s2 =	stileid.u32  }
0x15a: {  	s1 =	rddreg [dreg:$0x1];
	p0 =	sne.s32 s2, $0x0  }
0x15b: {  	s3 =	rddreg [dreg:$0x2];
	[bflag:$0x3] =	sbarrier.arrive $0xFFFF;
	s2 =	simm.s32 @!p0 $0x1C02  }
0x15c: {  	[timem:s3], [sflag:s2] =	dma.local @!p0 [hbm:s0], s1  }
0x15d: {  	s0 =	simm.s32 @!p0 $0x2  }
0x15e: {  	_ =	swait.ge @!p0 [sflag:s0], s1  }
0x15f: {  	s1 =	ssub.s32 @!p0 $0x0, s1;
	[sflag:s0] =	ssyncset.done @!p0 $0x0  }
0x160: {  	[sflag:s0] =	ssyncadd.s32 @!p0 s1  }
0x161: {  	[bflag:$0x3] =	sbarrier.arrive $0xFFFF  }
0x162: {  	_ =	shalt  }

</sc_bundles>
